<compile_context>
chip_gen: v7x
topology: tpu7x:2x2x1
jax: 0.10.2.dev20260603
libtpu: 0.0.44.dev20260713+nightly
codegen_flags: <defaults>
</compile_context>

<pallas_src>
import jax
import jax.numpy as jnp
from jax import lax
from jax.experimental import pallas as pl
from jax.experimental.pallas import tpu as pltpu
from jax.experimental.pallas import tpu_sc as plsc

N = 10000
D = 128
H = 128
E = 320000

NC = 2
NS = 16
NW = NC * NS

CH = 128
CPT = 80
NBUF = 2
GBLK = 16
EPT = CPT * CH
E_PAD = NW * EPT
ACC_ROWS = 10240
ROWS_PER_TILE = ACC_ROWS // NS
N_PAD = ACC_ROWS


def _zero_f32_vmem1(ref, n):
    z = jnp.zeros((16,), jnp.float32)

    def body(i, _):
        ref[pl.ds(i * 16, 16)] = z
        return 0

    lax.fori_loop(0, n // 16, body, 0)


def _deg_body(ei_hbm, out_hbm, acc, ones_v, didx2, zbuf_v, dsem):
    c = lax.axis_index("c")
    s = lax.axis_index("s")
    wid = c * NS + s

    _zero_f32_vmem1(zbuf_v, ROWS_PER_TILE)
    pltpu.sync_copy(zbuf_v, acc.at[pl.ds(s * ROWS_PER_TILE, ROWS_PER_TILE)])
    o = jnp.full((16,), 1.0, jnp.float32)
    for c16 in range(CH // 16):
        ones_v[pl.ds(c16 * 16, 16)] = o
    pltpu.sync_copy(ei_hbm.at[1, wid], didx2)
    plsc.subcore_barrier()

    def chunk(k, carry):
        pltpu.async_copy(ones_v, acc.at[didx2.at[k]], dsem, add=True)
        return carry

    lax.fori_loop(0, CPT, chunk, 0)

    def drainc(k, carry):
        pltpu.make_async_copy(ones_v, acc.at[didx2.at[k]], dsem).wait()
        return carry

    lax.fori_loop(0, CPT, drainc, 0)
    plsc.subcore_barrier()

    pltpu.sync_copy(acc.at[pl.ds(s * ROWS_PER_TILE, ROWS_PER_TILE)],
                    out_hbm.at[c, pl.ds(s * ROWS_PER_TILE, ROWS_PER_TILE)])


def _agg_body(g_hbm, ei_hbm, out_hbm, acc, rows2, sidxb, didxb, zbuf,
              sem0, sem1, zsem, isem0, isem1):
    c = lax.axis_index("c")
    s = lax.axis_index("s")
    wid = c * NS + s
    sems = [sem0, sem1]
    NBLK = CPT // GBLK

    z16 = jnp.zeros((16,), jnp.float32)
    for r in range(zbuf.shape[0]):
        for cc in range(H // 16):
            zbuf[r, pl.ds(cc * 16, 16)] = z16
    ZR = zbuf.shape[0]
    for z in range(ROWS_PER_TILE // ZR):
        pltpu.async_copy(zbuf, acc.at[pl.ds(s * ROWS_PER_TILE + z * ZR, ZR)],
                         zsem)
    pltpu.sync_copy(ei_hbm.at[0, wid, pl.ds(0, GBLK)], sidxb.at[0])
    pltpu.sync_copy(ei_hbm.at[1, wid, pl.ds(0, GBLK)], didxb.at[0])
    for z in range(ROWS_PER_TILE // ZR):
        pltpu.make_async_copy(zbuf, acc.at[pl.ds(0, ZR)], zsem).wait()
    plsc.subcore_barrier()

    def issue(p, kk, b):
        pltpu.async_copy(g_hbm.at[sidxb.at[p, kk]], rows2.at[b], sems[b])

    def drain(p, kk, b):
        pltpu.make_async_copy(g_hbm.at[sidxb.at[p, kk]], rows2.at[b],
                              sems[b]).wait()

    def step(p, k, b):
        drain(p, k, b)
        pltpu.sync_copy(rows2.at[b], acc.at[didxb.at[p, k]], add=True)

    issue(0, 0, 0)
    for j in range(NBLK):
        p = j % 2
        pn = (j + 1) % 2
        if j + 1 < NBLK:
            pltpu.async_copy(ei_hbm.at[0, wid, pl.ds((j + 1) * GBLK, GBLK)],
                             sidxb.at[pn], isem0)
            pltpu.async_copy(ei_hbm.at[1, wid, pl.ds((j + 1) * GBLK, GBLK)],
                             didxb.at[pn], isem1)

        def pair(i, _):
            for b in range(NBUF):
                k = NBUF * i + b
                issue(p, k + 1, (b + 1) % NBUF)
                step(p, k, b)
            return 0

        lax.fori_loop(0, GBLK // NBUF - 1, pair, 0)
        kl = GBLK - 2
        issue(p, kl + 1, 1)
        step(p, kl, 0)
        if j + 1 < NBLK:
            pltpu.make_async_copy(ei_hbm.at[0, wid, pl.ds((j + 1) * GBLK, GBLK)],
                                  sidxb.at[pn], isem0).wait()
            pltpu.make_async_copy(ei_hbm.at[1, wid, pl.ds((j + 1) * GBLK, GBLK)],
                                  didxb.at[pn], isem1).wait()
            issue(pn, 0, 0)
        step(p, kl + 1, 1)
    plsc.subcore_barrier()

    pltpu.sync_copy(acc.at[pl.ds(s * ROWS_PER_TILE, ROWS_PER_TILE)],
                    out_hbm.at[c, pl.ds(s * ROWS_PER_TILE, ROWS_PER_TILE)])


def _scale_body(x_ref, w1_ref, deg_ref, g_ref):
    i = pl.program_id(0)
    bn = g_ref.shape[0]
    deg = (deg_ref[0, pl.ds(i * bn, bn)] + deg_ref[1, pl.ds(i * bn, bn)] + 1.0)
    dinv = 1.0 / jnp.sqrt(deg)
    h = lax.dot_general(x_ref[...], w1_ref[...], (((1,), (1,)), ((), ())),
                        preferred_element_type=jnp.float32)
    g_ref[...] = h * dinv[:, None]


def _head_body(agg_ref, g_ref, deg_ref, b1_ref, wl_ref, bl_ref, y_ref):
    i = pl.program_id(0)
    bn = g_ref.shape[0]
    deg = (deg_ref[0, pl.ds(i * bn, bn)] + deg_ref[1, pl.ds(i * bn, bn)] + 1.0)
    dinv = 1.0 / jnp.sqrt(deg)
    tot = agg_ref[0] + agg_ref[1] + g_ref[...]
    conv = tot * dinv[:, None] + b1_ref[0, :][None, :]
    conv = jnp.maximum(conv, 0.0)
    y = lax.dot_general(wl_ref[...], conv, (((1,), (1,)), ((), ())),
                        preferred_element_type=jnp.float32)
    y_ref[...] = y + bl_ref[0, 0]


def kernel(x, edge_index, W1, b1, Wl, bl):
    pad = E_PAD - E
    ar = jnp.arange(pad, dtype=jnp.int32)
    pad_pair = jnp.stack([ar % N, N + ar % (ACC_ROWS - N)])
    ei_p = jnp.concatenate([edge_index, pad_pair], axis=1)
    ei_p = ei_p.reshape(2, NW, CPT, CH)

    mesh = plsc.VectorSubcoreMesh(core_axis_name="c", subcore_axis_name="s")

    deg_parts = pl.kernel(
        _deg_body,
        out_type=jax.ShapeDtypeStruct((NC, ACC_ROWS), jnp.float32),
        mesh=mesh,
        scratch_types=[
            pltpu.VMEM_SHARED((ACC_ROWS,), jnp.float32),
            pltpu.VMEM((CH,), jnp.float32),
            pltpu.VMEM((CPT, CH), jnp.int32),
            pltpu.VMEM((ROWS_PER_TILE,), jnp.float32),
            pltpu.SemaphoreType.DMA,
        ],
        name="gcn_deg_sc",
    )(ei_p)

    deg2 = deg_parts

    BN = 2048
    NB = (N + BN - 1) // BN
    g = pl.pallas_call(
        _scale_body,
        grid=(NB,),
        in_specs=[
            pl.BlockSpec((BN, D), lambda i: (i, 0)),
            pl.BlockSpec((H, D), lambda i: (0, 0)),
            pl.BlockSpec((NC, N_PAD), lambda i: (0, 0)),
        ],
        out_specs=pl.BlockSpec((BN, H), lambda i: (i, 0)),
        out_shape=jax.ShapeDtypeStruct((N, H), jnp.float32),
        name="gcn_scale_tc",
    )(x, W1, deg2)

    agg_parts = pl.kernel(
        _agg_body,
        out_type=jax.ShapeDtypeStruct((NC, N_PAD, H), jnp.float32),
        mesh=mesh,
        scratch_types=[
            pltpu.VMEM_SHARED((ACC_ROWS, H), jnp.float32),
            pltpu.VMEM((NBUF, CH, H), jnp.float32),
            pltpu.VMEM((2, GBLK, CH), jnp.int32),
            pltpu.VMEM((2, GBLK, CH), jnp.int32),
            pltpu.VMEM((16, H), jnp.float32),
            pltpu.SemaphoreType.DMA,
            pltpu.SemaphoreType.DMA,
            pltpu.SemaphoreType.DMA,
            pltpu.SemaphoreType.DMA,
            pltpu.SemaphoreType.DMA,
        ],
        name="gcn_agg_sc",
    )(g, ei_p)

    y = pl.pallas_call(
        _head_body,
        grid=(NB,),
        in_specs=[
            pl.BlockSpec((NC, BN, H), lambda i: (0, i, 0)),
            pl.BlockSpec((BN, H), lambda i: (i, 0)),
            pl.BlockSpec((NC, N_PAD), lambda i: (0, 0)),
            pl.BlockSpec((1, H), lambda i: (0, 0)),
            pl.BlockSpec((1, H), lambda i: (0, 0)),
            pl.BlockSpec((1, 1), lambda i: (0, 0)),
        ],
        out_specs=pl.BlockSpec((1, BN), lambda i: (0, i)),
        out_shape=jax.ShapeDtypeStruct((1, N), jnp.float32),
        name="gcn_head_tc",
    )(agg_parts, g, deg2, b1.reshape(1, H), Wl, bl.reshape(1, 1))

    return y[0]

# --- scband reference (transcript-rebuilt; emitter-appended) ---
"""Pipeline reference for scband-gcnregression-77833397338747 (READ-ONLY COPY).

The authoritative reference and input builder live on the scoring server;
editing this copy changes nothing except your own understanding.
"""

import jax, jax.numpy as jnp
import numpy as np

N = 10000
E = 320000
D = 128
H = 128

def setup_inputs(seed: int = 0) -> dict:
    key = jax.random.key(seed)
    k1, k2, k3, k4, k5, k6 = jax.random.split(key, 6)
    x = jax.random.normal(k1, (N, D), dtype=jnp.float32)
    edge_index = jax.random.randint(k2, (2, E), 0, N, dtype=jnp.int32)
    # GCNConv learned params: weight [H, D] (out, in), bias [H]
    W1 = jax.random.normal(k3, (H, D), dtype=jnp.float32) * (1.0 / np.sqrt(D))
    b1 = jnp.zeros((H,), dtype=jnp.float32)
    # Final Linear(H, 1)
    Wl = jax.random.normal(k4, (1, H), dtype=jnp.float32) * (1.0 / np.sqrt(H))
    bl = jnp.zeros((1,), dtype=jnp.float32)
    return {"x": x, "edge_index": edge_index, "W1": W1, "b1": b1, "Wl": Wl, "bl": bl}

def gcn_conv(x, edge_index, W, b):
    n = x.shape[0]
    src = edge_index[0]
    dst = edge_index[1]
    # add self-loops (PyG GCNConv default add_self_loops=True)
    loop = jnp.arange(n, dtype=src.dtype)
    src = jnp.concatenate([src, loop])
    dst = jnp.concatenate([dst, loop])
    # linear transform first (PyG applies weight before propagate)
    h = x @ W.T
    # symmetric normalization: deg computed on dst (col) with unit edge weights
    deg = jnp.zeros((n,), dtype=h.dtype).at[dst].add(1.0)
    dinv = jnp.where(deg > 0, 1.0 / jnp.sqrt(deg), 0.0)
    norm = dinv[src] * dinv[dst]
    # gather messages from src, scale, scatter-add into dst
    msg = h[src] * norm[:, None]
    out = jnp.zeros_like(h).at[dst].add(msg)
    return out + b

def reference(x, edge_index, W1, b1, Wl, bl):
    h = gcn_conv(x, edge_index, W1, b1)
    h = jax.nn.relu(h)
    out = h @ Wl.T + bl
    return out.squeeze(-1)

if __name__ == "__main__":
    import jax
    _d = setup_inputs()
    print(jax.jit(kernel)(*tuple(_d.values())))

</pallas_src>

<mosaic_0001>
#map = affine_map<(d0, d1) -> (0, 0, 0, 0)>
#map1 = affine_map<(d0, d1) -> (0, 0)>
module attributes {stable_mosaic.version = 14 : i64} {
  func.func @gcn_deg_sc(%arg0: i32, %arg1: i32, %arg2: memref<2x32x80x128xi32, #tpu.memory_space<hbm>>, %arg3: memref<2x10240xf32, #tpu.memory_space<hbm>>, %arg4: memref<10240xf32, #tpu.memory_space<vmem_shared>>, %arg5: memref<128xf32, #tpu.memory_space<vmem>>, %arg6: memref<80x128xi32, #tpu.memory_space<vmem>>, %arg7: memref<640xf32, #tpu.memory_space<vmem>>, %arg8: memref<!tpu.dma_semaphore, #tpu.memory_space<semaphore_mem>>) attributes {dimension_semantics = [#tpu.dimension_semantics<core_parallel>, #tpu.dimension_semantics<subcore_parallel>], iteration_bounds = array<i64: 2, 16>, scalar_prefetch = 0 : i64, scratch_operands = 5 : i64, tpu.core_type = #tpu.core_type<sc_vector_subcore>, window_params = [{transform_indices = #map}, {transform_indices = #map1}]} {
    %mul3A = arith.constant 16 : i32
    %mul3A_0 = arith.muli %arg0, %mul3A : i32
    %add3A = arith.addi %mul3A_0, %arg1 : i32
    %broadcast_in_dim3A = arith.constant 0.000000e+00 : f32
    %broadcast_in_dim3A_1 = vector.broadcast %broadcast_in_dim3A : f32 to vector<16xf32>
    %scan3A = arith.constant 0 : i32
    %scan3A_2 = arith.constant 0 : i32
    %scan3A_3 = arith.constant 40 : i32
    %scan3A_4 = arith.addi %scan3A_2, %scan3A_3 : i32
    %scan3A_5 = arith.constant 1 : i32
    %scan3A_6 = scf.for %scan3A_60 = %scan3A_2 to %scan3A_4 step %scan3A_5 iter_args(%scan3A_61 = %scan3A) -> (i32)  : i32 {
      %mul3A_62 = arith.constant 16 : i32
      %mul3A_63 = arith.muli %scan3A_60, %mul3A_62 : i32
      %swap3A_64 = arith.index_cast %mul3A_63 : i32 to index
      %swap3A_65 = tpu.vector_load %arg7[%swap3A_64] {strides = array<i32>} : memref<640xf32, #tpu.memory_space<vmem>>, vector<16xf32>,
      %swap3A_66 = vector.shape_cast %swap3A_65 : vector<16xf32> to vector<16xf32>
      %swap3A_67 = vector.shape_cast %broadcast_in_dim3A_1 : vector<16xf32> to vector<16xf32>
      tpu.vector_store %arg7[%swap3A_64], %swap3A_67 {strides = array<i32>} : memref<640xf32, #tpu.memory_space<vmem>>, vector<16xf32>,
      %scan3A_68 = arith.constant 0 : i32
      scf.yield %scan3A_68 : i32
    }
    %scan3A_7 = arith.constant 40 : i32
    %mul3A_8 = arith.constant 640 : i32
    %mul3A_9 = arith.muli %arg1, %mul3A_8 : i32
    "tpu.region"() ({
      %run_scoped3A_60 = tpu.sem_alloc : memref<!tpu.dma_semaphore, #tpu.memory_space<semaphore_mem>>
      %dma_start3A = tpu.memref_slice %arg4[%mul3A_9] : memref<10240xf32, #tpu.memory_space<vmem_shared>> -> memref<640xf32, #tpu.memory_space<vmem_shared>>
      %dma_start3A_61 = tpu.memref_slice %arg4[%mul3A_9] : memref<10240xf32, #tpu.memory_space<vmem_shared>> -> memref<640xf32, #tpu.memory_space<vmem_shared>>
      tpu.enqueue_dma source(%arg7 : memref<640xf32, #tpu.memory_space<vmem>>) target(%dma_start3A_61 : memref<640xf32, #tpu.memory_space<vmem_shared>>) target_semaphore(%run_scoped3A_60 : memref<!tpu.dma_semaphore, #tpu.memory_space<semaphore_mem>>)
      %dma_wait3A = tpu.memref_slice %arg4[%mul3A_9] : memref<10240xf32, #tpu.memory_space<vmem_shared>> -> memref<640xf32, #tpu.memory_space<vmem_shared>>
      %dma_wait3A_62 = tpu.memref_slice %arg4[%mul3A_9] : memref<10240xf32, #tpu.memory_space<vmem_shared>> -> memref<640xf32, #tpu.memory_space<vmem_shared>>
      tpu.wait_dma2 semaphore(%run_scoped3A_60 : memref<!tpu.dma_semaphore, #tpu.memory_space<semaphore_mem>>) src(%arg7 : memref<640xf32, #tpu.memory_space<vmem>>) dst(%dma_wait3A_62 : memref<640xf32, #tpu.memory_space<vmem_shared>>)
      tpu.yield
    }) : () -> ()
    %broadcast_in_dim3A_10 = arith.constant 1.000000e+00 : f32
    %broadcast_in_dim3A_11 = vector.broadcast %broadcast_in_dim3A_10 : f32 to vector<16xf32>
    %swap3A = arith.constant 0 : index
    %swap3A_12 = tpu.vector_load %arg5[%swap3A] {strides = array<i32>} : memref<128xf32, #tpu.memory_space<vmem>>, vector<16xf32>,
    %swap3A_13 = vector.shape_cast %swap3A_12 : vector<16xf32> to vector<16xf32>
    %swap3A_14 = vector.shape_cast %broadcast_in_dim3A_11 : vector<16xf32> to vector<16xf32>
    tpu.vector_store %arg5[%swap3A], %swap3A_14 {strides = array<i32>} : memref<128xf32, #tpu.memory_space<vmem>>, vector<16xf32>,
    %swap3A_15 = arith.constant 16 : index
    %swap3A_16 = tpu.vector_load %arg5[%swap3A_15] {strides = array<i32>} : memref<128xf32, #tpu.memory_space<vmem>>, vector<16xf32>,
    %swap3A_17 = vector.shape_cast %swap3A_16 : vector<16xf32> to vector<16xf32>
    %swap3A_18 = vector.shape_cast %broadcast_in_dim3A_11 : vector<16xf32> to vector<16xf32>
    tpu.vector_store %arg5[%swap3A_15], %swap3A_18 {strides = array<i32>} : memref<128xf32, #tpu.memory_space<vmem>>, vector<16xf32>,
    %swap3A_19 = arith.constant 32 : index
    %swap3A_20 = tpu.vector_load %arg5[%swap3A_19] {strides = array<i32>} : memref<128xf32, #tpu.memory_space<vmem>>, vector<16xf32>,
    %swap3A_21 = vector.shape_cast %swap3A_20 : vector<16xf32> to vector<16xf32>
    %swap3A_22 = vector.shape_cast %broadcast_in_dim3A_11 : vector<16xf32> to vector<16xf32>
    tpu.vector_store %arg5[%swap3A_19], %swap3A_22 {strides = array<i32>} : memref<128xf32, #tpu.memory_space<vmem>>, vector<16xf32>,
    %swap3A_23 = arith.constant 48 : index
    %swap3A_24 = tpu.vector_load %arg5[%swap3A_23] {strides = array<i32>} : memref<128xf32, #tpu.memory_space<vmem>>, vector<16xf32>,
    %swap3A_25 = vector.shape_cast %swap3A_24 : vector<16xf32> to vector<16xf32>
    %swap3A_26 = vector.shape_cast %broadcast_in_dim3A_11 : vector<16xf32> to vector<16xf32>
    tpu.vector_store %arg5[%swap3A_23], %swap3A_26 {strides = array<i32>} : memref<128xf32, #tpu.memory_space<vmem>>, vector<16xf32>,
    %swap3A_27 = arith.constant 64 : index
    %swap3A_28 = tpu.vector_load %arg5[%swap3A_27] {strides = array<i32>} : memref<128xf32, #tpu.memory_space<vmem>>, vector<16xf32>,
    %swap3A_29 = vector.shape_cast %swap3A_28 : vector<16xf32> to vector<16xf32>
    %swap3A_30 = vector.shape_cast %broadcast_in_dim3A_11 : vector<16xf32> to vector<16xf32>
    tpu.vector_store %arg5[%swap3A_27], %swap3A_30 {strides = array<i32>} : memref<128xf32, #tpu.memory_space<vmem>>, vector<16xf32>,
    %swap3A_31 = arith.constant 80 : index
    %swap3A_32 = tpu.vector_load %arg5[%swap3A_31] {strides = array<i32>} : memref<128xf32, #tpu.memory_space<vmem>>, vector<16xf32>,
    %swap3A_33 = vector.shape_cast %swap3A_32 : vector<16xf32> to vector<16xf32>
    %swap3A_34 = vector.shape_cast %broadcast_in_dim3A_11 : vector<16xf32> to vector<16xf32>
    tpu.vector_store %arg5[%swap3A_31], %swap3A_34 {strides = array<i32>} : memref<128xf32, #tpu.memory_space<vmem>>, vector<16xf32>,
    %swap3A_35 = arith.constant 96 : index
    %swap3A_36 = tpu.vector_load %arg5[%swap3A_35] {strides = array<i32>} : memref<128xf32, #tpu.memory_space<vmem>>, vector<16xf32>,
    %swap3A_37 = vector.shape_cast %swap3A_36 : vector<16xf32> to vector<16xf32>
    %swap3A_38 = vector.shape_cast %broadcast_in_dim3A_11 : vector<16xf32> to vector<16xf32>
    tpu.vector_store %arg5[%swap3A_35], %swap3A_38 {strides = array<i32>} : memref<128xf32, #tpu.memory_space<vmem>>, vector<16xf32>,
    %swap3A_39 = arith.constant 112 : index
    %swap3A_40 = tpu.vector_load %arg5[%swap3A_39] {strides = array<i32>} : memref<128xf32, #tpu.memory_space<vmem>>, vector<16xf32>,
    %swap3A_41 = vector.shape_cast %swap3A_40 : vector<16xf32> to vector<16xf32>
    %swap3A_42 = vector.shape_cast %broadcast_in_dim3A_11 : vector<16xf32> to vector<16xf32>
    tpu.vector_store %arg5[%swap3A_39], %swap3A_42 {strides = array<i32>} : memref<128xf32, #tpu.memory_space<vmem>>, vector<16xf32>,
    %run_scoped3A = arith.constant 1 : i32
    "tpu.region"() ({
      %run_scoped3A_60 = tpu.sem_alloc : memref<!tpu.dma_semaphore, #tpu.memory_space<semaphore_mem>>
      %dma_start3A = arith.constant 0 : i32
      %dma_start3A_61 = arith.constant 0 : i32
      %dma_start3A_62 = tpu.memref_slice %arg2[%run_scoped3A, %add3A, %dma_start3A, %dma_start3A_61] : memref<2x32x80x128xi32, #tpu.memory_space<hbm>> -> memref<1x1x80x128xi32, #tpu.memory_space<hbm>>
      %dma_start3A_63 = tpu.memref_squeeze %dma_start3A_62 : memref<1x1x80x128xi32, #tpu.memory_space<hbm>> -> memref<80x128xi32, #tpu.memory_space<hbm>>
      %dma_start3A_64 = arith.constant 0 : i32
      %dma_start3A_65 = arith.constant 0 : i32
      %dma_start3A_66 = tpu.memref_slice %arg2[%run_scoped3A, %add3A, %dma_start3A_64, %dma_start3A_65] : memref<2x32x80x128xi32, #tpu.memory_space<hbm>> -> memref<1x1x80x128xi32, #tpu.memory_space<hbm>>
      %dma_start3A_67 = tpu.memref_squeeze %dma_start3A_66 : memref<1x1x80x128xi32, #tpu.memory_space<hbm>> -> memref<80x128xi32, #tpu.memory_space<hbm>>
      tpu.enqueue_dma source(%dma_start3A_67 : memref<80x128xi32, #tpu.memory_space<hbm>>) target(%arg6 : memref<80x128xi32, #tpu.memory_space<vmem>>) target_semaphore(%run_scoped3A_60 : memref<!tpu.dma_semaphore, #tpu.memory_space<semaphore_mem>>)
      %dma_wait3A = arith.constant 0 : i32
      %dma_wait3A_68 = arith.constant 0 : i32
      %dma_wait3A_69 = tpu.memref_slice %arg2[%run_scoped3A, %add3A, %dma_wait3A, %dma_wait3A_68] : memref<2x32x80x128xi32, #tpu.memory_space<hbm>> -> memref<1x1x80x128xi32, #tpu.memory_space<hbm>>
      %dma_wait3A_70 = tpu.memref_squeeze %dma_wait3A_69 : memref<1x1x80x128xi32, #tpu.memory_space<hbm>> -> memref<80x128xi32, #tpu.memory_space<hbm>>
      %dma_wait3A_71 = arith.constant 0 : i32
      %dma_wait3A_72 = arith.constant 0 : i32
      %dma_wait3A_73 = tpu.memref_slice %arg2[%run_scoped3A, %add3A, %dma_wait3A_71, %dma_wait3A_72] : memref<2x32x80x128xi32, #tpu.memory_space<hbm>> -> memref<1x1x80x128xi32, #tpu.memory_space<hbm>>
      %dma_wait3A_74 = tpu.memref_squeeze %dma_wait3A_73 : memref<1x1x80x128xi32, #tpu.memory_space<hbm>> -> memref<80x128xi32, #tpu.memory_space<hbm>>
      tpu.wait_dma2 semaphore(%run_scoped3A_60 : memref<!tpu.dma_semaphore, #tpu.memory_space<semaphore_mem>>) src(%dma_wait3A_74 : memref<80x128xi32, #tpu.memory_space<hbm>>) dst(%arg6 : memref<80x128xi32, #tpu.memory_space<vmem>>)
      tpu.yield
    }) : () -> ()
    %barrier3A = arith.constant 0 : index
    tpu.barrier barrier_id(%barrier3A)
    %scan3A_43 = arith.constant 0 : i32
    %scan3A_44 = arith.constant 0 : i32
    %scan3A_45 = arith.constant 80 : i32
    %scan3A_46 = arith.addi %scan3A_44, %scan3A_45 : i32
    %scan3A_47 = arith.constant 1 : i32
    scf.for %scan3A_60 = %scan3A_44 to %scan3A_46 step %scan3A_47  : i32 {
      %dma_start3A = arith.constant 0 : i32
      %dma_start3A_61 = tpu.memref_slice %arg6[%scan3A_60, %dma_start3A] : memref<80x128xi32, #tpu.memory_space<vmem>> -> memref<1x128xi32, #tpu.memory_space<vmem>>
      %dma_start3A_62 = tpu.memref_squeeze %dma_start3A_61 : memref<1x128xi32, #tpu.memory_space<vmem>> -> memref<128xi32, #tpu.memory_space<vmem>>
      %dma_start3A_63 = arith.constant 0 : i32
      %dma_start3A_64 = tpu.memref_slice %arg4[%dma_start3A_63] : memref<10240xf32, #tpu.memory_space<vmem_shared>> -> memref<10240xf32, #tpu.memory_space<vmem_shared>>
      tpu.enqueue_indirect_dma source(%arg5 : memref<128xf32, #tpu.memory_space<vmem>>) target(%dma_start3A_64 : memref<10240xf32, #tpu.memory_space<vmem_shared>>) offsets(%dma_start3A_62 : memref<128xi32, #tpu.memory_space<vmem>>) semaphore(%arg8 : memref<!tpu.dma_semaphore, #tpu.memory_space<semaphore_mem>>) {add = true}
    }
    %scan3A_48 = arith.constant 80 : i32
    %scan3A_49 = arith.constant 0 : i32
    %scan3A_50 = arith.constant 0 : i32
    %scan3A_51 = arith.constant 80 : i32
    %scan3A_52 = arith.addi %scan3A_50, %scan3A_51 : i32
    %scan3A_53 = arith.constant 1 : i32
    scf.for %scan3A_60 = %scan3A_50 to %scan3A_52 step %scan3A_53  : i32 {
      %dma_wait3A = arith.constant 0 : i32
      %dma_wait3A_61 = tpu.memref_slice %arg6[%scan3A_60, %dma_wait3A] : memref<80x128xi32, #tpu.memory_space<vmem>> -> memref<1x128xi32, #tpu.memory_space<vmem>>
      %dma_wait3A_62 = tpu.memref_squeeze %dma_wait3A_61 : memref<1x128xi32, #tpu.memory_space<vmem>> -> memref<128xi32, #tpu.memory_space<vmem>>
      %dma_wait3A_63 = arith.constant 0 : i32
      %dma_wait3A_64 = tpu.memref_slice %arg4[%dma_wait3A_63] : memref<10240xf32, #tpu.memory_space<vmem_shared>> -> memref<10240xf32, #tpu.memory_space<vmem_shared>>
      tpu.wait_indirect_dma semaphore(%arg8 : memref<!tpu.dma_semaphore, #tpu.memory_space<semaphore_mem>>) src(%arg5 : memref<128xf32, #tpu.memory_space<vmem>>) dst(%dma_wait3A_64 : memref<10240xf32, #tpu.memory_space<vmem_shared>>)
    }
    %scan3A_54 = arith.constant 80 : i32
    %barrier3A_55 = arith.constant 0 : index
    tpu.barrier barrier_id(%barrier3A_55)
    %mul3A_56 = arith.constant 640 : i32
    %mul3A_57 = arith.muli %arg1, %mul3A_56 : i32
    %mul3A_58 = arith.constant 640 : i32
    %mul3A_59 = arith.muli %arg1, %mul3A_58 : i32
    "tpu.region"() ({
      %run_scoped3A_60 = tpu.sem_alloc : memref<!tpu.dma_semaphore, #tpu.memory_space<semaphore_mem>>
      %dma_start3A = tpu.memref_slice %arg3[%arg0, %mul3A_59] : memref<2x10240xf32, #tpu.memory_space<hbm>> -> memref<1x640xf32, #tpu.memory_space<hbm>>
      %dma_start3A_61 = tpu.memref_squeeze %dma_start3A : memref<1x640xf32, #tpu.memory_space<hbm>> -> memref<640xf32, #tpu.memory_space<hbm>>
      %dma_start3A_62 = tpu.memref_slice %arg4[%mul3A_57] : memref<10240xf32, #tpu.memory_space<vmem_shared>> -> memref<640xf32, #tpu.memory_space<vmem_shared>>
      tpu.enqueue_dma source(%dma_start3A_62 : memref<640xf32, #tpu.memory_space<vmem_shared>>) target(%dma_start3A_61 : memref<640xf32, #tpu.memory_space<hbm>>) target_semaphore(%run_scoped3A_60 : memref<!tpu.dma_semaphore, #tpu.memory_space<semaphore_mem>>)
      %dma_wait3A = tpu.memref_slice %arg3[%arg0, %mul3A_59] : memref<2x10240xf32, #tpu.memory_space<hbm>> -> memref<1x640xf32, #tpu.memory_space<hbm>>
      %dma_wait3A_63 = tpu.memref_squeeze %dma_wait3A : memref<1x640xf32, #tpu.memory_space<hbm>> -> memref<640xf32, #tpu.memory_space<hbm>>
      %dma_wait3A_64 = tpu.memref_slice %arg4[%mul3A_57] : memref<10240xf32, #tpu.memory_space<vmem_shared>> -> memref<640xf32, #tpu.memory_space<vmem_shared>>
      tpu.wait_dma2 semaphore(%run_scoped3A_60 : memref<!tpu.dma_semaphore, #tpu.memory_space<semaphore_mem>>) src(%dma_wait3A_64 : memref<640xf32, #tpu.memory_space<vmem_shared>>) dst(%dma_wait3A_63 : memref<640xf32, #tpu.memory_space<hbm>>)
      tpu.yield
    }) : () -> ()
    return
  }
}

#map = affine_map<(d0, d1) -> (0, 0)>
#map1 = affine_map<(d0, d1) -> (0, 0, 0, 0)>
#map2 = affine_map<(d0, d1) -> (0, 0, 0)>
module attributes {stable_mosaic.version = 14 : i64} {
  func.func @gcn_agg_sc(%arg0: i32, %arg1: i32, %arg2: memref<10000x128xf32, #tpu.memory_space<hbm>>, %arg3: memref<2x32x80x128xi32, #tpu.memory_space<hbm>>, %arg4: memref<2x10240x128xf32, #tpu.memory_space<hbm>>, %arg5: memref<10240x128xf32, #tpu.memory_space<vmem_shared>>, %arg6: memref<2x128x128xf32, #tpu.memory_space<vmem>>, %arg7: memref<2x16x128xi32, #tpu.memory_space<vmem>>, %arg8: memref<2x16x128xi32, #tpu.memory_space<vmem>>, %arg9: memref<16x128xf32, #tpu.memory_space<vmem>>, %arg10: memref<!tpu.dma_semaphore, #tpu.memory_space<semaphore_mem>>, %arg11: memref<!tpu.dma_semaphore, #tpu.memory_space<semaphore_mem>>, %arg12: memref<!tpu.dma_semaphore, #tpu.memory_space<semaphore_mem>>, %arg13: memref<!tpu.dma_semaphore, #tpu.memory_space<semaphore_mem>>, %arg14: memref<!tpu.dma_semaphore, #tpu.memory_space<semaphore_mem>>) attributes {dimension_semantics = [#tpu.dimension_semantics<core_parallel>, #tpu.dimension_semantics<subcore_parallel>], iteration_bounds = array<i64: 2, 16>, scalar_prefetch = 0 : i64, scratch_operands = 10 : i64, tpu.core_type = #tpu.core_type<sc_vector_subcore>, window_params = [{transform_indices = #map}, {transform_indices = #map1}, {transform_indices = #map2}]} {
    %mul3A = arith.constant 16 : i32
    %mul3A_0 = arith.muli %arg0, %mul3A : i32
    %add3A = arith.addi %mul3A_0, %arg1 : i32
    %broadcast_in_dim3A = arith.constant 0.000000e+00 : f32
    %broadcast_in_dim3A_1 = vector.broadcast %broadcast_in_dim3A : f32 to vector<16xf32>
    %swap3A = arith.constant 0 : i32
    %swap3A_2 = arith.index_cast %swap3A : i32 to index
    %swap3A_3 = arith.constant 0 : index
    %swap3A_4 = tpu.vector_load %arg9[%swap3A_2, %swap3A_3] {strides = array<i32>} : memref<16x128xf32, #tpu.memory_space<vmem>>, vector<1x16xf32>,
    %swap3A_5 = vector.shape_cast %swap3A_4 : vector<1x16xf32> to vector<16xf32>
    %swap3A_6 = vector.shape_cast %broadcast_in_dim3A_1 : vector<16xf32> to vector<1x16xf32>
    tpu.vector_store %arg9[%swap3A_2, %swap3A_3], %swap3A_6 {strides = array<i32>} : memref<16x128xf32, #tpu.memory_space<vmem>>, vector<1x16xf32>,
    %swap3A_7 = arith.constant 0 : i32
    %swap3A_8 = arith.index_cast %swap3A_7 : i32 to index
    %swap3A_9 = arith.constant 16 : index
    %swap3A_10 = tpu.vector_load %arg9[%swap3A_8, %swap3A_9] {strides = array<i32>} : memref<16x128xf32, #tpu.memory_space<vmem>>, vector<1x16xf32>,
    %swap3A_11 = vector.shape_cast %swap3A_10 : vector<1x16xf32> to vector<16xf32>
    %swap3A_12 = vector.shape_cast %broadcast_in_dim3A_1 : vector<16xf32> to vector<1x16xf32>
    tpu.vector_store %arg9[%swap3A_8, %swap3A_9], %swap3A_12 {strides = array<i32>} : memref<16x128xf32, #tpu.memory_space<vmem>>, vector<1x16xf32>,
    %swap3A_13 = arith.constant 0 : i32
    %swap3A_14 = arith.index_cast %swap3A_13 : i32 to index
    %swap3A_15 = arith.constant 32 : index
    %swap3A_16 = tpu.vector_load %arg9[%swap3A_14, %swap3A_15] {strides = array<i32>} : memref<16x128xf32, #tpu.memory_space<vmem>>, vector<1x16xf32>,
    %swap3A_17 = vector.shape_cast %swap3A_16 : vector<1x16xf32> to vector<16xf32>
    %swap3A_18 = vector.shape_cast %broadcast_in_dim3A_1 : vector<16xf32> to vector<1x16xf32>
    tpu.vector_store %arg9[%swap3A_14, %swap3A_15], %swap3A_18 {strides = array<i32>} : memref<16x128xf32, #tpu.memory_space<vmem>>, vector<1x16xf32>,
    %swap3A_19 = arith.constant 0 : i32
    %swap3A_20 = arith.index_cast %swap3A_19 : i32 to index
    %swap3A_21 = arith.constant 48 : index
    %swap3A_22 = tpu.vector_load %arg9[%swap3A_20, %swap3A_21] {strides = array<i32>} : memref<16x128xf32, #tpu.memory_space<vmem>>, vector<1x16xf32>,
    %swap3A_23 = vector.shape_cast %swap3A_22 : vector<1x16xf32> to vector<16xf32>
    %swap3A_24 = vector.shape_cast %broadcast_in_dim3A_1 : vector<16xf32> to vector<1x16xf32>
    tpu.vector_store %arg9[%swap3A_20, %swap3A_21], %swap3A_24 {strides = array<i32>} : memref<16x128xf32, #tpu.memory_space<vmem>>, vector<1x16xf32>,
    %swap3A_25 = arith.constant 0 : i32
    %swap3A_26 = arith.index_cast %swap3A_25 : i32 to index
    %swap3A_27 = arith.constant 64 : index
    %swap3A_28 = tpu.vector_load %arg9[%swap3A_26, %swap3A_27] {strides = array<i32>} : memref<16x128xf32, #tpu.memory_space<vmem>>, vector<1x16xf32>,
    %swap3A_29 = vector.shape_cast %swap3A_28 : vector<1x16xf32> to vector<16xf32>
    %swap3A_30 = vector.shape_cast %broadcast_in_dim3A_1 : vector<16xf32> to vector<1x16xf32>
    tpu.vector_store %arg9[%swap3A_26, %swap3A_27], %swap3A_30 {strides = array<i32>} : memref<16x128xf32, #tpu.memory_space<vmem>>, vector<1x16xf32>,
    %swap3A_31 = arith.constant 0 : i32
    %swap3A_32 = arith.index_cast %swap3A_31 : i32 to index
    %swap3A_33 = arith.constant 80 : index
    %swap3A_34 = tpu.vector_load %arg9[%swap3A_32, %swap3A_33] {strides = array<i32>} : memref<16x128xf32, #tpu.memory_space<vmem>>, vector<1x16xf32>,
    %swap3A_35 = vector.shape_cast %swap3A_34 : vector<1x16xf32> to vector<16xf32>
    %swap3A_36 = vector.shape_cast %broadcast_in_dim3A_1 : vector<16xf32> to vector<1x16xf32>
    tpu.vector_store %arg9[%swap3A_32, %swap3A_33], %swap3A_36 {strides = array<i32>} : memref<16x128xf32, #tpu.memory_space<vmem>>, vector<1x16xf32>,
    %swap3A_37 = arith.constant 0 : i32
    %swap3A_38 = arith.index_cast %swap3A_37 : i32 to index
    %swap3A_39 = arith.constant 96 : index
    %swap3A_40 = tpu.vector_load %arg9[%swap3A_38, %swap3A_39] {strides = array<i32>} : memref<16x128xf32, #tpu.memory_space<vmem>>, vector<1x16xf32>,
    %swap3A_41 = vector.shape_cast %swap3A_40 : vector<1x16xf32> to vector<16xf32>
    %swap3A_42 = vector.shape_cast %broadcast_in_dim3A_1 : vector<16xf32> to vector<1x16xf32>
    tpu.vector_store %arg9[%swap3A_38, %swap3A_39], %swap3A_42 {strides = array<i32>} : memref<16x128xf32, #tpu.memory_space<vmem>>, vector<1x16xf32>,
    %swap3A_43 = arith.constant 0 : i32
    %swap3A_44 = arith.index_cast %swap3A_43 : i32 to index
    %swap3A_45 = arith.constant 112 : index
    %swap3A_46 = tpu.vector_load %arg9[%swap3A_44, %swap3A_45] {strides = array<i32>} : memref<16x128xf32, #tpu.memory_space<vmem>>, vector<1x16xf32>,
    %swap3A_47 = vector.shape_cast %swap3A_46 : vector<1x16xf32> to vector<16xf32>
    %swap3A_48 = vector.shape_cast %broadcast_in_dim3A_1 : vector<16xf32> to vector<1x16xf32>
    tpu.vector_store %arg9[%swap3A_44, %swap3A_45], %swap3A_48 {strides = array<i32>} : memref<16x128xf32, #tpu.memory_space<vmem>>, vector<1x16xf32>,
    %swap3A_49 = arith.constant 1 : i32
    %swap3A_50 = arith.index_cast %swap3A_49 : i32 to index
    %swap3A_51 = arith.constant 0 : index
    %swap3A_52 = tpu.vector_load %arg9[%swap3A_50, %swap3A_51] {strides = array<i32>} : memref<16x128xf32, #tpu.memory_space<vmem>>, vector<1x16xf32>,
    %swap3A_53 = vector.shape_cast %swap3A_52 : vector<1x16xf32> to vector<16xf32>
    %swap3A_54 = vector.shape_cast %broadcast_in_dim3A_1 : vector<16xf32> to vector<1x16xf32>
    tpu.vector_store %arg9[%swap3A_50, %swap3A_51], %swap3A_54 {strides = array<i32>} : memref<16x128xf32, #tpu.memory_space<vmem>>, vector<1x16xf32>,
    %swap3A_55 = arith.constant 1 : i32
    %swap3A_56 = arith.index_cast %swap3A_55 : i32 to index
    %swap3A_57 = arith.constant 16 : index
    %swap3A_58 = tpu.vector_load %arg9[%swap3A_56, %swap3A_57] {strides = array<i32>} : memref<16x128xf32, #tpu.memory_space<vmem>>, vector<1x16xf32>,
    %swap3A_59 = vector.shape_cast %swap3A_58 : vector<1x16xf32> to vector<16xf32>
    %swap3A_60 = vector.shape_cast %broadcast_in_dim3A_1 : vector<16xf32> to vector<1x16xf32>
    tpu.vector_store %arg9[%swap3A_56, %swap3A_57], %swap3A_60 {strides = array<i32>} : memref<16x128xf32, #tpu.memory_space<vmem>>, vector<1x16xf32>,
    %swap3A_61 = arith.constant 1 : i32
    %swap3A_62 = arith.index_cast %swap3A_61 : i32 to index
    %swap3A_63 = arith.constant 32 : index
    %swap3A_64 = tpu.vector_load %arg9[%swap3A_62, %swap3A_63] {strides = array<i32>} : memref<16x128xf32, #tpu.memory_space<vmem>>, vector<1x16xf32>,
    %swap3A_65 = vector.shape_cast %swap3A_64 : vector<1x16xf32> to vector<16xf32>
    %swap3A_66 = vector.shape_cast %broadcast_in_dim3A_1 : vector<16xf32> to vector<1x16xf32>
    tpu.vector_store %arg9[%swap3A_62, %swap3A_63], %swap3A_66 {strides = array<i32>} : memref<16x128xf32, #tpu.memory_space<vmem>>, vector<1x16xf32>,
    %swap3A_67 = arith.constant 1 : i32
    %swap3A_68 = arith.index_cast %swap3A_67 : i32 to index
    %swap3A_69 = arith.constant 48 : index
    %swap3A_70 = tpu.vector_load %arg9[%swap3A_68, %swap3A_69] {strides = array<i32>} : memref<16x128xf32, #tpu.memory_space<vmem>>, vector<1x16xf32>,
    %swap3A_71 = vector.shape_cast %swap3A_70 : vector<1x16xf32> to vector<16xf32>
    %swap3A_72 = vector.shape_cast %broadcast_in_dim3A_1 : vector<16xf32> to vector<1x16xf32>
    tpu.vector_store %arg9[%swap3A_68, %swap3A_69], %swap3A_72 {strides = array<i32>} : memref<16x128xf32, #tpu.memory_space<vmem>>, vector<1x16xf32>,
    %swap3A_73 = arith.constant 1 : i32
    %swap3A_74 = arith.index_cast %swap3A_73 : i32 to index
    %swap3A_75 = arith.constant 64 : index
    %swap3A_76 = tpu.vector_load %arg9[%swap3A_74, %swap3A_75] {strides = array<i32>} : memref<16x128xf32, #tpu.memory_space<vmem>>, vector<1x16xf32>,
    %swap3A_77 = vector.shape_cast %swap3A_76 : vector<1x16xf32> to vector<16xf32>
    %swap3A_78 = vector.shape_cast %broadcast_in_dim3A_1 : vector<16xf32> to vector<1x16xf32>
    tpu.vector_store %arg9[%swap3A_74, %swap3A_75], %swap3A_78 {strides = array<i32>} : memref<16x128xf32, #tpu.memory_space<vmem>>, vector<1x16xf32>,
    %swap3A_79 = arith.constant 1 : i32
    %swap3A_80 = arith.index_cast %swap3A_79 : i32 to index
    %swap3A_81 = arith.constant 80 : index
    %swap3A_82 = tpu.vector_load %arg9[%swap3A_80, %swap3A_81] {strides = array<i32>} : memref<16x128xf32, #tpu.memory_space<vmem>>, vector<1x16xf32>,
    %swap3A_83 = vector.shape_cast %swap3A_82 : vector<1x16xf32> to vector<16xf32>
    %swap3A_84 = vector.shape_cast %broadcast_in_dim3A_1 : vector<16xf32> to vector<1x16xf32>
    tpu.vector_store %arg9[%swap3A_80, %swap3A_81], %swap3A_84 {strides = array<i32>} : memref<16x128xf32, #tpu.memory_space<vmem>>, vector<1x16xf32>,
    %swap3A_85 = arith.constant 1 : i32
    %swap3A_86 = arith.index_cast %swap3A_85 : i32 to index
    %swap3A_87 = arith.constant 96 : index
    %swap3A_88 = tpu.vector_load %arg9[%swap3A_86, %swap3A_87] {strides = array<i32>} : memref<16x128xf32, #tpu.memory_space<vmem>>, vector<1x16xf32>,
    %swap3A_89 = vector.shape_cast %swap3A_88 : vector<1x16xf32> to vector<16xf32>
    %swap3A_90 = vector.shape_cast %broadcast_in_dim3A_1 : vector<16xf32> to vector<1x16xf32>
    tpu.vector_store %arg9[%swap3A_86, %swap3A_87], %swap3A_90 {strides = array<i32>} : memref<16x128xf32, #tpu.memory_space<vmem>>, vector<1x16xf32>,
    %swap3A_91 = arith.constant 1 : i32
    %swap3A_92 = arith.index_cast %swap3A_91 : i32 to index
    %swap3A_93 = arith.constant 112 : index
    %swap3A_94 = tpu.vector_load %arg9[%swap3A_92, %swap3A_93] {strides = array<i32>} : memref<16x128xf32, #tpu.memory_space<vmem>>, vector<1x16xf32>,
    %swap3A_95 = vector.shape_cast %swap3A_94 : vector<1x16xf32> to vector<16xf32>
    %swap3A_96 = vector.shape_cast %broadcast_in_dim3A_1 : vector<16xf32> to vector<1x16xf32>
    tpu.vector_store %arg9[%swap3A_92, %swap3A_93], %swap3A_96 {strides = array<i32>} : memref<16x128xf32, #tpu.memory_space<vmem>>, vector<1x16xf32>,
    %swap3A_97 = arith.constant 2 : i32
    %swap3A_98 = arith.index_cast %swap3A_97 : i32 to index
    %swap3A_99 = arith.constant 0 : index
    %swap3A_100 = tpu.vector_load %arg9[%swap3A_98, %swap3A_99] {strides = array<i32>} : memref<16x128xf32, #tpu.memory_space<vmem>>, vector<1x16xf32>,
    %swap3A_101 = vector.shape_cast %swap3A_100 : vector<1x16xf32> to vector<16xf32>
    %swap3A_102 = vector.shape_cast %broadcast_in_dim3A_1 : vector<16xf32> to vector<1x16xf32>
    tpu.vector_store %arg9[%swap3A_98, %swap3A_99], %swap3A_102 {strides = array<i32>} : memref<16x128xf32, #tpu.memory_space<vmem>>, vector<1x16xf32>,
    %swap3A_103 = arith.constant 2 : i32
    %swap3A_104 = arith.index_cast %swap3A_103 : i32 to index
    %swap3A_105 = arith.constant 16 : index
    %swap3A_106 = tpu.vector_load %arg9[%swap3A_104, %swap3A_105] {strides = array<i32>} : memref<16x128xf32, #tpu.memory_space<vmem>>, vector<1x16xf32>,
    %swap3A_107 = vector.shape_cast %swap3A_106 : vector<1x16xf32> to vector<16xf32>
    %swap3A_108 = vector.shape_cast %broadcast_in_dim3A_1 : vector<16xf32> to vector<1x16xf32>
    tpu.vector_store %arg9[%swap3A_104, %swap3A_105], %swap3A_108 {strides = array<i32>} : memref<16x128xf32, #tpu.memory_space<vmem>>, vector<1x16xf32>,
    %swap3A_109 = arith.constant 2 : i32
    %swap3A_110 = arith.index_cast %swap3A_109 : i32 to index
    %swap3A_111 = arith.constant 32 : index
    %swap3A_112 = tpu.vector_load %arg9[%swap3A_110, %swap3A_111] {strides = array<i32>} : memref<16x128xf32, #tpu.memory_space<vmem>>, vector<1x16xf32>,
    %swap3A_113 = vector.shape_cast %swap3A_112 : vector<1x16xf32> to vector<16xf32>
    %swap3A_114 = vector.shape_cast %broadcast_in_dim3A_1 : vector<16xf32> to vector<1x16xf32>
    tpu.vector_store %arg9[%swap3A_110, %swap3A_111], %swap3A_114 {strides = array<i32>} : memref<16x128xf32, #tpu.memory_space<vmem>>, vector<1x16xf32>,
    %swap3A_115 = arith.constant 2 : i32
    %swap3A_116 = arith.index_cast %swap3A_115 : i32 to index
    %swap3A_117 = arith.constant 48 : index
    %swap3A_118 = tpu.vector_load %arg9[%swap3A_116, %swap3A_117] {strides = array<i32>} : memref<16x128xf32, #tpu.memory_space<vmem>>, vector<1x16xf32>,
    %swap3A_119 = vector.shape_cast %swap3A_118 : vector<1x16xf32> to vector<16xf32>
    %swap3A_120 = vector.shape_cast %broadcast_in_dim3A_1 : vector<16xf32> to vector<1x16xf32>
    tpu.vector_store %arg9[%swap3A_116, %swap3A_117], %swap3A_120 {strides = array<i32>} : memref<16x128xf32, #tpu.memory_space<vmem>>, vector<1x16xf32>,
    %swap3A_121 = arith.constant 2 : i32
    %swap3A_122 = arith.index_cast %swap3A_121 : i32 to index
    %swap3A_123 = arith.constant 64 : index
    %swap3A_124 = tpu.vector_load %arg9[%swap3A_122, %swap3A_123] {strides = array<i32>} : memref<16x128xf32, #tpu.memory_space<vmem>>, vector<1x16xf32>,
    %swap3A_125 = vector.shape_cast %swap3A_124 : vector<1x16xf32> to vector<16xf32>
    %swap3A_126 = vector.shape_cast %broadcast_in_dim3A_1 : vector<16xf32> to vector<1x16xf32>
    tpu.vector_store %arg9[%swap3A_122, %swap3A_123], %swap3A_126 {strides = array<i32>} : memref<16x128xf32, #tpu.memory_space<vmem>>, vector<1x16xf32>,
    %swap3A_127 = arith.constant 2 : i32
    %swap3A_128 = arith.index_cast %swap3A_127 : i32 to index
    %swap3A_129 = arith.constant 80 : index
    %swap3A_130 = tpu.vector_load %arg9[%swap3A_128, %swap3A_129] {strides = array<i32>} : memref<16x128xf32, #tpu.memory_space<vmem>>, vector<1x16xf32>,
    %swap3A_131 = vector.shape_cast %swap3A_130 : vector<1x16xf32> to vector<16xf32>
    %swap3A_132 = vector.shape_cast %broadcast_in_dim3A_1 : vector<16xf32> to vector<1x16xf32>
    tpu.vector_store %arg9[%swap3A_128, %swap3A_129], %swap3A_132 {strides = array<i32>} : memref<16x128xf32, #tpu.memory_space<vmem>>, vector<1x16xf32>,
    %swap3A_133 = arith.constant 2 : i32
    %swap3A_134 = arith.index_cast %swap3A_133 : i32 to index
    %swap3A_135 = arith.constant 96 : index
    %swap3A_136 = tpu.vector_load %arg9[%swap3A_134, %swap3A_135] {strides = array<i32>} : memref<16x128xf32, #tpu.memory_space<vmem>>, vector<1x16xf32>,
    %swap3A_137 = vector.shape_cast %swap3A_136 : vector<1x16xf32> to vector<16xf32>
    %swap3A_138 = vector.shape_cast %broadcast_in_dim3A_1 : vector<16xf32> to vector<1x16xf32>
    tpu.vector_store %arg9[%swap3A_134, %swap3A_135], %swap3A_138 {strides = array<i32>} : memref<16x128xf32, #tpu.memory_space<vmem>>, vector<1x16xf32>,
    %swap3A_139 = arith.constant 2 : i32
    %swap3A_140 = arith.index_cast %swap3A_139 : i32 to index
    %swap3A_141 = arith.constant 112 : index
    %swap3A_142 = tpu.vector_load %arg9[%swap3A_140, %swap3A_141] {strides = array<i32>} : memref<16x128xf32, #tpu.memory_space<vmem>>, vector<1x16xf32>,
    %swap3A_143 = vector.shape_cast %swap3A_142 : vector<1x16xf32> to vector<16xf32>
    %swap3A_144 = vector.shape_cast %broadcast_in_dim3A_1 : vector<16xf32> to vector<1x16xf32>
    tpu.vector_store %arg9[%swap3A_140, %swap3A_141], %swap3A_144 {strides = array<i32>} : memref<16x128xf32, #tpu.memory_space<vmem>>, vector<1x16xf32>,
    %swap3A_145 = arith.constant 3 : i32
    %swap3A_146 = arith.index_cast %swap3A_145 : i32 to index
    %swap3A_147 = arith.constant 0 : index
    %swap3A_148 = tpu.vector_load %arg9[%swap3A_146, %swap3A_147] {strides = array<i32>} : memref<16x128xf32, #tpu.memory_space<vmem>>, vector<1x16xf32>,
    %swap3A_149 = vector.shape_cast %swap3A_148 : vector<1x16xf32> to vector<16xf32>
    %swap3A_150 = vector.shape_cast %broadcast_in_dim3A_1 : vector<16xf32> to vector<1x16xf32>
    tpu.vector_store %arg9[%swap3A_146, %swap3A_147], %swap3A_150 {strides = array<i32>} : memref<16x128xf32, #tpu.memory_space<vmem>>, vector<1x16xf32>,
    %swap3A_151 = arith.constant 3 : i32
    %swap3A_152 = arith.index_cast %swap3A_151 : i32 to index
    %swap3A_153 = arith.constant 16 : index
    %swap3A_154 = tpu.vector_load %arg9[%swap3A_152, %swap3A_153] {strides = array<i32>} : memref<16x128xf32, #tpu.memory_space<vmem>>, vector<1x16xf32>,
    %swap3A_155 = vector.shape_cast %swap3A_154 : vector<1x16xf32> to vector<16xf32>
    %swap3A_156 = vector.shape_cast %broadcast_in_dim3A_1 : vector<16xf32> to vector<1x16xf32>
    tpu.vector_store %arg9[%swap3A_152, %swap3A_153], %swap3A_156 {strides = array<i32>} : memref<16x128xf32, #tpu.memory_space<vmem>>, vector<1x16xf32>,
    %swap3A_157 = arith.constant 3 : i32
    %swap3A_158 = arith.index_cast %swap3A_157 : i32 to index
    %swap3A_159 = arith.constant 32 : index
    %swap3A_160 = tpu.vector_load %arg9[%swap3A_158, %swap3A_159] {strides = array<i32>} : memref<16x128xf32, #tpu.memory_space<vmem>>, vector<1x16xf32>,
    %swap3A_161 = vector.shape_cast %swap3A_160 : vector<1x16xf32> to vector<16xf32>
    %swap3A_162 = vector.shape_cast %broadcast_in_dim3A_1 : vector<16xf32> to vector<1x16xf32>
    tpu.vector_store %arg9[%swap3A_158, %swap3A_159], %swap3A_162 {strides = array<i32>} : memref<16x128xf32, #tpu.memory_space<vmem>>, vector<1x16xf32>,
    %swap3A_163 = arith.constant 3 : i32
    %swap3A_164 = arith.index_cast %swap3A_163 : i32 to index
    %swap3A_165 = arith.constant 48 : index
    %swap3A_166 = tpu.vector_load %arg9[%swap3A_164, %swap3A_165] {strides = array<i32>} : memref<16x128xf32, #tpu.memory_space<vmem>>, vector<1x16xf32>,
    %swap3A_167 = vector.shape_cast %swap3A_166 : vector<1x16xf32> to vector<16xf32>
    %swap3A_168 = vector.shape_cast %broadcast_in_dim3A_1 : vector<16xf32> to vector<1x16xf32>
    tpu.vector_store %arg9[%swap3A_164, %swap3A_165], %swap3A_168 {strides = array<i32>} : memref<16x128xf32, #tpu.memory_space<vmem>>, vector<1x16xf32>,
    %swap3A_169 = arith.constant 3 : i32
    %swap3A_170 = arith.index_cast %swap3A_169 : i32 to index
    %swap3A_171 = arith.constant 64 : index
    %swap3A_172 = tpu.vector_load %arg9[%swap3A_170, %swap3A_171] {strides = array<i32>} : memref<16x128xf32, #tpu.memory_space<vmem>>, vector<1x16xf32>,
    %swap3A_173 = vector.shape_cast %swap3A_172 : vector<1x16xf32> to vector<16xf32>
    %swap3A_174 = vector.shape_cast %broadcast_in_dim3A_1 : vector<16xf32> to vector<1x16xf32>
    tpu.vector_store %arg9[%swap3A_170, %swap3A_171], %swap3A_174 {strides = array<i32>} : memref<16x128xf32, #tpu.memory_space<vmem>>, vector<1x16xf32>,
    %swap3A_175 = arith.constant 3 : i32
    %swap3A_176 = arith.index_cast %swap3A_175 : i32 to index
    %swap3A_177 = arith.constant 80 : index
    %swap3A_178 = tpu.vector_load %arg9[%swap3A_176, %swap3A_177] {strides = array<i32>} : memref<16x128xf32, #tpu.memory_space<vmem>>, vector<1x16xf32>,
    %swap3A_179 = vector.shape_cast %swap3A_178 : vector<1x16xf32> to vector<16xf32>
    %swap3A_180 = vector.shape_cast %broadcast_in_dim3A_1 : vector<16xf32> to vector<1x16xf32>
    tpu.vector_store %arg9[%swap3A_176, %swap3A_177], %swap3A_180 {strides = array<i32>} : memref<16x128xf32, #tpu.memory_space<vmem>>, vector<1x16xf32>,
    %swap3A_181 = arith.constant 3 : i32
    %swap3A_182 = arith.index_cast %swap3A_181 : i32 to index
    %swap3A_183 = arith.constant 96 : index
    %swap3A_184 = tpu.vector_load %arg9[%swap3A_182, %swap3A_183] {strides = array<i32>} : memref<16x128xf32, #tpu.memory_space<vmem>>, vector<1x16xf32>,
    %swap3A_185 = vector.shape_cast %swap3A_184 : vector<1x16xf32> to vector<16xf32>
    %swap3A_186 = vector.shape_cast %broadcast_in_dim3A_1 : vector<16xf32> to vector<1x16xf32>
    tpu.vector_store %arg9[%swap3A_182, %swap3A_183], %swap3A_186 {strides = array<i32>} : memref<16x128xf32, #tpu.memory_space<vmem>>, vector<1x16xf32>,
    %swap3A_187 = arith.constant 3 : i32
    %swap3A_188 = arith.index_cast %swap3A_187 : i32 to index
    %swap3A_189 = arith.constant 112 : index
    %swap3A_190 = tpu.vector_load %arg9[%swap3A_188, %swap3A_189] {strides = array<i32>} : memref<16x128xf32, #tpu.memory_space<vmem>>, vector<1x16xf32>,
    %swap3A_191 = vector.shape_cast %swap3A_190 : vector<1x16xf32> to vector<16xf32>
    %swap3A_192 = vector.shape_cast %broadcast_in_dim3A_1 : vector<16xf32> to vector<1x16xf32>
    tpu.vector_store %arg9[%swap3A_188, %swap3A_189], %swap3A_192 {strides = array<i32>} : memref<16x128xf32, #tpu.memory_space<vmem>>, vector<1x16xf32>,
    %swap3A_193 = arith.constant 4 : i32
    %swap3A_194 = arith.index_cast %swap3A_193 : i32 to index
    %swap3A_195 = arith.constant 0 : index
    %swap3A_196 = tpu.vector_load %arg9[%swap3A_194, %swap3A_195] {strides = array<i32>} : memref<16x128xf32, #tpu.memory_space<vmem>>, vector<1x16xf32>,
    %swap3A_197 = vector.shape_cast %swap3A_196 : vector<1x16xf32> to vector<16xf32>
    %swap3A_198 = vector.shape_cast %broadcast_in_dim3A_1 : vector<16xf32> to vector<1x16xf32>
    tpu.vector_store %arg9[%swap3A_194, %swap3A_195], %swap3A_198 {strides = array<i32>} : memref<16x128xf32, #tpu.memory_space<vmem>>, vector<1x16xf32>,
    %swap3A_199 = arith.constant 4 : i32
    %swap3A_200 = arith.index_cast %swap3A_199 : i32 to index
    %swap3A_201 = arith.constant 16 : index
    %swap3A_202 = tpu.vector_load %arg9[%swap3A_200, %swap3A_201] {strides = array<i32>} : memref<16x128xf32, #tpu.memory_space<vmem>>, vector<1x16xf32>,
    %swap3A_203 = vector.shape_cast %swap3A_202 : vector<1x16xf32> to vector<16xf32>
    %swap3A_204 = vector.shape_cast %broadcast_in_dim3A_1 : vector<16xf32> to vector<1x16xf32>
    tpu.vector_store %arg9[%swap3A_200, %swap3A_201], %swap3A_204 {strides = array<i32>} : memref<16x128xf32, #tpu.memory_space<vmem>>, vector<1x16xf32>,
    %swap3A_205 = arith.constant 4 : i32
    %swap3A_206 = arith.index_cast %swap3A_205 : i32 to index
    %swap3A_207 = arith.constant 32 : index
    %swap3A_208 = tpu.vector_load %arg9[%swap3A_206, %swap3A_207] {strides = array<i32>} : memref<16x128xf32, #tpu.memory_space<vmem>>, vector<1x16xf32>,
    %swap3A_209 = vector.shape_cast %swap3A_208 : vector<1x16xf32> to vector<16xf32>
    %swap3A_210 = vector.shape_cast %broadcast_in_dim3A_1 : vector<16xf32> to vector<1x16xf32>
    tpu.vector_store %arg9[%swap3A_206, %swap3A_207], %swap3A_210 {strides = array<i32>} : memref<16x128xf32, #tpu.memory_space<vmem>>, vector<1x16xf32>,
    %swap3A_211 = arith.constant 4 : i32
    %swap3A_212 = arith.index_cast %swap3A_211 : i32 to index
    %swap3A_213 = arith.constant 48 : index
    %swap3A_214 = tpu.vector_load %arg9[%swap3A_212, %swap3A_213] {strides = array<i32>} : memref<16x128xf32, #tpu.memory_space<vmem>>, vector<1x16xf32>,
    %swap3A_215 = vector.shape_cast %swap3A_214 : vector<1x16xf32> to vector<16xf32>
    %swap3A_216 = vector.shape_cast %broadcast_in_dim3A_1 : vector<16xf32> to vector<1x16xf32>
    tpu.vector_store %arg9[%swap3A_212, %swap3A_213], %swap3A_216 {strides = array<i32>} : memref<16x128xf32, #tpu.memory_space<vmem>>, vector<1x16xf32>,
    %swap3A_217 = arith.constant 4 : i32
    %swap3A_218 = arith.index_cast %swap3A_217 : i32 to index
    %swap3A_219 = arith.constant 64 : index
    %swap3A_220 = tpu.vector_load %arg9[%swap3A_218, %swap3A_219] {strides = array<i32>} : memref<16x128xf32, #tpu.memory_space<vmem>>, vector<1x16xf32>,
    %swap3A_221 = vector.shape_cast %swap3A_220 : vector<1x16xf32> to vector<16xf32>
    %swap3A_222 = vector.shape_cast %broadcast_in_dim3A_1 : vector<16xf32> to vector<1x16xf32>
    tpu.vector_store %arg9[%swap3A_218, %swap3A_219], %swap3A_222 {strides = array<i32>} : memref<16x128xf32, #tpu.memory_space<vmem>>, vector<1x16xf32>,
    %swap3A_223 = arith.constant 4 : i32
    %swap3A_224 = arith.index_cast %swap3A_223 : i32 to index
    %swap3A_225 = arith.constant 80 : index
    %swap3A_226 = tpu.vector_load %arg9[%swap3A_224, %swap3A_225] {strides = array<i32>} : memref<16x128xf32, #tpu.memory_space<vmem>>, vector<1x16xf32>,
    %swap3A_227 = vector.shape_cast %swap3A_226 : vector<1x16xf32> to vector<16xf32>
    %swap3A_228 = vector.shape_cast %broadcast_in_dim3A_1 : vector<16xf32> to vector<1x16xf32>
    tpu.vector_store %arg9[%swap3A_224, %swap3A_225], %swap3A_228 {strides = array<i32>} : memref<16x128xf32, #tpu.memory_space<vmem>>, vector<1x16xf32>,
    %swap3A_229 = arith.constant 4 : i32
    %swap3A_230 = arith.index_cast %swap3A_229 : i32 to index
    %swap3A_231 = arith.constant 96 : index
    %swap3A_232 = tpu.vector_load %arg9[%swap3A_230, %swap3A_231] {strides = array<i32>} : memref<16x128xf32, #tpu.memory_space<vmem>>, vector<1x16xf32>,
    %swap3A_233 = vector.shape_cast %swap3A_232 : vector<1x16xf32> to vector<16xf32>
    %swap3A_234 = vector.shape_cast %broadcast_in_dim3A_1 : vector<16xf32> to vector<1x16xf32>
    tpu.vector_store %arg9[%swap3A_230, %swap3A_231], %swap3A_234 {strides = array<i32>} : memref<16x128xf32, #tpu.memory_space<vmem>>, vector<1x16xf32>,
    %swap3A_235 = arith.constant 4 : i32
    %swap3A_236 = arith.index_cast %swap3A_235 : i32 to index
    %swap3A_237 = arith.constant 112 : index
    %swap3A_238 = tpu.vector_load %arg9[%swap3A_236, %swap3A_237] {strides = array<i32>} : memref<16x128xf32, #tpu.memory_space<vmem>>, vector<1x16xf32>,
    %swap3A_239 = vector.shape_cast %swap3A_238 : vector<1x16xf32> to vector<16xf32>
    %swap3A_240 = vector.shape_cast %broadcast_in_dim3A_1 : vector<16xf32> to vector<1x16xf32>
    tpu.vector_store %arg9[%swap3A_236, %swap3A_237], %swap3A_240 {strides = array<i32>} : memref<16x128xf32, #tpu.memory_space<vmem>>, vector<1x16xf32>,
    %swap3A_241 = arith.constant 5 : i32
    %swap3A_242 = arith.index_cast %swap3A_241 : i32 to index
    %swap3A_243 = arith.constant 0 : index
    %swap3A_244 = tpu.vector_load %arg9[%swap3A_242, %swap3A_243] {strides = array<i32>} : memref<16x128xf32, #tpu.memory_space<vmem>>, vector<1x16xf32>,
    %swap3A_245 = vector.shape_cast %swap3A_244 : vector<1x16xf32> to vector<16xf32>
    %swap3A_246 = vector.shape_cast %broadcast_in_dim3A_1 : vector<16xf32> to vector<1x16xf32>
    tpu.vector_store %arg9[%swap3A_242, %swap3A_243], %swap3A_246 {strides = array<i32>} : memref<16x128xf32, #tpu.memory_space<vmem>>, vector<1x16xf32>,
    %swap3A_247 = arith.constant 5 : i32
    %swap3A_248 = arith.index_cast %swap3A_247 : i32 to index
    %swap3A_249 = arith.constant 16 : index
    %swap3A_250 = tpu.vector_load %arg9[%swap3A_248, %swap3A_249] {strides = array<i32>} : memref<16x128xf32, #tpu.memory_space<vmem>>, vector<1x16xf32>,
    %swap3A_251 = vector.shape_cast %swap3A_250 : vector<1x16xf32> to vector<16xf32>
    %swap3A_252 = vector.shape_cast %broadcast_in_dim3A_1 : vector<16xf32> to vector<1x16xf32>
    tpu.vector_store %arg9[%swap3A_248, %swap3A_249], %swap3A_252 {strides = array<i32>} : memref<16x128xf32, #tpu.memory_space<vmem>>, vector<1x16xf32>,
    %swap3A_253 = arith.constant 5 : i32
    %swap3A_254 = arith.index_cast %swap3A_253 : i32 to index
    %swap3A_255 = arith.constant 32 : index
    %swap3A_256 = tpu.vector_load %arg9[%swap3A_254, %swap3A_255] {strides = array<i32>} : memref<16x128xf32, #tpu.memory_space<vmem>>, vector<1x16xf32>,
    %swap3A_257 = vector.shape_cast %swap3A_256 : vector<1x16xf32> to vector<16xf32>
    %swap3A_258 = vector.shape_cast %broadcast_in_dim3A_1 : vector<16xf32> to vector<1x16xf32>
    tpu.vector_store %arg9[%swap3A_254, %swap3A_255], %swap3A_258 {strides = array<i32>} : memref<16x128xf32, #tpu.memory_space<vmem>>, vector<1x16xf32>,
    %swap3A_259 = arith.constant 5 : i32
    %swap3A_260 = arith.index_cast %swap3A_259 : i32 to index
    %swap3A_261 = arith.constant 48 : index
    %swap3A_262 = tpu.vector_load %arg9[%swap3A_260, %swap3A_261] {strides = array<i32>} : memref<16x128xf32, #tpu.memory_space<vmem>>, vector<1x16xf32>,
    %swap3A_263 = vector.shape_cast %swap3A_262 : vector<1x16xf32> to vector<16xf32>
    %swap3A_264 = vector.shape_cast %broadcast_in_dim3A_1 : vector<16xf32> to vector<1x16xf32>
    tpu.vector_store %arg9[%swap3A_260, %swap3A_261], %swap3A_264 {strides = array<i32>} : memref<16x128xf32, #tpu.memory_space<vmem>>, vector<1x16xf32>,
    %swap3A_265 = arith.constant 5 : i32
    %swap3A_266 = arith.index_cast %swap3A_265 : i32 to index
    %swap3A_267 = arith.constant 64 : index
    %swap3A_268 = tpu.vector_load %arg9[%swap3A_266, %swap3A_267] {strides = array<i32>} : memref<16x128xf32, #tpu.memory_space<vmem>>, vector<1x16xf32>,
    %swap3A_269 = vector.shape_cast %swap3A_268 : vector<1x16xf32> to vector<16xf32>
    %swap3A_270 = vector.shape_cast %broadcast_in_dim3A_1 : vector<16xf32> to vector<1x16xf32>
    tpu.vector_store %arg9[%swap3A_266, %swap3A_267], %swap3A_270 {strides = array<i32>} : memref<16x128xf32, #tpu.memory_space<vmem>>, vector<1x16xf32>,
    %swap3A_271 = arith.constant 5 : i32
    %swap3A_272 = arith.index_cast %swap3A_271 : i32 to index
    %swap3A_273 = arith.constant 80 : index
    %swap3A_274 = tpu.vector_load %arg9[%swap3A_272, %swap3A_273] {strides = array<i32>} : memref<16x128xf32, #tpu.memory_space<vmem>>, vector<1x16xf32>,
    %swap3A_275 = vector.shape_cast %swap3A_274 : vector<1x16xf32> to vector<16xf32>
    %swap3A_276 = vector.shape_cast %broadcast_in_dim3A_1 : vector<16xf32> to vector<1x16xf32>
    tpu.vector_store %arg9[%swap3A_272, %swap3A_273], %swap3A_276 {strides = array<i32>} : memref<16x128xf32, #tpu.memory_space<vmem>>, vector<1x16xf32>,
    %swap3A_277 = arith.constant 5 : i32
    %swap3A_278 = arith.index_cast %swap3A_277 : i32 to index
    %swap3A_279 = arith.constant 96 : index
    %swap3A_280 = tpu.vector_load %arg9[%swap3A_278, %swap3A_279] {strides = array<i32>} : memref<16x128xf32, #tpu.memory_space<vmem>>, vector<1x16xf32>,
    %swap3A_281 = vector.shape_cast %swap3A_280 : vector<1x16xf32> to vector<16xf32>
    %swap3A_282 = vector.shape_cast %broadcast_in_dim3A_1 : vector<16xf32> to vector<1x16xf32>
    tpu.vector_store %arg9[%swap3A_278, %swap3A_279], %swap3A_282 {strides = array<i32>} : memref<16x128xf32, #tpu.memory_space<vmem>>, vector<1x16xf32>,
    %swap3A_283 = arith.constant 5 : i32
    %swap3A_284 = arith.index_cast %swap3A_283 : i32 to index
    %swap3A_285 = arith.constant 112 : index
    %swap3A_286 = tpu.vector_load %arg9[%swap3A_284, %swap3A_285] {strides = array<i32>} : memref<16x128xf32, #tpu.memory_space<vmem>>, vector<1x16xf32>,
    %swap3A_287 = vector.shape_cast %swap3A_286 : vector<1x16xf32> to vector<16xf32>
    %swap3A_288 = vector.shape_cast %broadcast_in_dim3A_1 : vector<16xf32> to vector<1x16xf32>
    tpu.vector_store %arg9[%swap3A_284, %swap3A_285], %swap3A_288 {strides = array<i32>} : memref<16x128xf32, #tpu.memory_space<vmem>>, vector<1x16xf32>,
    %swap3A_289 = arith.constant 6 : i32
    %swap3A_290 = arith.index_cast %swap3A_289 : i32 to index
    %swap3A_291 = arith.constant 0 : index
    %swap3A_292 = tpu.vector_load %arg9[%swap3A_290, %swap3A_291] {strides = array<i32>} : memref<16x128xf32, #tpu.memory_space<vmem>>, vector<1x16xf32>,
    %swap3A_293 = vector.shape_cast %swap3A_292 : vector<1x16xf32> to vector<16xf32>
    %swap3A_294 = vector.shape_cast %broadcast_in_dim3A_1 : vector<16xf32> to vector<1x16xf32>
    tpu.vector_store %arg9[%swap3A_290, %swap3A_291], %swap3A_294 {strides = array<i32>} : memref<16x128xf32, #tpu.memory_space<vmem>>, vector<1x16xf32>,
    %swap3A_295 = arith.constant 6 : i32
    %swap3A_296 = arith.index_cast %swap3A_295 : i32 to index
    %swap3A_297 = arith.constant 16 : index
    %swap3A_298 = tpu.vector_load %arg9[%swap3A_296, %swap3A_297] {strides = array<i32>} : memref<16x128xf32, #tpu.memory_space<vmem>>, vector<1x16xf32>,
    %swap3A_299 = vector.shape_cast %swap3A_298 : vector<1x16xf32> to vector<16xf32>
    %swap3A_300 = vector.shape_cast %broadcast_in_dim3A_1 : vector<16xf32> to vector<1x16xf32>
    tpu.vector_store %arg9[%swap3A_296, %swap3A_297], %swap3A_300 {strides = array<i32>} : memref<16x128xf32, #tpu.memory_space<vmem>>, vector<1x16xf32>,
    %swap3A_301 = arith.constant 6 : i32
    %swap3A_302 = arith.index_cast %swap3A_301 : i32 to index
    %swap3A_303 = arith.constant 32 : index
    %swap3A_304 = tpu.vector_load %arg9[%swap3A_302, %swap3A_303] {strides = array<i32>} : memref<16x128xf32, #tpu.memory_space<vmem>>, vector<1x16xf32>,
    %swap3A_305 = vector.shape_cast %swap3A_304 : vector<1x16xf32> to vector<16xf32>
    %swap3A_306 = vector.shape_cast %broadcast_in_dim3A_1 : vector<16xf32> to vector<1x16xf32>
    tpu.vector_store %arg9[%swap3A_302, %swap3A_303], %swap3A_306 {strides = array<i32>} : memref<16x128xf32, #tpu.memory_space<vmem>>, vector<1x16xf32>,
    %swap3A_307 = arith.constant 6 : i32
    %swap3A_308 = arith.index_cast %swap3A_307 : i32 to index
    %swap3A_309 = arith.constant 48 : index
    %swap3A_310 = tpu.vector_load %arg9[%swap3A_308, %swap3A_309] {strides = array<i32>} : memref<16x128xf32, #tpu.memory_space<vmem>>, vector<1x16xf32>,
    %swap3A_311 = vector.shape_cast %swap3A_310 : vector<1x16xf32> to vector<16xf32>
    %swap3A_312 = vector.shape_cast %broadcast_in_dim3A_1 : vector<16xf32> to vector<1x16xf32>
    tpu.vector_store %arg9[%swap3A_308, %swap3A_309], %swap3A_312 {strides = array<i32>} : memref<16x128xf32, #tpu.memory_space<vmem>>, vector<1x16xf32>,
    %swap3A_313 = arith.constant 6 : i32
    %swap3A_314 = arith.index_cast %swap3A_313 : i32 to index
    %swap3A_315 = arith.constant 64 : index
    %swap3A_316 = tpu.vector_load %arg9[%swap3A_314, %swap3A_315] {strides = array<i32>} : memref<16x128xf32, #tpu.memory_space<vmem>>, vector<1x16xf32>,
    %swap3A_317 = vector.shape_cast %swap3A_316 : vector<1x16xf32> to vector<16xf32>
    %swap3A_318 = vector.shape_cast %broadcast_in_dim3A_1 : vector<16xf32> to vector<1x16xf32>
    tpu.vector_store %arg9[%swap3A_314, %swap3A_315], %swap3A_318 {strides = array<i32>} : memref<16x128xf32, #tpu.memory_space<vmem>>, vector<1x16xf32>,
    %swap3A_319 = arith.constant 6 : i32
    %swap3A_320 = arith.index_cast %swap3A_319 : i32 to index
    %swap3A_321 = arith.constant 80 : index
    %swap3A_322 = tpu.vector_load %arg9[%swap3A_320, %swap3A_321] {strides = array<i32>} : memref<16x128xf32, #tpu.memory_space<vmem>>, vector<1x16xf32>,
    %swap3A_323 = vector.shape_cast %swap3A_322 : vector<1x16xf32> to vector<16xf32>
    %swap3A_324 = vector.shape_cast %broadcast_in_dim3A_1 : vector<16xf32> to vector<1x16xf32>
    tpu.vector_store %arg9[%swap3A_320, %swap3A_321], %swap3A_324 {strides = array<i32>} : memref<16x128xf32, #tpu.memory_space<vmem>>, vector<1x16xf32>,
    %swap3A_325 = arith.constant 6 : i32
    %swap3A_326 = arith.index_cast %swap3A_325 : i32 to index
    %swap3A_327 = arith.constant 96 : index
    %swap3A_328 = tpu.vector_load %arg9[%swap3A_326, %swap3A_327] {strides = array<i32>} : memref<16x128xf32, #tpu.memory_space<vmem>>, vector<1x16xf32>,
    %swap3A_329 = vector.shape_cast %swap3A_328 : vector<1x16xf32> to vector<16xf32>
    %swap3A_330 = vector.shape_cast %broadcast_in_dim3A_1 : vector<16xf32> to vector<1x16xf32>
    tpu.vector_store %arg9[%swap3A_326, %swap3A_327], %swap3A_330 {strides = array<i32>} : memref<16x128xf32, #tpu.memory_space<vmem>>, vector<1x16xf32>,
    %swap3A_331 = arith.constant 6 : i32
    %swap3A_332 = arith.index_cast %swap3A_331 : i32 to index
    %swap3A_333 = arith.constant 112 : index
    %swap3A_334 = tpu.vector_load %arg9[%swap3A_332, %swap3A_333] {strides = array<i32>} : memref<16x128xf32, #tpu.memory_space<vmem>>, vector<1x16xf32>,
    %swap3A_335 = vector.shape_cast %swap3A_334 : vector<1x16xf32> to vector<16xf32>
    %swap3A_336 = vector.shape_cast %broadcast_in_dim3A_1 : vector<16xf32> to vector<1x16xf32>
    tpu.vector_store %arg9[%swap3A_332, %swap3A_333], %swap3A_336 {strides = array<i32>} : memref<16x128xf32, #tpu.memory_space<vmem>>, vector<1x16xf32>,
    %swap3A_337 = arith.constant 7 : i32
    %swap3A_338 = arith.index_cast %swap3A_337 : i32 to index
    %swap3A_339 = arith.constant 0 : index
    %swap3A_340 = tpu.vector_load %arg9[%swap3A_338, %swap3A_339] {strides = array<i32>} : memref<16x128xf32, #tpu.memory_space<vmem>>, vector<1x16xf32>,
    %swap3A_341 = vector.shape_cast %swap3A_340 : vector<1x16xf32> to vector<16xf32>
    %swap3A_342 = vector.shape_cast %broadcast_in_dim3A_1 : vector<16xf32> to vector<1x16xf32>
    tpu.vector_store %arg9[%swap3A_338, %swap3A_339], %swap3A_342 {strides = array<i32>} : memref<16x128xf32, #tpu.memory_space<vmem>>, vector<1x16xf32>,
    %swap3A_343 = arith.constant 7 : i32
    %swap3A_344 = arith.index_cast %swap3A_343 : i32 to index
    %swap3A_345 = arith.constant 16 : index
    %swap3A_346 = tpu.vector_load %arg9[%swap3A_344, %swap3A_345] {strides = array<i32>} : memref<16x128xf32, #tpu.memory_space<vmem>>, vector<1x16xf32>,
    %swap3A_347 = vector.shape_cast %swap3A_346 : vector<1x16xf32> to vector<16xf32>
    %swap3A_348 = vector.shape_cast %broadcast_in_dim3A_1 : vector<16xf32> to vector<1x16xf32>
    tpu.vector_store %arg9[%swap3A_344, %swap3A_345], %swap3A_348 {strides = array<i32>} : memref<16x128xf32, #tpu.memory_space<vmem>>, vector<1x16xf32>,
    %swap3A_349 = arith.constant 7 : i32
    %swap3A_350 = arith.index_cast %swap3A_349 : i32 to index
    %swap3A_351 = arith.constant 32 : index
    %swap3A_352 = tpu.vector_load %arg9[%swap3A_350, %swap3A_351] {strides = array<i32>} : memref<16x128xf32, #tpu.memory_space<vmem>>, vector<1x16xf32>,
    %swap3A_353 = vector.shape_cast %swap3A_352 : vector<1x16xf32> to vector<16xf32>
    %swap3A_354 = vector.shape_cast %broadcast_in_dim3A_1 : vector<16xf32> to vector<1x16xf32>
    tpu.vector_store %arg9[%swap3A_350, %swap3A_351], %swap3A_354 {strides = array<i32>} : memref<16x128xf32, #tpu.memory_space<vmem>>, vector<1x16xf32>,
    %swap3A_355 = arith.constant 7 : i32
    %swap3A_356 = arith.index_cast %swap3A_355 : i32 to index
    %swap3A_357 = arith.constant 48 : index
    %swap3A_358 = tpu.vector_load %arg9[%swap3A_356, %swap3A_357] {strides = array<i32>} : memref<16x128xf32, #tpu.memory_space<vmem>>, vector<1x16xf32>,
    %swap3A_359 = vector.shape_cast %swap3A_358 : vector<1x16xf32> to vector<16xf32>
    %swap3A_360 = vector.shape_cast %broadcast_in_dim3A_1 : vector<16xf32> to vector<1x16xf32>
    tpu.vector_store %arg9[%swap3A_356, %swap3A_357], %swap3A_360 {strides = array<i32>} : memref<16x128xf32, #tpu.memory_space<vmem>>, vector<1x16xf32>,
    %swap3A_361 = arith.constant 7 : i32
    %swap3A_362 = arith.index_cast %swap3A_361 : i32 to index
    %swap3A_363 = arith.constant 64 : index
    %swap3A_364 = tpu.vector_load %arg9[%swap3A_362, %swap3A_363] {strides = array<i32>} : memref<16x128xf32, #tpu.memory_space<vmem>>, vector<1x16xf32>,
    %swap3A_365 = vector.shape_cast %swap3A_364 : vector<1x16xf32> to vector<16xf32>
    %swap3A_366 = vector.shape_cast %broadcast_in_dim3A_1 : vector<16xf32> to vector<1x16xf32>
    tpu.vector_store %arg9[%swap3A_362, %swap3A_363], %swap3A_366 {strides = array<i32>} : memref<16x128xf32, #tpu.memory_space<vmem>>, vector<1x16xf32>,
    %swap3A_367 = arith.constant 7 : i32
    %swap3A_368 = arith.index_cast %swap3A_367 : i32 to index
    %swap3A_369 = arith.constant 80 : index
    %swap3A_370 = tpu.vector_load %arg9[%swap3A_368, %swap3A_369] {strides = array<i32>} : memref<16x128xf32, #tpu.memory_space<vmem>>, vector<1x16xf32>,
    %swap3A_371 = vector.shape_cast %swap3A_370 : vector<1x16xf32> to vector<16xf32>
    %swap3A_372 = vector.shape_cast %broadcast_in_dim3A_1 : vector<16xf32> to vector<1x16xf32>
    tpu.vector_store %arg9[%swap3A_368, %swap3A_369], %swap3A_372 {strides = array<i32>} : memref<16x128xf32, #tpu.memory_space<vmem>>, vector<1x16xf32>,
    %swap3A_373 = arith.constant 7 : i32
    %swap3A_374 = arith.index_cast %swap3A_373 : i32 to index
    %swap3A_375 = arith.constant 96 : index
    %swap3A_376 = tpu.vector_load %arg9[%swap3A_374, %swap3A_375] {strides = array<i32>} : memref<16x128xf32, #tpu.memory_space<vmem>>, vector<1x16xf32>,
    %swap3A_377 = vector.shape_cast %swap3A_376 : vector<1x16xf32> to vector<16xf32>
    %swap3A_378 = vector.shape_cast %broadcast_in_dim3A_1 : vector<16xf32> to vector<1x16xf32>
    tpu.vector_store %arg9[%swap3A_374, %swap3A_375], %swap3A_378 {strides = array<i32>} : memref<16x128xf32, #tpu.memory_space<vmem>>, vector<1x16xf32>,
    %swap3A_379 = arith.constant 7 : i32
    %swap3A_380 = arith.index_cast %swap3A_379 : i32 to index
    %swap3A_381 = arith.constant 112 : index
    %swap3A_382 = tpu.vector_load %arg9[%swap3A_380, %swap3A_381] {strides = array<i32>} : memref<16x128xf32, #tpu.memory_space<vmem>>, vector<1x16xf32>,
    %swap3A_383 = vector.shape_cast %swap3A_382 : vector<1x16xf32> to vector<16xf32>
    %swap3A_384 = vector.shape_cast %broadcast_in_dim3A_1 : vector<16xf32> to vector<1x16xf32>
    tpu.vector_store %arg9[%swap3A_380, %swap3A_381], %swap3A_384 {strides = array<i32>} : memref<16x128xf32, #tpu.memory_space<vmem>>, vector<1x16xf32>,
    %swap3A_385 = arith.constant 8 : i32
    %swap3A_386 = arith.index_cast %swap3A_385 : i32 to index
    %swap3A_387 = arith.constant 0 : index
    %swap3A_388 = tpu.vector_load %arg9[%swap3A_386, %swap3A_387] {strides = array<i32>} : memref<16x128xf32, #tpu.memory_space<vmem>>, vector<1x16xf32>,
    %swap3A_389 = vector.shape_cast %swap3A_388 : vector<1x16xf32> to vector<16xf32>
    %swap3A_390 = vector.shape_cast %broadcast_in_dim3A_1 : vector<16xf32> to vector<1x16xf32>
    tpu.vector_store %arg9[%swap3A_386, %swap3A_387], %swap3A_390 {strides = array<i32>} : memref<16x128xf32, #tpu.memory_space<vmem>>, vector<1x16xf32>,
    %swap3A_391 = arith.constant 8 : i32
    %swap3A_392 = arith.index_cast %swap3A_391 : i32 to index
    %swap3A_393 = arith.constant 16 : index
    %swap3A_394 = tpu.vector_load %arg9[%swap3A_392, %swap3A_393] {strides = array<i32>} : memref<16x128xf32, #tpu.memory_space<vmem>>, vector<1x16xf32>,
    %swap3A_395 = vector.shape_cast %swap3A_394 : vector<1x16xf32> to vector<16xf32>
    %swap3A_396 = vector.shape_cast %broadcast_in_dim3A_1 : vector<16xf32> to vector<1x16xf32>
    tpu.vector_store %arg9[%swap3A_392, %swap3A_393], %swap3A_396 {strides = array<i32>} : memref<16x128xf32, #tpu.memory_space<vmem>>, vector<1x16xf32>,
    %swap3A_397 = arith.constant 8 : i32
    %swap3A_398 = arith.index_cast %swap3A_397 : i32 to index
    %swap3A_399 = arith.constant 32 : index
    %swap3A_400 = tpu.vector_load %arg9[%swap3A_398, %swap3A_399] {strides = array<i32>} : memref<16x128xf32, #tpu.memory_space<vmem>>, vector<1x16xf32>,
    %swap3A_401 = vector.shape_cast %swap3A_400 : vector<1x16xf32> to vector<16xf32>
    %swap3A_402 = vector.shape_cast %broadcast_in_dim3A_1 : vector<16xf32> to vector<1x16xf32>
    tpu.vector_store %arg9[%swap3A_398, %swap3A_399], %swap3A_402 {strides = array<i32>} : memref<16x128xf32, #tpu.memory_space<vmem>>, vector<1x16xf32>,
    %swap3A_403 = arith.constant 8 : i32
    %swap3A_404 = arith.index_cast %swap3A_403 : i32 to index
    %swap3A_405 = arith.constant 48 : index
    %swap3A_406 = tpu.vector_load %arg9[%swap3A_404, %swap3A_405] {strides = array<i32>} : memref<16x128xf32, #tpu.memory_space<vmem>>, vector<1x16xf32>,
    %swap3A_407 = vector.shape_cast %swap3A_406 : vector<1x16xf32> to vector<16xf32>
    %swap3A_408 = vector.shape_cast %broadcast_in_dim3A_1 : vector<16xf32> to vector<1x16xf32>
    tpu.vector_store %arg9[%swap3A_404, %swap3A_405], %swap3A_408 {strides = array<i32>} : memref<16x128xf32, #tpu.memory_space<vmem>>, vector<1x16xf32>,
    %swap3A_409 = arith.constant 8 : i32
    %swap3A_410 = arith.index_cast %swap3A_409 : i32 to index
    %swap3A_411 = arith.constant 64 : index
    %swap3A_412 = tpu.vector_load %arg9[%swap3A_410, %swap3A_411] {strides = array<i32>} : memref<16x128xf32, #tpu.memory_space<vmem>>, vector<1x16xf32>,
    %swap3A_413 = vector.shape_cast %swap3A_412 : vector<1x16xf32> to vector<16xf32>
    %swap3A_414 = vector.shape_cast %broadcast_in_dim3A_1 : vector<16xf32> to vector<1x16xf32>
    tpu.vector_store %arg9[%swap3A_410, %swap3A_411], %swap3A_414 {strides = array<i32>} : memref<16x128xf32, #tpu.memory_space<vmem>>, vector<1x16xf32>,
    %swap3A_415 = arith.constant 8 : i32
    %swap3A_416 = arith.index_cast %swap3A_415 : i32 to index
    %swap3A_417 = arith.constant 80 : index
    %swap3A_418 = tpu.vector_load %arg9[%swap3A_416, %swap3A_417] {strides = array<i32>} : memref<16x128xf32, #tpu.memory_space<vmem>>, vector<1x16xf32>,
    %swap3A_419 = vector.shape_cast %swap3A_418 : vector<1x16xf32> to vector<16xf32>
    %swap3A_420 = vector.shape_cast %broadcast_in_dim3A_1 : vector<16xf32> to vector<1x16xf32>
    tpu.vector_store %arg9[%swap3A_416, %swap3A_417], %swap3A_420 {strides = array<i32>} : memref<16x128xf32, #tpu.memory_space<vmem>>, vector<1x16xf32>,
    %swap3A_421 = arith.constant 8 : i32
    %swap3A_422 = arith.index_cast %swap3A_421 : i32 to index
    %swap3A_423 = arith.constant 96 : index
    %swap3A_424 = tpu.vector_load %arg9[%swap3A_422, %swap3A_423] {strides = array<i32>} : memref<16x128xf32, #tpu.memory_space<vmem>>, vector<1x16xf32>,
    %swap3A_425 = vector.shape_cast %swap3A_424 : vector<1x16xf32> to vector<16xf32>
    %swap3A_426 = vector.shape_cast %broadcast_in_dim3A_1 : vector<16xf32> to vector<1x16xf32>
    tpu.vector_store %arg9[%swap3A_422, %swap3A_423], %swap3A_426 {strides = array<i32>} : memref<16x128xf32, #tpu.memory_space<vmem>>, vector<1x16xf32>,
    %swap3A_427 = arith.constant 8 : i32
    %swap3A_428 = arith.index_cast %swap3A_427 : i32 to index
    %swap3A_429 = arith.constant 112 : index
    %swap3A_430 = tpu.vector_load %arg9[%swap3A_428, %swap3A_429] {strides = array<i32>} : memref<16x128xf32, #tpu.memory_space<vmem>>, vector<1x16xf32>,
    %swap3A_431 = vector.shape_cast %swap3A_430 : vector<1x16xf32> to vector<16xf32>
    %swap3A_432 = vector.shape_cast %broadcast_in_dim3A_1 : vector<16xf32> to vector<1x16xf32>
    tpu.vector_store %arg9[%swap3A_428, %swap3A_429], %swap3A_432 {strides = array<i32>} : memref<16x128xf32, #tpu.memory_space<vmem>>, vector<1x16xf32>,
    %swap3A_433 = arith.constant 9 : i32
    %swap3A_434 = arith.index_cast %swap3A_433 : i32 to index
    %swap3A_435 = arith.constant 0 : index
    %swap3A_436 = tpu.vector_load %arg9[%swap3A_434, %swap3A_435] {strides = array<i32>} : memref<16x128xf32, #tpu.memory_space<vmem>>, vector<1x16xf32>,
    %swap3A_437 = vector.shape_cast %swap3A_436 : vector<1x16xf32> to vector<16xf32>
    %swap3A_438 = vector.shape_cast %broadcast_in_dim3A_1 : vector<16xf32> to vector<1x16xf32>
    tpu.vector_store %arg9[%swap3A_434, %swap3A_435], %swap3A_438 {strides = array<i32>} : memref<16x128xf32, #tpu.memory_space<vmem>>, vector<1x16xf32>,
    %swap3A_439 = arith.constant 9 : i32
    %swap3A_440 = arith.index_cast %swap3A_439 : i32 to index
    %swap3A_441 = arith.constant 16 : index
    %swap3A_442 = tpu.vector_load %arg9[%swap3A_440, %swap3A_441] {strides = array<i32>} : memref<16x128xf32, #tpu.memory_space<vmem>>, vector<1x16xf32>,
    %swap3A_443 = vector.shape_cast %swap3A_442 : vector<1x16xf32> to vector<16xf32>
    %swap3A_444 = vector.shape_cast %broadcast_in_dim3A_1 : vector<16xf32> to vector<1x16xf32>
    tpu.vector_store %arg9[%swap3A_440, %swap3A_441], %swap3A_444 {strides = array<i32>} : memref<16x128xf32, #tpu.memory_space<vmem>>, vector<1x16xf32>,
    %swap3A_445 = arith.constant 9 : i32
    %swap3A_446 = arith.index_cast %swap3A_445 : i32 to index
    %swap3A_447 = arith.constant 32 : index
    %swap3A_448 = tpu.vector_load %arg9[%swap3A_446, %swap3A_447] {strides = array<i32>} : memref<16x128xf32, #tpu.memory_space<vmem>>, vector<1x16xf32>,
    %swap3A_449 = vector.shape_cast %swap3A_448 : vector<1x16xf32> to vector<16xf32>
    %swap3A_450 = vector.shape_cast %broadcast_in_dim3A_1 : vector<16xf32> to vector<1x16xf32>
    tpu.vector_store %arg9[%swap3A_446, %swap3A_447], %swap3A_450 {strides = array<i32>} : memref<16x128xf32, #tpu.memory_space<vmem>>, vector<1x16xf32>,
    %swap3A_451 = arith.constant 9 : i32
    %swap3A_452 = arith.index_cast %swap3A_451 : i32 to index
    %swap3A_453 = arith.constant 48 : index
    %swap3A_454 = tpu.vector_load %arg9[%swap3A_452, %swap3A_453] {strides = array<i32>} : memref<16x128xf32, #tpu.memory_space<vmem>>, vector<1x16xf32>,
    %swap3A_455 = vector.shape_cast %swap3A_454 : vector<1x16xf32> to vector<16xf32>
    %swap3A_456 = vector.shape_cast %broadcast_in_dim3A_1 : vector<16xf32> to vector<1x16xf32>
    tpu.vector_store %arg9[%swap3A_452, %swap3A_453], %swap3A_456 {strides = array<i32>} : memref<16x128xf32, #tpu.memory_space<vmem>>, vector<1x16xf32>,
    %swap3A_457 = arith.constant 9 : i32
    %swap3A_458 = arith.index_cast %swap3A_457 : i32 to index
    %swap3A_459 = arith.constant 64 : index
    %swap3A_460 = tpu.vector_load %arg9[%swap3A_458, %swap3A_459] {strides = array<i32>} : memref<16x128xf32, #tpu.memory_space<vmem>>, vector<1x16xf32>,
    %swap3A_461 = vector.shape_cast %swap3A_460 : vector<1x16xf32> to vector<16xf32>
    %swap3A_462 = vector.shape_cast %broadcast_in_dim3A_1 : vector<16xf32> to vector<1x16xf32>
    tpu.vector_store %arg9[%swap3A_458, %swap3A_459], %swap3A_462 {strides = array<i32>} : memref<16x128xf32, #tpu.memory_space<vmem>>, vector<1x16xf32>,
    %swap3A_463 = arith.constant 9 : i32
    %swap3A_464 = arith.index_cast %swap3A_463 : i32 to index
    %swap3A_465 = arith.constant 80 : index
    %swap3A_466 = tpu.vector_load %arg9[%swap3A_464, %swap3A_465] {strides = array<i32>} : memref<16x128xf32, #tpu.memory_space<vmem>>, vector<1x16xf32>,
    %swap3A_467 = vector.shape_cast %swap3A_466 : vector<1x16xf32> to vector<16xf32>
    %swap3A_468 = vector.shape_cast %broadcast_in_dim3A_1 : vector<16xf32> to vector<1x16xf32>
    tpu.vector_store %arg9[%swap3A_464, %swap3A_465], %swap3A_468 {strides = array<i32>} : memref<16x128xf32, #tpu.memory_space<vmem>>, vector<1x16xf32>,
    %swap3A_469 = arith.constant 9 : i32
    %swap3A_470 = arith.index_cast %swap3A_469 : i32 to index
    %swap3A_471 = arith.constant 96 : index
    %swap3A_472 = tpu.vector_load %arg9[%swap3A_470, %swap3A_471] {strides = array<i32>} : memref<16x128xf32, #tpu.memory_space<vmem>>, vector<1x16xf32>,
    %swap3A_473 = vector.shape_cast %swap3A_472 : vector<1x16xf32> to vector<16xf32>
    %swap3A_474 = vector.shape_cast %broadcast_in_dim3A_1 : vector<16xf32> to vector<1x16xf32>
    tpu.vector_store %arg9[%swap3A_470, %swap3A_471], %swap3A_474 {strides = array<i32>} : memref<16x128xf32, #tpu.memory_space<vmem>>, vector<1x16xf32>,
    %swap3A_475 = arith.constant 9 : i32
    %swap3A_476 = arith.index_cast %swap3A_475 : i32 to index
    %swap3A_477 = arith.constant 112 : index
    %swap3A_478 = tpu.vector_load %arg9[%swap3A_476, %swap3A_477] {strides = array<i32>} : memref<16x128xf32, #tpu.memory_space<vmem>>, vector<1x16xf32>,
    %swap3A_479 = vector.shape_cast %swap3A_478 : vector<1x16xf32> to vector<16xf32>
    %swap3A_480 = vector.shape_cast %broadcast_in_dim3A_1 : vector<16xf32> to vector<1x16xf32>
    tpu.vector_store %arg9[%swap3A_476, %swap3A_477], %swap3A_480 {strides = array<i32>} : memref<16x128xf32, #tpu.memory_space<vmem>>, vector<1x16xf32>,
    %swap3A_481 = arith.constant 10 : i32
    %swap3A_482 = arith.index_cast %swap3A_481 : i32 to index
    %swap3A_483 = arith.constant 0 : index
    %swap3A_484 = tpu.vector_load %arg9[%swap3A_482, %swap3A_483] {strides = array<i32>} : memref<16x128xf32, #tpu.memory_space<vmem>>, vector<1x16xf32>,
    %swap3A_485 = vector.shape_cast %swap3A_484 : vector<1x16xf32> to vector<16xf32>
    %swap3A_486 = vector.shape_cast %broadcast_in_dim3A_1 : vector<16xf32> to vector<1x16xf32>
    tpu.vector_store %arg9[%swap3A_482, %swap3A_483], %swap3A_486 {strides = array<i32>} : memref<16x128xf32, #tpu.memory_space<vmem>>, vector<1x16xf32>,
    %swap3A_487 = arith.constant 10 : i32
    %swap3A_488 = arith.index_cast %swap3A_487 : i32 to index
    %swap3A_489 = arith.constant 16 : index
    %swap3A_490 = tpu.vector_load %arg9[%swap3A_488, %swap3A_489] {strides = array<i32>} : memref<16x128xf32, #tpu.memory_space<vmem>>, vector<1x16xf32>,
    %swap3A_491 = vector.shape_cast %swap3A_490 : vector<1x16xf32> to vector<16xf32>
    %swap3A_492 = vector.shape_cast %broadcast_in_dim3A_1 : vector<16xf32> to vector<1x16xf32>
    tpu.vector_store %arg9[%swap3A_488, %swap3A_489], %swap3A_492 {strides = array<i32>} : memref<16x128xf32, #tpu.memory_space<vmem>>, vector<1x16xf32>,
    %swap3A_493 = arith.constant 10 : i32
    %swap3A_494 = arith.index_cast %swap3A_493 : i32 to index
    %swap3A_495 = arith.constant 32 : index
    %swap3A_496 = tpu.vector_load %arg9[%swap3A_494, %swap3A_495] {strides = array<i32>} : memref<16x128xf32, #tpu.memory_space<vmem>>, vector<1x16xf32>,
    %swap3A_497 = vector.shape_cast %swap3A_496 : vector<1x16xf32> to vector<16xf32>
    %swap3A_498 = vector.shape_cast %broadcast_in_dim3A_1 : vector<16xf32> to vector<1x16xf32>
    tpu.vector_store %arg9[%swap3A_494, %swap3A_495], %swap3A_498 {strides = array<i32>} : memref<16x128xf32, #tpu.memory_space<vmem>>, vector<1x16xf32>,
    %swap3A_499 = arith.constant 10 : i32
    %swap3A_500 = arith.index_cast %swap3A_499 : i32 to index
    %swap3A_501 = arith.constant 48 : index
    %swap3A_502 = tpu.vector_load %arg9[%swap3A_500, %swap3A_501] {strides = array<i32>} : memref<16x128xf32, #tpu.memory_space<vmem>>, vector<1x16xf32>,
    %swap3A_503 = vector.shape_cast %swap3A_502 : vector<1x16xf32> to vector<16xf32>
    %swap3A_504 = vector.shape_cast %broadcast_in_dim3A_1 : vector<16xf32> to vector<1x16xf32>
    tpu.vector_store %arg9[%swap3A_500, %swap3A_501], %swap3A_504 {strides = array<i32>} : memref<16x128xf32, #tpu.memory_space<vmem>>, vector<1x16xf32>,
    %swap3A_505 = arith.constant 10 : i32
    %swap3A_506 = arith.index_cast %swap3A_505 : i32 to index
    %swap3A_507 = arith.constant 64 : index
    %swap3A_508 = tpu.vector_load %arg9[%swap3A_506, %swap3A_507] {strides = array<i32>} : memref<16x128xf32, #tpu.memory_space<vmem>>, vector<1x16xf32>,
    %swap3A_509 = vector.shape_cast %swap3A_508 : vector<1x16xf32> to vector<16xf32>
    %swap3A_510 = vector.shape_cast %broadcast_in_dim3A_1 : vector<16xf32> to vector<1x16xf32>
    tpu.vector_store %arg9[%swap3A_506, %swap3A_507], %swap3A_510 {strides = array<i32>} : memref<16x128xf32, #tpu.memory_space<vmem>>, vector<1x16xf32>,
    %swap3A_511 = arith.constant 10 : i32
    %swap3A_512 = arith.index_cast %swap3A_511 : i32 to index
    %swap3A_513 = arith.constant 80 : index
    %swap3A_514 = tpu.vector_load %arg9[%swap3A_512, %swap3A_513] {strides = array<i32>} : memref<16x128xf32, #tpu.memory_space<vmem>>, vector<1x16xf32>,
    %swap3A_515 = vector.shape_cast %swap3A_514 : vector<1x16xf32> to vector<16xf32>
    %swap3A_516 = vector.shape_cast %broadcast_in_dim3A_1 : vector<16xf32> to vector<1x16xf32>
    tpu.vector_store %arg9[%swap3A_512, %swap3A_513], %swap3A_516 {strides = array<i32>} : memref<16x128xf32, #tpu.memory_space<vmem>>, vector<1x16xf32>,
    %swap3A_517 = arith.constant 10 : i32
    %swap3A_518 = arith.index_cast %swap3A_517 : i32 to index
    %swap3A_519 = arith.constant 96 : index
    %swap3A_520 = tpu.vector_load %arg9[%swap3A_518, %swap3A_519] {strides = array<i32>} : memref<16x128xf32, #tpu.memory_space<vmem>>, vector<1x16xf32>,
    %swap3A_521 = vector.shape_cast %swap3A_520 : vector<1x16xf32> to vector<16xf32>
    %swap3A_522 = vector.shape_cast %broadcast_in_dim3A_1 : vector<16xf32> to vector<1x16xf32>
    tpu.vector_store %arg9[%swap3A_518, %swap3A_519], %swap3A_522 {strides = array<i32>} : memref<16x128xf32, #tpu.memory_space<vmem>>, vector<1x16xf32>,
    %swap3A_523 = arith.constant 10 : i32
    %swap3A_524 = arith.index_cast %swap3A_523 : i32 to index
    %swap3A_525 = arith.constant 112 : index
    %swap3A_526 = tpu.vector_load %arg9[%swap3A_524, %swap3A_525] {strides = array<i32>} : memref<16x128xf32, #tpu.memory_space<vmem>>, vector<1x16xf32>,
    %swap3A_527 = vector.shape_cast %swap3A_526 : vector<1x16xf32> to vector<16xf32>
    %swap3A_528 = vector.shape_cast %broadcast_in_dim3A_1 : vector<16xf32> to vector<1x16xf32>
    tpu.vector_store %arg9[%swap3A_524, %swap3A_525], %swap3A_528 {strides = array<i32>} : memref<16x128xf32, #tpu.memory_space<vmem>>, vector<1x16xf32>,
    %swap3A_529 = arith.constant 11 : i32
    %swap3A_530 = arith.index_cast %swap3A_529 : i32 to index
    %swap3A_531 = arith.constant 0 : index
    %swap3A_532 = tpu.vector_load %arg9[%swap3A_530, %swap3A_531] {strides = array<i32>} : memref<16x128xf32, #tpu.memory_space<vmem>>, vector<1x16xf32>,
    %swap3A_533 = vector.shape_cast %swap3A_532 : vector<1x16xf32> to vector<16xf32>
    %swap3A_534 = vector.shape_cast %broadcast_in_dim3A_1 : vector<16xf32> to vector<1x16xf32>
    tpu.vector_store %arg9[%swap3A_530, %swap3A_531], %swap3A_534 {strides = array<i32>} : memref<16x128xf32, #tpu.memory_space<vmem>>, vector<1x16xf32>,
    %swap3A_535 = arith.constant 11 : i32
    %swap3A_536 = arith.index_cast %swap3A_535 : i32 to index
    %swap3A_537 = arith.constant 16 : index
    %swap3A_538 = tpu.vector_load %arg9[%swap3A_536, %swap3A_537] {strides = array<i32>} : memref<16x128xf32, #tpu.memory_space<vmem>>, vector<1x16xf32>,
    %swap3A_539 = vector.shape_cast %swap3A_538 : vector<1x16xf32> to vector<16xf32>
    %swap3A_540 = vector.shape_cast %broadcast_in_dim3A_1 : vector<16xf32> to vector<1x16xf32>
    tpu.vector_store %arg9[%swap3A_536, %swap3A_537], %swap3A_540 {strides = array<i32>} : memref<16x128xf32, #tpu.memory_space<vmem>>, vector<1x16xf32>,
    %swap3A_541 = arith.constant 11 : i32
    %swap3A_542 = arith.index_cast %swap3A_541 : i32 to index
    %swap3A_543 = arith.constant 32 : index
    %swap3A_544 = tpu.vector_load %arg9[%swap3A_542, %swap3A_543] {strides = array<i32>} : memref<16x128xf32, #tpu.memory_space<vmem>>, vector<1x16xf32>,
    %swap3A_545 = vector.shape_cast %swap3A_544 : vector<1x16xf32> to vector<16xf32>
    %swap3A_546 = vector.shape_cast %broadcast_in_dim3A_1 : vector<16xf32> to vector<1x16xf32>
    tpu.vector_store %arg9[%swap3A_542, %swap3A_543], %swap3A_546 {strides = array<i32>} : memref<16x128xf32, #tpu.memory_space<vmem>>, vector<1x16xf32>,
    %swap3A_547 = arith.constant 11 : i32
    %swap3A_548 = arith.index_cast %swap3A_547 : i32 to index
    %swap3A_549 = arith.constant 48 : index
    %swap3A_550 = tpu.vector_load %arg9[%swap3A_548, %swap3A_549] {strides = array<i32>} : memref<16x128xf32, #tpu.memory_space<vmem>>, vector<1x16xf32>,
    %swap3A_551 = vector.shape_cast %swap3A_550 : vector<1x16xf32> to vector<16xf32>
    %swap3A_552 = vector.shape_cast %broadcast_in_dim3A_1 : vector<16xf32> to vector<1x16xf32>
    tpu.vector_store %arg9[%swap3A_548, %swap3A_549], %swap3A_552 {strides = array<i32>} : memref<16x128xf32, #tpu.memory_space<vmem>>, vector<1x16xf32>,
    %swap3A_553 = arith.constant 11 : i32
    %swap3A_554 = arith.index_cast %swap3A_553 : i32 to index
    %swap3A_555 = arith.constant 64 : index
    %swap3A_556 = tpu.vector_load %arg9[%swap3A_554, %swap3A_555] {strides = array<i32>} : memref<16x128xf32, #tpu.memory_space<vmem>>, vector<1x16xf32>,
    %swap3A_557 = vector.shape_cast %swap3A_556 : vector<1x16xf32> to vector<16xf32>
    %swap3A_558 = vector.shape_cast %broadcast_in_dim3A_1 : vector<16xf32> to vector<1x16xf32>
    tpu.vector_store %arg9[%swap3A_554, %swap3A_555], %swap3A_558 {strides = array<i32>} : memref<16x128xf32, #tpu.memory_space<vmem>>, vector<1x16xf32>,
    %swap3A_559 = arith.constant 11 : i32
    %swap3A_560 = arith.index_cast %swap3A_559 : i32 to index
    %swap3A_561 = arith.constant 80 : index
    %swap3A_562 = tpu.vector_load %arg9[%swap3A_560, %swap3A_561] {strides = array<i32>} : memref<16x128xf32, #tpu.memory_space<vmem>>, vector<1x16xf32>,
    %swap3A_563 = vector.shape_cast %swap3A_562 : vector<1x16xf32> to vector<16xf32>
    %swap3A_564 = vector.shape_cast %broadcast_in_dim3A_1 : vector<16xf32> to vector<1x16xf32>
    tpu.vector_store %arg9[%swap3A_560, %swap3A_561], %swap3A_564 {strides = array<i32>} : memref<16x128xf32, #tpu.memory_space<vmem>>, vector<1x16xf32>,
    %swap3A_565 = arith.constant 11 : i32
    %swap3A_566 = arith.index_cast %swap3A_565 : i32 to index
    %swap3A_567 = arith.constant 96 : index
    %swap3A_568 = tpu.vector_load %arg9[%swap3A_566, %swap3A_567] {strides = array<i32>} : memref<16x128xf32, #tpu.memory_space<vmem>>, vector<1x16xf32>,
    %swap3A_569 = vector.shape_cast %swap3A_568 : vector<1x16xf32> to vector<16xf32>
    %swap3A_570 = vector.shape_cast %broadcast_in_dim3A_1 : vector<16xf32> to vector<1x16xf32>
    tpu.vector_store %arg9[%swap3A_566, %swap3A_567], %swap3A_570 {strides = array<i32>} : memref<16x128xf32, #tpu.memory_space<vmem>>, vector<1x16xf32>,
    %swap3A_571 = arith.constant 11 : i32
    %swap3A_572 = arith.index_cast %swap3A_571 : i32 to index
    %swap3A_573 = arith.constant 112 : index
    %swap3A_574 = tpu.vector_load %arg9[%swap3A_572, %swap3A_573] {strides = array<i32>} : memref<16x128xf32, #tpu.memory_space<vmem>>, vector<1x16xf32>,
    %swap3A_575 = vector.shape_cast %swap3A_574 : vector<1x16xf32> to vector<16xf32>
    %swap3A_576 = vector.shape_cast %broadcast_in_dim3A_1 : vector<16xf32> to vector<1x16xf32>
    tpu.vector_store %arg9[%swap3A_572, %swap3A_573], %swap3A_576 {strides = array<i32>} : memref<16x128xf32, #tpu.memory_space<vmem>>, vector<1x16xf32>,
    %swap3A_577 = arith.constant 12 : i32
    %swap3A_578 = arith.index_cast %swap3A_577 : i32 to index
    %swap3A_579 = arith.constant 0 : index
    %swap3A_580 = tpu.vector_load %arg9[%swap3A_578, %swap3A_579] {strides = array<i32>} : memref<16x128xf32, #tpu.memory_space<vmem>>, vector<1x16xf32>,
    %swap3A_581 = vector.shape_cast %swap3A_580 : vector<1x16xf32> to vector<16xf32>
    %swap3A_582 = vector.shape_cast %broadcast_in_dim3A_1 : vector<16xf32> to vector<1x16xf32>
    tpu.vector_store %arg9[%swap3A_578, %swap3A_579], %swap3A_582 {strides = array<i32>} : memref<16x128xf32, #tpu.memory_space<vmem>>, vector<1x16xf32>,
    %swap3A_583 = arith.constant 12 : i32
    %swap3A_584 = arith.index_cast %swap3A_583 : i32 to index
    %swap3A_585 = arith.constant 16 : index
    %swap3A_586 = tpu.vector_load %arg9[%swap3A_584, %swap3A_585] {strides = array<i32>} : memref<16x128xf32, #tpu.memory_space<vmem>>, vector<1x16xf32>,
    %swap3A_587 = vector.shape_cast %swap3A_586 : vector<1x16xf32> to vector<16xf32>
    %swap3A_588 = vector.shape_cast %broadcast_in_dim3A_1 : vector<16xf32> to vector<1x16xf32>
    tpu.vector_store %arg9[%swap3A_584, %swap3A_585], %swap3A_588 {strides = array<i32>} : memref<16x128xf32, #tpu.memory_space<vmem>>, vector<1x16xf32>,
    %swap3A_589 = arith.constant 12 : i32
    %swap3A_590 = arith.index_cast %swap3A_589 : i32 to index
    %swap3A_591 = arith.constant 32 : index
    %swap3A_592 = tpu.vector_load %arg9[%swap3A_590, %swap3A_591] {strides = array<i32>} : memref<16x128xf32, #tpu.memory_space<vmem>>, vector<1x16xf32>,
    %swap3A_593 = vector.shape_cast %swap3A_592 : vector<1x16xf32> to vector<16xf32>
    %swap3A_594 = vector.shape_cast %broadcast_in_dim3A_1 : vector<16xf32> to vector<1x16xf32>
    tpu.vector_store %arg9[%swap3A_590, %swap3A_591], %swap3A_594 {strides = array<i32>} : memref<16x128xf32, #tpu.memory_space<vmem>>, vector<1x16xf32>,
    %swap3A_595 = arith.constant 12 : i32
    %swap3A_596 = arith.index_cast %swap3A_595 : i32 to index
    %swap3A_597 = arith.constant 48 : index
    %swap3A_598 = tpu.vector_load %arg9[%swap3A_596, %swap3A_597] {strides = array<i32>} : memref<16x128xf32, #tpu.memory_space<vmem>>, vector<1x16xf32>,
    %swap3A_599 = vector.shape_cast %swap3A_598 : vector<1x16xf32> to vector<16xf32>
    %swap3A_600 = vector.shape_cast %broadcast_in_dim3A_1 : vector<16xf32> to vector<1x16xf32>
    tpu.vector_store %arg9[%swap3A_596, %swap3A_597], %swap3A_600 {strides = array<i32>} : memref<16x128xf32, #tpu.memory_space<vmem>>, vector<1x16xf32>,
    %swap3A_601 = arith.constant 12 : i32
    %swap3A_602 = arith.index_cast %swap3A_601 : i32 to index
    %swap3A_603 = arith.constant 64 : index
    %swap3A_604 = tpu.vector_load %arg9[%swap3A_602, %swap3A_603] {strides = array<i32>} : memref<16x128xf32, #tpu.memory_space<vmem>>, vector<1x16xf32>,
    %swap3A_605 = vector.shape_cast %swap3A_604 : vector<1x16xf32> to vector<16xf32>
    %swap3A_606 = vector.shape_cast %broadcast_in_dim3A_1 : vector<16xf32> to vector<1x16xf32>
    tpu.vector_store %arg9[%swap3A_602, %swap3A_603], %swap3A_606 {strides = array<i32>} : memref<16x128xf32, #tpu.memory_space<vmem>>, vector<1x16xf32>,
    %swap3A_607 = arith.constant 12 : i32
    %swap3A_608 = arith.index_cast %swap3A_607 : i32 to index
    %swap3A_609 = arith.constant 80 : index
    %swap3A_610 = tpu.vector_load %arg9[%swap3A_608, %swap3A_609] {strides = array<i32>} : memref<16x128xf32, #tpu.memory_space<vmem>>, vector<1x16xf32>,
    %swap3A_611 = vector.shape_cast %swap3A_610 : vector<1x16xf32> to vector<16xf32>
    %swap3A_612 = vector.shape_cast %broadcast_in_dim3A_1 : vector<16xf32> to vector<1x16xf32>
    tpu.vector_store %arg9[%swap3A_608, %swap3A_609], %swap3A_612 {strides = array<i32>} : memref<16x128xf32, #tpu.memory_space<vmem>>, vector<1x16xf32>,
    %swap3A_613 = arith.constant 12 : i32
    %swap3A_614 = arith.index_cast %swap3A_613 : i32 to index
    %swap3A_615 = arith.constant 96 : index
    %swap3A_616 = tpu.vector_load %arg9[%swap3A_614, %swap3A_615] {strides = array<i32>} : memref<16x128xf32, #tpu.memory_space<vmem>>, vector<1x16xf32>,
    %swap3A_617 = vector.shape_cast %swap3A_616 : vector<1x16xf32> to vector<16xf32>
    %swap3A_618 = vector.shape_cast %broadcast_in_dim3A_1 : vector<16xf32> to vector<1x16xf32>
    tpu.vector_store %arg9[%swap3A_614, %swap3A_615], %swap3A_618 {strides = array<i32>} : memref<16x128xf32, #tpu.memory_space<vmem>>, vector<1x16xf32>,
    %swap3A_619 = arith.constant 12 : i32
    %swap3A_620 = arith.index_cast %swap3A_619 : i32 to index
    %swap3A_621 = arith.constant 112 : index
    %swap3A_622 = tpu.vector_load %arg9[%swap3A_620, %swap3A_621] {strides = array<i32>} : memref<16x128xf32, #tpu.memory_space<vmem>>, vector<1x16xf32>,
    %swap3A_623 = vector.shape_cast %swap3A_622 : vector<1x16xf32> to vector<16xf32>
    %swap3A_624 = vector.shape_cast %broadcast_in_dim3A_1 : vector<16xf32> to vector<1x16xf32>
    tpu.vector_store %arg9[%swap3A_620, %swap3A_621], %swap3A_624 {strides = array<i32>} : memref<16x128xf32, #tpu.memory_space<vmem>>, vector<1x16xf32>,
    %swap3A_625 = arith.constant 13 : i32
    %swap3A_626 = arith.index_cast %swap3A_625 : i32 to index
    %swap3A_627 = arith.constant 0 : index
    %swap3A_628 = tpu.vector_load %arg9[%swap3A_626, %swap3A_627] {strides = array<i32>} : memref<16x128xf32, #tpu.memory_space<vmem>>, vector<1x16xf32>,
    %swap3A_629 = vector.shape_cast %swap3A_628 : vector<1x16xf32> to vector<16xf32>
    %swap3A_630 = vector.shape_cast %broadcast_in_dim3A_1 : vector<16xf32> to vector<1x16xf32>
    tpu.vector_store %arg9[%swap3A_626, %swap3A_627], %swap3A_630 {strides = array<i32>} : memref<16x128xf32, #tpu.memory_space<vmem>>, vector<1x16xf32>,
    %swap3A_631 = arith.constant 13 : i32
    %swap3A_632 = arith.index_cast %swap3A_631 : i32 to index
    %swap3A_633 = arith.constant 16 : index
    %swap3A_634 = tpu.vector_load %arg9[%swap3A_632, %swap3A_633] {strides = array<i32>} : memref<16x128xf32, #tpu.memory_space<vmem>>, vector<1x16xf32>,
    %swap3A_635 = vector.shape_cast %swap3A_634 : vector<1x16xf32> to vector<16xf32>
    %swap3A_636 = vector.shape_cast %broadcast_in_dim3A_1 : vector<16xf32> to vector<1x16xf32>
    tpu.vector_store %arg9[%swap3A_632, %swap3A_633], %swap3A_636 {strides = array<i32>} : memref<16x128xf32, #tpu.memory_space<vmem>>, vector<1x16xf32>,
    %swap3A_637 = arith.constant 13 : i32
    %swap3A_638 = arith.index_cast %swap3A_637 : i32 to index
    %swap3A_639 = arith.constant 32 : index
    %swap3A_640 = tpu.vector_load %arg9[%swap3A_638, %swap3A_639] {strides = array<i32>} : memref<16x128xf32, #tpu.memory_space<vmem>>, vector<1x16xf32>,
    %swap3A_641 = vector.shape_cast %swap3A_640 : vector<1x16xf32> to vector<16xf32>
    %swap3A_642 = vector.shape_cast %broadcast_in_dim3A_1 : vector<16xf32> to vector<1x16xf32>
    tpu.vector_store %arg9[%swap3A_638, %swap3A_639], %swap3A_642 {strides = array<i32>} : memref<16x128xf32, #tpu.memory_space<vmem>>, vector<1x16xf32>,
    %swap3A_643 = arith.constant 13 : i32
    %swap3A_644 = arith.index_cast %swap3A_643 : i32 to index
    %swap3A_645 = arith.constant 48 : index
    %swap3A_646 = tpu.vector_load %arg9[%swap3A_644, %swap3A_645] {strides = array<i32>} : memref<16x128xf32, #tpu.memory_space<vmem>>, vector<1x16xf32>,
    %swap3A_647 = vector.shape_cast %swap3A_646 : vector<1x16xf32> to vector<16xf32>
    %swap3A_648 = vector.shape_cast %broadcast_in_dim3A_1 : vector<16xf32> to vector<1x16xf32>
    tpu.vector_store %arg9[%swap3A_644, %swap3A_645], %swap3A_648 {strides = array<i32>} : memref<16x128xf32, #tpu.memory_space<vmem>>, vector<1x16xf32>,
    %swap3A_649 = arith.constant 13 : i32
    %swap3A_650 = arith.index_cast %swap3A_649 : i32 to index
    %swap3A_651 = arith.constant 64 : index
    %swap3A_652 = tpu.vector_load %arg9[%swap3A_650, %swap3A_651] {strides = array<i32>} : memref<16x128xf32, #tpu.memory_space<vmem>>, vector<1x16xf32>,
    %swap3A_653 = vector.shape_cast %swap3A_652 : vector<1x16xf32> to vector<16xf32>
    %swap3A_654 = vector.shape_cast %broadcast_in_dim3A_1 : vector<16xf32> to vector<1x16xf32>
    tpu.vector_store %arg9[%swap3A_650, %swap3A_651], %swap3A_654 {strides = array<i32>} : memref<16x128xf32, #tpu.memory_space<vmem>>, vector<1x16xf32>,
    %swap3A_655 = arith.constant 13 : i32
    %swap3A_656 = arith.index_cast %swap3A_655 : i32 to index
    %swap3A_657 = arith.constant 80 : index
    %swap3A_658 = tpu.vector_load %arg9[%swap3A_656, %swap3A_657] {strides = array<i32>} : memref<16x128xf32, #tpu.memory_space<vmem>>, vector<1x16xf32>,
    %swap3A_659 = vector.shape_cast %swap3A_658 : vector<1x16xf32> to vector<16xf32>
    %swap3A_660 = vector.shape_cast %broadcast_in_dim3A_1 : vector<16xf32> to vector<1x16xf32>
    tpu.vector_store %arg9[%swap3A_656, %swap3A_657], %swap3A_660 {strides = array<i32>} : memref<16x128xf32, #tpu.memory_space<vmem>>, vector<1x16xf32>,
    %swap3A_661 = arith.constant 13 : i32
    %swap3A_662 = arith.index_cast %swap3A_661 : i32 to index
    %swap3A_663 = arith.constant 96 : index
    %swap3A_664 = tpu.vector_load %arg9[%swap3A_662, %swap3A_663] {strides = array<i32>} : memref<16x128xf32, #tpu.memory_space<vmem>>, vector<1x16xf32>,
    %swap3A_665 = vector.shape_cast %swap3A_664 : vector<1x16xf32> to vector<16xf32>
    %swap3A_666 = vector.shape_cast %broadcast_in_dim3A_1 : vector<16xf32> to vector<1x16xf32>
    tpu.vector_store %arg9[%swap3A_662, %swap3A_663], %swap3A_666 {strides = array<i32>} : memref<16x128xf32, #tpu.memory_space<vmem>>, vector<1x16xf32>,
    %swap3A_667 = arith.constant 13 : i32
    %swap3A_668 = arith.index_cast %swap3A_667 : i32 to index
    %swap3A_669 = arith.constant 112 : index
    %swap3A_670 = tpu.vector_load %arg9[%swap3A_668, %swap3A_669] {strides = array<i32>} : memref<16x128xf32, #tpu.memory_space<vmem>>, vector<1x16xf32>,
    %swap3A_671 = vector.shape_cast %swap3A_670 : vector<1x16xf32> to vector<16xf32>
    %swap3A_672 = vector.shape_cast %broadcast_in_dim3A_1 : vector<16xf32> to vector<1x16xf32>
    tpu.vector_store %arg9[%swap3A_668, %swap3A_669], %swap3A_672 {strides = array<i32>} : memref<16x128xf32, #tpu.memory_space<vmem>>, vector<1x16xf32>,
    %swap3A_673 = arith.constant 14 : i32
    %swap3A_674 = arith.index_cast %swap3A_673 : i32 to index
    %swap3A_675 = arith.constant 0 : index
    %swap3A_676 = tpu.vector_load %arg9[%swap3A_674, %swap3A_675] {strides = array<i32>} : memref<16x128xf32, #tpu.memory_space<vmem>>, vector<1x16xf32>,
    %swap3A_677 = vector.shape_cast %swap3A_676 : vector<1x16xf32> to vector<16xf32>
    %swap3A_678 = vector.shape_cast %broadcast_in_dim3A_1 : vector<16xf32> to vector<1x16xf32>
    tpu.vector_store %arg9[%swap3A_674, %swap3A_675], %swap3A_678 {strides = array<i32>} : memref<16x128xf32, #tpu.memory_space<vmem>>, vector<1x16xf32>,
    %swap3A_679 = arith.constant 14 : i32
    %swap3A_680 = arith.index_cast %swap3A_679 : i32 to index
    %swap3A_681 = arith.constant 16 : index
    %swap3A_682 = tpu.vector_load %arg9[%swap3A_680, %swap3A_681] {strides = array<i32>} : memref<16x128xf32, #tpu.memory_space<vmem>>, vector<1x16xf32>,
    %swap3A_683 = vector.shape_cast %swap3A_682 : vector<1x16xf32> to vector<16xf32>
    %swap3A_684 = vector.shape_cast %broadcast_in_dim3A_1 : vector<16xf32> to vector<1x16xf32>
    tpu.vector_store %arg9[%swap3A_680, %swap3A_681], %swap3A_684 {strides = array<i32>} : memref<16x128xf32, #tpu.memory_space<vmem>>, vector<1x16xf32>,
    %swap3A_685 = arith.constant 14 : i32
    %swap3A_686 = arith.index_cast %swap3A_685 : i32 to index
    %swap3A_687 = arith.constant 32 : index
    %swap3A_688 = tpu.vector_load %arg9[%swap3A_686, %swap3A_687] {strides = array<i32>} : memref<16x128xf32, #tpu.memory_space<vmem>>, vector<1x16xf32>,
    %swap3A_689 = vector.shape_cast %swap3A_688 : vector<1x16xf32> to vector<16xf32>
    %swap3A_690 = vector.shape_cast %broadcast_in_dim3A_1 : vector<16xf32> to vector<1x16xf32>
    tpu.vector_store %arg9[%swap3A_686, %swap3A_687], %swap3A_690 {strides = array<i32>} : memref<16x128xf32, #tpu.memory_space<vmem>>, vector<1x16xf32>,
    %swap3A_691 = arith.constant 14 : i32
    %swap3A_692 = arith.index_cast %swap3A_691 : i32 to index
    %swap3A_693 = arith.constant 48 : index
    %swap3A_694 = tpu.vector_load %arg9[%swap3A_692, %swap3A_693] {strides = array<i32>} : memref<16x128xf32, #tpu.memory_space<vmem>>, vector<1x16xf32>,
    %swap3A_695 = vector.shape_cast %swap3A_694 : vector<1x16xf32> to vector<16xf32>
    %swap3A_696 = vector.shape_cast %broadcast_in_dim3A_1 : vector<16xf32> to vector<1x16xf32>
    tpu.vector_store %arg9[%swap3A_692, %swap3A_693], %swap3A_696 {strides = array<i32>} : memref<16x128xf32, #tpu.memory_space<vmem>>, vector<1x16xf32>,
    %swap3A_697 = arith.constant 14 : i32
    %swap3A_698 = arith.index_cast %swap3A_697 : i32 to index
    %swap3A_699 = arith.constant 64 : index
    %swap3A_700 = tpu.vector_load %arg9[%swap3A_698, %swap3A_699] {strides = array<i32>} : memref<16x128xf32, #tpu.memory_space<vmem>>, vector<1x16xf32>,
    %swap3A_701 = vector.shape_cast %swap3A_700 : vector<1x16xf32> to vector<16xf32>
    %swap3A_702 = vector.shape_cast %broadcast_in_dim3A_1 : vector<16xf32> to vector<1x16xf32>
    tpu.vector_store %arg9[%swap3A_698, %swap3A_699], %swap3A_702 {strides = array<i32>} : memref<16x128xf32, #tpu.memory_space<vmem>>, vector<1x16xf32>,
    %swap3A_703 = arith.constant 14 : i32
    %swap3A_704 = arith.index_cast %swap3A_703 : i32 to index
    %swap3A_705 = arith.constant 80 : index
    %swap3A_706 = tpu.vector_load %arg9[%swap3A_704, %swap3A_705] {strides = array<i32>} : memref<16x128xf32, #tpu.memory_space<vmem>>, vector<1x16xf32>,
    %swap3A_707 = vector.shape_cast %swap3A_706 : vector<1x16xf32> to vector<16xf32>
    %swap3A_708 = vector.shape_cast %broadcast_in_dim3A_1 : vector<16xf32> to vector<1x16xf32>
    tpu.vector_store %arg9[%swap3A_704, %swap3A_705], %swap3A_708 {strides = array<i32>} : memref<16x128xf32, #tpu.memory_space<vmem>>, vector<1x16xf32>,
    %swap3A_709 = arith.constant 14 : i32
    %swap3A_710 = arith.index_cast %swap3A_709 : i32 to index
    %swap3A_711 = arith.constant 96 : index
    %swap3A_712 = tpu.vector_load %arg9[%swap3A_710, %swap3A_711] {strides = array<i32>} : memref<16x128xf32, #tpu.memory_space<vmem>>, vector<1x16xf32>,
    %swap3A_713 = vector.shape_cast %swap3A_712 : vector<1x16xf32> to vector<16xf32>
    %swap3A_714 = vector.shape_cast %broadcast_in_dim3A_1 : vector<16xf32> to vector<1x16xf32>
    tpu.vector_store %arg9[%swap3A_710, %swap3A_711], %swap3A_714 {strides = array<i32>} : memref<16x128xf32, #tpu.memory_space<vmem>>, vector<1x16xf32>,
    %swap3A_715 = arith.constant 14 : i32
    %swap3A_716 = arith.index_cast %swap3A_715 : i32 to index
    %swap3A_717 = arith.constant 112 : index
    %swap3A_718 = tpu.vector_load %arg9[%swap3A_716, %swap3A_717] {strides = array<i32>} : memref<16x128xf32, #tpu.memory_space<vmem>>, vector<1x16xf32>,
    %swap3A_719 = vector.shape_cast %swap3A_718 : vector<1x16xf32> to vector<16xf32>
    %swap3A_720 = vector.shape_cast %broadcast_in_dim3A_1 : vector<16xf32> to vector<1x16xf32>
    tpu.vector_store %arg9[%swap3A_716, %swap3A_717], %swap3A_720 {strides = array<i32>} : memref<16x128xf32, #tpu.memory_space<vmem>>, vector<1x16xf32>,
    %swap3A_721 = arith.constant 15 : i32
    %swap3A_722 = arith.index_cast %swap3A_721 : i32 to index
    %swap3A_723 = arith.constant 0 : index
    %swap3A_724 = tpu.vector_load %arg9[%swap3A_722, %swap3A_723] {strides = array<i32>} : memref<16x128xf32, #tpu.memory_space<vmem>>, vector<1x16xf32>,
    %swap3A_725 = vector.shape_cast %swap3A_724 : vector<1x16xf32> to vector<16xf32>
    %swap3A_726 = vector.shape_cast %broadcast_in_dim3A_1 : vector<16xf32> to vector<1x16xf32>
    tpu.vector_store %arg9[%swap3A_722, %swap3A_723], %swap3A_726 {strides = array<i32>} : memref<16x128xf32, #tpu.memory_space<vmem>>, vector<1x16xf32>,
    %swap3A_727 = arith.constant 15 : i32
    %swap3A_728 = arith.index_cast %swap3A_727 : i32 to index
    %swap3A_729 = arith.constant 16 : index
    %swap3A_730 = tpu.vector_load %arg9[%swap3A_728, %swap3A_729] {strides = array<i32>} : memref<16x128xf32, #tpu.memory_space<vmem>>, vector<1x16xf32>,
    %swap3A_731 = vector.shape_cast %swap3A_730 : vector<1x16xf32> to vector<16xf32>
    %swap3A_732 = vector.shape_cast %broadcast_in_dim3A_1 : vector<16xf32> to vector<1x16xf32>
    tpu.vector_store %arg9[%swap3A_728, %swap3A_729], %swap3A_732 {strides = array<i32>} : memref<16x128xf32, #tpu.memory_space<vmem>>, vector<1x16xf32>,
    %swap3A_733 = arith.constant 15 : i32
    %swap3A_734 = arith.index_cast %swap3A_733 : i32 to index
    %swap3A_735 = arith.constant 32 : index
    %swap3A_736 = tpu.vector_load %arg9[%swap3A_734, %swap3A_735] {strides = array<i32>} : memref<16x128xf32, #tpu.memory_space<vmem>>, vector<1x16xf32>,
    %swap3A_737 = vector.shape_cast %swap3A_736 : vector<1x16xf32> to vector<16xf32>
    %swap3A_738 = vector.shape_cast %broadcast_in_dim3A_1 : vector<16xf32> to vector<1x16xf32>
    tpu.vector_store %arg9[%swap3A_734, %swap3A_735], %swap3A_738 {strides = array<i32>} : memref<16x128xf32, #tpu.memory_space<vmem>>, vector<1x16xf32>,
    %swap3A_739 = arith.constant 15 : i32
    %swap3A_740 = arith.index_cast %swap3A_739 : i32 to index
    %swap3A_741 = arith.constant 48 : index
    %swap3A_742 = tpu.vector_load %arg9[%swap3A_740, %swap3A_741] {strides = array<i32>} : memref<16x128xf32, #tpu.memory_space<vmem>>, vector<1x16xf32>,
    %swap3A_743 = vector.shape_cast %swap3A_742 : vector<1x16xf32> to vector<16xf32>
    %swap3A_744 = vector.shape_cast %broadcast_in_dim3A_1 : vector<16xf32> to vector<1x16xf32>
    tpu.vector_store %arg9[%swap3A_740, %swap3A_741], %swap3A_744 {strides = array<i32>} : memref<16x128xf32, #tpu.memory_space<vmem>>, vector<1x16xf32>,
    %swap3A_745 = arith.constant 15 : i32
    %swap3A_746 = arith.index_cast %swap3A_745 : i32 to index
    %swap3A_747 = arith.constant 64 : index
    %swap3A_748 = tpu.vector_load %arg9[%swap3A_746, %swap3A_747] {strides = array<i32>} : memref<16x128xf32, #tpu.memory_space<vmem>>, vector<1x16xf32>,
    %swap3A_749 = vector.shape_cast %swap3A_748 : vector<1x16xf32> to vector<16xf32>
    %swap3A_750 = vector.shape_cast %broadcast_in_dim3A_1 : vector<16xf32> to vector<1x16xf32>
    tpu.vector_store %arg9[%swap3A_746, %swap3A_747], %swap3A_750 {strides = array<i32>} : memref<16x128xf32, #tpu.memory_space<vmem>>, vector<1x16xf32>,
    %swap3A_751 = arith.constant 15 : i32
    %swap3A_752 = arith.index_cast %swap3A_751 : i32 to index
    %swap3A_753 = arith.constant 80 : index
    %swap3A_754 = tpu.vector_load %arg9[%swap3A_752, %swap3A_753] {strides = array<i32>} : memref<16x128xf32, #tpu.memory_space<vmem>>, vector<1x16xf32>,
    %swap3A_755 = vector.shape_cast %swap3A_754 : vector<1x16xf32> to vector<16xf32>
    %swap3A_756 = vector.shape_cast %broadcast_in_dim3A_1 : vector<16xf32> to vector<1x16xf32>
    tpu.vector_store %arg9[%swap3A_752, %swap3A_753], %swap3A_756 {strides = array<i32>} : memref<16x128xf32, #tpu.memory_space<vmem>>, vector<1x16xf32>,
    %swap3A_757 = arith.constant 15 : i32
    %swap3A_758 = arith.index_cast %swap3A_757 : i32 to index
    %swap3A_759 = arith.constant 96 : index
    %swap3A_760 = tpu.vector_load %arg9[%swap3A_758, %swap3A_759] {strides = array<i32>} : memref<16x128xf32, #tpu.memory_space<vmem>>, vector<1x16xf32>,
    %swap3A_761 = vector.shape_cast %swap3A_760 : vector<1x16xf32> to vector<16xf32>
    %swap3A_762 = vector.shape_cast %broadcast_in_dim3A_1 : vector<16xf32> to vector<1x16xf32>
    tpu.vector_store %arg9[%swap3A_758, %swap3A_759], %swap3A_762 {strides = array<i32>} : memref<16x128xf32, #tpu.memory_space<vmem>>, vector<1x16xf32>,
    %swap3A_763 = arith.constant 15 : i32
    %swap3A_764 = arith.index_cast %swap3A_763 : i32 to index
    %swap3A_765 = arith.constant 112 : index
    %swap3A_766 = tpu.vector_load %arg9[%swap3A_764, %swap3A_765] {strides = array<i32>} : memref<16x128xf32, #tpu.memory_space<vmem>>, vector<1x16xf32>,
    %swap3A_767 = vector.shape_cast %swap3A_766 : vector<1x16xf32> to vector<16xf32>
    %swap3A_768 = vector.shape_cast %broadcast_in_dim3A_1 : vector<16xf32> to vector<1x16xf32>
    tpu.vector_store %arg9[%swap3A_764, %swap3A_765], %swap3A_768 {strides = array<i32>} : memref<16x128xf32, #tpu.memory_space<vmem>>, vector<1x16xf32>,
    %mul3A_769 = arith.constant 640 : i32
    %mul3A_770 = arith.muli %arg1, %mul3A_769 : i32
    %add3A_771 = arith.constant 0 : i32
    %add3A_772 = arith.addi %mul3A_770, %add3A_771 : i32
    %dma_start3A = arith.constant 0 : i32
    %dma_start3A_773 = tpu.memref_slice %arg5[%add3A_772, %dma_start3A] : memref<10240x128xf32, #tpu.memory_space<vmem_shared>> -> memref<16x128xf32, #tpu.memory_space<vmem_shared>>
    %dma_start3A_774 = arith.constant 0 : i32
    %dma_start3A_775 = tpu.memref_slice %arg5[%add3A_772, %dma_start3A_774] : memref<10240x128xf32, #tpu.memory_space<vmem_shared>> -> memref<16x128xf32, #tpu.memory_space<vmem_shared>>
    tpu.enqueue_dma source(%arg9 : memref<16x128xf32, #tpu.memory_space<vmem>>) target(%dma_start3A_775 : memref<16x128xf32, #tpu.memory_space<vmem_shared>>) target_semaphore(%arg12 : memref<!tpu.dma_semaphore, #tpu.memory_space<semaphore_mem>>)
    %mul3A_776 = arith.constant 640 : i32
    %mul3A_777 = arith.muli %arg1, %mul3A_776 : i32
    %add3A_778 = arith.constant 16 : i32
    %add3A_779 = arith.addi %mul3A_777, %add3A_778 : i32
    %dma_start3A_780 = arith.constant 0 : i32
    %dma_start3A_781 = tpu.memref_slice %arg5[%add3A_779, %dma_start3A_780] : memref<10240x128xf32, #tpu.memory_space<vmem_shared>> -> memref<16x128xf32, #tpu.memory_space<vmem_shared>>
    %dma_start3A_782 = arith.constant 0 : i32
    %dma_start3A_783 = tpu.memref_slice %arg5[%add3A_779, %dma_start3A_782] : memref<10240x128xf32, #tpu.memory_space<vmem_shared>> -> memref<16x128xf32, #tpu.memory_space<vmem_shared>>
    tpu.enqueue_dma source(%arg9 : memref<16x128xf32, #tpu.memory_space<vmem>>) target(%dma_start3A_783 : memref<16x128xf32, #tpu.memory_space<vmem_shared>>) target_semaphore(%arg12 : memref<!tpu.dma_semaphore, #tpu.memory_space<semaphore_mem>>)
    %mul3A_784 = arith.constant 640 : i32
    %mul3A_785 = arith.muli %arg1, %mul3A_784 : i32
    %add3A_786 = arith.constant 32 : i32
    %add3A_787 = arith.addi %mul3A_785, %add3A_786 : i32
    %dma_start3A_788 = arith.constant 0 : i32
    %dma_start3A_789 = tpu.memref_slice %arg5[%add3A_787, %dma_start3A_788] : memref<10240x128xf32, #tpu.memory_space<vmem_shared>> -> memref<16x128xf32, #tpu.memory_space<vmem_shared>>
    %dma_start3A_790 = arith.constant 0 : i32
    %dma_start3A_791 = tpu.memref_slice %arg5[%add3A_787, %dma_start3A_790] : memref<10240x128xf32, #tpu.memory_space<vmem_shared>> -> memref<16x128xf32, #tpu.memory_space<vmem_shared>>
    tpu.enqueue_dma source(%arg9 : memref<16x128xf32, #tpu.memory_space<vmem>>) target(%dma_start3A_791 : memref<16x128xf32, #tpu.memory_space<vmem_shared>>) target_semaphore(%arg12 : memref<!tpu.dma_semaphore, #tpu.memory_space<semaphore_mem>>)
    %mul3A_792 = arith.constant 640 : i32
    %mul3A_793 = arith.muli %arg1, %mul3A_792 : i32
    %add3A_794 = arith.constant 48 : i32
    %add3A_795 = arith.addi %mul3A_793, %add3A_794 : i32
    %dma_start3A_796 = arith.constant 0 : i32
    %dma_start3A_797 = tpu.memref_slice %arg5[%add3A_795, %dma_start3A_796] : memref<10240x128xf32, #tpu.memory_space<vmem_shared>> -> memref<16x128xf32, #tpu.memory_space<vmem_shared>>
    %dma_start3A_798 = arith.constant 0 : i32
    %dma_start3A_799 = tpu.memref_slice %arg5[%add3A_795, %dma_start3A_798] : memref<10240x128xf32, #tpu.memory_space<vmem_shared>> -> memref<16x128xf32, #tpu.memory_space<vmem_shared>>
    tpu.enqueue_dma source(%arg9 : memref<16x128xf32, #tpu.memory_space<vmem>>) target(%dma_start3A_799 : memref<16x128xf32, #tpu.memory_space<vmem_shared>>) target_semaphore(%arg12 : memref<!tpu.dma_semaphore, #tpu.memory_space<semaphore_mem>>)
    %mul3A_800 = arith.constant 640 : i32
    %mul3A_801 = arith.muli %arg1, %mul3A_800 : i32
    %add3A_802 = arith.constant 64 : i32
    %add3A_803 = arith.addi %mul3A_801, %add3A_802 : i32
    %dma_start3A_804 = arith.constant 0 : i32
    %dma_start3A_805 = tpu.memref_slice %arg5[%add3A_803, %dma_start3A_804] : memref<10240x128xf32, #tpu.memory_space<vmem_shared>> -> memref<16x128xf32, #tpu.memory_space<vmem_shared>>
    %dma_start3A_806 = arith.constant 0 : i32
    %dma_start3A_807 = tpu.memref_slice %arg5[%add3A_803, %dma_start3A_806] : memref<10240x128xf32, #tpu.memory_space<vmem_shared>> -> memref<16x128xf32, #tpu.memory_space<vmem_shared>>
    tpu.enqueue_dma source(%arg9 : memref<16x128xf32, #tpu.memory_space<vmem>>) target(%dma_start3A_807 : memref<16x128xf32, #tpu.memory_space<vmem_shared>>) target_semaphore(%arg12 : memref<!tpu.dma_semaphore, #tpu.memory_space<semaphore_mem>>)
    %mul3A_808 = arith.constant 640 : i32
    %mul3A_809 = arith.muli %arg1, %mul3A_808 : i32
    %add3A_810 = arith.constant 80 : i32
    %add3A_811 = arith.addi %mul3A_809, %add3A_810 : i32
    %dma_start3A_812 = arith.constant 0 : i32
    %dma_start3A_813 = tpu.memref_slice %arg5[%add3A_811, %dma_start3A_812] : memref<10240x128xf32, #tpu.memory_space<vmem_shared>> -> memref<16x128xf32, #tpu.memory_space<vmem_shared>>
    %dma_start3A_814 = arith.constant 0 : i32
    %dma_start3A_815 = tpu.memref_slice %arg5[%add3A_811, %dma_start3A_814] : memref<10240x128xf32, #tpu.memory_space<vmem_shared>> -> memref<16x128xf32, #tpu.memory_space<vmem_shared>>
    tpu.enqueue_dma source(%arg9 : memref<16x128xf32, #tpu.memory_space<vmem>>) target(%dma_start3A_815 : memref<16x128xf32, #tpu.memory_space<vmem_shared>>) target_semaphore(%arg12 : memref<!tpu.dma_semaphore, #tpu.memory_space<semaphore_mem>>)
    %mul3A_816 = arith.constant 640 : i32
    %mul3A_817 = arith.muli %arg1, %mul3A_816 : i32
    %add3A_818 = arith.constant 96 : i32
    %add3A_819 = arith.addi %mul3A_817, %add3A_818 : i32
    %dma_start3A_820 = arith.constant 0 : i32
    %dma_start3A_821 = tpu.memref_slice %arg5[%add3A_819, %dma_start3A_820] : memref<10240x128xf32, #tpu.memory_space<vmem_shared>> -> memref<16x128xf32, #tpu.memory_space<vmem_shared>>
    %dma_start3A_822 = arith.constant 0 : i32
    %dma_start3A_823 = tpu.memref_slice %arg5[%add3A_819, %dma_start3A_822] : memref<10240x128xf32, #tpu.memory_space<vmem_shared>> -> memref<16x128xf32, #tpu.memory_space<vmem_shared>>
    tpu.enqueue_dma source(%arg9 : memref<16x128xf32, #tpu.memory_space<vmem>>) target(%dma_start3A_823 : memref<16x128xf32, #tpu.memory_space<vmem_shared>>) target_semaphore(%arg12 : memref<!tpu.dma_semaphore, #tpu.memory_space<semaphore_mem>>)
    %mul3A_824 = arith.constant 640 : i32
    %mul3A_825 = arith.muli %arg1, %mul3A_824 : i32
    %add3A_826 = arith.constant 112 : i32
    %add3A_827 = arith.addi %mul3A_825, %add3A_826 : i32
    %dma_start3A_828 = arith.constant 0 : i32
    %dma_start3A_829 = tpu.memref_slice %arg5[%add3A_827, %dma_start3A_828] : memref<10240x128xf32, #tpu.memory_space<vmem_shared>> -> memref<16x128xf32, #tpu.memory_space<vmem_shared>>
    %dma_start3A_830 = arith.constant 0 : i32
    %dma_start3A_831 = tpu.memref_slice %arg5[%add3A_827, %dma_start3A_830] : memref<10240x128xf32, #tpu.memory_space<vmem_shared>> -> memref<16x128xf32, #tpu.memory_space<vmem_shared>>
    tpu.enqueue_dma source(%arg9 : memref<16x128xf32, #tpu.memory_space<vmem>>) target(%dma_start3A_831 : memref<16x128xf32, #tpu.memory_space<vmem_shared>>) target_semaphore(%arg12 : memref<!tpu.dma_semaphore, #tpu.memory_space<semaphore_mem>>)
    %mul3A_832 = arith.constant 640 : i32
    %mul3A_833 = arith.muli %arg1, %mul3A_832 : i32
    %add3A_834 = arith.constant 128 : i32
    %add3A_835 = arith.addi %mul3A_833, %add3A_834 : i32
    %dma_start3A_836 = arith.constant 0 : i32
    %dma_start3A_837 = tpu.memref_slice %arg5[%add3A_835, %dma_start3A_836] : memref<10240x128xf32, #tpu.memory_space<vmem_shared>> -> memref<16x128xf32, #tpu.memory_space<vmem_shared>>
    %dma_start3A_838 = arith.constant 0 : i32
    %dma_start3A_839 = tpu.memref_slice %arg5[%add3A_835, %dma_start3A_838] : memref<10240x128xf32, #tpu.memory_space<vmem_shared>> -> memref<16x128xf32, #tpu.memory_space<vmem_shared>>
    tpu.enqueue_dma source(%arg9 : memref<16x128xf32, #tpu.memory_space<vmem>>) target(%dma_start3A_839 : memref<16x128xf32, #tpu.memory_space<vmem_shared>>) target_semaphore(%arg12 : memref<!tpu.dma_semaphore, #tpu.memory_space<semaphore_mem>>)
    %mul3A_840 = arith.constant 640 : i32
    %mul3A_841 = arith.muli %arg1, %mul3A_840 : i32
    %add3A_842 = arith.constant 144 : i32
    %add3A_843 = arith.addi %mul3A_841, %add3A_842 : i32
    %dma_start3A_844 = arith.constant 0 : i32
    %dma_start3A_845 = tpu.memref_slice %arg5[%add3A_843, %dma_start3A_844] : memref<10240x128xf32, #tpu.memory_space<vmem_shared>> -> memref<16x128xf32, #tpu.memory_space<vmem_shared>>
    %dma_start3A_846 = arith.constant 0 : i32
    %dma_start3A_847 = tpu.memref_slice %arg5[%add3A_843, %dma_start3A_846] : memref<10240x128xf32, #tpu.memory_space<vmem_shared>> -> memref<16x128xf32, #tpu.memory_space<vmem_shared>>
    tpu.enqueue_dma source(%arg9 : memref<16x128xf32, #tpu.memory_space<vmem>>) target(%dma_start3A_847 : memref<16x128xf32, #tpu.memory_space<vmem_shared>>) target_semaphore(%arg12 : memref<!tpu.dma_semaphore, #tpu.memory_space<semaphore_mem>>)
    %mul3A_848 = arith.constant 640 : i32
    %mul3A_849 = arith.muli %arg1, %mul3A_848 : i32
    %add3A_850 = arith.constant 160 : i32
    %add3A_851 = arith.addi %mul3A_849, %add3A_850 : i32
    %dma_start3A_852 = arith.constant 0 : i32
    %dma_start3A_853 = tpu.memref_slice %arg5[%add3A_851, %dma_start3A_852] : memref<10240x128xf32, #tpu.memory_space<vmem_shared>> -> memref<16x128xf32, #tpu.memory_space<vmem_shared>>
    %dma_start3A_854 = arith.constant 0 : i32
    %dma_start3A_855 = tpu.memref_slice %arg5[%add3A_851, %dma_start3A_854] : memref<10240x128xf32, #tpu.memory_space<vmem_shared>> -> memref<16x128xf32, #tpu.memory_space<vmem_shared>>
    tpu.enqueue_dma source(%arg9 : memref<16x128xf32, #tpu.memory_space<vmem>>) target(%dma_start3A_855 : memref<16x128xf32, #tpu.memory_space<vmem_shared>>) target_semaphore(%arg12 : memref<!tpu.dma_semaphore, #tpu.memory_space<semaphore_mem>>)
    %mul3A_856 = arith.constant 640 : i32
    %mul3A_857 = arith.muli %arg1, %mul3A_856 : i32
    %add3A_858 = arith.constant 176 : i32
    %add3A_859 = arith.addi %mul3A_857, %add3A_858 : i32
    %dma_start3A_860 = arith.constant 0 : i32
    %dma_start3A_861 = tpu.memref_slice %arg5[%add3A_859, %dma_start3A_860] : memref<10240x128xf32, #tpu.memory_space<vmem_shared>> -> memref<16x128xf32, #tpu.memory_space<vmem_shared>>
    %dma_start3A_862 = arith.constant 0 : i32
    %dma_start3A_863 = tpu.memref_slice %arg5[%add3A_859, %dma_start3A_862] : memref<10240x128xf32, #tpu.memory_space<vmem_shared>> -> memref<16x128xf32, #tpu.memory_space<vmem_shared>>
    tpu.enqueue_dma source(%arg9 : memref<16x128xf32, #tpu.memory_space<vmem>>) target(%dma_start3A_863 : memref<16x128xf32, #tpu.memory_space<vmem_shared>>) target_semaphore(%arg12 : memref<!tpu.dma_semaphore, #tpu.memory_space<semaphore_mem>>)
    %mul3A_864 = arith.constant 640 : i32
    %mul3A_865 = arith.muli %arg1, %mul3A_864 : i32
    %add3A_866 = arith.constant 192 : i32
    %add3A_867 = arith.addi %mul3A_865, %add3A_866 : i32
    %dma_start3A_868 = arith.constant 0 : i32
    %dma_start3A_869 = tpu.memref_slice %arg5[%add3A_867, %dma_start3A_868] : memref<10240x128xf32, #tpu.memory_space<vmem_shared>> -> memref<16x128xf32, #tpu.memory_space<vmem_shared>>
    %dma_start3A_870 = arith.constant 0 : i32
    %dma_start3A_871 = tpu.memref_slice %arg5[%add3A_867, %dma_start3A_870] : memref<10240x128xf32, #tpu.memory_space<vmem_shared>> -> memref<16x128xf32, #tpu.memory_space<vmem_shared>>
    tpu.enqueue_dma source(%arg9 : memref<16x128xf32, #tpu.memory_space<vmem>>) target(%dma_start3A_871 : memref<16x128xf32, #tpu.memory_space<vmem_shared>>) target_semaphore(%arg12 : memref<!tpu.dma_semaphore, #tpu.memory_space<semaphore_mem>>)
    %mul3A_872 = arith.constant 640 : i32
    %mul3A_873 = arith.muli %arg1, %mul3A_872 : i32
    %add3A_874 = arith.constant 208 : i32
    %add3A_875 = arith.addi %mul3A_873, %add3A_874 : i32
    %dma_start3A_876 = arith.constant 0 : i32
    %dma_start3A_877 = tpu.memref_slice %arg5[%add3A_875, %dma_start3A_876] : memref<10240x128xf32, #tpu.memory_space<vmem_shared>> -> memref<16x128xf32, #tpu.memory_space<vmem_shared>>
    %dma_start3A_878 = arith.constant 0 : i32
    %dma_start3A_879 = tpu.memref_slice %arg5[%add3A_875, %dma_start3A_878] : memref<10240x128xf32, #tpu.memory_space<vmem_shared>> -> memref<16x128xf32, #tpu.memory_space<vmem_shared>>
    tpu.enqueue_dma source(%arg9 : memref<16x128xf32, #tpu.memory_space<vmem>>) target(%dma_start3A_879 : memref<16x128xf32, #tpu.memory_space<vmem_shared>>) target_semaphore(%arg12 : memref<!tpu.dma_semaphore, #tpu.memory_space<semaphore_mem>>)
    %mul3A_880 = arith.constant 640 : i32
    %mul3A_881 = arith.muli %arg1, %mul3A_880 : i32
    %add3A_882 = arith.constant 224 : i32
    %add3A_883 = arith.addi %mul3A_881, %add3A_882 : i32
    %dma_start3A_884 = arith.constant 0 : i32
    %dma_start3A_885 = tpu.memref_slice %arg5[%add3A_883, %dma_start3A_884] : memref<10240x128xf32, #tpu.memory_space<vmem_shared>> -> memref<16x128xf32, #tpu.memory_space<vmem_shared>>
    %dma_start3A_886 = arith.constant 0 : i32
    %dma_start3A_887 = tpu.memref_slice %arg5[%add3A_883, %dma_start3A_886] : memref<10240x128xf32, #tpu.memory_space<vmem_shared>> -> memref<16x128xf32, #tpu.memory_space<vmem_shared>>
    tpu.enqueue_dma source(%arg9 : memref<16x128xf32, #tpu.memory_space<vmem>>) target(%dma_start3A_887 : memref<16x128xf32, #tpu.memory_space<vmem_shared>>) target_semaphore(%arg12 : memref<!tpu.dma_semaphore, #tpu.memory_space<semaphore_mem>>)
    %mul3A_888 = arith.constant 640 : i32
    %mul3A_889 = arith.muli %arg1, %mul3A_888 : i32
    %add3A_890 = arith.constant 240 : i32
    %add3A_891 = arith.addi %mul3A_889, %add3A_890 : i32
    %dma_start3A_892 = arith.constant 0 : i32
    %dma_start3A_893 = tpu.memref_slice %arg5[%add3A_891, %dma_start3A_892] : memref<10240x128xf32, #tpu.memory_space<vmem_shared>> -> memref<16x128xf32, #tpu.memory_space<vmem_shared>>
    %dma_start3A_894 = arith.constant 0 : i32
    %dma_start3A_895 = tpu.memref_slice %arg5[%add3A_891, %dma_start3A_894] : memref<10240x128xf32, #tpu.memory_space<vmem_shared>> -> memref<16x128xf32, #tpu.memory_space<vmem_shared>>
    tpu.enqueue_dma source(%arg9 : memref<16x128xf32, #tpu.memory_space<vmem>>) target(%dma_start3A_895 : memref<16x128xf32, #tpu.memory_space<vmem_shared>>) target_semaphore(%arg12 : memref<!tpu.dma_semaphore, #tpu.memory_space<semaphore_mem>>)
    %mul3A_896 = arith.constant 640 : i32
    %mul3A_897 = arith.muli %arg1, %mul3A_896 : i32
    %add3A_898 = arith.constant 256 : i32
    %add3A_899 = arith.addi %mul3A_897, %add3A_898 : i32
    %dma_start3A_900 = arith.constant 0 : i32
    %dma_start3A_901 = tpu.memref_slice %arg5[%add3A_899, %dma_start3A_900] : memref<10240x128xf32, #tpu.memory_space<vmem_shared>> -> memref<16x128xf32, #tpu.memory_space<vmem_shared>>
    %dma_start3A_902 = arith.constant 0 : i32
    %dma_start3A_903 = tpu.memref_slice %arg5[%add3A_899, %dma_start3A_902] : memref<10240x128xf32, #tpu.memory_space<vmem_shared>> -> memref<16x128xf32, #tpu.memory_space<vmem_shared>>
    tpu.enqueue_dma source(%arg9 : memref<16x128xf32, #tpu.memory_space<vmem>>) target(%dma_start3A_903 : memref<16x128xf32, #tpu.memory_space<vmem_shared>>) target_semaphore(%arg12 : memref<!tpu.dma_semaphore, #tpu.memory_space<semaphore_mem>>)
    %mul3A_904 = arith.constant 640 : i32
    %mul3A_905 = arith.muli %arg1, %mul3A_904 : i32
    %add3A_906 = arith.constant 272 : i32
    %add3A_907 = arith.addi %mul3A_905, %add3A_906 : i32
    %dma_start3A_908 = arith.constant 0 : i32
    %dma_start3A_909 = tpu.memref_slice %arg5[%add3A_907, %dma_start3A_908] : memref<10240x128xf32, #tpu.memory_space<vmem_shared>> -> memref<16x128xf32, #tpu.memory_space<vmem_shared>>
    %dma_start3A_910 = arith.constant 0 : i32
    %dma_start3A_911 = tpu.memref_slice %arg5[%add3A_907, %dma_start3A_910] : memref<10240x128xf32, #tpu.memory_space<vmem_shared>> -> memref<16x128xf32, #tpu.memory_space<vmem_shared>>
    tpu.enqueue_dma source(%arg9 : memref<16x128xf32, #tpu.memory_space<vmem>>) target(%dma_start3A_911 : memref<16x128xf32, #tpu.memory_space<vmem_shared>>) target_semaphore(%arg12 : memref<!tpu.dma_semaphore, #tpu.memory_space<semaphore_mem>>)
    %mul3A_912 = arith.constant 640 : i32
    %mul3A_913 = arith.muli %arg1, %mul3A_912 : i32
    %add3A_914 = arith.constant 288 : i32
    %add3A_915 = arith.addi %mul3A_913, %add3A_914 : i32
    %dma_start3A_916 = arith.constant 0 : i32
    %dma_start3A_917 = tpu.memref_slice %arg5[%add3A_915, %dma_start3A_916] : memref<10240x128xf32, #tpu.memory_space<vmem_shared>> -> memref<16x128xf32, #tpu.memory_space<vmem_shared>>
    %dma_start3A_918 = arith.constant 0 : i32
    %dma_start3A_919 = tpu.memref_slice %arg5[%add3A_915, %dma_start3A_918] : memref<10240x128xf32, #tpu.memory_space<vmem_shared>> -> memref<16x128xf32, #tpu.memory_space<vmem_shared>>
    tpu.enqueue_dma source(%arg9 : memref<16x128xf32, #tpu.memory_space<vmem>>) target(%dma_start3A_919 : memref<16x128xf32, #tpu.memory_space<vmem_shared>>) target_semaphore(%arg12 : memref<!tpu.dma_semaphore, #tpu.memory_space<semaphore_mem>>)
    %mul3A_920 = arith.constant 640 : i32
    %mul3A_921 = arith.muli %arg1, %mul3A_920 : i32
    %add3A_922 = arith.constant 304 : i32
    %add3A_923 = arith.addi %mul3A_921, %add3A_922 : i32
    %dma_start3A_924 = arith.constant 0 : i32
    %dma_start3A_925 = tpu.memref_slice %arg5[%add3A_923, %dma_start3A_924] : memref<10240x128xf32, #tpu.memory_space<vmem_shared>> -> memref<16x128xf32, #tpu.memory_space<vmem_shared>>
    %dma_start3A_926 = arith.constant 0 : i32
    %dma_start3A_927 = tpu.memref_slice %arg5[%add3A_923, %dma_start3A_926] : memref<10240x128xf32, #tpu.memory_space<vmem_shared>> -> memref<16x128xf32, #tpu.memory_space<vmem_shared>>
    tpu.enqueue_dma source(%arg9 : memref<16x128xf32, #tpu.memory_space<vmem>>) target(%dma_start3A_927 : memref<16x128xf32, #tpu.memory_space<vmem_shared>>) target_semaphore(%arg12 : memref<!tpu.dma_semaphore, #tpu.memory_space<semaphore_mem>>)
    %mul3A_928 = arith.constant 640 : i32
    %mul3A_929 = arith.muli %arg1, %mul3A_928 : i32
    %add3A_930 = arith.constant 320 : i32
    %add3A_931 = arith.addi %mul3A_929, %add3A_930 : i32
    %dma_start3A_932 = arith.constant 0 : i32
    %dma_start3A_933 = tpu.memref_slice %arg5[%add3A_931, %dma_start3A_932] : memref<10240x128xf32, #tpu.memory_space<vmem_shared>> -> memref<16x128xf32, #tpu.memory_space<vmem_shared>>
    %dma_start3A_934 = arith.constant 0 : i32
    %dma_start3A_935 = tpu.memref_slice %arg5[%add3A_931, %dma_start3A_934] : memref<10240x128xf32, #tpu.memory_space<vmem_shared>> -> memref<16x128xf32, #tpu.memory_space<vmem_shared>>
    tpu.enqueue_dma source(%arg9 : memref<16x128xf32, #tpu.memory_space<vmem>>) target(%dma_start3A_935 : memref<16x128xf32, #tpu.memory_space<vmem_shared>>) target_semaphore(%arg12 : memref<!tpu.dma_semaphore, #tpu.memory_space<semaphore_mem>>)
    %mul3A_936 = arith.constant 640 : i32
    %mul3A_937 = arith.muli %arg1, %mul3A_936 : i32
    %add3A_938 = arith.constant 336 : i32
    %add3A_939 = arith.addi %mul3A_937, %add3A_938 : i32
    %dma_start3A_940 = arith.constant 0 : i32
    %dma_start3A_941 = tpu.memref_slice %arg5[%add3A_939, %dma_start3A_940] : memref<10240x128xf32, #tpu.memory_space<vmem_shared>> -> memref<16x128xf32, #tpu.memory_space<vmem_shared>>
    %dma_start3A_942 = arith.constant 0 : i32
    %dma_start3A_943 = tpu.memref_slice %arg5[%add3A_939, %dma_start3A_942] : memref<10240x128xf32, #tpu.memory_space<vmem_shared>> -> memref<16x128xf32, #tpu.memory_space<vmem_shared>>
    tpu.enqueue_dma source(%arg9 : memref<16x128xf32, #tpu.memory_space<vmem>>) target(%dma_start3A_943 : memref<16x128xf32, #tpu.memory_space<vmem_shared>>) target_semaphore(%arg12 : memref<!tpu.dma_semaphore, #tpu.memory_space<semaphore_mem>>)
    %mul3A_944 = arith.constant 640 : i32
    %mul3A_945 = arith.muli %arg1, %mul3A_944 : i32
    %add3A_946 = arith.constant 352 : i32
    %add3A_947 = arith.addi %mul3A_945, %add3A_946 : i32
    %dma_start3A_948 = arith.constant 0 : i32
    %dma_start3A_949 = tpu.memref_slice %arg5[%add3A_947, %dma_start3A_948] : memref<10240x128xf32, #tpu.memory_space<vmem_shared>> -> memref<16x128xf32, #tpu.memory_space<vmem_shared>>
    %dma_start3A_950 = arith.constant 0 : i32
    %dma_start3A_951 = tpu.memref_slice %arg5[%add3A_947, %dma_start3A_950] : memref<10240x128xf32, #tpu.memory_space<vmem_shared>> -> memref<16x128xf32, #tpu.memory_space<vmem_shared>>
    tpu.enqueue_dma source(%arg9 : memref<16x128xf32, #tpu.memory_space<vmem>>) target(%dma_start3A_951 : memref<16x128xf32, #tpu.memory_space<vmem_shared>>) target_semaphore(%arg12 : memref<!tpu.dma_semaphore, #tpu.memory_space<semaphore_mem>>)
    %mul3A_952 = arith.constant 640 : i32
    %mul3A_953 = arith.muli %arg1, %mul3A_952 : i32
    %add3A_954 = arith.constant 368 : i32
    %add3A_955 = arith.addi %mul3A_953, %add3A_954 : i32
    %dma_start3A_956 = arith.constant 0 : i32
    %dma_start3A_957 = tpu.memref_slice %arg5[%add3A_955, %dma_start3A_956] : memref<10240x128xf32, #tpu.memory_space<vmem_shared>> -> memref<16x128xf32, #tpu.memory_space<vmem_shared>>
    %dma_start3A_958 = arith.constant 0 : i32
    %dma_start3A_959 = tpu.memref_slice %arg5[%add3A_955, %dma_start3A_958] : memref<10240x128xf32, #tpu.memory_space<vmem_shared>> -> memref<16x128xf32, #tpu.memory_space<vmem_shared>>
    tpu.enqueue_dma source(%arg9 : memref<16x128xf32, #tpu.memory_space<vmem>>) target(%dma_start3A_959 : memref<16x128xf32, #tpu.memory_space<vmem_shared>>) target_semaphore(%arg12 : memref<!tpu.dma_semaphore, #tpu.memory_space<semaphore_mem>>)
    %mul3A_960 = arith.constant 640 : i32
    %mul3A_961 = arith.muli %arg1, %mul3A_960 : i32
    %add3A_962 = arith.constant 384 : i32
    %add3A_963 = arith.addi %mul3A_961, %add3A_962 : i32
    %dma_start3A_964 = arith.constant 0 : i32
    %dma_start3A_965 = tpu.memref_slice %arg5[%add3A_963, %dma_start3A_964] : memref<10240x128xf32, #tpu.memory_space<vmem_shared>> -> memref<16x128xf32, #tpu.memory_space<vmem_shared>>
    %dma_start3A_966 = arith.constant 0 : i32
    %dma_start3A_967 = tpu.memref_slice %arg5[%add3A_963, %dma_start3A_966] : memref<10240x128xf32, #tpu.memory_space<vmem_shared>> -> memref<16x128xf32, #tpu.memory_space<vmem_shared>>
    tpu.enqueue_dma source(%arg9 : memref<16x128xf32, #tpu.memory_space<vmem>>) target(%dma_start3A_967 : memref<16x128xf32, #tpu.memory_space<vmem_shared>>) target_semaphore(%arg12 : memref<!tpu.dma_semaphore, #tpu.memory_space<semaphore_mem>>)
    %mul3A_968 = arith.constant 640 : i32
    %mul3A_969 = arith.muli %arg1, %mul3A_968 : i32
    %add3A_970 = arith.constant 400 : i32
    %add3A_971 = arith.addi %mul3A_969, %add3A_970 : i32
    %dma_start3A_972 = arith.constant 0 : i32
    %dma_start3A_973 = tpu.memref_slice %arg5[%add3A_971, %dma_start3A_972] : memref<10240x128xf32, #tpu.memory_space<vmem_shared>> -> memref<16x128xf32, #tpu.memory_space<vmem_shared>>
    %dma_start3A_974 = arith.constant 0 : i32
    %dma_start3A_975 = tpu.memref_slice %arg5[%add3A_971, %dma_start3A_974] : memref<10240x128xf32, #tpu.memory_space<vmem_shared>> -> memref<16x128xf32, #tpu.memory_space<vmem_shared>>
    tpu.enqueue_dma source(%arg9 : memref<16x128xf32, #tpu.memory_space<vmem>>) target(%dma_start3A_975 : memref<16x128xf32, #tpu.memory_space<vmem_shared>>) target_semaphore(%arg12 : memref<!tpu.dma_semaphore, #tpu.memory_space<semaphore_mem>>)
    %mul3A_976 = arith.constant 640 : i32
    %mul3A_977 = arith.muli %arg1, %mul3A_976 : i32
    %add3A_978 = arith.constant 416 : i32
    %add3A_979 = arith.addi %mul3A_977, %add3A_978 : i32
    %dma_start3A_980 = arith.constant 0 : i32
    %dma_start3A_981 = tpu.memref_slice %arg5[%add3A_979, %dma_start3A_980] : memref<10240x128xf32, #tpu.memory_space<vmem_shared>> -> memref<16x128xf32, #tpu.memory_space<vmem_shared>>
    %dma_start3A_982 = arith.constant 0 : i32
    %dma_start3A_983 = tpu.memref_slice %arg5[%add3A_979, %dma_start3A_982] : memref<10240x128xf32, #tpu.memory_space<vmem_shared>> -> memref<16x128xf32, #tpu.memory_space<vmem_shared>>
    tpu.enqueue_dma source(%arg9 : memref<16x128xf32, #tpu.memory_space<vmem>>) target(%dma_start3A_983 : memref<16x128xf32, #tpu.memory_space<vmem_shared>>) target_semaphore(%arg12 : memref<!tpu.dma_semaphore, #tpu.memory_space<semaphore_mem>>)
    %mul3A_984 = arith.constant 640 : i32
    %mul3A_985 = arith.muli %arg1, %mul3A_984 : i32
    %add3A_986 = arith.constant 432 : i32
    %add3A_987 = arith.addi %mul3A_985, %add3A_986 : i32
    %dma_start3A_988 = arith.constant 0 : i32
    %dma_start3A_989 = tpu.memref_slice %arg5[%add3A_987, %dma_start3A_988] : memref<10240x128xf32, #tpu.memory_space<vmem_shared>> -> memref<16x128xf32, #tpu.memory_space<vmem_shared>>
    %dma_start3A_990 = arith.constant 0 : i32
    %dma_start3A_991 = tpu.memref_slice %arg5[%add3A_987, %dma_start3A_990] : memref<10240x128xf32, #tpu.memory_space<vmem_shared>> -> memref<16x128xf32, #tpu.memory_space<vmem_shared>>
    tpu.enqueue_dma source(%arg9 : memref<16x128xf32, #tpu.memory_space<vmem>>) target(%dma_start3A_991 : memref<16x128xf32, #tpu.memory_space<vmem_shared>>) target_semaphore(%arg12 : memref<!tpu.dma_semaphore, #tpu.memory_space<semaphore_mem>>)
    %mul3A_992 = arith.constant 640 : i32
    %mul3A_993 = arith.muli %arg1, %mul3A_992 : i32
    %add3A_994 = arith.constant 448 : i32
    %add3A_995 = arith.addi %mul3A_993, %add3A_994 : i32
    %dma_start3A_996 = arith.constant 0 : i32
    %dma_start3A_997 = tpu.memref_slice %arg5[%add3A_995, %dma_start3A_996] : memref<10240x128xf32, #tpu.memory_space<vmem_shared>> -> memref<16x128xf32, #tpu.memory_space<vmem_shared>>
    %dma_start3A_998 = arith.constant 0 : i32
    %dma_start3A_999 = tpu.memref_slice %arg5[%add3A_995, %dma_start3A_998] : memref<10240x128xf32, #tpu.memory_space<vmem_shared>> -> memref<16x128xf32, #tpu.memory_space<vmem_shared>>
    tpu.enqueue_dma source(%arg9 : memref<16x128xf32, #tpu.memory_space<vmem>>) target(%dma_start3A_999 : memref<16x128xf32, #tpu.memory_space<vmem_shared>>) target_semaphore(%arg12 : memref<!tpu.dma_semaphore, #tpu.memory_space<semaphore_mem>>)
    %mul3A_1000 = arith.constant 640 : i32
    %mul3A_1001 = arith.muli %arg1, %mul3A_1000 : i32
    %add3A_1002 = arith.constant 464 : i32
    %add3A_1003 = arith.addi %mul3A_1001, %add3A_1002 : i32
    %dma_start3A_1004 = arith.constant 0 : i32
    %dma_start3A_1005 = tpu.memref_slice %arg5[%add3A_1003, %dma_start3A_1004] : memref<10240x128xf32, #tpu.memory_space<vmem_shared>> -> memref<16x128xf32, #tpu.memory_space<vmem_shared>>
    %dma_start3A_1006 = arith.constant 0 : i32
    %dma_start3A_1007 = tpu.memref_slice %arg5[%add3A_1003, %dma_start3A_1006] : memref<10240x128xf32, #tpu.memory_space<vmem_shared>> -> memref<16x128xf32, #tpu.memory_space<vmem_shared>>
    tpu.enqueue_dma source(%arg9 : memref<16x128xf32, #tpu.memory_space<vmem>>) target(%dma_start3A_1007 : memref<16x128xf32, #tpu.memory_space<vmem_shared>>) target_semaphore(%arg12 : memref<!tpu.dma_semaphore, #tpu.memory_space<semaphore_mem>>)
    %mul3A_1008 = arith.constant 640 : i32
    %mul3A_1009 = arith.muli %arg1, %mul3A_1008 : i32
    %add3A_1010 = arith.constant 480 : i32
    %add3A_1011 = arith.addi %mul3A_1009, %add3A_1010 : i32
    %dma_start3A_1012 = arith.constant 0 : i32
    %dma_start3A_1013 = tpu.memref_slice %arg5[%add3A_1011, %dma_start3A_1012] : memref<10240x128xf32, #tpu.memory_space<vmem_shared>> -> memref<16x128xf32, #tpu.memory_space<vmem_shared>>
    %dma_start3A_1014 = arith.constant 0 : i32
    %dma_start3A_1015 = tpu.memref_slice %arg5[%add3A_1011, %dma_start3A_1014] : memref<10240x128xf32, #tpu.memory_space<vmem_shared>> -> memref<16x128xf32, #tpu.memory_space<vmem_shared>>
    tpu.enqueue_dma source(%arg9 : memref<16x128xf32, #tpu.memory_space<vmem>>) target(%dma_start3A_1015 : memref<16x128xf32, #tpu.memory_space<vmem_shared>>) target_semaphore(%arg12 : memref<!tpu.dma_semaphore, #tpu.memory_space<semaphore_mem>>)
    %mul3A_1016 = arith.constant 640 : i32
    %mul3A_1017 = arith.muli %arg1, %mul3A_1016 : i32
    %add3A_1018 = arith.constant 496 : i32
    %add3A_1019 = arith.addi %mul3A_1017, %add3A_1018 : i32
    %dma_start3A_1020 = arith.constant 0 : i32
    %dma_start3A_1021 = tpu.memref_slice %arg5[%add3A_1019, %dma_start3A_1020] : memref<10240x128xf32, #tpu.memory_space<vmem_shared>> -> memref<16x128xf32, #tpu.memory_space<vmem_shared>>
    %dma_start3A_1022 = arith.constant 0 : i32
    %dma_start3A_1023 = tpu.memref_slice %arg5[%add3A_1019, %dma_start3A_1022] : memref<10240x128xf32, #tpu.memory_space<vmem_shared>> -> memref<16x128xf32, #tpu.memory_space<vmem_shared>>
    tpu.enqueue_dma source(%arg9 : memref<16x128xf32, #tpu.memory_space<vmem>>) target(%dma_start3A_1023 : memref<16x128xf32, #tpu.memory_space<vmem_shared>>) target_semaphore(%arg12 : memref<!tpu.dma_semaphore, #tpu.memory_space<semaphore_mem>>)
    %mul3A_1024 = arith.constant 640 : i32
    %mul3A_1025 = arith.muli %arg1, %mul3A_1024 : i32
    %add3A_1026 = arith.constant 512 : i32
    %add3A_1027 = arith.addi %mul3A_1025, %add3A_1026 : i32
    %dma_start3A_1028 = arith.constant 0 : i32
    %dma_start3A_1029 = tpu.memref_slice %arg5[%add3A_1027, %dma_start3A_1028] : memref<10240x128xf32, #tpu.memory_space<vmem_shared>> -> memref<16x128xf32, #tpu.memory_space<vmem_shared>>
    %dma_start3A_1030 = arith.constant 0 : i32
    %dma_start3A_1031 = tpu.memref_slice %arg5[%add3A_1027, %dma_start3A_1030] : memref<10240x128xf32, #tpu.memory_space<vmem_shared>> -> memref<16x128xf32, #tpu.memory_space<vmem_shared>>
    tpu.enqueue_dma source(%arg9 : memref<16x128xf32, #tpu.memory_space<vmem>>) target(%dma_start3A_1031 : memref<16x128xf32, #tpu.memory_space<vmem_shared>>) target_semaphore(%arg12 : memref<!tpu.dma_semaphore, #tpu.memory_space<semaphore_mem>>)
    %mul3A_1032 = arith.constant 640 : i32
    %mul3A_1033 = arith.muli %arg1, %mul3A_1032 : i32
    %add3A_1034 = arith.constant 528 : i32
    %add3A_1035 = arith.addi %mul3A_1033, %add3A_1034 : i32
    %dma_start3A_1036 = arith.constant 0 : i32
    %dma_start3A_1037 = tpu.memref_slice %arg5[%add3A_1035, %dma_start3A_1036] : memref<10240x128xf32, #tpu.memory_space<vmem_shared>> -> memref<16x128xf32, #tpu.memory_space<vmem_shared>>
    %dma_start3A_1038 = arith.constant 0 : i32
    %dma_start3A_1039 = tpu.memref_slice %arg5[%add3A_1035, %dma_start3A_1038] : memref<10240x128xf32, #tpu.memory_space<vmem_shared>> -> memref<16x128xf32, #tpu.memory_space<vmem_shared>>
    tpu.enqueue_dma source(%arg9 : memref<16x128xf32, #tpu.memory_space<vmem>>) target(%dma_start3A_1039 : memref<16x128xf32, #tpu.memory_space<vmem_shared>>) target_semaphore(%arg12 : memref<!tpu.dma_semaphore, #tpu.memory_space<semaphore_mem>>)
    %mul3A_1040 = arith.constant 640 : i32
    %mul3A_1041 = arith.muli %arg1, %mul3A_1040 : i32
    %add3A_1042 = arith.constant 544 : i32
    %add3A_1043 = arith.addi %mul3A_1041, %add3A_1042 : i32
    %dma_start3A_1044 = arith.constant 0 : i32
    %dma_start3A_1045 = tpu.memref_slice %arg5[%add3A_1043, %dma_start3A_1044] : memref<10240x128xf32, #tpu.memory_space<vmem_shared>> -> memref<16x128xf32, #tpu.memory_space<vmem_shared>>
    %dma_start3A_1046 = arith.constant 0 : i32
    %dma_start3A_1047 = tpu.memref_slice %arg5[%add3A_1043, %dma_start3A_1046] : memref<10240x128xf32, #tpu.memory_space<vmem_shared>> -> memref<16x128xf32, #tpu.memory_space<vmem_shared>>
    tpu.enqueue_dma source(%arg9 : memref<16x128xf32, #tpu.memory_space<vmem>>) target(%dma_start3A_1047 : memref<16x128xf32, #tpu.memory_space<vmem_shared>>) target_semaphore(%arg12 : memref<!tpu.dma_semaphore, #tpu.memory_space<semaphore_mem>>)
    %mul3A_1048 = arith.constant 640 : i32
    %mul3A_1049 = arith.muli %arg1, %mul3A_1048 : i32
    %add3A_1050 = arith.constant 560 : i32
    %add3A_1051 = arith.addi %mul3A_1049, %add3A_1050 : i32
    %dma_start3A_1052 = arith.constant 0 : i32
    %dma_start3A_1053 = tpu.memref_slice %arg5[%add3A_1051, %dma_start3A_1052] : memref<10240x128xf32, #tpu.memory_space<vmem_shared>> -> memref<16x128xf32, #tpu.memory_space<vmem_shared>>
    %dma_start3A_1054 = arith.constant 0 : i32
    %dma_start3A_1055 = tpu.memref_slice %arg5[%add3A_1051, %dma_start3A_1054] : memref<10240x128xf32, #tpu.memory_space<vmem_shared>> -> memref<16x128xf32, #tpu.memory_space<vmem_shared>>
    tpu.enqueue_dma source(%arg9 : memref<16x128xf32, #tpu.memory_space<vmem>>) target(%dma_start3A_1055 : memref<16x128xf32, #tpu.memory_space<vmem_shared>>) target_semaphore(%arg12 : memref<!tpu.dma_semaphore, #tpu.memory_space<semaphore_mem>>)
    %mul3A_1056 = arith.constant 640 : i32
    %mul3A_1057 = arith.muli %arg1, %mul3A_1056 : i32
    %add3A_1058 = arith.constant 576 : i32
    %add3A_1059 = arith.addi %mul3A_1057, %add3A_1058 : i32
    %dma_start3A_1060 = arith.constant 0 : i32
    %dma_start3A_1061 = tpu.memref_slice %arg5[%add3A_1059, %dma_start3A_1060] : memref<10240x128xf32, #tpu.memory_space<vmem_shared>> -> memref<16x128xf32, #tpu.memory_space<vmem_shared>>
    %dma_start3A_1062 = arith.constant 0 : i32
    %dma_start3A_1063 = tpu.memref_slice %arg5[%add3A_1059, %dma_start3A_1062] : memref<10240x128xf32, #tpu.memory_space<vmem_shared>> -> memref<16x128xf32, #tpu.memory_space<vmem_shared>>
    tpu.enqueue_dma source(%arg9 : memref<16x128xf32, #tpu.memory_space<vmem>>) target(%dma_start3A_1063 : memref<16x128xf32, #tpu.memory_space<vmem_shared>>) target_semaphore(%arg12 : memref<!tpu.dma_semaphore, #tpu.memory_space<semaphore_mem>>)
    %mul3A_1064 = arith.constant 640 : i32
    %mul3A_1065 = arith.muli %arg1, %mul3A_1064 : i32
    %add3A_1066 = arith.constant 592 : i32
    %add3A_1067 = arith.addi %mul3A_1065, %add3A_1066 : i32
    %dma_start3A_1068 = arith.constant 0 : i32
    %dma_start3A_1069 = tpu.memref_slice %arg5[%add3A_1067, %dma_start3A_1068] : memref<10240x128xf32, #tpu.memory_space<vmem_shared>> -> memref<16x128xf32, #tpu.memory_space<vmem_shared>>
    %dma_start3A_1070 = arith.constant 0 : i32
    %dma_start3A_1071 = tpu.memref_slice %arg5[%add3A_1067, %dma_start3A_1070] : memref<10240x128xf32, #tpu.memory_space<vmem_shared>> -> memref<16x128xf32, #tpu.memory_space<vmem_shared>>
    tpu.enqueue_dma source(%arg9 : memref<16x128xf32, #tpu.memory_space<vmem>>) target(%dma_start3A_1071 : memref<16x128xf32, #tpu.memory_space<vmem_shared>>) target_semaphore(%arg12 : memref<!tpu.dma_semaphore, #tpu.memory_space<semaphore_mem>>)
    %mul3A_1072 = arith.constant 640 : i32
    %mul3A_1073 = arith.muli %arg1, %mul3A_1072 : i32
    %add3A_1074 = arith.constant 608 : i32
    %add3A_1075 = arith.addi %mul3A_1073, %add3A_1074 : i32
    %dma_start3A_1076 = arith.constant 0 : i32
    %dma_start3A_1077 = tpu.memref_slice %arg5[%add3A_1075, %dma_start3A_1076] : memref<10240x128xf32, #tpu.memory_space<vmem_shared>> -> memref<16x128xf32, #tpu.memory_space<vmem_shared>>
    %dma_start3A_1078 = arith.constant 0 : i32
    %dma_start3A_1079 = tpu.memref_slice %arg5[%add3A_1075, %dma_start3A_1078] : memref<10240x128xf32, #tpu.memory_space<vmem_shared>> -> memref<16x128xf32, #tpu.memory_space<vmem_shared>>
    tpu.enqueue_dma source(%arg9 : memref<16x128xf32, #tpu.memory_space<vmem>>) target(%dma_start3A_1079 : memref<16x128xf32, #tpu.memory_space<vmem_shared>>) target_semaphore(%arg12 : memref<!tpu.dma_semaphore, #tpu.memory_space<semaphore_mem>>)
    %mul3A_1080 = arith.constant 640 : i32
    %mul3A_1081 = arith.muli %arg1, %mul3A_1080 : i32
    %add3A_1082 = arith.constant 624 : i32
    %add3A_1083 = arith.addi %mul3A_1081, %add3A_1082 : i32
    %dma_start3A_1084 = arith.constant 0 : i32
    %dma_start3A_1085 = tpu.memref_slice %arg5[%add3A_1083, %dma_start3A_1084] : memref<10240x128xf32, #tpu.memory_space<vmem_shared>> -> memref<16x128xf32, #tpu.memory_space<vmem_shared>>
    %dma_start3A_1086 = arith.constant 0 : i32
    %dma_start3A_1087 = tpu.memref_slice %arg5[%add3A_1083, %dma_start3A_1086] : memref<10240x128xf32, #tpu.memory_space<vmem_shared>> -> memref<16x128xf32, #tpu.memory_space<vmem_shared>>
    tpu.enqueue_dma source(%arg9 : memref<16x128xf32, #tpu.memory_space<vmem>>) target(%dma_start3A_1087 : memref<16x128xf32, #tpu.memory_space<vmem_shared>>) target_semaphore(%arg12 : memref<!tpu.dma_semaphore, #tpu.memory_space<semaphore_mem>>)
    %run_scoped3A = arith.constant 0 : i32
    %run_scoped3A_1088 = arith.constant 0 : i32
    "tpu.region"() ({
      %run_scoped3A_1947 = tpu.sem_alloc : memref<!tpu.dma_semaphore, #tpu.memory_space<semaphore_mem>>
      %dma_start3A_1948 = arith.constant 0 : i32
      %dma_start3A_1949 = arith.constant 0 : i32
      %dma_start3A_1950 = tpu.memref_slice %arg7[%run_scoped3A_1088, %dma_start3A_1948, %dma_start3A_1949] : memref<2x16x128xi32, #tpu.memory_space<vmem>> -> memref<1x16x128xi32, #tpu.memory_space<vmem>>
      %dma_start3A_1951 = tpu.memref_squeeze %dma_start3A_1950 : memref<1x16x128xi32, #tpu.memory_space<vmem>> -> memref<16x128xi32, #tpu.memory_space<vmem>>
      %dma_start3A_1952 = arith.constant 0 : i32
      %dma_start3A_1953 = arith.constant 0 : i32
      %dma_start3A_1954 = tpu.memref_slice %arg3[%run_scoped3A, %add3A, %dma_start3A_1952, %dma_start3A_1953] : memref<2x32x80x128xi32, #tpu.memory_space<hbm>> -> memref<1x1x16x128xi32, #tpu.memory_space<hbm>>
      %dma_start3A_1955 = tpu.memref_squeeze %dma_start3A_1954 : memref<1x1x16x128xi32, #tpu.memory_space<hbm>> -> memref<16x128xi32, #tpu.memory_space<hbm>>
      %dma_start3A_1956 = arith.constant 0 : i32
      %dma_start3A_1957 = arith.constant 0 : i32
      %dma_start3A_1958 = tpu.memref_slice %arg7[%run_scoped3A_1088, %dma_start3A_1956, %dma_start3A_1957] : memref<2x16x128xi32, #tpu.memory_space<vmem>> -> memref<1x16x128xi32, #tpu.memory_space<vmem>>
      %dma_start3A_1959 = tpu.memref_squeeze %dma_start3A_1958 : memref<1x16x128xi32, #tpu.memory_space<vmem>> -> memref<16x128xi32, #tpu.memory_space<vmem>>
      %dma_start3A_1960 = arith.constant 0 : i32
      %dma_start3A_1961 = arith.constant 0 : i32
      %dma_start3A_1962 = tpu.memref_slice %arg3[%run_scoped3A, %add3A, %dma_start3A_1960, %dma_start3A_1961] : memref<2x32x80x128xi32, #tpu.memory_space<hbm>> -> memref<1x1x16x128xi32, #tpu.memory_space<hbm>>
      %dma_start3A_1963 = tpu.memref_squeeze %dma_start3A_1962 : memref<1x1x16x128xi32, #tpu.memory_space<hbm>> -> memref<16x128xi32, #tpu.memory_space<hbm>>
      tpu.enqueue_dma source(%dma_start3A_1963 : memref<16x128xi32, #tpu.memory_space<hbm>>) target(%dma_start3A_1959 : memref<16x128xi32, #tpu.memory_space<vmem>>) target_semaphore(%run_scoped3A_1947 : memref<!tpu.dma_semaphore, #tpu.memory_space<semaphore_mem>>)
      %dma_wait3A_1964 = arith.constant 0 : i32
      %dma_wait3A_1965 = arith.constant 0 : i32
      %dma_wait3A_1966 = tpu.memref_slice %arg7[%run_scoped3A_1088, %dma_wait3A_1964, %dma_wait3A_1965] : memref<2x16x128xi32, #tpu.memory_space<vmem>> -> memref<1x16x128xi32, #tpu.memory_space<vmem>>
      %dma_wait3A_1967 = tpu.memref_squeeze %dma_wait3A_1966 : memref<1x16x128xi32, #tpu.memory_space<vmem>> -> memref<16x128xi32, #tpu.memory_space<vmem>>
      %dma_wait3A_1968 = arith.constant 0 : i32
      %dma_wait3A_1969 = arith.constant 0 : i32
      %dma_wait3A_1970 = tpu.memref_slice %arg3[%run_scoped3A, %add3A, %dma_wait3A_1968, %dma_wait3A_1969] : memref<2x32x80x128xi32, #tpu.memory_space<hbm>> -> memref<1x1x16x128xi32, #tpu.memory_space<hbm>>
      %dma_wait3A_1971 = tpu.memref_squeeze %dma_wait3A_1970 : memref<1x1x16x128xi32, #tpu.memory_space<hbm>> -> memref<16x128xi32, #tpu.memory_space<hbm>>
      %dma_wait3A_1972 = arith.constant 0 : i32
      %dma_wait3A_1973 = arith.constant 0 : i32
      %dma_wait3A_1974 = tpu.memref_slice %arg7[%run_scoped3A_1088, %dma_wait3A_1972, %dma_wait3A_1973] : memref<2x16x128xi32, #tpu.memory_space<vmem>> -> memref<1x16x128xi32, #tpu.memory_space<vmem>>
      %dma_wait3A_1975 = tpu.memref_squeeze %dma_wait3A_1974 : memref<1x16x128xi32, #tpu.memory_space<vmem>> -> memref<16x128xi32, #tpu.memory_space<vmem>>
      %dma_wait3A_1976 = arith.constant 0 : i32
      %dma_wait3A_1977 = arith.constant 0 : i32
      %dma_wait3A_1978 = tpu.memref_slice %arg3[%run_scoped3A, %add3A, %dma_wait3A_1976, %dma_wait3A_1977] : memref<2x32x80x128xi32, #tpu.memory_space<hbm>> -> memref<1x1x16x128xi32, #tpu.memory_space<hbm>>
      %dma_wait3A_1979 = tpu.memref_squeeze %dma_wait3A_1978 : memref<1x1x16x128xi32, #tpu.memory_space<hbm>> -> memref<16x128xi32, #tpu.memory_space<hbm>>
      tpu.wait_dma2 semaphore(%run_scoped3A_1947 : memref<!tpu.dma_semaphore, #tpu.memory_space<semaphore_mem>>) src(%dma_wait3A_1979 : memref<16x128xi32, #tpu.memory_space<hbm>>) dst(%dma_wait3A_1975 : memref<16x128xi32, #tpu.memory_space<vmem>>)
      tpu.yield
    }) : () -> ()
    %run_scoped3A_1089 = arith.constant 1 : i32
    %run_scoped3A_1090 = arith.constant 0 : i32
    "tpu.region"() ({
      %run_scoped3A_1947 = tpu.sem_alloc : memref<!tpu.dma_semaphore, #tpu.memory_space<semaphore_mem>>
      %dma_start3A_1948 = arith.constant 0 : i32
      %dma_start3A_1949 = arith.constant 0 : i32
      %dma_start3A_1950 = tpu.memref_slice %arg8[%run_scoped3A_1090, %dma_start3A_1948, %dma_start3A_1949] : memref<2x16x128xi32, #tpu.memory_space<vmem>> -> memref<1x16x128xi32, #tpu.memory_space<vmem>>
      %dma_start3A_1951 = tpu.memref_squeeze %dma_start3A_1950 : memref<1x16x128xi32, #tpu.memory_space<vmem>> -> memref<16x128xi32, #tpu.memory_space<vmem>>
      %dma_start3A_1952 = arith.constant 0 : i32
      %dma_start3A_1953 = arith.constant 0 : i32
      %dma_start3A_1954 = tpu.memref_slice %arg3[%run_scoped3A_1089, %add3A, %dma_start3A_1952, %dma_start3A_1953] : memref<2x32x80x128xi32, #tpu.memory_space<hbm>> -> memref<1x1x16x128xi32, #tpu.memory_space<hbm>>
      %dma_start3A_1955 = tpu.memref_squeeze %dma_start3A_1954 : memref<1x1x16x128xi32, #tpu.memory_space<hbm>> -> memref<16x128xi32, #tpu.memory_space<hbm>>
      %dma_start3A_1956 = arith.constant 0 : i32
      %dma_start3A_1957 = arith.constant 0 : i32
      %dma_start3A_1958 = tpu.memref_slice %arg8[%run_scoped3A_1090, %dma_start3A_1956, %dma_start3A_1957] : memref<2x16x128xi32, #tpu.memory_space<vmem>> -> memref<1x16x128xi32, #tpu.memory_space<vmem>>
      %dma_start3A_1959 = tpu.memref_squeeze %dma_start3A_1958 : memref<1x16x128xi32, #tpu.memory_space<vmem>> -> memref<16x128xi32, #tpu.memory_space<vmem>>
      %dma_start3A_1960 = arith.constant 0 : i32
      %dma_start3A_1961 = arith.constant 0 : i32
      %dma_start3A_1962 = tpu.memref_slice %arg3[%run_scoped3A_1089, %add3A, %dma_start3A_1960, %dma_start3A_1961] : memref<2x32x80x128xi32, #tpu.memory_space<hbm>> -> memref<1x1x16x128xi32, #tpu.memory_space<hbm>>
      %dma_start3A_1963 = tpu.memref_squeeze %dma_start3A_1962 : memref<1x1x16x128xi32, #tpu.memory_space<hbm>> -> memref<16x128xi32, #tpu.memory_space<hbm>>
      tpu.enqueue_dma source(%dma_start3A_1963 : memref<16x128xi32, #tpu.memory_space<hbm>>) target(%dma_start3A_1959 : memref<16x128xi32, #tpu.memory_space<vmem>>) target_semaphore(%run_scoped3A_1947 : memref<!tpu.dma_semaphore, #tpu.memory_space<semaphore_mem>>)
      %dma_wait3A_1964 = arith.constant 0 : i32
      %dma_wait3A_1965 = arith.constant 0 : i32
      %dma_wait3A_1966 = tpu.memref_slice %arg8[%run_scoped3A_1090, %dma_wait3A_1964, %dma_wait3A_1965] : memref<2x16x128xi32, #tpu.memory_space<vmem>> -> memref<1x16x128xi32, #tpu.memory_space<vmem>>
      %dma_wait3A_1967 = tpu.memref_squeeze %dma_wait3A_1966 : memref<1x16x128xi32, #tpu.memory_space<vmem>> -> memref<16x128xi32, #tpu.memory_space<vmem>>
      %dma_wait3A_1968 = arith.constant 0 : i32
      %dma_wait3A_1969 = arith.constant 0 : i32
      %dma_wait3A_1970 = tpu.memref_slice %arg3[%run_scoped3A_1089, %add3A, %dma_wait3A_1968, %dma_wait3A_1969] : memref<2x32x80x128xi32, #tpu.memory_space<hbm>> -> memref<1x1x16x128xi32, #tpu.memory_space<hbm>>
      %dma_wait3A_1971 = tpu.memref_squeeze %dma_wait3A_1970 : memref<1x1x16x128xi32, #tpu.memory_space<hbm>> -> memref<16x128xi32, #tpu.memory_space<hbm>>
      %dma_wait3A_1972 = arith.constant 0 : i32
      %dma_wait3A_1973 = arith.constant 0 : i32
      %dma_wait3A_1974 = tpu.memref_slice %arg8[%run_scoped3A_1090, %dma_wait3A_1972, %dma_wait3A_1973] : memref<2x16x128xi32, #tpu.memory_space<vmem>> -> memref<1x16x128xi32, #tpu.memory_space<vmem>>
      %dma_wait3A_1975 = tpu.memref_squeeze %dma_wait3A_1974 : memref<1x16x128xi32, #tpu.memory_space<vmem>> -> memref<16x128xi32, #tpu.memory_space<vmem>>
      %dma_wait3A_1976 = arith.constant 0 : i32
      %dma_wait3A_1977 = arith.constant 0 : i32
      %dma_wait3A_1978 = tpu.memref_slice %arg3[%run_scoped3A_1089, %add3A, %dma_wait3A_1976, %dma_wait3A_1977] : memref<2x32x80x128xi32, #tpu.memory_space<hbm>> -> memref<1x1x16x128xi32, #tpu.memory_space<hbm>>
      %dma_wait3A_1979 = tpu.memref_squeeze %dma_wait3A_1978 : memref<1x1x16x128xi32, #tpu.memory_space<hbm>> -> memref<16x128xi32, #tpu.memory_space<hbm>>
      tpu.wait_dma2 semaphore(%run_scoped3A_1947 : memref<!tpu.dma_semaphore, #tpu.memory_space<semaphore_mem>>) src(%dma_wait3A_1979 : memref<16x128xi32, #tpu.memory_space<hbm>>) dst(%dma_wait3A_1975 : memref<16x128xi32, #tpu.memory_space<vmem>>)
      tpu.yield
    }) : () -> ()
    %dma_wait3A = arith.constant 0 : i32
    %dma_wait3A_1091 = arith.constant 0 : i32
    %dma_wait3A_1092 = tpu.memref_slice %arg5[%dma_wait3A, %dma_wait3A_1091] : memref<10240x128xf32, #tpu.memory_space<vmem_shared>> -> memref<16x128xf32, #tpu.memory_space<vmem_shared>>
    %dma_wait3A_1093 = arith.constant 0 : i32
    %dma_wait3A_1094 = arith.constant 0 : i32
    %dma_wait3A_1095 = tpu.memref_slice %arg5[%dma_wait3A_1093, %dma_wait3A_1094] : memref<10240x128xf32, #tpu.memory_space<vmem_shared>> -> memref<16x128xf32, #tpu.memory_space<vmem_shared>>
    tpu.wait_dma2 semaphore(%arg12 : memref<!tpu.dma_semaphore, #tpu.memory_space<semaphore_mem>>) src(%arg9 : memref<16x128xf32, #tpu.memory_space<vmem>>) dst(%dma_wait3A_1095 : memref<16x128xf32, #tpu.memory_space<vmem_shared>>)
    %dma_wait3A_1096 = arith.constant 0 : i32
    %dma_wait3A_1097 = arith.constant 0 : i32
    %dma_wait3A_1098 = tpu.memref_slice %arg5[%dma_wait3A_1096, %dma_wait3A_1097] : memref<10240x128xf32, #tpu.memory_space<vmem_shared>> -> memref<16x128xf32, #tpu.memory_space<vmem_shared>>
    %dma_wait3A_1099 = arith.constant 0 : i32
    %dma_wait3A_1100 = arith.constant 0 : i32
    %dma_wait3A_1101 = tpu.memref_slice %arg5[%dma_wait3A_1099, %dma_wait3A_1100] : memref<10240x128xf32, #tpu.memory_space<vmem_shared>> -> memref<16x128xf32, #tpu.memory_space<vmem_shared>>
    tpu.wait_dma2 semaphore(%arg12 : memref<!tpu.dma_semaphore, #tpu.memory_space<semaphore_mem>>) src(%arg9 : memref<16x128xf32, #tpu.memory_space<vmem>>) dst(%dma_wait3A_1101 : memref<16x128xf32, #tpu.memory_space<vmem_shared>>)
    %dma_wait3A_1102 = arith.constant 0 : i32
    %dma_wait3A_1103 = arith.constant 0 : i32
    %dma_wait3A_1104 = tpu.memref_slice %arg5[%dma_wait3A_1102, %dma_wait3A_1103] : memref<10240x128xf32, #tpu.memory_space<vmem_shared>> -> memref<16x128xf32, #tpu.memory_space<vmem_shared>>
    %dma_wait3A_1105 = arith.constant 0 : i32
    %dma_wait3A_1106 = arith.constant 0 : i32
    %dma_wait3A_1107 = tpu.memref_slice %arg5[%dma_wait3A_1105, %dma_wait3A_1106] : memref<10240x128xf32, #tpu.memory_space<vmem_shared>> -> memref<16x128xf32, #tpu.memory_space<vmem_shared>>
    tpu.wait_dma2 semaphore(%arg12 : memref<!tpu.dma_semaphore, #tpu.memory_space<semaphore_mem>>) src(%arg9 : memref<16x128xf32, #tpu.memory_space<vmem>>) dst(%dma_wait3A_1107 : memref<16x128xf32, #tpu.memory_space<vmem_shared>>)
    %dma_wait3A_1108 = arith.constant 0 : i32
    %dma_wait3A_1109 = arith.constant 0 : i32
    %dma_wait3A_1110 = tpu.memref_slice %arg5[%dma_wait3A_1108, %dma_wait3A_1109] : memref<10240x128xf32, #tpu.memory_space<vmem_shared>> -> memref<16x128xf32, #tpu.memory_space<vmem_shared>>
    %dma_wait3A_1111 = arith.constant 0 : i32
    %dma_wait3A_1112 = arith.constant 0 : i32
    %dma_wait3A_1113 = tpu.memref_slice %arg5[%dma_wait3A_1111, %dma_wait3A_1112] : memref<10240x128xf32, #tpu.memory_space<vmem_shared>> -> memref<16x128xf32, #tpu.memory_space<vmem_shared>>
    tpu.wait_dma2 semaphore(%arg12 : memref<!tpu.dma_semaphore, #tpu.memory_space<semaphore_mem>>) src(%arg9 : memref<16x128xf32, #tpu.memory_space<vmem>>) dst(%dma_wait3A_1113 : memref<16x128xf32, #tpu.memory_space<vmem_shared>>)
    %dma_wait3A_1114 = arith.constant 0 : i32
    %dma_wait3A_1115 = arith.constant 0 : i32
    %dma_wait3A_1116 = tpu.memref_slice %arg5[%dma_wait3A_1114, %dma_wait3A_1115] : memref<10240x128xf32, #tpu.memory_space<vmem_shared>> -> memref<16x128xf32, #tpu.memory_space<vmem_shared>>
    %dma_wait3A_1117 = arith.constant 0 : i32
    %dma_wait3A_1118 = arith.constant 0 : i32
    %dma_wait3A_1119 = tpu.memref_slice %arg5[%dma_wait3A_1117, %dma_wait3A_1118] : memref<10240x128xf32, #tpu.memory_space<vmem_shared>> -> memref<16x128xf32, #tpu.memory_space<vmem_shared>>
    tpu.wait_dma2 semaphore(%arg12 : memref<!tpu.dma_semaphore, #tpu.memory_space<semaphore_mem>>) src(%arg9 : memref<16x128xf32, #tpu.memory_space<vmem>>) dst(%dma_wait3A_1119 : memref<16x128xf32, #tpu.memory_space<vmem_shared>>)
    %dma_wait3A_1120 = arith.constant 0 : i32
    %dma_wait3A_1121 = arith.constant 0 : i32
    %dma_wait3A_1122 = tpu.memref_slice %arg5[%dma_wait3A_1120, %dma_wait3A_1121] : memref<10240x128xf32, #tpu.memory_space<vmem_shared>> -> memref<16x128xf32, #tpu.memory_space<vmem_shared>>
    %dma_wait3A_1123 = arith.constant 0 : i32
    %dma_wait3A_1124 = arith.constant 0 : i32
    %dma_wait3A_1125 = tpu.memref_slice %arg5[%dma_wait3A_1123, %dma_wait3A_1124] : memref<10240x128xf32, #tpu.memory_space<vmem_shared>> -> memref<16x128xf32, #tpu.memory_space<vmem_shared>>
    tpu.wait_dma2 semaphore(%arg12 : memref<!tpu.dma_semaphore, #tpu.memory_space<semaphore_mem>>) src(%arg9 : memref<16x128xf32, #tpu.memory_space<vmem>>) dst(%dma_wait3A_1125 : memref<16x128xf32, #tpu.memory_space<vmem_shared>>)
    %dma_wait3A_1126 = arith.constant 0 : i32
    %dma_wait3A_1127 = arith.constant 0 : i32
    %dma_wait3A_1128 = tpu.memref_slice %arg5[%dma_wait3A_1126, %dma_wait3A_1127] : memref<10240x128xf32, #tpu.memory_space<vmem_shared>> -> memref<16x128xf32, #tpu.memory_space<vmem_shared>>
    %dma_wait3A_1129 = arith.constant 0 : i32
    %dma_wait3A_1130 = arith.constant 0 : i32
    %dma_wait3A_1131 = tpu.memref_slice %arg5[%dma_wait3A_1129, %dma_wait3A_1130] : memref<10240x128xf32, #tpu.memory_space<vmem_shared>> -> memref<16x128xf32, #tpu.memory_space<vmem_shared>>
    tpu.wait_dma2 semaphore(%arg12 : memref<!tpu.dma_semaphore, #tpu.memory_space<semaphore_mem>>) src(%arg9 : memref<16x128xf32, #tpu.memory_space<vmem>>) dst(%dma_wait3A_1131 : memref<16x128xf32, #tpu.memory_space<vmem_shared>>)
    %dma_wait3A_1132 = arith.constant 0 : i32
    %dma_wait3A_1133 = arith.constant 0 : i32
    %dma_wait3A_1134 = tpu.memref_slice %arg5[%dma_wait3A_1132, %dma_wait3A_1133] : memref<10240x128xf32, #tpu.memory_space<vmem_shared>> -> memref<16x128xf32, #tpu.memory_space<vmem_shared>>
    %dma_wait3A_1135 = arith.constant 0 : i32
    %dma_wait3A_1136 = arith.constant 0 : i32
    %dma_wait3A_1137 = tpu.memref_slice %arg5[%dma_wait3A_1135, %dma_wait3A_1136] : memref<10240x128xf32, #tpu.memory_space<vmem_shared>> -> memref<16x128xf32, #tpu.memory_space<vmem_shared>>
    tpu.wait_dma2 semaphore(%arg12 : memref<!tpu.dma_semaphore, #tpu.memory_space<semaphore_mem>>) src(%arg9 : memref<16x128xf32, #tpu.memory_space<vmem>>) dst(%dma_wait3A_1137 : memref<16x128xf32, #tpu.memory_space<vmem_shared>>)
    %dma_wait3A_1138 = arith.constant 0 : i32
    %dma_wait3A_1139 = arith.constant 0 : i32
    %dma_wait3A_1140 = tpu.memref_slice %arg5[%dma_wait3A_1138, %dma_wait3A_1139] : memref<10240x128xf32, #tpu.memory_space<vmem_shared>> -> memref<16x128xf32, #tpu.memory_space<vmem_shared>>
    %dma_wait3A_1141 = arith.constant 0 : i32
    %dma_wait3A_1142 = arith.constant 0 : i32
    %dma_wait3A_1143 = tpu.memref_slice %arg5[%dma_wait3A_1141, %dma_wait3A_1142] : memref<10240x128xf32, #tpu.memory_space<vmem_shared>> -> memref<16x128xf32, #tpu.memory_space<vmem_shared>>
    tpu.wait_dma2 semaphore(%arg12 : memref<!tpu.dma_semaphore, #tpu.memory_space<semaphore_mem>>) src(%arg9 : memref<16x128xf32, #tpu.memory_space<vmem>>) dst(%dma_wait3A_1143 : memref<16x128xf32, #tpu.memory_space<vmem_shared>>)
    %dma_wait3A_1144 = arith.constant 0 : i32
    %dma_wait3A_1145 = arith.constant 0 : i32
    %dma_wait3A_1146 = tpu.memref_slice %arg5[%dma_wait3A_1144, %dma_wait3A_1145] : memref<10240x128xf32, #tpu.memory_space<vmem_shared>> -> memref<16x128xf32, #tpu.memory_space<vmem_shared>>
    %dma_wait3A_1147 = arith.constant 0 : i32
    %dma_wait3A_1148 = arith.constant 0 : i32
    %dma_wait3A_1149 = tpu.memref_slice %arg5[%dma_wait3A_1147, %dma_wait3A_1148] : memref<10240x128xf32, #tpu.memory_space<vmem_shared>> -> memref<16x128xf32, #tpu.memory_space<vmem_shared>>
    tpu.wait_dma2 semaphore(%arg12 : memref<!tpu.dma_semaphore, #tpu.memory_space<semaphore_mem>>) src(%arg9 : memref<16x128xf32, #tpu.memory_space<vmem>>) dst(%dma_wait3A_1149 : memref<16x128xf32, #tpu.memory_space<vmem_shared>>)
    %dma_wait3A_1150 = arith.constant 0 : i32
    %dma_wait3A_1151 = arith.constant 0 : i32
    %dma_wait3A_1152 = tpu.memref_slice %arg5[%dma_wait3A_1150, %dma_wait3A_1151] : memref<10240x128xf32, #tpu.memory_space<vmem_shared>> -> memref<16x128xf32, #tpu.memory_space<vmem_shared>>
    %dma_wait3A_1153 = arith.constant 0 : i32
    %dma_wait3A_1154 = arith.constant 0 : i32
    %dma_wait3A_1155 = tpu.memref_slice %arg5[%dma_wait3A_1153, %dma_wait3A_1154] : memref<10240x128xf32, #tpu.memory_space<vmem_shared>> -> memref<16x128xf32, #tpu.memory_space<vmem_shared>>
    tpu.wait_dma2 semaphore(%arg12 : memref<!tpu.dma_semaphore, #tpu.memory_space<semaphore_mem>>) src(%arg9 : memref<16x128xf32, #tpu.memory_space<vmem>>) dst(%dma_wait3A_1155 : memref<16x128xf32, #tpu.memory_space<vmem_shared>>)
    %dma_wait3A_1156 = arith.constant 0 : i32
    %dma_wait3A_1157 = arith.constant 0 : i32
    %dma_wait3A_1158 = tpu.memref_slice %arg5[%dma_wait3A_1156, %dma_wait3A_1157] : memref<10240x128xf32, #tpu.memory_space<vmem_shared>> -> memref<16x128xf32, #tpu.memory_space<vmem_shared>>
    %dma_wait3A_1159 = arith.constant 0 : i32
    %dma_wait3A_1160 = arith.constant 0 : i32
    %dma_wait3A_1161 = tpu.memref_slice %arg5[%dma_wait3A_1159, %dma_wait3A_1160] : memref<10240x128xf32, #tpu.memory_space<vmem_shared>> -> memref<16x128xf32, #tpu.memory_space<vmem_shared>>
    tpu.wait_dma2 semaphore(%arg12 : memref<!tpu.dma_semaphore, #tpu.memory_space<semaphore_mem>>) src(%arg9 : memref<16x128xf32, #tpu.memory_space<vmem>>) dst(%dma_wait3A_1161 : memref<16x128xf32, #tpu.memory_space<vmem_shared>>)
    %dma_wait3A_1162 = arith.constant 0 : i32
    %dma_wait3A_1163 = arith.constant 0 : i32
    %dma_wait3A_1164 = tpu.memref_slice %arg5[%dma_wait3A_1162, %dma_wait3A_1163] : memref<10240x128xf32, #tpu.memory_space<vmem_shared>> -> memref<16x128xf32, #tpu.memory_space<vmem_shared>>
    %dma_wait3A_1165 = arith.constant 0 : i32
    %dma_wait3A_1166 = arith.constant 0 : i32
    %dma_wait3A_1167 = tpu.memref_slice %arg5[%dma_wait3A_1165, %dma_wait3A_1166] : memref<10240x128xf32, #tpu.memory_space<vmem_shared>> -> memref<16x128xf32, #tpu.memory_space<vmem_shared>>
    tpu.wait_dma2 semaphore(%arg12 : memref<!tpu.dma_semaphore, #tpu.memory_space<semaphore_mem>>) src(%arg9 : memref<16x128xf32, #tpu.memory_space<vmem>>) dst(%dma_wait3A_1167 : memref<16x128xf32, #tpu.memory_space<vmem_shared>>)
    %dma_wait3A_1168 = arith.constant 0 : i32
    %dma_wait3A_1169 = arith.constant 0 : i32
    %dma_wait3A_1170 = tpu.memref_slice %arg5[%dma_wait3A_1168, %dma_wait3A_1169] : memref<10240x128xf32, #tpu.memory_space<vmem_shared>> -> memref<16x128xf32, #tpu.memory_space<vmem_shared>>
    %dma_wait3A_1171 = arith.constant 0 : i32
    %dma_wait3A_1172 = arith.constant 0 : i32
    %dma_wait3A_1173 = tpu.memref_slice %arg5[%dma_wait3A_1171, %dma_wait3A_1172] : memref<10240x128xf32, #tpu.memory_space<vmem_shared>> -> memref<16x128xf32, #tpu.memory_space<vmem_shared>>
    tpu.wait_dma2 semaphore(%arg12 : memref<!tpu.dma_semaphore, #tpu.memory_space<semaphore_mem>>) src(%arg9 : memref<16x128xf32, #tpu.memory_space<vmem>>) dst(%dma_wait3A_1173 : memref<16x128xf32, #tpu.memory_space<vmem_shared>>)
    %dma_wait3A_1174 = arith.constant 0 : i32
    %dma_wait3A_1175 = arith.constant 0 : i32
    %dma_wait3A_1176 = tpu.memref_slice %arg5[%dma_wait3A_1174, %dma_wait3A_1175] : memref<10240x128xf32, #tpu.memory_space<vmem_shared>> -> memref<16x128xf32, #tpu.memory_space<vmem_shared>>
    %dma_wait3A_1177 = arith.constant 0 : i32
    %dma_wait3A_1178 = arith.constant 0 : i32
    %dma_wait3A_1179 = tpu.memref_slice %arg5[%dma_wait3A_1177, %dma_wait3A_1178] : memref<10240x128xf32, #tpu.memory_space<vmem_shared>> -> memref<16x128xf32, #tpu.memory_space<vmem_shared>>
    tpu.wait_dma2 semaphore(%arg12 : memref<!tpu.dma_semaphore, #tpu.memory_space<semaphore_mem>>) src(%arg9 : memref<16x128xf32, #tpu.memory_space<vmem>>) dst(%dma_wait3A_1179 : memref<16x128xf32, #tpu.memory_space<vmem_shared>>)
    %dma_wait3A_1180 = arith.constant 0 : i32
    %dma_wait3A_1181 = arith.constant 0 : i32
    %dma_wait3A_1182 = tpu.memref_slice %arg5[%dma_wait3A_1180, %dma_wait3A_1181] : memref<10240x128xf32, #tpu.memory_space<vmem_shared>> -> memref<16x128xf32, #tpu.memory_space<vmem_shared>>
    %dma_wait3A_1183 = arith.constant 0 : i32
    %dma_wait3A_1184 = arith.constant 0 : i32
    %dma_wait3A_1185 = tpu.memref_slice %arg5[%dma_wait3A_1183, %dma_wait3A_1184] : memref<10240x128xf32, #tpu.memory_space<vmem_shared>> -> memref<16x128xf32, #tpu.memory_space<vmem_shared>>
    tpu.wait_dma2 semaphore(%arg12 : memref<!tpu.dma_semaphore, #tpu.memory_space<semaphore_mem>>) src(%arg9 : memref<16x128xf32, #tpu.memory_space<vmem>>) dst(%dma_wait3A_1185 : memref<16x128xf32, #tpu.memory_space<vmem_shared>>)
    %dma_wait3A_1186 = arith.constant 0 : i32
    %dma_wait3A_1187 = arith.constant 0 : i32
    %dma_wait3A_1188 = tpu.memref_slice %arg5[%dma_wait3A_1186, %dma_wait3A_1187] : memref<10240x128xf32, #tpu.memory_space<vmem_shared>> -> memref<16x128xf32, #tpu.memory_space<vmem_shared>>
    %dma_wait3A_1189 = arith.constant 0 : i32
    %dma_wait3A_1190 = arith.constant 0 : i32
    %dma_wait3A_1191 = tpu.memref_slice %arg5[%dma_wait3A_1189, %dma_wait3A_1190] : memref<10240x128xf32, #tpu.memory_space<vmem_shared>> -> memref<16x128xf32, #tpu.memory_space<vmem_shared>>
    tpu.wait_dma2 semaphore(%arg12 : memref<!tpu.dma_semaphore, #tpu.memory_space<semaphore_mem>>) src(%arg9 : memref<16x128xf32, #tpu.memory_space<vmem>>) dst(%dma_wait3A_1191 : memref<16x128xf32, #tpu.memory_space<vmem_shared>>)
    %dma_wait3A_1192 = arith.constant 0 : i32
    %dma_wait3A_1193 = arith.constant 0 : i32
    %dma_wait3A_1194 = tpu.memref_slice %arg5[%dma_wait3A_1192, %dma_wait3A_1193] : memref<10240x128xf32, #tpu.memory_space<vmem_shared>> -> memref<16x128xf32, #tpu.memory_space<vmem_shared>>
    %dma_wait3A_1195 = arith.constant 0 : i32
    %dma_wait3A_1196 = arith.constant 0 : i32
    %dma_wait3A_1197 = tpu.memref_slice %arg5[%dma_wait3A_1195, %dma_wait3A_1196] : memref<10240x128xf32, #tpu.memory_space<vmem_shared>> -> memref<16x128xf32, #tpu.memory_space<vmem_shared>>
    tpu.wait_dma2 semaphore(%arg12 : memref<!tpu.dma_semaphore, #tpu.memory_space<semaphore_mem>>) src(%arg9 : memref<16x128xf32, #tpu.memory_space<vmem>>) dst(%dma_wait3A_1197 : memref<16x128xf32, #tpu.memory_space<vmem_shared>>)
    %dma_wait3A_1198 = arith.constant 0 : i32
    %dma_wait3A_1199 = arith.constant 0 : i32
    %dma_wait3A_1200 = tpu.memref_slice %arg5[%dma_wait3A_1198, %dma_wait3A_1199] : memref<10240x128xf32, #tpu.memory_space<vmem_shared>> -> memref<16x128xf32, #tpu.memory_space<vmem_shared>>
    %dma_wait3A_1201 = arith.constant 0 : i32
    %dma_wait3A_1202 = arith.constant 0 : i32
    %dma_wait3A_1203 = tpu.memref_slice %arg5[%dma_wait3A_1201, %dma_wait3A_1202] : memref<10240x128xf32, #tpu.memory_space<vmem_shared>> -> memref<16x128xf32, #tpu.memory_space<vmem_shared>>
    tpu.wait_dma2 semaphore(%arg12 : memref<!tpu.dma_semaphore, #tpu.memory_space<semaphore_mem>>) src(%arg9 : memref<16x128xf32, #tpu.memory_space<vmem>>) dst(%dma_wait3A_1203 : memref<16x128xf32, #tpu.memory_space<vmem_shared>>)
    %dma_wait3A_1204 = arith.constant 0 : i32
    %dma_wait3A_1205 = arith.constant 0 : i32
    %dma_wait3A_1206 = tpu.memref_slice %arg5[%dma_wait3A_1204, %dma_wait3A_1205] : memref<10240x128xf32, #tpu.memory_space<vmem_shared>> -> memref<16x128xf32, #tpu.memory_space<vmem_shared>>
    %dma_wait3A_1207 = arith.constant 0 : i32
    %dma_wait3A_1208 = arith.constant 0 : i32
    %dma_wait3A_1209 = tpu.memref_slice %arg5[%dma_wait3A_1207, %dma_wait3A_1208] : memref<10240x128xf32, #tpu.memory_space<vmem_shared>> -> memref<16x128xf32, #tpu.memory_space<vmem_shared>>
    tpu.wait_dma2 semaphore(%arg12 : memref<!tpu.dma_semaphore, #tpu.memory_space<semaphore_mem>>) src(%arg9 : memref<16x128xf32, #tpu.memory_space<vmem>>) dst(%dma_wait3A_1209 : memref<16x128xf32, #tpu.memory_space<vmem_shared>>)
    %dma_wait3A_1210 = arith.constant 0 : i32
    %dma_wait3A_1211 = arith.constant 0 : i32
    %dma_wait3A_1212 = tpu.memref_slice %arg5[%dma_wait3A_1210, %dma_wait3A_1211] : memref<10240x128xf32, #tpu.memory_space<vmem_shared>> -> memref<16x128xf32, #tpu.memory_space<vmem_shared>>
    %dma_wait3A_1213 = arith.constant 0 : i32
    %dma_wait3A_1214 = arith.constant 0 : i32
    %dma_wait3A_1215 = tpu.memref_slice %arg5[%dma_wait3A_1213, %dma_wait3A_1214] : memref<10240x128xf32, #tpu.memory_space<vmem_shared>> -> memref<16x128xf32, #tpu.memory_space<vmem_shared>>
    tpu.wait_dma2 semaphore(%arg12 : memref<!tpu.dma_semaphore, #tpu.memory_space<semaphore_mem>>) src(%arg9 : memref<16x128xf32, #tpu.memory_space<vmem>>) dst(%dma_wait3A_1215 : memref<16x128xf32, #tpu.memory_space<vmem_shared>>)
    %dma_wait3A_1216 = arith.constant 0 : i32
    %dma_wait3A_1217 = arith.constant 0 : i32
    %dma_wait3A_1218 = tpu.memref_slice %arg5[%dma_wait3A_1216, %dma_wait3A_1217] : memref<10240x128xf32, #tpu.memory_space<vmem_shared>> -> memref<16x128xf32, #tpu.memory_space<vmem_shared>>
    %dma_wait3A_1219 = arith.constant 0 : i32
    %dma_wait3A_1220 = arith.constant 0 : i32
    %dma_wait3A_1221 = tpu.memref_slice %arg5[%dma_wait3A_1219, %dma_wait3A_1220] : memref<10240x128xf32, #tpu.memory_space<vmem_shared>> -> memref<16x128xf32, #tpu.memory_space<vmem_shared>>
    tpu.wait_dma2 semaphore(%arg12 : memref<!tpu.dma_semaphore, #tpu.memory_space<semaphore_mem>>) src(%arg9 : memref<16x128xf32, #tpu.memory_space<vmem>>) dst(%dma_wait3A_1221 : memref<16x128xf32, #tpu.memory_space<vmem_shared>>)
    %dma_wait3A_1222 = arith.constant 0 : i32
    %dma_wait3A_1223 = arith.constant 0 : i32
    %dma_wait3A_1224 = tpu.memref_slice %arg5[%dma_wait3A_1222, %dma_wait3A_1223] : memref<10240x128xf32, #tpu.memory_space<vmem_shared>> -> memref<16x128xf32, #tpu.memory_space<vmem_shared>>
    %dma_wait3A_1225 = arith.constant 0 : i32
    %dma_wait3A_1226 = arith.constant 0 : i32
    %dma_wait3A_1227 = tpu.memref_slice %arg5[%dma_wait3A_1225, %dma_wait3A_1226] : memref<10240x128xf32, #tpu.memory_space<vmem_shared>> -> memref<16x128xf32, #tpu.memory_space<vmem_shared>>
    tpu.wait_dma2 semaphore(%arg12 : memref<!tpu.dma_semaphore, #tpu.memory_space<semaphore_mem>>) src(%arg9 : memref<16x128xf32, #tpu.memory_space<vmem>>) dst(%dma_wait3A_1227 : memref<16x128xf32, #tpu.memory_space<vmem_shared>>)
    %dma_wait3A_1228 = arith.constant 0 : i32
    %dma_wait3A_1229 = arith.constant 0 : i32
    %dma_wait3A_1230 = tpu.memref_slice %arg5[%dma_wait3A_1228, %dma_wait3A_1229] : memref<10240x128xf32, #tpu.memory_space<vmem_shared>> -> memref<16x128xf32, #tpu.memory_space<vmem_shared>>
    %dma_wait3A_1231 = arith.constant 0 : i32
    %dma_wait3A_1232 = arith.constant 0 : i32
    %dma_wait3A_1233 = tpu.memref_slice %arg5[%dma_wait3A_1231, %dma_wait3A_1232] : memref<10240x128xf32, #tpu.memory_space<vmem_shared>> -> memref<16x128xf32, #tpu.memory_space<vmem_shared>>
    tpu.wait_dma2 semaphore(%arg12 : memref<!tpu.dma_semaphore, #tpu.memory_space<semaphore_mem>>) src(%arg9 : memref<16x128xf32, #tpu.memory_space<vmem>>) dst(%dma_wait3A_1233 : memref<16x128xf32, #tpu.memory_space<vmem_shared>>)
    %dma_wait3A_1234 = arith.constant 0 : i32
    %dma_wait3A_1235 = arith.constant 0 : i32
    %dma_wait3A_1236 = tpu.memref_slice %arg5[%dma_wait3A_1234, %dma_wait3A_1235] : memref<10240x128xf32, #tpu.memory_space<vmem_shared>> -> memref<16x128xf32, #tpu.memory_space<vmem_shared>>
    %dma_wait3A_1237 = arith.constant 0 : i32
    %dma_wait3A_1238 = arith.constant 0 : i32
    %dma_wait3A_1239 = tpu.memref_slice %arg5[%dma_wait3A_1237, %dma_wait3A_1238] : memref<10240x128xf32, #tpu.memory_space<vmem_shared>> -> memref<16x128xf32, #tpu.memory_space<vmem_shared>>
    tpu.wait_dma2 semaphore(%arg12 : memref<!tpu.dma_semaphore, #tpu.memory_space<semaphore_mem>>) src(%arg9 : memref<16x128xf32, #tpu.memory_space<vmem>>) dst(%dma_wait3A_1239 : memref<16x128xf32, #tpu.memory_space<vmem_shared>>)
    %dma_wait3A_1240 = arith.constant 0 : i32
    %dma_wait3A_1241 = arith.constant 0 : i32
    %dma_wait3A_1242 = tpu.memref_slice %arg5[%dma_wait3A_1240, %dma_wait3A_1241] : memref<10240x128xf32, #tpu.memory_space<vmem_shared>> -> memref<16x128xf32, #tpu.memory_space<vmem_shared>>
    %dma_wait3A_1243 = arith.constant 0 : i32
    %dma_wait3A_1244 = arith.constant 0 : i32
    %dma_wait3A_1245 = tpu.memref_slice %arg5[%dma_wait3A_1243, %dma_wait3A_1244] : memref<10240x128xf32, #tpu.memory_space<vmem_shared>> -> memref<16x128xf32, #tpu.memory_space<vmem_shared>>
    tpu.wait_dma2 semaphore(%arg12 : memref<!tpu.dma_semaphore, #tpu.memory_space<semaphore_mem>>) src(%arg9 : memref<16x128xf32, #tpu.memory_space<vmem>>) dst(%dma_wait3A_1245 : memref<16x128xf32, #tpu.memory_space<vmem_shared>>)
    %dma_wait3A_1246 = arith.constant 0 : i32
    %dma_wait3A_1247 = arith.constant 0 : i32
    %dma_wait3A_1248 = tpu.memref_slice %arg5[%dma_wait3A_1246, %dma_wait3A_1247] : memref<10240x128xf32, #tpu.memory_space<vmem_shared>> -> memref<16x128xf32, #tpu.memory_space<vmem_shared>>
    %dma_wait3A_1249 = arith.constant 0 : i32
    %dma_wait3A_1250 = arith.constant 0 : i32
    %dma_wait3A_1251 = tpu.memref_slice %arg5[%dma_wait3A_1249, %dma_wait3A_1250] : memref<10240x128xf32, #tpu.memory_space<vmem_shared>> -> memref<16x128xf32, #tpu.memory_space<vmem_shared>>
    tpu.wait_dma2 semaphore(%arg12 : memref<!tpu.dma_semaphore, #tpu.memory_space<semaphore_mem>>) src(%arg9 : memref<16x128xf32, #tpu.memory_space<vmem>>) dst(%dma_wait3A_1251 : memref<16x128xf32, #tpu.memory_space<vmem_shared>>)
    %dma_wait3A_1252 = arith.constant 0 : i32
    %dma_wait3A_1253 = arith.constant 0 : i32
    %dma_wait3A_1254 = tpu.memref_slice %arg5[%dma_wait3A_1252, %dma_wait3A_1253] : memref<10240x128xf32, #tpu.memory_space<vmem_shared>> -> memref<16x128xf32, #tpu.memory_space<vmem_shared>>
    %dma_wait3A_1255 = arith.constant 0 : i32
    %dma_wait3A_1256 = arith.constant 0 : i32
    %dma_wait3A_1257 = tpu.memref_slice %arg5[%dma_wait3A_1255, %dma_wait3A_1256] : memref<10240x128xf32, #tpu.memory_space<vmem_shared>> -> memref<16x128xf32, #tpu.memory_space<vmem_shared>>
    tpu.wait_dma2 semaphore(%arg12 : memref<!tpu.dma_semaphore, #tpu.memory_space<semaphore_mem>>) src(%arg9 : memref<16x128xf32, #tpu.memory_space<vmem>>) dst(%dma_wait3A_1257 : memref<16x128xf32, #tpu.memory_space<vmem_shared>>)
    %dma_wait3A_1258 = arith.constant 0 : i32
    %dma_wait3A_1259 = arith.constant 0 : i32
    %dma_wait3A_1260 = tpu.memref_slice %arg5[%dma_wait3A_1258, %dma_wait3A_1259] : memref<10240x128xf32, #tpu.memory_space<vmem_shared>> -> memref<16x128xf32, #tpu.memory_space<vmem_shared>>
    %dma_wait3A_1261 = arith.constant 0 : i32
    %dma_wait3A_1262 = arith.constant 0 : i32
    %dma_wait3A_1263 = tpu.memref_slice %arg5[%dma_wait3A_1261, %dma_wait3A_1262] : memref<10240x128xf32, #tpu.memory_space<vmem_shared>> -> memref<16x128xf32, #tpu.memory_space<vmem_shared>>
    tpu.wait_dma2 semaphore(%arg12 : memref<!tpu.dma_semaphore, #tpu.memory_space<semaphore_mem>>) src(%arg9 : memref<16x128xf32, #tpu.memory_space<vmem>>) dst(%dma_wait3A_1263 : memref<16x128xf32, #tpu.memory_space<vmem_shared>>)
    %dma_wait3A_1264 = arith.constant 0 : i32
    %dma_wait3A_1265 = arith.constant 0 : i32
    %dma_wait3A_1266 = tpu.memref_slice %arg5[%dma_wait3A_1264, %dma_wait3A_1265] : memref<10240x128xf32, #tpu.memory_space<vmem_shared>> -> memref<16x128xf32, #tpu.memory_space<vmem_shared>>
    %dma_wait3A_1267 = arith.constant 0 : i32
    %dma_wait3A_1268 = arith.constant 0 : i32
    %dma_wait3A_1269 = tpu.memref_slice %arg5[%dma_wait3A_1267, %dma_wait3A_1268] : memref<10240x128xf32, #tpu.memory_space<vmem_shared>> -> memref<16x128xf32, #tpu.memory_space<vmem_shared>>
    tpu.wait_dma2 semaphore(%arg12 : memref<!tpu.dma_semaphore, #tpu.memory_space<semaphore_mem>>) src(%arg9 : memref<16x128xf32, #tpu.memory_space<vmem>>) dst(%dma_wait3A_1269 : memref<16x128xf32, #tpu.memory_space<vmem_shared>>)
    %dma_wait3A_1270 = arith.constant 0 : i32
    %dma_wait3A_1271 = arith.constant 0 : i32
    %dma_wait3A_1272 = tpu.memref_slice %arg5[%dma_wait3A_1270, %dma_wait3A_1271] : memref<10240x128xf32, #tpu.memory_space<vmem_shared>> -> memref<16x128xf32, #tpu.memory_space<vmem_shared>>
    %dma_wait3A_1273 = arith.constant 0 : i32
    %dma_wait3A_1274 = arith.constant 0 : i32
    %dma_wait3A_1275 = tpu.memref_slice %arg5[%dma_wait3A_1273, %dma_wait3A_1274] : memref<10240x128xf32, #tpu.memory_space<vmem_shared>> -> memref<16x128xf32, #tpu.memory_space<vmem_shared>>
    tpu.wait_dma2 semaphore(%arg12 : memref<!tpu.dma_semaphore, #tpu.memory_space<semaphore_mem>>) src(%arg9 : memref<16x128xf32, #tpu.memory_space<vmem>>) dst(%dma_wait3A_1275 : memref<16x128xf32, #tpu.memory_space<vmem_shared>>)
    %dma_wait3A_1276 = arith.constant 0 : i32
    %dma_wait3A_1277 = arith.constant 0 : i32
    %dma_wait3A_1278 = tpu.memref_slice %arg5[%dma_wait3A_1276, %dma_wait3A_1277] : memref<10240x128xf32, #tpu.memory_space<vmem_shared>> -> memref<16x128xf32, #tpu.memory_space<vmem_shared>>
    %dma_wait3A_1279 = arith.constant 0 : i32
    %dma_wait3A_1280 = arith.constant 0 : i32
    %dma_wait3A_1281 = tpu.memref_slice %arg5[%dma_wait3A_1279, %dma_wait3A_1280] : memref<10240x128xf32, #tpu.memory_space<vmem_shared>> -> memref<16x128xf32, #tpu.memory_space<vmem_shared>>
    tpu.wait_dma2 semaphore(%arg12 : memref<!tpu.dma_semaphore, #tpu.memory_space<semaphore_mem>>) src(%arg9 : memref<16x128xf32, #tpu.memory_space<vmem>>) dst(%dma_wait3A_1281 : memref<16x128xf32, #tpu.memory_space<vmem_shared>>)
    %dma_wait3A_1282 = arith.constant 0 : i32
    %dma_wait3A_1283 = arith.constant 0 : i32
    %dma_wait3A_1284 = tpu.memref_slice %arg5[%dma_wait3A_1282, %dma_wait3A_1283] : memref<10240x128xf32, #tpu.memory_space<vmem_shared>> -> memref<16x128xf32, #tpu.memory_space<vmem_shared>>
    %dma_wait3A_1285 = arith.constant 0 : i32
    %dma_wait3A_1286 = arith.constant 0 : i32
    %dma_wait3A_1287 = tpu.memref_slice %arg5[%dma_wait3A_1285, %dma_wait3A_1286] : memref<10240x128xf32, #tpu.memory_space<vmem_shared>> -> memref<16x128xf32, #tpu.memory_space<vmem_shared>>
    tpu.wait_dma2 semaphore(%arg12 : memref<!tpu.dma_semaphore, #tpu.memory_space<semaphore_mem>>) src(%arg9 : memref<16x128xf32, #tpu.memory_space<vmem>>) dst(%dma_wait3A_1287 : memref<16x128xf32, #tpu.memory_space<vmem_shared>>)
    %dma_wait3A_1288 = arith.constant 0 : i32
    %dma_wait3A_1289 = arith.constant 0 : i32
    %dma_wait3A_1290 = tpu.memref_slice %arg5[%dma_wait3A_1288, %dma_wait3A_1289] : memref<10240x128xf32, #tpu.memory_space<vmem_shared>> -> memref<16x128xf32, #tpu.memory_space<vmem_shared>>
    %dma_wait3A_1291 = arith.constant 0 : i32
    %dma_wait3A_1292 = arith.constant 0 : i32
    %dma_wait3A_1293 = tpu.memref_slice %arg5[%dma_wait3A_1291, %dma_wait3A_1292] : memref<10240x128xf32, #tpu.memory_space<vmem_shared>> -> memref<16x128xf32, #tpu.memory_space<vmem_shared>>
    tpu.wait_dma2 semaphore(%arg12 : memref<!tpu.dma_semaphore, #tpu.memory_space<semaphore_mem>>) src(%arg9 : memref<16x128xf32, #tpu.memory_space<vmem>>) dst(%dma_wait3A_1293 : memref<16x128xf32, #tpu.memory_space<vmem_shared>>)
    %dma_wait3A_1294 = arith.constant 0 : i32
    %dma_wait3A_1295 = arith.constant 0 : i32
    %dma_wait3A_1296 = tpu.memref_slice %arg5[%dma_wait3A_1294, %dma_wait3A_1295] : memref<10240x128xf32, #tpu.memory_space<vmem_shared>> -> memref<16x128xf32, #tpu.memory_space<vmem_shared>>
    %dma_wait3A_1297 = arith.constant 0 : i32
    %dma_wait3A_1298 = arith.constant 0 : i32
    %dma_wait3A_1299 = tpu.memref_slice %arg5[%dma_wait3A_1297, %dma_wait3A_1298] : memref<10240x128xf32, #tpu.memory_space<vmem_shared>> -> memref<16x128xf32, #tpu.memory_space<vmem_shared>>
    tpu.wait_dma2 semaphore(%arg12 : memref<!tpu.dma_semaphore, #tpu.memory_space<semaphore_mem>>) src(%arg9 : memref<16x128xf32, #tpu.memory_space<vmem>>) dst(%dma_wait3A_1299 : memref<16x128xf32, #tpu.memory_space<vmem_shared>>)
    %dma_wait3A_1300 = arith.constant 0 : i32
    %dma_wait3A_1301 = arith.constant 0 : i32
    %dma_wait3A_1302 = tpu.memref_slice %arg5[%dma_wait3A_1300, %dma_wait3A_1301] : memref<10240x128xf32, #tpu.memory_space<vmem_shared>> -> memref<16x128xf32, #tpu.memory_space<vmem_shared>>
    %dma_wait3A_1303 = arith.constant 0 : i32
    %dma_wait3A_1304 = arith.constant 0 : i32
    %dma_wait3A_1305 = tpu.memref_slice %arg5[%dma_wait3A_1303, %dma_wait3A_1304] : memref<10240x128xf32, #tpu.memory_space<vmem_shared>> -> memref<16x128xf32, #tpu.memory_space<vmem_shared>>
    tpu.wait_dma2 semaphore(%arg12 : memref<!tpu.dma_semaphore, #tpu.memory_space<semaphore_mem>>) src(%arg9 : memref<16x128xf32, #tpu.memory_space<vmem>>) dst(%dma_wait3A_1305 : memref<16x128xf32, #tpu.memory_space<vmem_shared>>)
    %dma_wait3A_1306 = arith.constant 0 : i32
    %dma_wait3A_1307 = arith.constant 0 : i32
    %dma_wait3A_1308 = tpu.memref_slice %arg5[%dma_wait3A_1306, %dma_wait3A_1307] : memref<10240x128xf32, #tpu.memory_space<vmem_shared>> -> memref<16x128xf32, #tpu.memory_space<vmem_shared>>
    %dma_wait3A_1309 = arith.constant 0 : i32
    %dma_wait3A_1310 = arith.constant 0 : i32
    %dma_wait3A_1311 = tpu.memref_slice %arg5[%dma_wait3A_1309, %dma_wait3A_1310] : memref<10240x128xf32, #tpu.memory_space<vmem_shared>> -> memref<16x128xf32, #tpu.memory_space<vmem_shared>>
    tpu.wait_dma2 semaphore(%arg12 : memref<!tpu.dma_semaphore, #tpu.memory_space<semaphore_mem>>) src(%arg9 : memref<16x128xf32, #tpu.memory_space<vmem>>) dst(%dma_wait3A_1311 : memref<16x128xf32, #tpu.memory_space<vmem_shared>>)
    %dma_wait3A_1312 = arith.constant 0 : i32
    %dma_wait3A_1313 = arith.constant 0 : i32
    %dma_wait3A_1314 = tpu.memref_slice %arg5[%dma_wait3A_1312, %dma_wait3A_1313] : memref<10240x128xf32, #tpu.memory_space<vmem_shared>> -> memref<16x128xf32, #tpu.memory_space<vmem_shared>>
    %dma_wait3A_1315 = arith.constant 0 : i32
    %dma_wait3A_1316 = arith.constant 0 : i32
    %dma_wait3A_1317 = tpu.memref_slice %arg5[%dma_wait3A_1315, %dma_wait3A_1316] : memref<10240x128xf32, #tpu.memory_space<vmem_shared>> -> memref<16x128xf32, #tpu.memory_space<vmem_shared>>
    tpu.wait_dma2 semaphore(%arg12 : memref<!tpu.dma_semaphore, #tpu.memory_space<semaphore_mem>>) src(%arg9 : memref<16x128xf32, #tpu.memory_space<vmem>>) dst(%dma_wait3A_1317 : memref<16x128xf32, #tpu.memory_space<vmem_shared>>)
    %dma_wait3A_1318 = arith.constant 0 : i32
    %dma_wait3A_1319 = arith.constant 0 : i32
    %dma_wait3A_1320 = tpu.memref_slice %arg5[%dma_wait3A_1318, %dma_wait3A_1319] : memref<10240x128xf32, #tpu.memory_space<vmem_shared>> -> memref<16x128xf32, #tpu.memory_space<vmem_shared>>
    %dma_wait3A_1321 = arith.constant 0 : i32
    %dma_wait3A_1322 = arith.constant 0 : i32
    %dma_wait3A_1323 = tpu.memref_slice %arg5[%dma_wait3A_1321, %dma_wait3A_1322] : memref<10240x128xf32, #tpu.memory_space<vmem_shared>> -> memref<16x128xf32, #tpu.memory_space<vmem_shared>>
    tpu.wait_dma2 semaphore(%arg12 : memref<!tpu.dma_semaphore, #tpu.memory_space<semaphore_mem>>) src(%arg9 : memref<16x128xf32, #tpu.memory_space<vmem>>) dst(%dma_wait3A_1323 : memref<16x128xf32, #tpu.memory_space<vmem_shared>>)
    %dma_wait3A_1324 = arith.constant 0 : i32
    %dma_wait3A_1325 = arith.constant 0 : i32
    %dma_wait3A_1326 = tpu.memref_slice %arg5[%dma_wait3A_1324, %dma_wait3A_1325] : memref<10240x128xf32, #tpu.memory_space<vmem_shared>> -> memref<16x128xf32, #tpu.memory_space<vmem_shared>>
    %dma_wait3A_1327 = arith.constant 0 : i32
    %dma_wait3A_1328 = arith.constant 0 : i32
    %dma_wait3A_1329 = tpu.memref_slice %arg5[%dma_wait3A_1327, %dma_wait3A_1328] : memref<10240x128xf32, #tpu.memory_space<vmem_shared>> -> memref<16x128xf32, #tpu.memory_space<vmem_shared>>
    tpu.wait_dma2 semaphore(%arg12 : memref<!tpu.dma_semaphore, #tpu.memory_space<semaphore_mem>>) src(%arg9 : memref<16x128xf32, #tpu.memory_space<vmem>>) dst(%dma_wait3A_1329 : memref<16x128xf32, #tpu.memory_space<vmem_shared>>)
    %barrier3A = arith.constant 0 : index
    tpu.barrier barrier_id(%barrier3A)
    %dma_start3A_1330 = arith.constant 0 : i32
    %dma_start3A_1331 = arith.constant 0 : i32
    %dma_start3A_1332 = arith.constant 0 : i32
    %dma_start3A_1333 = arith.constant 0 : i32
    %dma_start3A_1334 = arith.constant 0 : i32
    %dma_start3A_1335 = tpu.memref_slice %arg6[%dma_start3A_1332, %dma_start3A_1333, %dma_start3A_1334] : memref<2x128x128xf32, #tpu.memory_space<vmem>> -> memref<1x128x128xf32, #tpu.memory_space<vmem>>
    %dma_start3A_1336 = tpu.memref_squeeze %dma_start3A_1335 : memref<1x128x128xf32, #tpu.memory_space<vmem>> -> memref<128x128xf32, #tpu.memory_space<vmem>>
    %dma_start3A_1337 = arith.constant 0 : i32
    %dma_start3A_1338 = tpu.memref_slice %arg7[%dma_start3A_1330, %dma_start3A_1331, %dma_start3A_1337] : memref<2x16x128xi32, #tpu.memory_space<vmem>> -> memref<1x1x128xi32, #tpu.memory_space<vmem>>
    %dma_start3A_1339 = tpu.memref_squeeze %dma_start3A_1338 : memref<1x1x128xi32, #tpu.memory_space<vmem>> -> memref<128xi32, #tpu.memory_space<vmem>>
    %dma_start3A_1340 = arith.constant 0 : i32
    %dma_start3A_1341 = arith.constant 0 : i32
    %dma_start3A_1342 = tpu.memref_slice %arg2[%dma_start3A_1340, %dma_start3A_1341] : memref<10000x128xf32, #tpu.memory_space<hbm>> -> memref<10000x128xf32, #tpu.memory_space<hbm>>
    tpu.enqueue_indirect_dma source(%dma_start3A_1342 : memref<10000x128xf32, #tpu.memory_space<hbm>>) target(%dma_start3A_1336 : memref<128x128xf32, #tpu.memory_space<vmem>>) offsets(%dma_start3A_1339 : memref<128xi32, #tpu.memory_space<vmem>>) semaphore(%arg10 : memref<!tpu.dma_semaphore, #tpu.memory_space<semaphore_mem>>)
    %dma_start3A_1343 = arith.constant 0 : i32
    %dma_start3A_1344 = arith.constant 1 : i32
    %dma_start3A_1345 = arith.constant 0 : i32
    %dma_start3A_1346 = arith.constant 0 : i32
    %dma_start3A_1347 = tpu.memref_slice %arg7[%dma_start3A_1344, %dma_start3A_1345, %dma_start3A_1346] : memref<2x16x128xi32, #tpu.memory_space<vmem>> -> memref<1x16x128xi32, #tpu.memory_space<vmem>>
    %dma_start3A_1348 = tpu.memref_squeeze %dma_start3A_1347 : memref<1x16x128xi32, #tpu.memory_space<vmem>> -> memref<16x128xi32, #tpu.memory_space<vmem>>
    %dma_start3A_1349 = arith.constant 16 : i32
    %dma_start3A_1350 = arith.constant 0 : i32
    %dma_start3A_1351 = tpu.memref_slice %arg3[%dma_start3A_1343, %add3A, %dma_start3A_1349, %dma_start3A_1350] : memref<2x32x80x128xi32, #tpu.memory_space<hbm>> -> memref<1x1x16x128xi32, #tpu.memory_space<hbm>>
    %dma_start3A_1352 = tpu.memref_squeeze %dma_start3A_1351 : memref<1x1x16x128xi32, #tpu.memory_space<hbm>> -> memref<16x128xi32, #tpu.memory_space<hbm>>
    %dma_start3A_1353 = arith.constant 0 : i32
    %dma_start3A_1354 = arith.constant 0 : i32
    %dma_start3A_1355 = tpu.memref_slice %arg7[%dma_start3A_1344, %dma_start3A_1353, %dma_start3A_1354] : memref<2x16x128xi32, #tpu.memory_space<vmem>> -> memref<1x16x128xi32, #tpu.memory_space<vmem>>
    %dma_start3A_1356 = tpu.memref_squeeze %dma_start3A_1355 : memref<1x16x128xi32, #tpu.memory_space<vmem>> -> memref<16x128xi32, #tpu.memory_space<vmem>>
    %dma_start3A_1357 = arith.constant 16 : i32
    %dma_start3A_1358 = arith.constant 0 : i32
    %dma_start3A_1359 = tpu.memref_slice %arg3[%dma_start3A_1343, %add3A, %dma_start3A_1357, %dma_start3A_1358] : memref<2x32x80x128xi32, #tpu.memory_space<hbm>> -> memref<1x1x16x128xi32, #tpu.memory_space<hbm>>
    %dma_start3A_1360 = tpu.memref_squeeze %dma_start3A_1359 : memref<1x1x16x128xi32, #tpu.memory_space<hbm>> -> memref<16x128xi32, #tpu.memory_space<hbm>>
    tpu.enqueue_dma source(%dma_start3A_1360 : memref<16x128xi32, #tpu.memory_space<hbm>>) target(%dma_start3A_1356 : memref<16x128xi32, #tpu.memory_space<vmem>>) target_semaphore(%arg13 : memref<!tpu.dma_semaphore, #tpu.memory_space<semaphore_mem>>)
    %dma_start3A_1361 = arith.constant 1 : i32
    %dma_start3A_1362 = arith.constant 1 : i32
    %dma_start3A_1363 = arith.constant 0 : i32
    %dma_start3A_1364 = arith.constant 0 : i32
    %dma_start3A_1365 = tpu.memref_slice %arg8[%dma_start3A_1362, %dma_start3A_1363, %dma_start3A_1364] : memref<2x16x128xi32, #tpu.memory_space<vmem>> -> memref<1x16x128xi32, #tpu.memory_space<vmem>>
    %dma_start3A_1366 = tpu.memref_squeeze %dma_start3A_1365 : memref<1x16x128xi32, #tpu.memory_space<vmem>> -> memref<16x128xi32, #tpu.memory_space<vmem>>
    %dma_start3A_1367 = arith.constant 16 : i32
    %dma_start3A_1368 = arith.constant 0 : i32
    %dma_start3A_1369 = tpu.memref_slice %arg3[%dma_start3A_1361, %add3A, %dma_start3A_1367, %dma_start3A_1368] : memref<2x32x80x128xi32, #tpu.memory_space<hbm>> -> memref<1x1x16x128xi32, #tpu.memory_space<hbm>>
    %dma_start3A_1370 = tpu.memref_squeeze %dma_start3A_1369 : memref<1x1x16x128xi32, #tpu.memory_space<hbm>> -> memref<16x128xi32, #tpu.memory_space<hbm>>
    %dma_start3A_1371 = arith.constant 0 : i32
    %dma_start3A_1372 = arith.constant 0 : i32
    %dma_start3A_1373 = tpu.memref_slice %arg8[%dma_start3A_1362, %dma_start3A_1371, %dma_start3A_1372] : memref<2x16x128xi32, #tpu.memory_space<vmem>> -> memref<1x16x128xi32, #tpu.memory_space<vmem>>
    %dma_start3A_1374 = tpu.memref_squeeze %dma_start3A_1373 : memref<1x16x128xi32, #tpu.memory_space<vmem>> -> memref<16x128xi32, #tpu.memory_space<vmem>>
    %dma_start3A_1375 = arith.constant 16 : i32
    %dma_start3A_1376 = arith.constant 0 : i32
    %dma_start3A_1377 = tpu.memref_slice %arg3[%dma_start3A_1361, %add3A, %dma_start3A_1375, %dma_start3A_1376] : memref<2x32x80x128xi32, #tpu.memory_space<hbm>> -> memref<1x1x16x128xi32, #tpu.memory_space<hbm>>
    %dma_start3A_1378 = tpu.memref_squeeze %dma_start3A_1377 : memref<1x1x16x128xi32, #tpu.memory_space<hbm>> -> memref<16x128xi32, #tpu.memory_space<hbm>>
    tpu.enqueue_dma source(%dma_start3A_1378 : memref<16x128xi32, #tpu.memory_space<hbm>>) target(%dma_start3A_1374 : memref<16x128xi32, #tpu.memory_space<vmem>>) target_semaphore(%arg14 : memref<!tpu.dma_semaphore, #tpu.memory_space<semaphore_mem>>)
    %scan3A = arith.constant 0 : i32
    %scan3A_1379 = arith.constant 0 : i32
    %scan3A_1380 = arith.constant 7 : i32
    %scan3A_1381 = arith.addi %scan3A_1379, %scan3A_1380 : i32
    %scan3A_1382 = arith.constant 1 : i32
    %scan3A_1383 = scf.for %scan3A_1947 = %scan3A_1379 to %scan3A_1381 step %scan3A_1382 iter_args(%scan3A_1948 = %scan3A) -> (i32)  : i32 {
      %mul3A_1949 = arith.constant 2 : i32
      %mul3A_1950 = arith.muli %mul3A_1949, %scan3A_1947 : i32
      %add3A_1951 = arith.constant 0 : i32
      %add3A_1952 = arith.addi %mul3A_1950, %add3A_1951 : i32
      %add3A_1953 = arith.constant 1 : i32
      %add3A_1954 = arith.addi %add3A_1952, %add3A_1953 : i32
      %dma_start3A_1955 = arith.constant 0 : i32
      %dma_start3A_1956 = arith.constant 1 : i32
      %dma_start3A_1957 = arith.constant 0 : i32
      %dma_start3A_1958 = arith.constant 0 : i32
      %dma_start3A_1959 = tpu.memref_slice %arg6[%dma_start3A_1956, %dma_start3A_1957, %dma_start3A_1958] : memref<2x128x128xf32, #tpu.memory_space<vmem>> -> memref<1x128x128xf32, #tpu.memory_space<vmem>>
      %dma_start3A_1960 = tpu.memref_squeeze %dma_start3A_1959 : memref<1x128x128xf32, #tpu.memory_space<vmem>> -> memref<128x128xf32, #tpu.memory_space<vmem>>
      %dma_start3A_1961 = arith.constant 0 : i32
      %dma_start3A_1962 = tpu.memref_slice %arg7[%dma_start3A_1955, %add3A_1954, %dma_start3A_1961] : memref<2x16x128xi32, #tpu.memory_space<vmem>> -> memref<1x1x128xi32, #tpu.memory_space<vmem>>
      %dma_start3A_1963 = tpu.memref_squeeze %dma_start3A_1962 : memref<1x1x128xi32, #tpu.memory_space<vmem>> -> memref<128xi32, #tpu.memory_space<vmem>>
      %dma_start3A_1964 = arith.constant 0 : i32
      %dma_start3A_1965 = arith.constant 0 : i32
      %dma_start3A_1966 = tpu.memref_slice %arg2[%dma_start3A_1964, %dma_start3A_1965] : memref<10000x128xf32, #tpu.memory_space<hbm>> -> memref<10000x128xf32, #tpu.memory_space<hbm>>
      tpu.enqueue_indirect_dma source(%dma_start3A_1966 : memref<10000x128xf32, #tpu.memory_space<hbm>>) target(%dma_start3A_1960 : memref<128x128xf32, #tpu.memory_space<vmem>>) offsets(%dma_start3A_1963 : memref<128xi32, #tpu.memory_space<vmem>>) semaphore(%arg11 : memref<!tpu.dma_semaphore, #tpu.memory_space<semaphore_mem>>)
      %dma_wait3A_1967 = arith.constant 0 : i32
      %dma_wait3A_1968 = arith.constant 0 : i32
      %dma_wait3A_1969 = arith.constant 0 : i32
      %dma_wait3A_1970 = arith.constant 0 : i32
      %dma_wait3A_1971 = tpu.memref_slice %arg6[%dma_wait3A_1968, %dma_wait3A_1969, %dma_wait3A_1970] : memref<2x128x128xf32, #tpu.memory_space<vmem>> -> memref<1x128x128xf32, #tpu.memory_space<vmem>>
      %dma_wait3A_1972 = tpu.memref_squeeze %dma_wait3A_1971 : memref<1x128x128xf32, #tpu.memory_space<vmem>> -> memref<128x128xf32, #tpu.memory_space<vmem>>
      %dma_wait3A_1973 = arith.constant 0 : i32
      %dma_wait3A_1974 = tpu.memref_slice %arg7[%dma_wait3A_1967, %add3A_1952, %dma_wait3A_1973] : memref<2x16x128xi32, #tpu.memory_space<vmem>> -> memref<1x1x128xi32, #tpu.memory_space<vmem>>
      %dma_wait3A_1975 = tpu.memref_squeeze %dma_wait3A_1974 : memref<1x1x128xi32, #tpu.memory_space<vmem>> -> memref<128xi32, #tpu.memory_space<vmem>>
      %dma_wait3A_1976 = arith.constant 0 : i32
      %dma_wait3A_1977 = arith.constant 0 : i32
      %dma_wait3A_1978 = tpu.memref_slice %arg2[%dma_wait3A_1976, %dma_wait3A_1977] : memref<10000x128xf32, #tpu.memory_space<hbm>> -> memref<10000x128xf32, #tpu.memory_space<hbm>>
      tpu.wait_indirect_dma semaphore(%arg10 : memref<!tpu.dma_semaphore, #tpu.memory_space<semaphore_mem>>) src(%dma_wait3A_1978 : memref<10000x128xf32, #tpu.memory_space<hbm>>) dst(%dma_wait3A_1972 : memref<128x128xf32, #tpu.memory_space<vmem>>)
      %run_scoped3A_1979 = arith.constant 0 : i32
      %run_scoped3A_1980 = arith.constant 0 : i32
      "tpu.region"() ({
        %run_scoped3A_2014 = tpu.sem_alloc : memref<!tpu.dma_semaphore, #tpu.memory_space<semaphore_mem>>
        %dma_start3A_2015 = arith.constant 0 : i32
        %dma_start3A_2016 = arith.constant 0 : i32
        %dma_start3A_2017 = tpu.memref_slice %arg6[%run_scoped3A_1979, %dma_start3A_2015, %dma_start3A_2016] : memref<2x128x128xf32, #tpu.memory_space<vmem>> -> memref<1x128x128xf32, #tpu.memory_space<vmem>>
        %dma_start3A_2018 = tpu.memref_squeeze %dma_start3A_2017 : memref<1x128x128xf32, #tpu.memory_space<vmem>> -> memref<128x128xf32, #tpu.memory_space<vmem>>
        %dma_start3A_2019 = arith.constant 0 : i32
        %dma_start3A_2020 = tpu.memref_slice %arg8[%run_scoped3A_1980, %add3A_1952, %dma_start3A_2019] : memref<2x16x128xi32, #tpu.memory_space<vmem>> -> memref<1x1x128xi32, #tpu.memory_space<vmem>>
        %dma_start3A_2021 = tpu.memref_squeeze %dma_start3A_2020 : memref<1x1x128xi32, #tpu.memory_space<vmem>> -> memref<128xi32, #tpu.memory_space<vmem>>
        %dma_start3A_2022 = arith.constant 0 : i32
        %dma_start3A_2023 = arith.constant 0 : i32
        %dma_start3A_2024 = tpu.memref_slice %arg5[%dma_start3A_2022, %dma_start3A_2023] : memref<10240x128xf32, #tpu.memory_space<vmem_shared>> -> memref<10240x128xf32, #tpu.memory_space<vmem_shared>>
        tpu.enqueue_indirect_dma source(%dma_start3A_2018 : memref<128x128xf32, #tpu.memory_space<vmem>>) target(%dma_start3A_2024 : memref<10240x128xf32, #tpu.memory_space<vmem_shared>>) offsets(%dma_start3A_2021 : memref<128xi32, #tpu.memory_space<vmem>>) semaphore(%run_scoped3A_2014 : memref<!tpu.dma_semaphore, #tpu.memory_space<semaphore_mem>>) {add = true}
        %dma_wait3A_2025 = arith.constant 0 : i32
        %dma_wait3A_2026 = arith.constant 0 : i32
        %dma_wait3A_2027 = tpu.memref_slice %arg6[%run_scoped3A_1979, %dma_wait3A_2025, %dma_wait3A_2026] : memref<2x128x128xf32, #tpu.memory_space<vmem>> -> memref<1x128x128xf32, #tpu.memory_space<vmem>>
        %dma_wait3A_2028 = tpu.memref_squeeze %dma_wait3A_2027 : memref<1x128x128xf32, #tpu.memory_space<vmem>> -> memref<128x128xf32, #tpu.memory_space<vmem>>
        %dma_wait3A_2029 = arith.constant 0 : i32
        %dma_wait3A_2030 = tpu.memref_slice %arg8[%run_scoped3A_1980, %add3A_1952, %dma_wait3A_2029] : memref<2x16x128xi32, #tpu.memory_space<vmem>> -> memref<1x1x128xi32, #tpu.memory_space<vmem>>
        %dma_wait3A_2031 = tpu.memref_squeeze %dma_wait3A_2030 : memref<1x1x128xi32, #tpu.memory_space<vmem>> -> memref<128xi32, #tpu.memory_space<vmem>>
        %dma_wait3A_2032 = arith.constant 0 : i32
        %dma_wait3A_2033 = arith.constant 0 : i32
        %dma_wait3A_2034 = tpu.memref_slice %arg5[%dma_wait3A_2032, %dma_wait3A_2033] : memref<10240x128xf32, #tpu.memory_space<vmem_shared>> -> memref<10240x128xf32, #tpu.memory_space<vmem_shared>>
        tpu.wait_indirect_dma semaphore(%run_scoped3A_2014 : memref<!tpu.dma_semaphore, #tpu.memory_space<semaphore_mem>>) src(%dma_wait3A_2028 : memref<128x128xf32, #tpu.memory_space<vmem>>) dst(%dma_wait3A_2034 : memref<10240x128xf32, #tpu.memory_space<vmem_shared>>)
        tpu.yield
      }) : () -> ()
      %mul3A_1981 = arith.constant 2 : i32
      %mul3A_1982 = arith.muli %mul3A_1981, %scan3A_1947 : i32
      %add3A_1983 = arith.constant 1 : i32
      %add3A_1984 = arith.addi %mul3A_1982, %add3A_1983 : i32
      %add3A_1985 = arith.constant 1 : i32
      %add3A_1986 = arith.addi %add3A_1984, %add3A_1985 : i32
      %dma_start3A_1987 = arith.constant 0 : i32
      %dma_start3A_1988 = arith.constant 0 : i32
      %dma_start3A_1989 = arith.constant 0 : i32
      %dma_start3A_1990 = arith.constant 0 : i32
      %dma_start3A_1991 = tpu.memref_slice %arg6[%dma_start3A_1988, %dma_start3A_1989, %dma_start3A_1990] : memref<2x128x128xf32, #tpu.memory_space<vmem>> -> memref<1x128x128xf32, #tpu.memory_space<vmem>>
      %dma_start3A_1992 = tpu.memref_squeeze %dma_start3A_1991 : memref<1x128x128xf32, #tpu.memory_space<vmem>> -> memref<128x128xf32, #tpu.memory_space<vmem>>
      %dma_start3A_1993 = arith.constant 0 : i32
      %dma_start3A_1994 = tpu.memref_slice %arg7[%dma_start3A_1987, %add3A_1986, %dma_start3A_1993] : memref<2x16x128xi32, #tpu.memory_space<vmem>> -> memref<1x1x128xi32, #tpu.memory_space<vmem>>
      %dma_start3A_1995 = tpu.memref_squeeze %dma_start3A_1994 : memref<1x1x128xi32, #tpu.memory_space<vmem>> -> memref<128xi32, #tpu.memory_space<vmem>>
      %dma_start3A_1996 = arith.constant 0 : i32
      %dma_start3A_1997 = arith.constant 0 : i32
      %dma_start3A_1998 = tpu.memref_slice %arg2[%dma_start3A_1996, %dma_start3A_1997] : memref<10000x128xf32, #tpu.memory_space<hbm>> -> memref<10000x128xf32, #tpu.memory_space<hbm>>
      tpu.enqueue_indirect_dma source(%dma_start3A_1998 : memref<10000x128xf32, #tpu.memory_space<hbm>>) target(%dma_start3A_1992 : memref<128x128xf32, #tpu.memory_space<vmem>>) offsets(%dma_start3A_1995 : memref<128xi32, #tpu.memory_space<vmem>>) semaphore(%arg10 : memref<!tpu.dma_semaphore, #tpu.memory_space<semaphore_mem>>)
      %dma_wait3A_1999 = arith.constant 0 : i32
      %dma_wait3A_2000 = arith.constant 1 : i32
      %dma_wait3A_2001 = arith.constant 0 : i32
      %dma_wait3A_2002 = arith.constant 0 : i32
      %dma_wait3A_2003 = tpu.memref_slice %arg6[%dma_wait3A_2000, %dma_wait3A_2001, %dma_wait3A_2002] : memref<2x128x128xf32, #tpu.memory_space<vmem>> -> memref<1x128x128xf32, #tpu.memory_space<vmem>>
      %dma_wait3A_2004 = tpu.memref_squeeze %dma_wait3A_2003 : memref<1x128x128xf32, #tpu.memory_space<vmem>> -> memref<128x128xf32, #tpu.memory_space<vmem>>
      %dma_wait3A_2005 = arith.constant 0 : i32
      %dma_wait3A_2006 = tpu.memref_slice %arg7[%dma_wait3A_1999, %add3A_1984, %dma_wait3A_2005] : memref<2x16x128xi32, #tpu.memory_space<vmem>> -> memref<1x1x128xi32, #tpu.memory_space<vmem>>
      %dma_wait3A_2007 = tpu.memref_squeeze %dma_wait3A_2006 : memref<1x1x128xi32, #tpu.memory_space<vmem>> -> memref<128xi32, #tpu.memory_space<vmem>>
      %dma_wait3A_2008 = arith.constant 0 : i32
      %dma_wait3A_2009 = arith.constant 0 : i32
      %dma_wait3A_2010 = tpu.memref_slice %arg2[%dma_wait3A_2008, %dma_wait3A_2009] : memref<10000x128xf32, #tpu.memory_space<hbm>> -> memref<10000x128xf32, #tpu.memory_space<hbm>>
      tpu.wait_indirect_dma semaphore(%arg11 : memref<!tpu.dma_semaphore, #tpu.memory_space<semaphore_mem>>) src(%dma_wait3A_2010 : memref<10000x128xf32, #tpu.memory_space<hbm>>) dst(%dma_wait3A_2004 : memref<128x128xf32, #tpu.memory_space<vmem>>)
      %run_scoped3A_2011 = arith.constant 1 : i32
      %run_scoped3A_2012 = arith.constant 0 : i32
      "tpu.region"() ({
        %run_scoped3A_2014 = tpu.sem_alloc : memref<!tpu.dma_semaphore, #tpu.memory_space<semaphore_mem>>
        %dma_start3A_2015 = arith.constant 0 : i32
        %dma_start3A_2016 = arith.constant 0 : i32
        %dma_start3A_2017 = tpu.memref_slice %arg6[%run_scoped3A_2011, %dma_start3A_2015, %dma_start3A_2016] : memref<2x128x128xf32, #tpu.memory_space<vmem>> -> memref<1x128x128xf32, #tpu.memory_space<vmem>>
        %dma_start3A_2018 = tpu.memref_squeeze %dma_start3A_2017 : memref<1x128x128xf32, #tpu.memory_space<vmem>> -> memref<128x128xf32, #tpu.memory_space<vmem>>
        %dma_start3A_2019 = arith.constant 0 : i32
        %dma_start3A_2020 = tpu.memref_slice %arg8[%run_scoped3A_2012, %add3A_1984, %dma_start3A_2019] : memref<2x16x128xi32, #tpu.memory_space<vmem>> -> memref<1x1x128xi32, #tpu.memory_space<vmem>>
        %dma_start3A_2021 = tpu.memref_squeeze %dma_start3A_2020 : memref<1x1x128xi32, #tpu.memory_space<vmem>> -> memref<128xi32, #tpu.memory_space<vmem>>
        %dma_start3A_2022 = arith.constant 0 : i32
        %dma_start3A_2023 = arith.constant 0 : i32
        %dma_start3A_2024 = tpu.memref_slice %arg5[%dma_start3A_2022, %dma_start3A_2023] : memref<10240x128xf32, #tpu.memory_space<vmem_shared>> -> memref<10240x128xf32, #tpu.memory_space<vmem_shared>>
        tpu.enqueue_indirect_dma source(%dma_start3A_2018 : memref<128x128xf32, #tpu.memory_space<vmem>>) target(%dma_start3A_2024 : memref<10240x128xf32, #tpu.memory_space<vmem_shared>>) offsets(%dma_start3A_2021 : memref<128xi32, #tpu.memory_space<vmem>>) semaphore(%run_scoped3A_2014 : memref<!tpu.dma_semaphore, #tpu.memory_space<semaphore_mem>>) {add = true}
        %dma_wait3A_2025 = arith.constant 0 : i32
        %dma_wait3A_2026 = arith.constant 0 : i32
        %dma_wait3A_2027 = tpu.memref_slice %arg6[%run_scoped3A_2011, %dma_wait3A_2025, %dma_wait3A_2026] : memref<2x128x128xf32, #tpu.memory_space<vmem>> -> memref<1x128x128xf32, #tpu.memory_space<vmem>>
        %dma_wait3A_2028 = tpu.memref_squeeze %dma_wait3A_2027 : memref<1x128x128xf32, #tpu.memory_space<vmem>> -> memref<128x128xf32, #tpu.memory_space<vmem>>
        %dma_wait3A_2029 = arith.constant 0 : i32
        %dma_wait3A_2030 = tpu.memref_slice %arg8[%run_scoped3A_2012, %add3A_1984, %dma_wait3A_2029] : memref<2x16x128xi32, #tpu.memory_space<vmem>> -> memref<1x1x128xi32, #tpu.memory_space<vmem>>
        %dma_wait3A_2031 = tpu.memref_squeeze %dma_wait3A_2030 : memref<1x1x128xi32, #tpu.memory_space<vmem>> -> memref<128xi32, #tpu.memory_space<vmem>>
        %dma_wait3A_2032 = arith.constant 0 : i32
        %dma_wait3A_2033 = arith.constant 0 : i32
        %dma_wait3A_2034 = tpu.memref_slice %arg5[%dma_wait3A_2032, %dma_wait3A_2033] : memref<10240x128xf32, #tpu.memory_space<vmem_shared>> -> memref<10240x128xf32, #tpu.memory_space<vmem_shared>>
        tpu.wait_indirect_dma semaphore(%run_scoped3A_2014 : memref<!tpu.dma_semaphore, #tpu.memory_space<semaphore_mem>>) src(%dma_wait3A_2028 : memref<128x128xf32, #tpu.memory_space<vmem>>) dst(%dma_wait3A_2034 : memref<10240x128xf32, #tpu.memory_space<vmem_shared>>)
        tpu.yield
      }) : () -> ()
      %scan3A_2013 = arith.constant 0 : i32
      scf.yield %scan3A_2013 : i32
    }
    %scan3A_1384 = arith.constant 7 : i32
    %dma_start3A_1385 = arith.constant 0 : i32
    %dma_start3A_1386 = arith.constant 15 : i32
    %dma_start3A_1387 = arith.constant 1 : i32
    %dma_start3A_1388 = arith.constant 0 : i32
    %dma_start3A_1389 = arith.constant 0 : i32
    %dma_start3A_1390 = tpu.memref_slice %arg6[%dma_start3A_1387, %dma_start3A_1388, %dma_start3A_1389] : memref<2x128x128xf32, #tpu.memory_space<vmem>> -> memref<1x128x128xf32, #tpu.memory_space<vmem>>
    %dma_start3A_1391 = tpu.memref_squeeze %dma_start3A_1390 : memref<1x128x128xf32, #tpu.memory_space<vmem>> -> memref<128x128xf32, #tpu.memory_space<vmem>>
    %dma_start3A_1392 = arith.constant 0 : i32
    %dma_start3A_1393 = tpu.memref_slice %arg7[%dma_start3A_1385, %dma_start3A_1386, %dma_start3A_1392] : memref<2x16x128xi32, #tpu.memory_space<vmem>> -> memref<1x1x128xi32, #tpu.memory_space<vmem>>
    %dma_start3A_1394 = tpu.memref_squeeze %dma_start3A_1393 : memref<1x1x128xi32, #tpu.memory_space<vmem>> -> memref<128xi32, #tpu.memory_space<vmem>>
    %dma_start3A_1395 = arith.constant 0 : i32
    %dma_start3A_1396 = arith.constant 0 : i32
    %dma_start3A_1397 = tpu.memref_slice %arg2[%dma_start3A_1395, %dma_start3A_1396] : memref<10000x128xf32, #tpu.memory_space<hbm>> -> memref<10000x128xf32, #tpu.memory_space<hbm>>
    tpu.enqueue_indirect_dma source(%dma_start3A_1397 : memref<10000x128xf32, #tpu.memory_space<hbm>>) target(%dma_start3A_1391 : memref<128x128xf32, #tpu.memory_space<vmem>>) offsets(%dma_start3A_1394 : memref<128xi32, #tpu.memory_space<vmem>>) semaphore(%arg11 : memref<!tpu.dma_semaphore, #tpu.memory_space<semaphore_mem>>)
    %dma_wait3A_1398 = arith.constant 0 : i32
    %dma_wait3A_1399 = arith.constant 14 : i32
    %dma_wait3A_1400 = arith.constant 0 : i32
    %dma_wait3A_1401 = arith.constant 0 : i32
    %dma_wait3A_1402 = arith.constant 0 : i32
    %dma_wait3A_1403 = tpu.memref_slice %arg6[%dma_wait3A_1400, %dma_wait3A_1401, %dma_wait3A_1402] : memref<2x128x128xf32, #tpu.memory_space<vmem>> -> memref<1x128x128xf32, #tpu.memory_space<vmem>>
    %dma_wait3A_1404 = tpu.memref_squeeze %dma_wait3A_1403 : memref<1x128x128xf32, #tpu.memory_space<vmem>> -> memref<128x128xf32, #tpu.memory_space<vmem>>
    %dma_wait3A_1405 = arith.constant 0 : i32
    %dma_wait3A_1406 = tpu.memref_slice %arg7[%dma_wait3A_1398, %dma_wait3A_1399, %dma_wait3A_1405] : memref<2x16x128xi32, #tpu.memory_space<vmem>> -> memref<1x1x128xi32, #tpu.memory_space<vmem>>
    %dma_wait3A_1407 = tpu.memref_squeeze %dma_wait3A_1406 : memref<1x1x128xi32, #tpu.memory_space<vmem>> -> memref<128xi32, #tpu.memory_space<vmem>>
    %dma_wait3A_1408 = arith.constant 0 : i32
    %dma_wait3A_1409 = arith.constant 0 : i32
    %dma_wait3A_1410 = tpu.memref_slice %arg2[%dma_wait3A_1408, %dma_wait3A_1409] : memref<10000x128xf32, #tpu.memory_space<hbm>> -> memref<10000x128xf32, #tpu.memory_space<hbm>>
    tpu.wait_indirect_dma semaphore(%arg10 : memref<!tpu.dma_semaphore, #tpu.memory_space<semaphore_mem>>) src(%dma_wait3A_1410 : memref<10000x128xf32, #tpu.memory_space<hbm>>) dst(%dma_wait3A_1404 : memref<128x128xf32, #tpu.memory_space<vmem>>)
    %run_scoped3A_1411 = arith.constant 0 : i32
    %run_scoped3A_1412 = arith.constant 0 : i32
    %run_scoped3A_1413 = arith.constant 14 : i32
    "tpu.region"() ({
      %run_scoped3A_1947 = tpu.sem_alloc : memref<!tpu.dma_semaphore, #tpu.memory_space<semaphore_mem>>
      %dma_start3A_1948 = arith.constant 0 : i32
      %dma_start3A_1949 = arith.constant 0 : i32
      %dma_start3A_1950 = tpu.memref_slice %arg6[%run_scoped3A_1411, %dma_start3A_1948, %dma_start3A_1949] : memref<2x128x128xf32, #tpu.memory_space<vmem>> -> memref<1x128x128xf32, #tpu.memory_space<vmem>>
      %dma_start3A_1951 = tpu.memref_squeeze %dma_start3A_1950 : memref<1x128x128xf32, #tpu.memory_space<vmem>> -> memref<128x128xf32, #tpu.memory_space<vmem>>
      %dma_start3A_1952 = arith.constant 0 : i32
      %dma_start3A_1953 = tpu.memref_slice %arg8[%run_scoped3A_1412, %run_scoped3A_1413, %dma_start3A_1952] : memref<2x16x128xi32, #tpu.memory_space<vmem>> -> memref<1x1x128xi32, #tpu.memory_space<vmem>>
      %dma_start3A_1954 = tpu.memref_squeeze %dma_start3A_1953 : memref<1x1x128xi32, #tpu.memory_space<vmem>> -> memref<128xi32, #tpu.memory_space<vmem>>
      %dma_start3A_1955 = arith.constant 0 : i32
      %dma_start3A_1956 = arith.constant 0 : i32
      %dma_start3A_1957 = tpu.memref_slice %arg5[%dma_start3A_1955, %dma_start3A_1956] : memref<10240x128xf32, #tpu.memory_space<vmem_shared>> -> memref<10240x128xf32, #tpu.memory_space<vmem_shared>>
      tpu.enqueue_indirect_dma source(%dma_start3A_1951 : memref<128x128xf32, #tpu.memory_space<vmem>>) target(%dma_start3A_1957 : memref<10240x128xf32, #tpu.memory_space<vmem_shared>>) offsets(%dma_start3A_1954 : memref<128xi32, #tpu.memory_space<vmem>>) semaphore(%run_scoped3A_1947 : memref<!tpu.dma_semaphore, #tpu.memory_space<semaphore_mem>>) {add = true}
      %dma_wait3A_1958 = arith.constant 0 : i32
      %dma_wait3A_1959 = arith.constant 0 : i32
      %dma_wait3A_1960 = tpu.memref_slice %arg6[%run_scoped3A_1411, %dma_wait3A_1958, %dma_wait3A_1959] : memref<2x128x128xf32, #tpu.memory_space<vmem>> -> memref<1x128x128xf32, #tpu.memory_space<vmem>>
      %dma_wait3A_1961 = tpu.memref_squeeze %dma_wait3A_1960 : memref<1x128x128xf32, #tpu.memory_space<vmem>> -> memref<128x128xf32, #tpu.memory_space<vmem>>
      %dma_wait3A_1962 = arith.constant 0 : i32
      %dma_wait3A_1963 = tpu.memref_slice %arg8[%run_scoped3A_1412, %run_scoped3A_1413, %dma_wait3A_1962] : memref<2x16x128xi32, #tpu.memory_space<vmem>> -> memref<1x1x128xi32, #tpu.memory_space<vmem>>
      %dma_wait3A_1964 = tpu.memref_squeeze %dma_wait3A_1963 : memref<1x1x128xi32, #tpu.memory_space<vmem>> -> memref<128xi32, #tpu.memory_space<vmem>>
      %dma_wait3A_1965 = arith.constant 0 : i32
      %dma_wait3A_1966 = arith.constant 0 : i32
      %dma_wait3A_1967 = tpu.memref_slice %arg5[%dma_wait3A_1965, %dma_wait3A_1966] : memref<10240x128xf32, #tpu.memory_space<vmem_shared>> -> memref<10240x128xf32, #tpu.memory_space<vmem_shared>>
      tpu.wait_indirect_dma semaphore(%run_scoped3A_1947 : memref<!tpu.dma_semaphore, #tpu.memory_space<semaphore_mem>>) src(%dma_wait3A_1961 : memref<128x128xf32, #tpu.memory_space<vmem>>) dst(%dma_wait3A_1967 : memref<10240x128xf32, #tpu.memory_space<vmem_shared>>)
      tpu.yield
    }) : () -> ()
    %dma_wait3A_1414 = arith.constant 0 : i32
    %dma_wait3A_1415 = arith.constant 1 : i32
    %dma_wait3A_1416 = arith.constant 0 : i32
    %dma_wait3A_1417 = arith.constant 0 : i32
    %dma_wait3A_1418 = tpu.memref_slice %arg7[%dma_wait3A_1415, %dma_wait3A_1416, %dma_wait3A_1417] : memref<2x16x128xi32, #tpu.memory_space<vmem>> -> memref<1x16x128xi32, #tpu.memory_space<vmem>>
    %dma_wait3A_1419 = tpu.memref_squeeze %dma_wait3A_1418 : memref<1x16x128xi32, #tpu.memory_space<vmem>> -> memref<16x128xi32, #tpu.memory_space<vmem>>
    %dma_wait3A_1420 = arith.constant 16 : i32
    %dma_wait3A_1421 = arith.constant 0 : i32
    %dma_wait3A_1422 = tpu.memref_slice %arg3[%dma_wait3A_1414, %add3A, %dma_wait3A_1420, %dma_wait3A_1421] : memref<2x32x80x128xi32, #tpu.memory_space<hbm>> -> memref<1x1x16x128xi32, #tpu.memory_space<hbm>>
    %dma_wait3A_1423 = tpu.memref_squeeze %dma_wait3A_1422 : memref<1x1x16x128xi32, #tpu.memory_space<hbm>> -> memref<16x128xi32, #tpu.memory_space<hbm>>
    %dma_wait3A_1424 = arith.constant 0 : i32
    %dma_wait3A_1425 = arith.constant 0 : i32
    %dma_wait3A_1426 = tpu.memref_slice %arg7[%dma_wait3A_1415, %dma_wait3A_1424, %dma_wait3A_1425] : memref<2x16x128xi32, #tpu.memory_space<vmem>> -> memref<1x16x128xi32, #tpu.memory_space<vmem>>
    %dma_wait3A_1427 = tpu.memref_squeeze %dma_wait3A_1426 : memref<1x16x128xi32, #tpu.memory_space<vmem>> -> memref<16x128xi32, #tpu.memory_space<vmem>>
    %dma_wait3A_1428 = arith.constant 16 : i32
    %dma_wait3A_1429 = arith.constant 0 : i32
    %dma_wait3A_1430 = tpu.memref_slice %arg3[%dma_wait3A_1414, %add3A, %dma_wait3A_1428, %dma_wait3A_1429] : memref<2x32x80x128xi32, #tpu.memory_space<hbm>> -> memref<1x1x16x128xi32, #tpu.memory_space<hbm>>
    %dma_wait3A_1431 = tpu.memref_squeeze %dma_wait3A_1430 : memref<1x1x16x128xi32, #tpu.memory_space<hbm>> -> memref<16x128xi32, #tpu.memory_space<hbm>>
    tpu.wait_dma2 semaphore(%arg13 : memref<!tpu.dma_semaphore, #tpu.memory_space<semaphore_mem>>) src(%dma_wait3A_1431 : memref<16x128xi32, #tpu.memory_space<hbm>>) dst(%dma_wait3A_1427 : memref<16x128xi32, #tpu.memory_space<vmem>>)
    %dma_wait3A_1432 = arith.constant 1 : i32
    %dma_wait3A_1433 = arith.constant 1 : i32
    %dma_wait3A_1434 = arith.constant 0 : i32
    %dma_wait3A_1435 = arith.constant 0 : i32
    %dma_wait3A_1436 = tpu.memref_slice %arg8[%dma_wait3A_1433, %dma_wait3A_1434, %dma_wait3A_1435] : memref<2x16x128xi32, #tpu.memory_space<vmem>> -> memref<1x16x128xi32, #tpu.memory_space<vmem>>
    %dma_wait3A_1437 = tpu.memref_squeeze %dma_wait3A_1436 : memref<1x16x128xi32, #tpu.memory_space<vmem>> -> memref<16x128xi32, #tpu.memory_space<vmem>>
    %dma_wait3A_1438 = arith.constant 16 : i32
    %dma_wait3A_1439 = arith.constant 0 : i32
    %dma_wait3A_1440 = tpu.memref_slice %arg3[%dma_wait3A_1432, %add3A, %dma_wait3A_1438, %dma_wait3A_1439] : memref<2x32x80x128xi32, #tpu.memory_space<hbm>> -> memref<1x1x16x128xi32, #tpu.memory_space<hbm>>
    %dma_wait3A_1441 = tpu.memref_squeeze %dma_wait3A_1440 : memref<1x1x16x128xi32, #tpu.memory_space<hbm>> -> memref<16x128xi32, #tpu.memory_space<hbm>>
    %dma_wait3A_1442 = arith.constant 0 : i32
    %dma_wait3A_1443 = arith.constant 0 : i32
    %dma_wait3A_1444 = tpu.memref_slice %arg8[%dma_wait3A_1433, %dma_wait3A_1442, %dma_wait3A_1443] : memref<2x16x128xi32, #tpu.memory_space<vmem>> -> memref<1x16x128xi32, #tpu.memory_space<vmem>>
    %dma_wait3A_1445 = tpu.memref_squeeze %dma_wait3A_1444 : memref<1x16x128xi32, #tpu.memory_space<vmem>> -> memref<16x128xi32, #tpu.memory_space<vmem>>
    %dma_wait3A_1446 = arith.constant 16 : i32
    %dma_wait3A_1447 = arith.constant 0 : i32
    %dma_wait3A_1448 = tpu.memref_slice %arg3[%dma_wait3A_1432, %add3A, %dma_wait3A_1446, %dma_wait3A_1447] : memref<2x32x80x128xi32, #tpu.memory_space<hbm>> -> memref<1x1x16x128xi32, #tpu.memory_space<hbm>>
    %dma_wait3A_1449 = tpu.memref_squeeze %dma_wait3A_1448 : memref<1x1x16x128xi32, #tpu.memory_space<hbm>> -> memref<16x128xi32, #tpu.memory_space<hbm>>
    tpu.wait_dma2 semaphore(%arg14 : memref<!tpu.dma_semaphore, #tpu.memory_space<semaphore_mem>>) src(%dma_wait3A_1449 : memref<16x128xi32, #tpu.memory_space<hbm>>) dst(%dma_wait3A_1445 : memref<16x128xi32, #tpu.memory_space<vmem>>)
    %dma_start3A_1450 = arith.constant 1 : i32
    %dma_start3A_1451 = arith.constant 0 : i32
    %dma_start3A_1452 = arith.constant 0 : i32
    %dma_start3A_1453 = arith.constant 0 : i32
    %dma_start3A_1454 = arith.constant 0 : i32
    %dma_start3A_1455 = tpu.memref_slice %arg6[%dma_start3A_1452, %dma_start3A_1453, %dma_start3A_1454] : memref<2x128x128xf32, #tpu.memory_space<vmem>> -> memref<1x128x128xf32, #tpu.memory_space<vmem>>
    %dma_start3A_1456 = tpu.memref_squeeze %dma_start3A_1455 : memref<1x128x128xf32, #tpu.memory_space<vmem>> -> memref<128x128xf32, #tpu.memory_space<vmem>>
    %dma_start3A_1457 = arith.constant 0 : i32
    %dma_start3A_1458 = tpu.memref_slice %arg7[%dma_start3A_1450, %dma_start3A_1451, %dma_start3A_1457] : memref<2x16x128xi32, #tpu.memory_space<vmem>> -> memref<1x1x128xi32, #tpu.memory_space<vmem>>
    %dma_start3A_1459 = tpu.memref_squeeze %dma_start3A_1458 : memref<1x1x128xi32, #tpu.memory_space<vmem>> -> memref<128xi32, #tpu.memory_space<vmem>>
    %dma_start3A_1460 = arith.constant 0 : i32
    %dma_start3A_1461 = arith.constant 0 : i32
    %dma_start3A_1462 = tpu.memref_slice %arg2[%dma_start3A_1460, %dma_start3A_1461] : memref<10000x128xf32, #tpu.memory_space<hbm>> -> memref<10000x128xf32, #tpu.memory_space<hbm>>
    tpu.enqueue_indirect_dma source(%dma_start3A_1462 : memref<10000x128xf32, #tpu.memory_space<hbm>>) target(%dma_start3A_1456 : memref<128x128xf32, #tpu.memory_space<vmem>>) offsets(%dma_start3A_1459 : memref<128xi32, #tpu.memory_space<vmem>>) semaphore(%arg10 : memref<!tpu.dma_semaphore, #tpu.memory_space<semaphore_mem>>)
    %dma_wait3A_1463 = arith.constant 0 : i32
    %dma_wait3A_1464 = arith.constant 15 : i32
    %dma_wait3A_1465 = arith.constant 1 : i32
    %dma_wait3A_1466 = arith.constant 0 : i32
    %dma_wait3A_1467 = arith.constant 0 : i32
    %dma_wait3A_1468 = tpu.memref_slice %arg6[%dma_wait3A_1465, %dma_wait3A_1466, %dma_wait3A_1467] : memref<2x128x128xf32, #tpu.memory_space<vmem>> -> memref<1x128x128xf32, #tpu.memory_space<vmem>>
    %dma_wait3A_1469 = tpu.memref_squeeze %dma_wait3A_1468 : memref<1x128x128xf32, #tpu.memory_space<vmem>> -> memref<128x128xf32, #tpu.memory_space<vmem>>
    %dma_wait3A_1470 = arith.constant 0 : i32
    %dma_wait3A_1471 = tpu.memref_slice %arg7[%dma_wait3A_1463, %dma_wait3A_1464, %dma_wait3A_1470] : memref<2x16x128xi32, #tpu.memory_space<vmem>> -> memref<1x1x128xi32, #tpu.memory_space<vmem>>
    %dma_wait3A_1472 = tpu.memref_squeeze %dma_wait3A_1471 : memref<1x1x128xi32, #tpu.memory_space<vmem>> -> memref<128xi32, #tpu.memory_space<vmem>>
    %dma_wait3A_1473 = arith.constant 0 : i32
    %dma_wait3A_1474 = arith.constant 0 : i32
    %dma_wait3A_1475 = tpu.memref_slice %arg2[%dma_wait3A_1473, %dma_wait3A_1474] : memref<10000x128xf32, #tpu.memory_space<hbm>> -> memref<10000x128xf32, #tpu.memory_space<hbm>>
    tpu.wait_indirect_dma semaphore(%arg11 : memref<!tpu.dma_semaphore, #tpu.memory_space<semaphore_mem>>) src(%dma_wait3A_1475 : memref<10000x128xf32, #tpu.memory_space<hbm>>) dst(%dma_wait3A_1469 : memref<128x128xf32, #tpu.memory_space<vmem>>)
    %run_scoped3A_1476 = arith.constant 1 : i32
    %run_scoped3A_1477 = arith.constant 0 : i32
    %run_scoped3A_1478 = arith.constant 15 : i32
    "tpu.region"() ({
      %run_scoped3A_1947 = tpu.sem_alloc : memref<!tpu.dma_semaphore, #tpu.memory_space<semaphore_mem>>
      %dma_start3A_1948 = arith.constant 0 : i32
      %dma_start3A_1949 = arith.constant 0 : i32
      %dma_start3A_1950 = tpu.memref_slice %arg6[%run_scoped3A_1476, %dma_start3A_1948, %dma_start3A_1949] : memref<2x128x128xf32, #tpu.memory_space<vmem>> -> memref<1x128x128xf32, #tpu.memory_space<vmem>>
      %dma_start3A_1951 = tpu.memref_squeeze %dma_start3A_1950 : memref<1x128x128xf32, #tpu.memory_space<vmem>> -> memref<128x128xf32, #tpu.memory_space<vmem>>
      %dma_start3A_1952 = arith.constant 0 : i32
      %dma_start3A_1953 = tpu.memref_slice %arg8[%run_scoped3A_1477, %run_scoped3A_1478, %dma_start3A_1952] : memref<2x16x128xi32, #tpu.memory_space<vmem>> -> memref<1x1x128xi32, #tpu.memory_space<vmem>>
      %dma_start3A_1954 = tpu.memref_squeeze %dma_start3A_1953 : memref<1x1x128xi32, #tpu.memory_space<vmem>> -> memref<128xi32, #tpu.memory_space<vmem>>
      %dma_start3A_1955 = arith.constant 0 : i32
      %dma_start3A_1956 = arith.constant 0 : i32
      %dma_start3A_1957 = tpu.memref_slice %arg5[%dma_start3A_1955, %dma_start3A_1956] : memref<10240x128xf32, #tpu.memory_space<vmem_shared>> -> memref<10240x128xf32, #tpu.memory_space<vmem_shared>>
      tpu.enqueue_indirect_dma source(%dma_start3A_1951 : memref<128x128xf32, #tpu.memory_space<vmem>>) target(%dma_start3A_1957 : memref<10240x128xf32, #tpu.memory_space<vmem_shared>>) offsets(%dma_start3A_1954 : memref<128xi32, #tpu.memory_space<vmem>>) semaphore(%run_scoped3A_1947 : memref<!tpu.dma_semaphore, #tpu.memory_space<semaphore_mem>>) {add = true}
      %dma_wait3A_1958 = arith.constant 0 : i32
      %dma_wait3A_1959 = arith.constant 0 : i32
      %dma_wait3A_1960 = tpu.memref_slice %arg6[%run_scoped3A_1476, %dma_wait3A_1958, %dma_wait3A_1959] : memref<2x128x128xf32, #tpu.memory_space<vmem>> -> memref<1x128x128xf32, #tpu.memory_space<vmem>>
      %dma_wait3A_1961 = tpu.memref_squeeze %dma_wait3A_1960 : memref<1x128x128xf32, #tpu.memory_space<vmem>> -> memref<128x128xf32, #tpu.memory_space<vmem>>
      %dma_wait3A_1962 = arith.constant 0 : i32
      %dma_wait3A_1963 = tpu.memref_slice %arg8[%run_scoped3A_1477, %run_scoped3A_1478, %dma_wait3A_1962] : memref<2x16x128xi32, #tpu.memory_space<vmem>> -> memref<1x1x128xi32, #tpu.memory_space<vmem>>
      %dma_wait3A_1964 = tpu.memref_squeeze %dma_wait3A_1963 : memref<1x1x128xi32, #tpu.memory_space<vmem>> -> memref<128xi32, #tpu.memory_space<vmem>>
      %dma_wait3A_1965 = arith.constant 0 : i32
      %dma_wait3A_1966 = arith.constant 0 : i32
      %dma_wait3A_1967 = tpu.memref_slice %arg5[%dma_wait3A_1965, %dma_wait3A_1966] : memref<10240x128xf32, #tpu.memory_space<vmem_shared>> -> memref<10240x128xf32, #tpu.memory_space<vmem_shared>>
      tpu.wait_indirect_dma semaphore(%run_scoped3A_1947 : memref<!tpu.dma_semaphore, #tpu.memory_space<semaphore_mem>>) src(%dma_wait3A_1961 : memref<128x128xf32, #tpu.memory_space<vmem>>) dst(%dma_wait3A_1967 : memref<10240x128xf32, #tpu.memory_space<vmem_shared>>)
      tpu.yield
    }) : () -> ()
    %dma_start3A_1479 = arith.constant 0 : i32
    %dma_start3A_1480 = arith.constant 0 : i32
    %dma_start3A_1481 = arith.constant 0 : i32
    %dma_start3A_1482 = arith.constant 0 : i32
    %dma_start3A_1483 = tpu.memref_slice %arg7[%dma_start3A_1480, %dma_start3A_1481, %dma_start3A_1482] : memref<2x16x128xi32, #tpu.memory_space<vmem>> -> memref<1x16x128xi32, #tpu.memory_space<vmem>>
    %dma_start3A_1484 = tpu.memref_squeeze %dma_start3A_1483 : memref<1x16x128xi32, #tpu.memory_space<vmem>> -> memref<16x128xi32, #tpu.memory_space<vmem>>
    %dma_start3A_1485 = arith.constant 32 : i32
    %dma_start3A_1486 = arith.constant 0 : i32
    %dma_start3A_1487 = tpu.memref_slice %arg3[%dma_start3A_1479, %add3A, %dma_start3A_1485, %dma_start3A_1486] : memref<2x32x80x128xi32, #tpu.memory_space<hbm>> -> memref<1x1x16x128xi32, #tpu.memory_space<hbm>>
    %dma_start3A_1488 = tpu.memref_squeeze %dma_start3A_1487 : memref<1x1x16x128xi32, #tpu.memory_space<hbm>> -> memref<16x128xi32, #tpu.memory_space<hbm>>
    %dma_start3A_1489 = arith.constant 0 : i32
    %dma_start3A_1490 = arith.constant 0 : i32
    %dma_start3A_1491 = tpu.memref_slice %arg7[%dma_start3A_1480, %dma_start3A_1489, %dma_start3A_1490] : memref<2x16x128xi32, #tpu.memory_space<vmem>> -> memref<1x16x128xi32, #tpu.memory_space<vmem>>
    %dma_start3A_1492 = tpu.memref_squeeze %dma_start3A_1491 : memref<1x16x128xi32, #tpu.memory_space<vmem>> -> memref<16x128xi32, #tpu.memory_space<vmem>>
    %dma_start3A_1493 = arith.constant 32 : i32
    %dma_start3A_1494 = arith.constant 0 : i32
    %dma_start3A_1495 = tpu.memref_slice %arg3[%dma_start3A_1479, %add3A, %dma_start3A_1493, %dma_start3A_1494] : memref<2x32x80x128xi32, #tpu.memory_space<hbm>> -> memref<1x1x16x128xi32, #tpu.memory_space<hbm>>
    %dma_start3A_1496 = tpu.memref_squeeze %dma_start3A_1495 : memref<1x1x16x128xi32, #tpu.memory_space<hbm>> -> memref<16x128xi32, #tpu.memory_space<hbm>>
    tpu.enqueue_dma source(%dma_start3A_1496 : memref<16x128xi32, #tpu.memory_space<hbm>>) target(%dma_start3A_1492 : memref<16x128xi32, #tpu.memory_space<vmem>>) target_semaphore(%arg13 : memref<!tpu.dma_semaphore, #tpu.memory_space<semaphore_mem>>)
    %dma_start3A_1497 = arith.constant 1 : i32
    %dma_start3A_1498 = arith.constant 0 : i32
    %dma_start3A_1499 = arith.constant 0 : i32
    %dma_start3A_1500 = arith.constant 0 : i32
    %dma_start3A_1501 = tpu.memref_slice %arg8[%dma_start3A_1498, %dma_start3A_1499, %dma_start3A_1500] : memref<2x16x128xi32, #tpu.memory_space<vmem>> -> memref<1x16x128xi32, #tpu.memory_space<vmem>>
    %dma_start3A_1502 = tpu.memref_squeeze %dma_start3A_1501 : memref<1x16x128xi32, #tpu.memory_space<vmem>> -> memref<16x128xi32, #tpu.memory_space<vmem>>
    %dma_start3A_1503 = arith.constant 32 : i32
    %dma_start3A_1504 = arith.constant 0 : i32
    %dma_start3A_1505 = tpu.memref_slice %arg3[%dma_start3A_1497, %add3A, %dma_start3A_1503, %dma_start3A_1504] : memref<2x32x80x128xi32, #tpu.memory_space<hbm>> -> memref<1x1x16x128xi32, #tpu.memory_space<hbm>>
    %dma_start3A_1506 = tpu.memref_squeeze %dma_start3A_1505 : memref<1x1x16x128xi32, #tpu.memory_space<hbm>> -> memref<16x128xi32, #tpu.memory_space<hbm>>
    %dma_start3A_1507 = arith.constant 0 : i32
    %dma_start3A_1508 = arith.constant 0 : i32
    %dma_start3A_1509 = tpu.memref_slice %arg8[%dma_start3A_1498, %dma_start3A_1507, %dma_start3A_1508] : memref<2x16x128xi32, #tpu.memory_space<vmem>> -> memref<1x16x128xi32, #tpu.memory_space<vmem>>
    %dma_start3A_1510 = tpu.memref_squeeze %dma_start3A_1509 : memref<1x16x128xi32, #tpu.memory_space<vmem>> -> memref<16x128xi32, #tpu.memory_space<vmem>>
    %dma_start3A_1511 = arith.constant 32 : i32
    %dma_start3A_1512 = arith.constant 0 : i32
    %dma_start3A_1513 = tpu.memref_slice %arg3[%dma_start3A_1497, %add3A, %dma_start3A_1511, %dma_start3A_1512] : memref<2x32x80x128xi32, #tpu.memory_space<hbm>> -> memref<1x1x16x128xi32, #tpu.memory_space<hbm>>
    %dma_start3A_1514 = tpu.memref_squeeze %dma_start3A_1513 : memref<1x1x16x128xi32, #tpu.memory_space<hbm>> -> memref<16x128xi32, #tpu.memory_space<hbm>>
    tpu.enqueue_dma source(%dma_start3A_1514 : memref<16x128xi32, #tpu.memory_space<hbm>>) target(%dma_start3A_1510 : memref<16x128xi32, #tpu.memory_space<vmem>>) target_semaphore(%arg14 : memref<!tpu.dma_semaphore, #tpu.memory_space<semaphore_mem>>)
    %scan3A_1515 = arith.constant 0 : i32
    %scan3A_1516 = arith.constant 0 : i32
    %scan3A_1517 = arith.constant 7 : i32
    %scan3A_1518 = arith.addi %scan3A_1516, %scan3A_1517 : i32
    %scan3A_1519 = arith.constant 1 : i32
    %scan3A_1520 = scf.for %scan3A_1947 = %scan3A_1516 to %scan3A_1518 step %scan3A_1519 iter_args(%scan3A_1948 = %scan3A_1515) -> (i32)  : i32 {
      %mul3A_1949 = arith.constant 2 : i32
      %mul3A_1950 = arith.muli %mul3A_1949, %scan3A_1947 : i32
      %add3A_1951 = arith.constant 0 : i32
      %add3A_1952 = arith.addi %mul3A_1950, %add3A_1951 : i32
      %add3A_1953 = arith.constant 1 : i32
      %add3A_1954 = arith.addi %add3A_1952, %add3A_1953 : i32
      %dma_start3A_1955 = arith.constant 1 : i32
      %dma_start3A_1956 = arith.constant 1 : i32
      %dma_start3A_1957 = arith.constant 0 : i32
      %dma_start3A_1958 = arith.constant 0 : i32
      %dma_start3A_1959 = tpu.memref_slice %arg6[%dma_start3A_1956, %dma_start3A_1957, %dma_start3A_1958] : memref<2x128x128xf32, #tpu.memory_space<vmem>> -> memref<1x128x128xf32, #tpu.memory_space<vmem>>
      %dma_start3A_1960 = tpu.memref_squeeze %dma_start3A_1959 : memref<1x128x128xf32, #tpu.memory_space<vmem>> -> memref<128x128xf32, #tpu.memory_space<vmem>>
      %dma_start3A_1961 = arith.constant 0 : i32
      %dma_start3A_1962 = tpu.memref_slice %arg7[%dma_start3A_1955, %add3A_1954, %dma_start3A_1961] : memref<2x16x128xi32, #tpu.memory_space<vmem>> -> memref<1x1x128xi32, #tpu.memory_space<vmem>>
      %dma_start3A_1963 = tpu.memref_squeeze %dma_start3A_1962 : memref<1x1x128xi32, #tpu.memory_space<vmem>> -> memref<128xi32, #tpu.memory_space<vmem>>
      %dma_start3A_1964 = arith.constant 0 : i32
      %dma_start3A_1965 = arith.constant 0 : i32
      %dma_start3A_1966 = tpu.memref_slice %arg2[%dma_start3A_1964, %dma_start3A_1965] : memref<10000x128xf32, #tpu.memory_space<hbm>> -> memref<10000x128xf32, #tpu.memory_space<hbm>>
      tpu.enqueue_indirect_dma source(%dma_start3A_1966 : memref<10000x128xf32, #tpu.memory_space<hbm>>) target(%dma_start3A_1960 : memref<128x128xf32, #tpu.memory_space<vmem>>) offsets(%dma_start3A_1963 : memref<128xi32, #tpu.memory_space<vmem>>) semaphore(%arg11 : memref<!tpu.dma_semaphore, #tpu.memory_space<semaphore_mem>>)
      %dma_wait3A_1967 = arith.constant 1 : i32
      %dma_wait3A_1968 = arith.constant 0 : i32
      %dma_wait3A_1969 = arith.constant 0 : i32
      %dma_wait3A_1970 = arith.constant 0 : i32
      %dma_wait3A_1971 = tpu.memref_slice %arg6[%dma_wait3A_1968, %dma_wait3A_1969, %dma_wait3A_1970] : memref<2x128x128xf32, #tpu.memory_space<vmem>> -> memref<1x128x128xf32, #tpu.memory_space<vmem>>
      %dma_wait3A_1972 = tpu.memref_squeeze %dma_wait3A_1971 : memref<1x128x128xf32, #tpu.memory_space<vmem>> -> memref<128x128xf32, #tpu.memory_space<vmem>>
      %dma_wait3A_1973 = arith.constant 0 : i32
      %dma_wait3A_1974 = tpu.memref_slice %arg7[%dma_wait3A_1967, %add3A_1952, %dma_wait3A_1973] : memref<2x16x128xi32, #tpu.memory_space<vmem>> -> memref<1x1x128xi32, #tpu.memory_space<vmem>>
      %dma_wait3A_1975 = tpu.memref_squeeze %dma_wait3A_1974 : memref<1x1x128xi32, #tpu.memory_space<vmem>> -> memref<128xi32, #tpu.memory_space<vmem>>
      %dma_wait3A_1976 = arith.constant 0 : i32
      %dma_wait3A_1977 = arith.constant 0 : i32
      %dma_wait3A_1978 = tpu.memref_slice %arg2[%dma_wait3A_1976, %dma_wait3A_1977] : memref<10000x128xf32, #tpu.memory_space<hbm>> -> memref<10000x128xf32, #tpu.memory_space<hbm>>
      tpu.wait_indirect_dma semaphore(%arg10 : memref<!tpu.dma_semaphore, #tpu.memory_space<semaphore_mem>>) src(%dma_wait3A_1978 : memref<10000x128xf32, #tpu.memory_space<hbm>>) dst(%dma_wait3A_1972 : memref<128x128xf32, #tpu.memory_space<vmem>>)
      %run_scoped3A_1979 = arith.constant 0 : i32
      %run_scoped3A_1980 = arith.constant 1 : i32
      "tpu.region"() ({
        %run_scoped3A_2014 = tpu.sem_alloc : memref<!tpu.dma_semaphore, #tpu.memory_space<semaphore_mem>>
        %dma_start3A_2015 = arith.constant 0 : i32
        %dma_start3A_2016 = arith.constant 0 : i32
        %dma_start3A_2017 = tpu.memref_slice %arg6[%run_scoped3A_1979, %dma_start3A_2015, %dma_start3A_2016] : memref<2x128x128xf32, #tpu.memory_space<vmem>> -> memref<1x128x128xf32, #tpu.memory_space<vmem>>
        %dma_start3A_2018 = tpu.memref_squeeze %dma_start3A_2017 : memref<1x128x128xf32, #tpu.memory_space<vmem>> -> memref<128x128xf32, #tpu.memory_space<vmem>>
        %dma_start3A_2019 = arith.constant 0 : i32
        %dma_start3A_2020 = tpu.memref_slice %arg8[%run_scoped3A_1980, %add3A_1952, %dma_start3A_2019] : memref<2x16x128xi32, #tpu.memory_space<vmem>> -> memref<1x1x128xi32, #tpu.memory_space<vmem>>
        %dma_start3A_2021 = tpu.memref_squeeze %dma_start3A_2020 : memref<1x1x128xi32, #tpu.memory_space<vmem>> -> memref<128xi32, #tpu.memory_space<vmem>>
        %dma_start3A_2022 = arith.constant 0 : i32
        %dma_start3A_2023 = arith.constant 0 : i32
        %dma_start3A_2024 = tpu.memref_slice %arg5[%dma_start3A_2022, %dma_start3A_2023] : memref<10240x128xf32, #tpu.memory_space<vmem_shared>> -> memref<10240x128xf32, #tpu.memory_space<vmem_shared>>
        tpu.enqueue_indirect_dma source(%dma_start3A_2018 : memref<128x128xf32, #tpu.memory_space<vmem>>) target(%dma_start3A_2024 : memref<10240x128xf32, #tpu.memory_space<vmem_shared>>) offsets(%dma_start3A_2021 : memref<128xi32, #tpu.memory_space<vmem>>) semaphore(%run_scoped3A_2014 : memref<!tpu.dma_semaphore, #tpu.memory_space<semaphore_mem>>) {add = true}
        %dma_wait3A_2025 = arith.constant 0 : i32
        %dma_wait3A_2026 = arith.constant 0 : i32
        %dma_wait3A_2027 = tpu.memref_slice %arg6[%run_scoped3A_1979, %dma_wait3A_2025, %dma_wait3A_2026] : memref<2x128x128xf32, #tpu.memory_space<vmem>> -> memref<1x128x128xf32, #tpu.memory_space<vmem>>
        %dma_wait3A_2028 = tpu.memref_squeeze %dma_wait3A_2027 : memref<1x128x128xf32, #tpu.memory_space<vmem>> -> memref<128x128xf32, #tpu.memory_space<vmem>>
        %dma_wait3A_2029 = arith.constant 0 : i32
        %dma_wait3A_2030 = tpu.memref_slice %arg8[%run_scoped3A_1980, %add3A_1952, %dma_wait3A_2029] : memref<2x16x128xi32, #tpu.memory_space<vmem>> -> memref<1x1x128xi32, #tpu.memory_space<vmem>>
        %dma_wait3A_2031 = tpu.memref_squeeze %dma_wait3A_2030 : memref<1x1x128xi32, #tpu.memory_space<vmem>> -> memref<128xi32, #tpu.memory_space<vmem>>
        %dma_wait3A_2032 = arith.constant 0 : i32
        %dma_wait3A_2033 = arith.constant 0 : i32
        %dma_wait3A_2034 = tpu.memref_slice %arg5[%dma_wait3A_2032, %dma_wait3A_2033] : memref<10240x128xf32, #tpu.memory_space<vmem_shared>> -> memref<10240x128xf32, #tpu.memory_space<vmem_shared>>
        tpu.wait_indirect_dma semaphore(%run_scoped3A_2014 : memref<!tpu.dma_semaphore, #tpu.memory_space<semaphore_mem>>) src(%dma_wait3A_2028 : memref<128x128xf32, #tpu.memory_space<vmem>>) dst(%dma_wait3A_2034 : memref<10240x128xf32, #tpu.memory_space<vmem_shared>>)
        tpu.yield
      }) : () -> ()
      %mul3A_1981 = arith.constant 2 : i32
      %mul3A_1982 = arith.muli %mul3A_1981, %scan3A_1947 : i32
      %add3A_1983 = arith.constant 1 : i32
      %add3A_1984 = arith.addi %mul3A_1982, %add3A_1983 : i32
      %add3A_1985 = arith.constant 1 : i32
      %add3A_1986 = arith.addi %add3A_1984, %add3A_1985 : i32
      %dma_start3A_1987 = arith.constant 1 : i32
      %dma_start3A_1988 = arith.constant 0 : i32
      %dma_start3A_1989 = arith.constant 0 : i32
      %dma_start3A_1990 = arith.constant 0 : i32
      %dma_start3A_1991 = tpu.memref_slice %arg6[%dma_start3A_1988, %dma_start3A_1989, %dma_start3A_1990] : memref<2x128x128xf32, #tpu.memory_space<vmem>> -> memref<1x128x128xf32, #tpu.memory_space<vmem>>
      %dma_start3A_1992 = tpu.memref_squeeze %dma_start3A_1991 : memref<1x128x128xf32, #tpu.memory_space<vmem>> -> memref<128x128xf32, #tpu.memory_space<vmem>>
      %dma_start3A_1993 = arith.constant 0 : i32
      %dma_start3A_1994 = tpu.memref_slice %arg7[%dma_start3A_1987, %add3A_1986, %dma_start3A_1993] : memref<2x16x128xi32, #tpu.memory_space<vmem>> -> memref<1x1x128xi32, #tpu.memory_space<vmem>>
      %dma_start3A_1995 = tpu.memref_squeeze %dma_start3A_1994 : memref<1x1x128xi32, #tpu.memory_space<vmem>> -> memref<128xi32, #tpu.memory_space<vmem>>
      %dma_start3A_1996 = arith.constant 0 : i32
      %dma_start3A_1997 = arith.constant 0 : i32
      %dma_start3A_1998 = tpu.memref_slice %arg2[%dma_start3A_1996, %dma_start3A_1997] : memref<10000x128xf32, #tpu.memory_space<hbm>> -> memref<10000x128xf32, #tpu.memory_space<hbm>>
      tpu.enqueue_indirect_dma source(%dma_start3A_1998 : memref<10000x128xf32, #tpu.memory_space<hbm>>) target(%dma_start3A_1992 : memref<128x128xf32, #tpu.memory_space<vmem>>) offsets(%dma_start3A_1995 : memref<128xi32, #tpu.memory_space<vmem>>) semaphore(%arg10 : memref<!tpu.dma_semaphore, #tpu.memory_space<semaphore_mem>>)
      %dma_wait3A_1999 = arith.constant 1 : i32
      %dma_wait3A_2000 = arith.constant 1 : i32
      %dma_wait3A_2001 = arith.constant 0 : i32
      %dma_wait3A_2002 = arith.constant 0 : i32
      %dma_wait3A_2003 = tpu.memref_slice %arg6[%dma_wait3A_2000, %dma_wait3A_2001, %dma_wait3A_2002] : memref<2x128x128xf32, #tpu.memory_space<vmem>> -> memref<1x128x128xf32, #tpu.memory_space<vmem>>
      %dma_wait3A_2004 = tpu.memref_squeeze %dma_wait3A_2003 : memref<1x128x128xf32, #tpu.memory_space<vmem>> -> memref<128x128xf32, #tpu.memory_space<vmem>>
      %dma_wait3A_2005 = arith.constant 0 : i32
      %dma_wait3A_2006 = tpu.memref_slice %arg7[%dma_wait3A_1999, %add3A_1984, %dma_wait3A_2005] : memref<2x16x128xi32, #tpu.memory_space<vmem>> -> memref<1x1x128xi32, #tpu.memory_space<vmem>>
      %dma_wait3A_2007 = tpu.memref_squeeze %dma_wait3A_2006 : memref<1x1x128xi32, #tpu.memory_space<vmem>> -> memref<128xi32, #tpu.memory_space<vmem>>
      %dma_wait3A_2008 = arith.constant 0 : i32
      %dma_wait3A_2009 = arith.constant 0 : i32
      %dma_wait3A_2010 = tpu.memref_slice %arg2[%dma_wait3A_2008, %dma_wait3A_2009] : memref<10000x128xf32, #tpu.memory_space<hbm>> -> memref<10000x128xf32, #tpu.memory_space<hbm>>
      tpu.wait_indirect_dma semaphore(%arg11 : memref<!tpu.dma_semaphore, #tpu.memory_space<semaphore_mem>>) src(%dma_wait3A_2010 : memref<10000x128xf32, #tpu.memory_space<hbm>>) dst(%dma_wait3A_2004 : memref<128x128xf32, #tpu.memory_space<vmem>>)
      %run_scoped3A_2011 = arith.constant 1 : i32
      %run_scoped3A_2012 = arith.constant 1 : i32
      "tpu.region"() ({
        %run_scoped3A_2014 = tpu.sem_alloc : memref<!tpu.dma_semaphore, #tpu.memory_space<semaphore_mem>>
        %dma_start3A_2015 = arith.constant 0 : i32
        %dma_start3A_2016 = arith.constant 0 : i32
        %dma_start3A_2017 = tpu.memref_slice %arg6[%run_scoped3A_2011, %dma_start3A_2015, %dma_start3A_2016] : memref<2x128x128xf32, #tpu.memory_space<vmem>> -> memref<1x128x128xf32, #tpu.memory_space<vmem>>
        %dma_start3A_2018 = tpu.memref_squeeze %dma_start3A_2017 : memref<1x128x128xf32, #tpu.memory_space<vmem>> -> memref<128x128xf32, #tpu.memory_space<vmem>>
        %dma_start3A_2019 = arith.constant 0 : i32
        %dma_start3A_2020 = tpu.memref_slice %arg8[%run_scoped3A_2012, %add3A_1984, %dma_start3A_2019] : memref<2x16x128xi32, #tpu.memory_space<vmem>> -> memref<1x1x128xi32, #tpu.memory_space<vmem>>
        %dma_start3A_2021 = tpu.memref_squeeze %dma_start3A_2020 : memref<1x1x128xi32, #tpu.memory_space<vmem>> -> memref<128xi32, #tpu.memory_space<vmem>>
        %dma_start3A_2022 = arith.constant 0 : i32
        %dma_start3A_2023 = arith.constant 0 : i32
        %dma_start3A_2024 = tpu.memref_slice %arg5[%dma_start3A_2022, %dma_start3A_2023] : memref<10240x128xf32, #tpu.memory_space<vmem_shared>> -> memref<10240x128xf32, #tpu.memory_space<vmem_shared>>
        tpu.enqueue_indirect_dma source(%dma_start3A_2018 : memref<128x128xf32, #tpu.memory_space<vmem>>) target(%dma_start3A_2024 : memref<10240x128xf32, #tpu.memory_space<vmem_shared>>) offsets(%dma_start3A_2021 : memref<128xi32, #tpu.memory_space<vmem>>) semaphore(%run_scoped3A_2014 : memref<!tpu.dma_semaphore, #tpu.memory_space<semaphore_mem>>) {add = true}
        %dma_wait3A_2025 = arith.constant 0 : i32
        %dma_wait3A_2026 = arith.constant 0 : i32
        %dma_wait3A_2027 = tpu.memref_slice %arg6[%run_scoped3A_2011, %dma_wait3A_2025, %dma_wait3A_2026] : memref<2x128x128xf32, #tpu.memory_space<vmem>> -> memref<1x128x128xf32, #tpu.memory_space<vmem>>
        %dma_wait3A_2028 = tpu.memref_squeeze %dma_wait3A_2027 : memref<1x128x128xf32, #tpu.memory_space<vmem>> -> memref<128x128xf32, #tpu.memory_space<vmem>>
        %dma_wait3A_2029 = arith.constant 0 : i32
        %dma_wait3A_2030 = tpu.memref_slice %arg8[%run_scoped3A_2012, %add3A_1984, %dma_wait3A_2029] : memref<2x16x128xi32, #tpu.memory_space<vmem>> -> memref<1x1x128xi32, #tpu.memory_space<vmem>>
        %dma_wait3A_2031 = tpu.memref_squeeze %dma_wait3A_2030 : memref<1x1x128xi32, #tpu.memory_space<vmem>> -> memref<128xi32, #tpu.memory_space<vmem>>
        %dma_wait3A_2032 = arith.constant 0 : i32
        %dma_wait3A_2033 = arith.constant 0 : i32
        %dma_wait3A_2034 = tpu.memref_slice %arg5[%dma_wait3A_2032, %dma_wait3A_2033] : memref<10240x128xf32, #tpu.memory_space<vmem_shared>> -> memref<10240x128xf32, #tpu.memory_space<vmem_shared>>
        tpu.wait_indirect_dma semaphore(%run_scoped3A_2014 : memref<!tpu.dma_semaphore, #tpu.memory_space<semaphore_mem>>) src(%dma_wait3A_2028 : memref<128x128xf32, #tpu.memory_space<vmem>>) dst(%dma_wait3A_2034 : memref<10240x128xf32, #tpu.memory_space<vmem_shared>>)
        tpu.yield
      }) : () -> ()
      %scan3A_2013 = arith.constant 0 : i32
      scf.yield %scan3A_2013 : i32
    }
    %scan3A_1521 = arith.constant 7 : i32
    %dma_start3A_1522 = arith.constant 1 : i32
    %dma_start3A_1523 = arith.constant 15 : i32
    %dma_start3A_1524 = arith.constant 1 : i32
    %dma_start3A_1525 = arith.constant 0 : i32
    %dma_start3A_1526 = arith.constant 0 : i32
    %dma_start3A_1527 = tpu.memref_slice %arg6[%dma_start3A_1524, %dma_start3A_1525, %dma_start3A_1526] : memref<2x128x128xf32, #tpu.memory_space<vmem>> -> memref<1x128x128xf32, #tpu.memory_space<vmem>>
    %dma_start3A_1528 = tpu.memref_squeeze %dma_start3A_1527 : memref<1x128x128xf32, #tpu.memory_space<vmem>> -> memref<128x128xf32, #tpu.memory_space<vmem>>
    %dma_start3A_1529 = arith.constant 0 : i32
    %dma_start3A_1530 = tpu.memref_slice %arg7[%dma_start3A_1522, %dma_start3A_1523, %dma_start3A_1529] : memref<2x16x128xi32, #tpu.memory_space<vmem>> -> memref<1x1x128xi32, #tpu.memory_space<vmem>>
    %dma_start3A_1531 = tpu.memref_squeeze %dma_start3A_1530 : memref<1x1x128xi32, #tpu.memory_space<vmem>> -> memref<128xi32, #tpu.memory_space<vmem>>
    %dma_start3A_1532 = arith.constant 0 : i32
    %dma_start3A_1533 = arith.constant 0 : i32
    %dma_start3A_1534 = tpu.memref_slice %arg2[%dma_start3A_1532, %dma_start3A_1533] : memref<10000x128xf32, #tpu.memory_space<hbm>> -> memref<10000x128xf32, #tpu.memory_space<hbm>>
    tpu.enqueue_indirect_dma source(%dma_start3A_1534 : memref<10000x128xf32, #tpu.memory_space<hbm>>) target(%dma_start3A_1528 : memref<128x128xf32, #tpu.memory_space<vmem>>) offsets(%dma_start3A_1531 : memref<128xi32, #tpu.memory_space<vmem>>) semaphore(%arg11 : memref<!tpu.dma_semaphore, #tpu.memory_space<semaphore_mem>>)
    %dma_wait3A_1535 = arith.constant 1 : i32
    %dma_wait3A_1536 = arith.constant 14 : i32
    %dma_wait3A_1537 = arith.constant 0 : i32
    %dma_wait3A_1538 = arith.constant 0 : i32
    %dma_wait3A_1539 = arith.constant 0 : i32
    %dma_wait3A_1540 = tpu.memref_slice %arg6[%dma_wait3A_1537, %dma_wait3A_1538, %dma_wait3A_1539] : memref<2x128x128xf32, #tpu.memory_space<vmem>> -> memref<1x128x128xf32, #tpu.memory_space<vmem>>
    %dma_wait3A_1541 = tpu.memref_squeeze %dma_wait3A_1540 : memref<1x128x128xf32, #tpu.memory_space<vmem>> -> memref<128x128xf32, #tpu.memory_space<vmem>>
    %dma_wait3A_1542 = arith.constant 0 : i32
    %dma_wait3A_1543 = tpu.memref_slice %arg7[%dma_wait3A_1535, %dma_wait3A_1536, %dma_wait3A_1542] : memref<2x16x128xi32, #tpu.memory_space<vmem>> -> memref<1x1x128xi32, #tpu.memory_space<vmem>>
    %dma_wait3A_1544 = tpu.memref_squeeze %dma_wait3A_1543 : memref<1x1x128xi32, #tpu.memory_space<vmem>> -> memref<128xi32, #tpu.memory_space<vmem>>
    %dma_wait3A_1545 = arith.constant 0 : i32
    %dma_wait3A_1546 = arith.constant 0 : i32
    %dma_wait3A_1547 = tpu.memref_slice %arg2[%dma_wait3A_1545, %dma_wait3A_1546] : memref<10000x128xf32, #tpu.memory_space<hbm>> -> memref<10000x128xf32, #tpu.memory_space<hbm>>
    tpu.wait_indirect_dma semaphore(%arg10 : memref<!tpu.dma_semaphore, #tpu.memory_space<semaphore_mem>>) src(%dma_wait3A_1547 : memref<10000x128xf32, #tpu.memory_space<hbm>>) dst(%dma_wait3A_1541 : memref<128x128xf32, #tpu.memory_space<vmem>>)
    %run_scoped3A_1548 = arith.constant 0 : i32
    %run_scoped3A_1549 = arith.constant 1 : i32
    %run_scoped3A_1550 = arith.constant 14 : i32
    "tpu.region"() ({
      %run_scoped3A_1947 = tpu.sem_alloc : memref<!tpu.dma_semaphore, #tpu.memory_space<semaphore_mem>>
      %dma_start3A_1948 = arith.constant 0 : i32
      %dma_start3A_1949 = arith.constant 0 : i32
      %dma_start3A_1950 = tpu.memref_slice %arg6[%run_scoped3A_1548, %dma_start3A_1948, %dma_start3A_1949] : memref<2x128x128xf32, #tpu.memory_space<vmem>> -> memref<1x128x128xf32, #tpu.memory_space<vmem>>
      %dma_start3A_1951 = tpu.memref_squeeze %dma_start3A_1950 : memref<1x128x128xf32, #tpu.memory_space<vmem>> -> memref<128x128xf32, #tpu.memory_space<vmem>>
      %dma_start3A_1952 = arith.constant 0 : i32
      %dma_start3A_1953 = tpu.memref_slice %arg8[%run_scoped3A_1549, %run_scoped3A_1550, %dma_start3A_1952] : memref<2x16x128xi32, #tpu.memory_space<vmem>> -> memref<1x1x128xi32, #tpu.memory_space<vmem>>
      %dma_start3A_1954 = tpu.memref_squeeze %dma_start3A_1953 : memref<1x1x128xi32, #tpu.memory_space<vmem>> -> memref<128xi32, #tpu.memory_space<vmem>>
      %dma_start3A_1955 = arith.constant 0 : i32
      %dma_start3A_1956 = arith.constant 0 : i32
      %dma_start3A_1957 = tpu.memref_slice %arg5[%dma_start3A_1955, %dma_start3A_1956] : memref<10240x128xf32, #tpu.memory_space<vmem_shared>> -> memref<10240x128xf32, #tpu.memory_space<vmem_shared>>
      tpu.enqueue_indirect_dma source(%dma_start3A_1951 : memref<128x128xf32, #tpu.memory_space<vmem>>) target(%dma_start3A_1957 : memref<10240x128xf32, #tpu.memory_space<vmem_shared>>) offsets(%dma_start3A_1954 : memref<128xi32, #tpu.memory_space<vmem>>) semaphore(%run_scoped3A_1947 : memref<!tpu.dma_semaphore, #tpu.memory_space<semaphore_mem>>) {add = true}
      %dma_wait3A_1958 = arith.constant 0 : i32
      %dma_wait3A_1959 = arith.constant 0 : i32
      %dma_wait3A_1960 = tpu.memref_slice %arg6[%run_scoped3A_1548, %dma_wait3A_1958, %dma_wait3A_1959] : memref<2x128x128xf32, #tpu.memory_space<vmem>> -> memref<1x128x128xf32, #tpu.memory_space<vmem>>
      %dma_wait3A_1961 = tpu.memref_squeeze %dma_wait3A_1960 : memref<1x128x128xf32, #tpu.memory_space<vmem>> -> memref<128x128xf32, #tpu.memory_space<vmem>>
      %dma_wait3A_1962 = arith.constant 0 : i32
      %dma_wait3A_1963 = tpu.memref_slice %arg8[%run_scoped3A_1549, %run_scoped3A_1550, %dma_wait3A_1962] : memref<2x16x128xi32, #tpu.memory_space<vmem>> -> memref<1x1x128xi32, #tpu.memory_space<vmem>>
      %dma_wait3A_1964 = tpu.memref_squeeze %dma_wait3A_1963 : memref<1x1x128xi32, #tpu.memory_space<vmem>> -> memref<128xi32, #tpu.memory_space<vmem>>
      %dma_wait3A_1965 = arith.constant 0 : i32
      %dma_wait3A_1966 = arith.constant 0 : i32
      %dma_wait3A_1967 = tpu.memref_slice %arg5[%dma_wait3A_1965, %dma_wait3A_1966] : memref<10240x128xf32, #tpu.memory_space<vmem_shared>> -> memref<10240x128xf32, #tpu.memory_space<vmem_shared>>
      tpu.wait_indirect_dma semaphore(%run_scoped3A_1947 : memref<!tpu.dma_semaphore, #tpu.memory_space<semaphore_mem>>) src(%dma_wait3A_1961 : memref<128x128xf32, #tpu.memory_space<vmem>>) dst(%dma_wait3A_1967 : memref<10240x128xf32, #tpu.memory_space<vmem_shared>>)
      tpu.yield
    }) : () -> ()
    %dma_wait3A_1551 = arith.constant 0 : i32
    %dma_wait3A_1552 = arith.constant 0 : i32
    %dma_wait3A_1553 = arith.constant 0 : i32
    %dma_wait3A_1554 = arith.constant 0 : i32
    %dma_wait3A_1555 = tpu.memref_slice %arg7[%dma_wait3A_1552, %dma_wait3A_1553, %dma_wait3A_1554] : memref<2x16x128xi32, #tpu.memory_space<vmem>> -> memref<1x16x128xi32, #tpu.memory_space<vmem>>
    %dma_wait3A_1556 = tpu.memref_squeeze %dma_wait3A_1555 : memref<1x16x128xi32, #tpu.memory_space<vmem>> -> memref<16x128xi32, #tpu.memory_space<vmem>>
    %dma_wait3A_1557 = arith.constant 32 : i32
    %dma_wait3A_1558 = arith.constant 0 : i32
    %dma_wait3A_1559 = tpu.memref_slice %arg3[%dma_wait3A_1551, %add3A, %dma_wait3A_1557, %dma_wait3A_1558] : memref<2x32x80x128xi32, #tpu.memory_space<hbm>> -> memref<1x1x16x128xi32, #tpu.memory_space<hbm>>
    %dma_wait3A_1560 = tpu.memref_squeeze %dma_wait3A_1559 : memref<1x1x16x128xi32, #tpu.memory_space<hbm>> -> memref<16x128xi32, #tpu.memory_space<hbm>>
    %dma_wait3A_1561 = arith.constant 0 : i32
    %dma_wait3A_1562 = arith.constant 0 : i32
    %dma_wait3A_1563 = tpu.memref_slice %arg7[%dma_wait3A_1552, %dma_wait3A_1561, %dma_wait3A_1562] : memref<2x16x128xi32, #tpu.memory_space<vmem>> -> memref<1x16x128xi32, #tpu.memory_space<vmem>>
    %dma_wait3A_1564 = tpu.memref_squeeze %dma_wait3A_1563 : memref<1x16x128xi32, #tpu.memory_space<vmem>> -> memref<16x128xi32, #tpu.memory_space<vmem>>
    %dma_wait3A_1565 = arith.constant 32 : i32
    %dma_wait3A_1566 = arith.constant 0 : i32
    %dma_wait3A_1567 = tpu.memref_slice %arg3[%dma_wait3A_1551, %add3A, %dma_wait3A_1565, %dma_wait3A_1566] : memref<2x32x80x128xi32, #tpu.memory_space<hbm>> -> memref<1x1x16x128xi32, #tpu.memory_space<hbm>>
    %dma_wait3A_1568 = tpu.memref_squeeze %dma_wait3A_1567 : memref<1x1x16x128xi32, #tpu.memory_space<hbm>> -> memref<16x128xi32, #tpu.memory_space<hbm>>
    tpu.wait_dma2 semaphore(%arg13 : memref<!tpu.dma_semaphore, #tpu.memory_space<semaphore_mem>>) src(%dma_wait3A_1568 : memref<16x128xi32, #tpu.memory_space<hbm>>) dst(%dma_wait3A_1564 : memref<16x128xi32, #tpu.memory_space<vmem>>)
    %dma_wait3A_1569 = arith.constant 1 : i32
    %dma_wait3A_1570 = arith.constant 0 : i32
    %dma_wait3A_1571 = arith.constant 0 : i32
    %dma_wait3A_1572 = arith.constant 0 : i32
    %dma_wait3A_1573 = tpu.memref_slice %arg8[%dma_wait3A_1570, %dma_wait3A_1571, %dma_wait3A_1572] : memref<2x16x128xi32, #tpu.memory_space<vmem>> -> memref<1x16x128xi32, #tpu.memory_space<vmem>>
    %dma_wait3A_1574 = tpu.memref_squeeze %dma_wait3A_1573 : memref<1x16x128xi32, #tpu.memory_space<vmem>> -> memref<16x128xi32, #tpu.memory_space<vmem>>
    %dma_wait3A_1575 = arith.constant 32 : i32
    %dma_wait3A_1576 = arith.constant 0 : i32
    %dma_wait3A_1577 = tpu.memref_slice %arg3[%dma_wait3A_1569, %add3A, %dma_wait3A_1575, %dma_wait3A_1576] : memref<2x32x80x128xi32, #tpu.memory_space<hbm>> -> memref<1x1x16x128xi32, #tpu.memory_space<hbm>>
    %dma_wait3A_1578 = tpu.memref_squeeze %dma_wait3A_1577 : memref<1x1x16x128xi32, #tpu.memory_space<hbm>> -> memref<16x128xi32, #tpu.memory_space<hbm>>
    %dma_wait3A_1579 = arith.constant 0 : i32
    %dma_wait3A_1580 = arith.constant 0 : i32
    %dma_wait3A_1581 = tpu.memref_slice %arg8[%dma_wait3A_1570, %dma_wait3A_1579, %dma_wait3A_1580] : memref<2x16x128xi32, #tpu.memory_space<vmem>> -> memref<1x16x128xi32, #tpu.memory_space<vmem>>
    %dma_wait3A_1582 = tpu.memref_squeeze %dma_wait3A_1581 : memref<1x16x128xi32, #tpu.memory_space<vmem>> -> memref<16x128xi32, #tpu.memory_space<vmem>>
    %dma_wait3A_1583 = arith.constant 32 : i32
    %dma_wait3A_1584 = arith.constant 0 : i32
    %dma_wait3A_1585 = tpu.memref_slice %arg3[%dma_wait3A_1569, %add3A, %dma_wait3A_1583, %dma_wait3A_1584] : memref<2x32x80x128xi32, #tpu.memory_space<hbm>> -> memref<1x1x16x128xi32, #tpu.memory_space<hbm>>
    %dma_wait3A_1586 = tpu.memref_squeeze %dma_wait3A_1585 : memref<1x1x16x128xi32, #tpu.memory_space<hbm>> -> memref<16x128xi32, #tpu.memory_space<hbm>>
    tpu.wait_dma2 semaphore(%arg14 : memref<!tpu.dma_semaphore, #tpu.memory_space<semaphore_mem>>) src(%dma_wait3A_1586 : memref<16x128xi32, #tpu.memory_space<hbm>>) dst(%dma_wait3A_1582 : memref<16x128xi32, #tpu.memory_space<vmem>>)
    %dma_start3A_1587 = arith.constant 0 : i32
    %dma_start3A_1588 = arith.constant 0 : i32
    %dma_start3A_1589 = arith.constant 0 : i32
    %dma_start3A_1590 = arith.constant 0 : i32
    %dma_start3A_1591 = arith.constant 0 : i32
    %dma_start3A_1592 = tpu.memref_slice %arg6[%dma_start3A_1589, %dma_start3A_1590, %dma_start3A_1591] : memref<2x128x128xf32, #tpu.memory_space<vmem>> -> memref<1x128x128xf32, #tpu.memory_space<vmem>>
    %dma_start3A_1593 = tpu.memref_squeeze %dma_start3A_1592 : memref<1x128x128xf32, #tpu.memory_space<vmem>> -> memref<128x128xf32, #tpu.memory_space<vmem>>
    %dma_start3A_1594 = arith.constant 0 : i32
    %dma_start3A_1595 = tpu.memref_slice %arg7[%dma_start3A_1587, %dma_start3A_1588, %dma_start3A_1594] : memref<2x16x128xi32, #tpu.memory_space<vmem>> -> memref<1x1x128xi32, #tpu.memory_space<vmem>>
    %dma_start3A_1596 = tpu.memref_squeeze %dma_start3A_1595 : memref<1x1x128xi32, #tpu.memory_space<vmem>> -> memref<128xi32, #tpu.memory_space<vmem>>
    %dma_start3A_1597 = arith.constant 0 : i32
    %dma_start3A_1598 = arith.constant 0 : i32
    %dma_start3A_1599 = tpu.memref_slice %arg2[%dma_start3A_1597, %dma_start3A_1598] : memref<10000x128xf32, #tpu.memory_space<hbm>> -> memref<10000x128xf32, #tpu.memory_space<hbm>>
    tpu.enqueue_indirect_dma source(%dma_start3A_1599 : memref<10000x128xf32, #tpu.memory_space<hbm>>) target(%dma_start3A_1593 : memref<128x128xf32, #tpu.memory_space<vmem>>) offsets(%dma_start3A_1596 : memref<128xi32, #tpu.memory_space<vmem>>) semaphore(%arg10 : memref<!tpu.dma_semaphore, #tpu.memory_space<semaphore_mem>>)
    %dma_wait3A_1600 = arith.constant 1 : i32
    %dma_wait3A_1601 = arith.constant 15 : i32
    %dma_wait3A_1602 = arith.constant 1 : i32
    %dma_wait3A_1603 = arith.constant 0 : i32
    %dma_wait3A_1604 = arith.constant 0 : i32
    %dma_wait3A_1605 = tpu.memref_slice %arg6[%dma_wait3A_1602, %dma_wait3A_1603, %dma_wait3A_1604] : memref<2x128x128xf32, #tpu.memory_space<vmem>> -> memref<1x128x128xf32, #tpu.memory_space<vmem>>
    %dma_wait3A_1606 = tpu.memref_squeeze %dma_wait3A_1605 : memref<1x128x128xf32, #tpu.memory_space<vmem>> -> memref<128x128xf32, #tpu.memory_space<vmem>>
    %dma_wait3A_1607 = arith.constant 0 : i32
    %dma_wait3A_1608 = tpu.memref_slice %arg7[%dma_wait3A_1600, %dma_wait3A_1601, %dma_wait3A_1607] : memref<2x16x128xi32, #tpu.memory_space<vmem>> -> memref<1x1x128xi32, #tpu.memory_space<vmem>>
    %dma_wait3A_1609 = tpu.memref_squeeze %dma_wait3A_1608 : memref<1x1x128xi32, #tpu.memory_space<vmem>> -> memref<128xi32, #tpu.memory_space<vmem>>
    %dma_wait3A_1610 = arith.constant 0 : i32
    %dma_wait3A_1611 = arith.constant 0 : i32
    %dma_wait3A_1612 = tpu.memref_slice %arg2[%dma_wait3A_1610, %dma_wait3A_1611] : memref<10000x128xf32, #tpu.memory_space<hbm>> -> memref<10000x128xf32, #tpu.memory_space<hbm>>
    tpu.wait_indirect_dma semaphore(%arg11 : memref<!tpu.dma_semaphore, #tpu.memory_space<semaphore_mem>>) src(%dma_wait3A_1612 : memref<10000x128xf32, #tpu.memory_space<hbm>>) dst(%dma_wait3A_1606 : memref<128x128xf32, #tpu.memory_space<vmem>>)
    %run_scoped3A_1613 = arith.constant 1 : i32
    %run_scoped3A_1614 = arith.constant 1 : i32
    %run_scoped3A_1615 = arith.constant 15 : i32
    "tpu.region"() ({
      %run_scoped3A_1947 = tpu.sem_alloc : memref<!tpu.dma_semaphore, #tpu.memory_space<semaphore_mem>>
      %dma_start3A_1948 = arith.constant 0 : i32
      %dma_start3A_1949 = arith.constant 0 : i32
      %dma_start3A_1950 = tpu.memref_slice %arg6[%run_scoped3A_1613, %dma_start3A_1948, %dma_start3A_1949] : memref<2x128x128xf32, #tpu.memory_space<vmem>> -> memref<1x128x128xf32, #tpu.memory_space<vmem>>
      %dma_start3A_1951 = tpu.memref_squeeze %dma_start3A_1950 : memref<1x128x128xf32, #tpu.memory_space<vmem>> -> memref<128x128xf32, #tpu.memory_space<vmem>>
      %dma_start3A_1952 = arith.constant 0 : i32
      %dma_start3A_1953 = tpu.memref_slice %arg8[%run_scoped3A_1614, %run_scoped3A_1615, %dma_start3A_1952] : memref<2x16x128xi32, #tpu.memory_space<vmem>> -> memref<1x1x128xi32, #tpu.memory_space<vmem>>
      %dma_start3A_1954 = tpu.memref_squeeze %dma_start3A_1953 : memref<1x1x128xi32, #tpu.memory_space<vmem>> -> memref<128xi32, #tpu.memory_space<vmem>>
      %dma_start3A_1955 = arith.constant 0 : i32
      %dma_start3A_1956 = arith.constant 0 : i32
      %dma_start3A_1957 = tpu.memref_slice %arg5[%dma_start3A_1955, %dma_start3A_1956] : memref<10240x128xf32, #tpu.memory_space<vmem_shared>> -> memref<10240x128xf32, #tpu.memory_space<vmem_shared>>
      tpu.enqueue_indirect_dma source(%dma_start3A_1951 : memref<128x128xf32, #tpu.memory_space<vmem>>) target(%dma_start3A_1957 : memref<10240x128xf32, #tpu.memory_space<vmem_shared>>) offsets(%dma_start3A_1954 : memref<128xi32, #tpu.memory_space<vmem>>) semaphore(%run_scoped3A_1947 : memref<!tpu.dma_semaphore, #tpu.memory_space<semaphore_mem>>) {add = true}
      %dma_wait3A_1958 = arith.constant 0 : i32
      %dma_wait3A_1959 = arith.constant 0 : i32
      %dma_wait3A_1960 = tpu.memref_slice %arg6[%run_scoped3A_1613, %dma_wait3A_1958, %dma_wait3A_1959] : memref<2x128x128xf32, #tpu.memory_space<vmem>> -> memref<1x128x128xf32, #tpu.memory_space<vmem>>
      %dma_wait3A_1961 = tpu.memref_squeeze %dma_wait3A_1960 : memref<1x128x128xf32, #tpu.memory_space<vmem>> -> memref<128x128xf32, #tpu.memory_space<vmem>>
      %dma_wait3A_1962 = arith.constant 0 : i32
      %dma_wait3A_1963 = tpu.memref_slice %arg8[%run_scoped3A_1614, %run_scoped3A_1615, %dma_wait3A_1962] : memref<2x16x128xi32, #tpu.memory_space<vmem>> -> memref<1x1x128xi32, #tpu.memory_space<vmem>>
      %dma_wait3A_1964 = tpu.memref_squeeze %dma_wait3A_1963 : memref<1x1x128xi32, #tpu.memory_space<vmem>> -> memref<128xi32, #tpu.memory_space<vmem>>
      %dma_wait3A_1965 = arith.constant 0 : i32
      %dma_wait3A_1966 = arith.constant 0 : i32
      %dma_wait3A_1967 = tpu.memref_slice %arg5[%dma_wait3A_1965, %dma_wait3A_1966] : memref<10240x128xf32, #tpu.memory_space<vmem_shared>> -> memref<10240x128xf32, #tpu.memory_space<vmem_shared>>
      tpu.wait_indirect_dma semaphore(%run_scoped3A_1947 : memref<!tpu.dma_semaphore, #tpu.memory_space<semaphore_mem>>) src(%dma_wait3A_1961 : memref<128x128xf32, #tpu.memory_space<vmem>>) dst(%dma_wait3A_1967 : memref<10240x128xf32, #tpu.memory_space<vmem_shared>>)
      tpu.yield
    }) : () -> ()
    %dma_start3A_1616 = arith.constant 0 : i32
    %dma_start3A_1617 = arith.constant 1 : i32
    %dma_start3A_1618 = arith.constant 0 : i32
    %dma_start3A_1619 = arith.constant 0 : i32
    %dma_start3A_1620 = tpu.memref_slice %arg7[%dma_start3A_1617, %dma_start3A_1618, %dma_start3A_1619] : memref<2x16x128xi32, #tpu.memory_space<vmem>> -> memref<1x16x128xi32, #tpu.memory_space<vmem>>
    %dma_start3A_1621 = tpu.memref_squeeze %dma_start3A_1620 : memref<1x16x128xi32, #tpu.memory_space<vmem>> -> memref<16x128xi32, #tpu.memory_space<vmem>>
    %dma_start3A_1622 = arith.constant 48 : i32
    %dma_start3A_1623 = arith.constant 0 : i32
    %dma_start3A_1624 = tpu.memref_slice %arg3[%dma_start3A_1616, %add3A, %dma_start3A_1622, %dma_start3A_1623] : memref<2x32x80x128xi32, #tpu.memory_space<hbm>> -> memref<1x1x16x128xi32, #tpu.memory_space<hbm>>
    %dma_start3A_1625 = tpu.memref_squeeze %dma_start3A_1624 : memref<1x1x16x128xi32, #tpu.memory_space<hbm>> -> memref<16x128xi32, #tpu.memory_space<hbm>>
    %dma_start3A_1626 = arith.constant 0 : i32
    %dma_start3A_1627 = arith.constant 0 : i32
    %dma_start3A_1628 = tpu.memref_slice %arg7[%dma_start3A_1617, %dma_start3A_1626, %dma_start3A_1627] : memref<2x16x128xi32, #tpu.memory_space<vmem>> -> memref<1x16x128xi32, #tpu.memory_space<vmem>>
    %dma_start3A_1629 = tpu.memref_squeeze %dma_start3A_1628 : memref<1x16x128xi32, #tpu.memory_space<vmem>> -> memref<16x128xi32, #tpu.memory_space<vmem>>
    %dma_start3A_1630 = arith.constant 48 : i32
    %dma_start3A_1631 = arith.constant 0 : i32
    %dma_start3A_1632 = tpu.memref_slice %arg3[%dma_start3A_1616, %add3A, %dma_start3A_1630, %dma_start3A_1631] : memref<2x32x80x128xi32, #tpu.memory_space<hbm>> -> memref<1x1x16x128xi32, #tpu.memory_space<hbm>>
    %dma_start3A_1633 = tpu.memref_squeeze %dma_start3A_1632 : memref<1x1x16x128xi32, #tpu.memory_space<hbm>> -> memref<16x128xi32, #tpu.memory_space<hbm>>
    tpu.enqueue_dma source(%dma_start3A_1633 : memref<16x128xi32, #tpu.memory_space<hbm>>) target(%dma_start3A_1629 : memref<16x128xi32, #tpu.memory_space<vmem>>) target_semaphore(%arg13 : memref<!tpu.dma_semaphore, #tpu.memory_space<semaphore_mem>>)
    %dma_start3A_1634 = arith.constant 1 : i32
    %dma_start3A_1635 = arith.constant 1 : i32
    %dma_start3A_1636 = arith.constant 0 : i32
    %dma_start3A_1637 = arith.constant 0 : i32
    %dma_start3A_1638 = tpu.memref_slice %arg8[%dma_start3A_1635, %dma_start3A_1636, %dma_start3A_1637] : memref<2x16x128xi32, #tpu.memory_space<vmem>> -> memref<1x16x128xi32, #tpu.memory_space<vmem>>
    %dma_start3A_1639 = tpu.memref_squeeze %dma_start3A_1638 : memref<1x16x128xi32, #tpu.memory_space<vmem>> -> memref<16x128xi32, #tpu.memory_space<vmem>>
    %dma_start3A_1640 = arith.constant 48 : i32
    %dma_start3A_1641 = arith.constant 0 : i32
    %dma_start3A_1642 = tpu.memref_slice %arg3[%dma_start3A_1634, %add3A, %dma_start3A_1640, %dma_start3A_1641] : memref<2x32x80x128xi32, #tpu.memory_space<hbm>> -> memref<1x1x16x128xi32, #tpu.memory_space<hbm>>
    %dma_start3A_1643 = tpu.memref_squeeze %dma_start3A_1642 : memref<1x1x16x128xi32, #tpu.memory_space<hbm>> -> memref<16x128xi32, #tpu.memory_space<hbm>>
    %dma_start3A_1644 = arith.constant 0 : i32
    %dma_start3A_1645 = arith.constant 0 : i32
    %dma_start3A_1646 = tpu.memref_slice %arg8[%dma_start3A_1635, %dma_start3A_1644, %dma_start3A_1645] : memref<2x16x128xi32, #tpu.memory_space<vmem>> -> memref<1x16x128xi32, #tpu.memory_space<vmem>>
    %dma_start3A_1647 = tpu.memref_squeeze %dma_start3A_1646 : memref<1x16x128xi32, #tpu.memory_space<vmem>> -> memref<16x128xi32, #tpu.memory_space<vmem>>
    %dma_start3A_1648 = arith.constant 48 : i32
    %dma_start3A_1649 = arith.constant 0 : i32
    %dma_start3A_1650 = tpu.memref_slice %arg3[%dma_start3A_1634, %add3A, %dma_start3A_1648, %dma_start3A_1649] : memref<2x32x80x128xi32, #tpu.memory_space<hbm>> -> memref<1x1x16x128xi32, #tpu.memory_space<hbm>>
    %dma_start3A_1651 = tpu.memref_squeeze %dma_start3A_1650 : memref<1x1x16x128xi32, #tpu.memory_space<hbm>> -> memref<16x128xi32, #tpu.memory_space<hbm>>
    tpu.enqueue_dma source(%dma_start3A_1651 : memref<16x128xi32, #tpu.memory_space<hbm>>) target(%dma_start3A_1647 : memref<16x128xi32, #tpu.memory_space<vmem>>) target_semaphore(%arg14 : memref<!tpu.dma_semaphore, #tpu.memory_space<semaphore_mem>>)
    %scan3A_1652 = arith.constant 0 : i32
    %scan3A_1653 = arith.constant 0 : i32
    %scan3A_1654 = arith.constant 7 : i32
    %scan3A_1655 = arith.addi %scan3A_1653, %scan3A_1654 : i32
    %scan3A_1656 = arith.constant 1 : i32
    %scan3A_1657 = scf.for %scan3A_1947 = %scan3A_1653 to %scan3A_1655 step %scan3A_1656 iter_args(%scan3A_1948 = %scan3A_1652) -> (i32)  : i32 {
      %mul3A_1949 = arith.constant 2 : i32
      %mul3A_1950 = arith.muli %mul3A_1949, %scan3A_1947 : i32
      %add3A_1951 = arith.constant 0 : i32
      %add3A_1952 = arith.addi %mul3A_1950, %add3A_1951 : i32
      %add3A_1953 = arith.constant 1 : i32
      %add3A_1954 = arith.addi %add3A_1952, %add3A_1953 : i32
      %dma_start3A_1955 = arith.constant 0 : i32
      %dma_start3A_1956 = arith.constant 1 : i32
      %dma_start3A_1957 = arith.constant 0 : i32
      %dma_start3A_1958 = arith.constant 0 : i32
      %dma_start3A_1959 = tpu.memref_slice %arg6[%dma_start3A_1956, %dma_start3A_1957, %dma_start3A_1958] : memref<2x128x128xf32, #tpu.memory_space<vmem>> -> memref<1x128x128xf32, #tpu.memory_space<vmem>>
      %dma_start3A_1960 = tpu.memref_squeeze %dma_start3A_1959 : memref<1x128x128xf32, #tpu.memory_space<vmem>> -> memref<128x128xf32, #tpu.memory_space<vmem>>
      %dma_start3A_1961 = arith.constant 0 : i32
      %dma_start3A_1962 = tpu.memref_slice %arg7[%dma_start3A_1955, %add3A_1954, %dma_start3A_1961] : memref<2x16x128xi32, #tpu.memory_space<vmem>> -> memref<1x1x128xi32, #tpu.memory_space<vmem>>
      %dma_start3A_1963 = tpu.memref_squeeze %dma_start3A_1962 : memref<1x1x128xi32, #tpu.memory_space<vmem>> -> memref<128xi32, #tpu.memory_space<vmem>>
      %dma_start3A_1964 = arith.constant 0 : i32
      %dma_start3A_1965 = arith.constant 0 : i32
      %dma_start3A_1966 = tpu.memref_slice %arg2[%dma_start3A_1964, %dma_start3A_1965] : memref<10000x128xf32, #tpu.memory_space<hbm>> -> memref<10000x128xf32, #tpu.memory_space<hbm>>
      tpu.enqueue_indirect_dma source(%dma_start3A_1966 : memref<10000x128xf32, #tpu.memory_space<hbm>>) target(%dma_start3A_1960 : memref<128x128xf32, #tpu.memory_space<vmem>>) offsets(%dma_start3A_1963 : memref<128xi32, #tpu.memory_space<vmem>>) semaphore(%arg11 : memref<!tpu.dma_semaphore, #tpu.memory_space<semaphore_mem>>)
      %dma_wait3A_1967 = arith.constant 0 : i32
      %dma_wait3A_1968 = arith.constant 0 : i32
      %dma_wait3A_1969 = arith.constant 0 : i32
      %dma_wait3A_1970 = arith.constant 0 : i32
      %dma_wait3A_1971 = tpu.memref_slice %arg6[%dma_wait3A_1968, %dma_wait3A_1969, %dma_wait3A_1970] : memref<2x128x128xf32, #tpu.memory_space<vmem>> -> memref<1x128x128xf32, #tpu.memory_space<vmem>>
      %dma_wait3A_1972 = tpu.memref_squeeze %dma_wait3A_1971 : memref<1x128x128xf32, #tpu.memory_space<vmem>> -> memref<128x128xf32, #tpu.memory_space<vmem>>
      %dma_wait3A_1973 = arith.constant 0 : i32
      %dma_wait3A_1974 = tpu.memref_slice %arg7[%dma_wait3A_1967, %add3A_1952, %dma_wait3A_1973] : memref<2x16x128xi32, #tpu.memory_space<vmem>> -> memref<1x1x128xi32, #tpu.memory_space<vmem>>
      %dma_wait3A_1975 = tpu.memref_squeeze %dma_wait3A_1974 : memref<1x1x128xi32, #tpu.memory_space<vmem>> -> memref<128xi32, #tpu.memory_space<vmem>>
      %dma_wait3A_1976 = arith.constant 0 : i32
      %dma_wait3A_1977 = arith.constant 0 : i32
      %dma_wait3A_1978 = tpu.memref_slice %arg2[%dma_wait3A_1976, %dma_wait3A_1977] : memref<10000x128xf32, #tpu.memory_space<hbm>> -> memref<10000x128xf32, #tpu.memory_space<hbm>>
      tpu.wait_indirect_dma semaphore(%arg10 : memref<!tpu.dma_semaphore, #tpu.memory_space<semaphore_mem>>) src(%dma_wait3A_1978 : memref<10000x128xf32, #tpu.memory_space<hbm>>) dst(%dma_wait3A_1972 : memref<128x128xf32, #tpu.memory_space<vmem>>)
      %run_scoped3A_1979 = arith.constant 0 : i32
      %run_scoped3A_1980 = arith.constant 0 : i32
      "tpu.region"() ({
        %run_scoped3A_2014 = tpu.sem_alloc : memref<!tpu.dma_semaphore, #tpu.memory_space<semaphore_mem>>
        %dma_start3A_2015 = arith.constant 0 : i32
        %dma_start3A_2016 = arith.constant 0 : i32
        %dma_start3A_2017 = tpu.memref_slice %arg6[%run_scoped3A_1979, %dma_start3A_2015, %dma_start3A_2016] : memref<2x128x128xf32, #tpu.memory_space<vmem>> -> memref<1x128x128xf32, #tpu.memory_space<vmem>>
        %dma_start3A_2018 = tpu.memref_squeeze %dma_start3A_2017 : memref<1x128x128xf32, #tpu.memory_space<vmem>> -> memref<128x128xf32, #tpu.memory_space<vmem>>
        %dma_start3A_2019 = arith.constant 0 : i32
        %dma_start3A_2020 = tpu.memref_slice %arg8[%run_scoped3A_1980, %add3A_1952, %dma_start3A_2019] : memref<2x16x128xi32, #tpu.memory_space<vmem>> -> memref<1x1x128xi32, #tpu.memory_space<vmem>>
        %dma_start3A_2021 = tpu.memref_squeeze %dma_start3A_2020 : memref<1x1x128xi32, #tpu.memory_space<vmem>> -> memref<128xi32, #tpu.memory_space<vmem>>
        %dma_start3A_2022 = arith.constant 0 : i32
        %dma_start3A_2023 = arith.constant 0 : i32
        %dma_start3A_2024 = tpu.memref_slice %arg5[%dma_start3A_2022, %dma_start3A_2023] : memref<10240x128xf32, #tpu.memory_space<vmem_shared>> -> memref<10240x128xf32, #tpu.memory_space<vmem_shared>>
        tpu.enqueue_indirect_dma source(%dma_start3A_2018 : memref<128x128xf32, #tpu.memory_space<vmem>>) target(%dma_start3A_2024 : memref<10240x128xf32, #tpu.memory_space<vmem_shared>>) offsets(%dma_start3A_2021 : memref<128xi32, #tpu.memory_space<vmem>>) semaphore(%run_scoped3A_2014 : memref<!tpu.dma_semaphore, #tpu.memory_space<semaphore_mem>>) {add = true}
        %dma_wait3A_2025 = arith.constant 0 : i32
        %dma_wait3A_2026 = arith.constant 0 : i32
        %dma_wait3A_2027 = tpu.memref_slice %arg6[%run_scoped3A_1979, %dma_wait3A_2025, %dma_wait3A_2026] : memref<2x128x128xf32, #tpu.memory_space<vmem>> -> memref<1x128x128xf32, #tpu.memory_space<vmem>>
        %dma_wait3A_2028 = tpu.memref_squeeze %dma_wait3A_2027 : memref<1x128x128xf32, #tpu.memory_space<vmem>> -> memref<128x128xf32, #tpu.memory_space<vmem>>
        %dma_wait3A_2029 = arith.constant 0 : i32
        %dma_wait3A_2030 = tpu.memref_slice %arg8[%run_scoped3A_1980, %add3A_1952, %dma_wait3A_2029] : memref<2x16x128xi32, #tpu.memory_space<vmem>> -> memref<1x1x128xi32, #tpu.memory_space<vmem>>
        %dma_wait3A_2031 = tpu.memref_squeeze %dma_wait3A_2030 : memref<1x1x128xi32, #tpu.memory_space<vmem>> -> memref<128xi32, #tpu.memory_space<vmem>>
        %dma_wait3A_2032 = arith.constant 0 : i32
        %dma_wait3A_2033 = arith.constant 0 : i32
        %dma_wait3A_2034 = tpu.memref_slice %arg5[%dma_wait3A_2032, %dma_wait3A_2033] : memref<10240x128xf32, #tpu.memory_space<vmem_shared>> -> memref<10240x128xf32, #tpu.memory_space<vmem_shared>>
        tpu.wait_indirect_dma semaphore(%run_scoped3A_2014 : memref<!tpu.dma_semaphore, #tpu.memory_space<semaphore_mem>>) src(%dma_wait3A_2028 : memref<128x128xf32, #tpu.memory_space<vmem>>) dst(%dma_wait3A_2034 : memref<10240x128xf32, #tpu.memory_space<vmem_shared>>)
        tpu.yield
      }) : () -> ()
      %mul3A_1981 = arith.constant 2 : i32
      %mul3A_1982 = arith.muli %mul3A_1981, %scan3A_1947 : i32
      %add3A_1983 = arith.constant 1 : i32
      %add3A_1984 = arith.addi %mul3A_1982, %add3A_1983 : i32
      %add3A_1985 = arith.constant 1 : i32
      %add3A_1986 = arith.addi %add3A_1984, %add3A_1985 : i32
      %dma_start3A_1987 = arith.constant 0 : i32
      %dma_start3A_1988 = arith.constant 0 : i32
      %dma_start3A_1989 = arith.constant 0 : i32
      %dma_start3A_1990 = arith.constant 0 : i32
      %dma_start3A_1991 = tpu.memref_slice %arg6[%dma_start3A_1988, %dma_start3A_1989, %dma_start3A_1990] : memref<2x128x128xf32, #tpu.memory_space<vmem>> -> memref<1x128x128xf32, #tpu.memory_space<vmem>>
      %dma_start3A_1992 = tpu.memref_squeeze %dma_start3A_1991 : memref<1x128x128xf32, #tpu.memory_space<vmem>> -> memref<128x128xf32, #tpu.memory_space<vmem>>
      %dma_start3A_1993 = arith.constant 0 : i32
      %dma_start3A_1994 = tpu.memref_slice %arg7[%dma_start3A_1987, %add3A_1986, %dma_start3A_1993] : memref<2x16x128xi32, #tpu.memory_space<vmem>> -> memref<1x1x128xi32, #tpu.memory_space<vmem>>
      %dma_start3A_1995 = tpu.memref_squeeze %dma_start3A_1994 : memref<1x1x128xi32, #tpu.memory_space<vmem>> -> memref<128xi32, #tpu.memory_space<vmem>>
      %dma_start3A_1996 = arith.constant 0 : i32
      %dma_start3A_1997 = arith.constant 0 : i32
      %dma_start3A_1998 = tpu.memref_slice %arg2[%dma_start3A_1996, %dma_start3A_1997] : memref<10000x128xf32, #tpu.memory_space<hbm>> -> memref<10000x128xf32, #tpu.memory_space<hbm>>
      tpu.enqueue_indirect_dma source(%dma_start3A_1998 : memref<10000x128xf32, #tpu.memory_space<hbm>>) target(%dma_start3A_1992 : memref<128x128xf32, #tpu.memory_space<vmem>>) offsets(%dma_start3A_1995 : memref<128xi32, #tpu.memory_space<vmem>>) semaphore(%arg10 : memref<!tpu.dma_semaphore, #tpu.memory_space<semaphore_mem>>)
      %dma_wait3A_1999 = arith.constant 0 : i32
      %dma_wait3A_2000 = arith.constant 1 : i32
      %dma_wait3A_2001 = arith.constant 0 : i32
      %dma_wait3A_2002 = arith.constant 0 : i32
      %dma_wait3A_2003 = tpu.memref_slice %arg6[%dma_wait3A_2000, %dma_wait3A_2001, %dma_wait3A_2002] : memref<2x128x128xf32, #tpu.memory_space<vmem>> -> memref<1x128x128xf32, #tpu.memory_space<vmem>>
      %dma_wait3A_2004 = tpu.memref_squeeze %dma_wait3A_2003 : memref<1x128x128xf32, #tpu.memory_space<vmem>> -> memref<128x128xf32, #tpu.memory_space<vmem>>
      %dma_wait3A_2005 = arith.constant 0 : i32
      %dma_wait3A_2006 = tpu.memref_slice %arg7[%dma_wait3A_1999, %add3A_1984, %dma_wait3A_2005] : memref<2x16x128xi32, #tpu.memory_space<vmem>> -> memref<1x1x128xi32, #tpu.memory_space<vmem>>
      %dma_wait3A_2007 = tpu.memref_squeeze %dma_wait3A_2006 : memref<1x1x128xi32, #tpu.memory_space<vmem>> -> memref<128xi32, #tpu.memory_space<vmem>>
      %dma_wait3A_2008 = arith.constant 0 : i32
      %dma_wait3A_2009 = arith.constant 0 : i32
      %dma_wait3A_2010 = tpu.memref_slice %arg2[%dma_wait3A_2008, %dma_wait3A_2009] : memref<10000x128xf32, #tpu.memory_space<hbm>> -> memref<10000x128xf32, #tpu.memory_space<hbm>>
      tpu.wait_indirect_dma semaphore(%arg11 : memref<!tpu.dma_semaphore, #tpu.memory_space<semaphore_mem>>) src(%dma_wait3A_2010 : memref<10000x128xf32, #tpu.memory_space<hbm>>) dst(%dma_wait3A_2004 : memref<128x128xf32, #tpu.memory_space<vmem>>)
      %run_scoped3A_2011 = arith.constant 1 : i32
      %run_scoped3A_2012 = arith.constant 0 : i32
      "tpu.region"() ({
        %run_scoped3A_2014 = tpu.sem_alloc : memref<!tpu.dma_semaphore, #tpu.memory_space<semaphore_mem>>
        %dma_start3A_2015 = arith.constant 0 : i32
        %dma_start3A_2016 = arith.constant 0 : i32
        %dma_start3A_2017 = tpu.memref_slice %arg6[%run_scoped3A_2011, %dma_start3A_2015, %dma_start3A_2016] : memref<2x128x128xf32, #tpu.memory_space<vmem>> -> memref<1x128x128xf32, #tpu.memory_space<vmem>>
        %dma_start3A_2018 = tpu.memref_squeeze %dma_start3A_2017 : memref<1x128x128xf32, #tpu.memory_space<vmem>> -> memref<128x128xf32, #tpu.memory_space<vmem>>
        %dma_start3A_2019 = arith.constant 0 : i32
        %dma_start3A_2020 = tpu.memref_slice %arg8[%run_scoped3A_2012, %add3A_1984, %dma_start3A_2019] : memref<2x16x128xi32, #tpu.memory_space<vmem>> -> memref<1x1x128xi32, #tpu.memory_space<vmem>>
        %dma_start3A_2021 = tpu.memref_squeeze %dma_start3A_2020 : memref<1x1x128xi32, #tpu.memory_space<vmem>> -> memref<128xi32, #tpu.memory_space<vmem>>
        %dma_start3A_2022 = arith.constant 0 : i32
        %dma_start3A_2023 = arith.constant 0 : i32
        %dma_start3A_2024 = tpu.memref_slice %arg5[%dma_start3A_2022, %dma_start3A_2023] : memref<10240x128xf32, #tpu.memory_space<vmem_shared>> -> memref<10240x128xf32, #tpu.memory_space<vmem_shared>>
        tpu.enqueue_indirect_dma source(%dma_start3A_2018 : memref<128x128xf32, #tpu.memory_space<vmem>>) target(%dma_start3A_2024 : memref<10240x128xf32, #tpu.memory_space<vmem_shared>>) offsets(%dma_start3A_2021 : memref<128xi32, #tpu.memory_space<vmem>>) semaphore(%run_scoped3A_2014 : memref<!tpu.dma_semaphore, #tpu.memory_space<semaphore_mem>>) {add = true}
        %dma_wait3A_2025 = arith.constant 0 : i32
        %dma_wait3A_2026 = arith.constant 0 : i32
        %dma_wait3A_2027 = tpu.memref_slice %arg6[%run_scoped3A_2011, %dma_wait3A_2025, %dma_wait3A_2026] : memref<2x128x128xf32, #tpu.memory_space<vmem>> -> memref<1x128x128xf32, #tpu.memory_space<vmem>>
        %dma_wait3A_2028 = tpu.memref_squeeze %dma_wait3A_2027 : memref<1x128x128xf32, #tpu.memory_space<vmem>> -> memref<128x128xf32, #tpu.memory_space<vmem>>
        %dma_wait3A_2029 = arith.constant 0 : i32
        %dma_wait3A_2030 = tpu.memref_slice %arg8[%run_scoped3A_2012, %add3A_1984, %dma_wait3A_2029] : memref<2x16x128xi32, #tpu.memory_space<vmem>> -> memref<1x1x128xi32, #tpu.memory_space<vmem>>
        %dma_wait3A_2031 = tpu.memref_squeeze %dma_wait3A_2030 : memref<1x1x128xi32, #tpu.memory_space<vmem>> -> memref<128xi32, #tpu.memory_space<vmem>>
        %dma_wait3A_2032 = arith.constant 0 : i32
        %dma_wait3A_2033 = arith.constant 0 : i32
        %dma_wait3A_2034 = tpu.memref_slice %arg5[%dma_wait3A_2032, %dma_wait3A_2033] : memref<10240x128xf32, #tpu.memory_space<vmem_shared>> -> memref<10240x128xf32, #tpu.memory_space<vmem_shared>>
        tpu.wait_indirect_dma semaphore(%run_scoped3A_2014 : memref<!tpu.dma_semaphore, #tpu.memory_space<semaphore_mem>>) src(%dma_wait3A_2028 : memref<128x128xf32, #tpu.memory_space<vmem>>) dst(%dma_wait3A_2034 : memref<10240x128xf32, #tpu.memory_space<vmem_shared>>)
        tpu.yield
      }) : () -> ()
      %scan3A_2013 = arith.constant 0 : i32
      scf.yield %scan3A_2013 : i32
    }
    %scan3A_1658 = arith.constant 7 : i32
    %dma_start3A_1659 = arith.constant 0 : i32
    %dma_start3A_1660 = arith.constant 15 : i32
    %dma_start3A_1661 = arith.constant 1 : i32
    %dma_start3A_1662 = arith.constant 0 : i32
    %dma_start3A_1663 = arith.constant 0 : i32
    %dma_start3A_1664 = tpu.memref_slice %arg6[%dma_start3A_1661, %dma_start3A_1662, %dma_start3A_1663] : memref<2x128x128xf32, #tpu.memory_space<vmem>> -> memref<1x128x128xf32, #tpu.memory_space<vmem>>
    %dma_start3A_1665 = tpu.memref_squeeze %dma_start3A_1664 : memref<1x128x128xf32, #tpu.memory_space<vmem>> -> memref<128x128xf32, #tpu.memory_space<vmem>>
    %dma_start3A_1666 = arith.constant 0 : i32
    %dma_start3A_1667 = tpu.memref_slice %arg7[%dma_start3A_1659, %dma_start3A_1660, %dma_start3A_1666] : memref<2x16x128xi32, #tpu.memory_space<vmem>> -> memref<1x1x128xi32, #tpu.memory_space<vmem>>
    %dma_start3A_1668 = tpu.memref_squeeze %dma_start3A_1667 : memref<1x1x128xi32, #tpu.memory_space<vmem>> -> memref<128xi32, #tpu.memory_space<vmem>>
    %dma_start3A_1669 = arith.constant 0 : i32
    %dma_start3A_1670 = arith.constant 0 : i32
    %dma_start3A_1671 = tpu.memref_slice %arg2[%dma_start3A_1669, %dma_start3A_1670] : memref<10000x128xf32, #tpu.memory_space<hbm>> -> memref<10000x128xf32, #tpu.memory_space<hbm>>
    tpu.enqueue_indirect_dma source(%dma_start3A_1671 : memref<10000x128xf32, #tpu.memory_space<hbm>>) target(%dma_start3A_1665 : memref<128x128xf32, #tpu.memory_space<vmem>>) offsets(%dma_start3A_1668 : memref<128xi32, #tpu.memory_space<vmem>>) semaphore(%arg11 : memref<!tpu.dma_semaphore, #tpu.memory_space<semaphore_mem>>)
    %dma_wait3A_1672 = arith.constant 0 : i32
    %dma_wait3A_1673 = arith.constant 14 : i32
    %dma_wait3A_1674 = arith.constant 0 : i32
    %dma_wait3A_1675 = arith.constant 0 : i32
    %dma_wait3A_1676 = arith.constant 0 : i32
    %dma_wait3A_1677 = tpu.memref_slice %arg6[%dma_wait3A_1674, %dma_wait3A_1675, %dma_wait3A_1676] : memref<2x128x128xf32, #tpu.memory_space<vmem>> -> memref<1x128x128xf32, #tpu.memory_space<vmem>>
    %dma_wait3A_1678 = tpu.memref_squeeze %dma_wait3A_1677 : memref<1x128x128xf32, #tpu.memory_space<vmem>> -> memref<128x128xf32, #tpu.memory_space<vmem>>
    %dma_wait3A_1679 = arith.constant 0 : i32
    %dma_wait3A_1680 = tpu.memref_slice %arg7[%dma_wait3A_1672, %dma_wait3A_1673, %dma_wait3A_1679] : memref<2x16x128xi32, #tpu.memory_space<vmem>> -> memref<1x1x128xi32, #tpu.memory_space<vmem>>
    %dma_wait3A_1681 = tpu.memref_squeeze %dma_wait3A_1680 : memref<1x1x128xi32, #tpu.memory_space<vmem>> -> memref<128xi32, #tpu.memory_space<vmem>>
    %dma_wait3A_1682 = arith.constant 0 : i32
    %dma_wait3A_1683 = arith.constant 0 : i32
    %dma_wait3A_1684 = tpu.memref_slice %arg2[%dma_wait3A_1682, %dma_wait3A_1683] : memref<10000x128xf32, #tpu.memory_space<hbm>> -> memref<10000x128xf32, #tpu.memory_space<hbm>>
    tpu.wait_indirect_dma semaphore(%arg10 : memref<!tpu.dma_semaphore, #tpu.memory_space<semaphore_mem>>) src(%dma_wait3A_1684 : memref<10000x128xf32, #tpu.memory_space<hbm>>) dst(%dma_wait3A_1678 : memref<128x128xf32, #tpu.memory_space<vmem>>)
    %run_scoped3A_1685 = arith.constant 0 : i32
    %run_scoped3A_1686 = arith.constant 0 : i32
    %run_scoped3A_1687 = arith.constant 14 : i32
    "tpu.region"() ({
      %run_scoped3A_1947 = tpu.sem_alloc : memref<!tpu.dma_semaphore, #tpu.memory_space<semaphore_mem>>
      %dma_start3A_1948 = arith.constant 0 : i32
      %dma_start3A_1949 = arith.constant 0 : i32
      %dma_start3A_1950 = tpu.memref_slice %arg6[%run_scoped3A_1685, %dma_start3A_1948, %dma_start3A_1949] : memref<2x128x128xf32, #tpu.memory_space<vmem>> -> memref<1x128x128xf32, #tpu.memory_space<vmem>>
      %dma_start3A_1951 = tpu.memref_squeeze %dma_start3A_1950 : memref<1x128x128xf32, #tpu.memory_space<vmem>> -> memref<128x128xf32, #tpu.memory_space<vmem>>
      %dma_start3A_1952 = arith.constant 0 : i32
      %dma_start3A_1953 = tpu.memref_slice %arg8[%run_scoped3A_1686, %run_scoped3A_1687, %dma_start3A_1952] : memref<2x16x128xi32, #tpu.memory_space<vmem>> -> memref<1x1x128xi32, #tpu.memory_space<vmem>>
      %dma_start3A_1954 = tpu.memref_squeeze %dma_start3A_1953 : memref<1x1x128xi32, #tpu.memory_space<vmem>> -> memref<128xi32, #tpu.memory_space<vmem>>
      %dma_start3A_1955 = arith.constant 0 : i32
      %dma_start3A_1956 = arith.constant 0 : i32
      %dma_start3A_1957 = tpu.memref_slice %arg5[%dma_start3A_1955, %dma_start3A_1956] : memref<10240x128xf32, #tpu.memory_space<vmem_shared>> -> memref<10240x128xf32, #tpu.memory_space<vmem_shared>>
      tpu.enqueue_indirect_dma source(%dma_start3A_1951 : memref<128x128xf32, #tpu.memory_space<vmem>>) target(%dma_start3A_1957 : memref<10240x128xf32, #tpu.memory_space<vmem_shared>>) offsets(%dma_start3A_1954 : memref<128xi32, #tpu.memory_space<vmem>>) semaphore(%run_scoped3A_1947 : memref<!tpu.dma_semaphore, #tpu.memory_space<semaphore_mem>>) {add = true}
      %dma_wait3A_1958 = arith.constant 0 : i32
      %dma_wait3A_1959 = arith.constant 0 : i32
      %dma_wait3A_1960 = tpu.memref_slice %arg6[%run_scoped3A_1685, %dma_wait3A_1958, %dma_wait3A_1959] : memref<2x128x128xf32, #tpu.memory_space<vmem>> -> memref<1x128x128xf32, #tpu.memory_space<vmem>>
      %dma_wait3A_1961 = tpu.memref_squeeze %dma_wait3A_1960 : memref<1x128x128xf32, #tpu.memory_space<vmem>> -> memref<128x128xf32, #tpu.memory_space<vmem>>
      %dma_wait3A_1962 = arith.constant 0 : i32
      %dma_wait3A_1963 = tpu.memref_slice %arg8[%run_scoped3A_1686, %run_scoped3A_1687, %dma_wait3A_1962] : memref<2x16x128xi32, #tpu.memory_space<vmem>> -> memref<1x1x128xi32, #tpu.memory_space<vmem>>
      %dma_wait3A_1964 = tpu.memref_squeeze %dma_wait3A_1963 : memref<1x1x128xi32, #tpu.memory_space<vmem>> -> memref<128xi32, #tpu.memory_space<vmem>>
      %dma_wait3A_1965 = arith.constant 0 : i32
      %dma_wait3A_1966 = arith.constant 0 : i32
      %dma_wait3A_1967 = tpu.memref_slice %arg5[%dma_wait3A_1965, %dma_wait3A_1966] : memref<10240x128xf32, #tpu.memory_space<vmem_shared>> -> memref<10240x128xf32, #tpu.memory_space<vmem_shared>>
      tpu.wait_indirect_dma semaphore(%run_scoped3A_1947 : memref<!tpu.dma_semaphore, #tpu.memory_space<semaphore_mem>>) src(%dma_wait3A_1961 : memref<128x128xf32, #tpu.memory_space<vmem>>) dst(%dma_wait3A_1967 : memref<10240x128xf32, #tpu.memory_space<vmem_shared>>)
      tpu.yield
    }) : () -> ()
    %dma_wait3A_1688 = arith.constant 0 : i32
    %dma_wait3A_1689 = arith.constant 1 : i32
    %dma_wait3A_1690 = arith.constant 0 : i32
    %dma_wait3A_1691 = arith.constant 0 : i32
    %dma_wait3A_1692 = tpu.memref_slice %arg7[%dma_wait3A_1689, %dma_wait3A_1690, %dma_wait3A_1691] : memref<2x16x128xi32, #tpu.memory_space<vmem>> -> memref<1x16x128xi32, #tpu.memory_space<vmem>>
    %dma_wait3A_1693 = tpu.memref_squeeze %dma_wait3A_1692 : memref<1x16x128xi32, #tpu.memory_space<vmem>> -> memref<16x128xi32, #tpu.memory_space<vmem>>
    %dma_wait3A_1694 = arith.constant 48 : i32
    %dma_wait3A_1695 = arith.constant 0 : i32
    %dma_wait3A_1696 = tpu.memref_slice %arg3[%dma_wait3A_1688, %add3A, %dma_wait3A_1694, %dma_wait3A_1695] : memref<2x32x80x128xi32, #tpu.memory_space<hbm>> -> memref<1x1x16x128xi32, #tpu.memory_space<hbm>>
    %dma_wait3A_1697 = tpu.memref_squeeze %dma_wait3A_1696 : memref<1x1x16x128xi32, #tpu.memory_space<hbm>> -> memref<16x128xi32, #tpu.memory_space<hbm>>
    %dma_wait3A_1698 = arith.constant 0 : i32
    %dma_wait3A_1699 = arith.constant 0 : i32
    %dma_wait3A_1700 = tpu.memref_slice %arg7[%dma_wait3A_1689, %dma_wait3A_1698, %dma_wait3A_1699] : memref<2x16x128xi32, #tpu.memory_space<vmem>> -> memref<1x16x128xi32, #tpu.memory_space<vmem>>
    %dma_wait3A_1701 = tpu.memref_squeeze %dma_wait3A_1700 : memref<1x16x128xi32, #tpu.memory_space<vmem>> -> memref<16x128xi32, #tpu.memory_space<vmem>>
    %dma_wait3A_1702 = arith.constant 48 : i32
    %dma_wait3A_1703 = arith.constant 0 : i32
    %dma_wait3A_1704 = tpu.memref_slice %arg3[%dma_wait3A_1688, %add3A, %dma_wait3A_1702, %dma_wait3A_1703] : memref<2x32x80x128xi32, #tpu.memory_space<hbm>> -> memref<1x1x16x128xi32, #tpu.memory_space<hbm>>
    %dma_wait3A_1705 = tpu.memref_squeeze %dma_wait3A_1704 : memref<1x1x16x128xi32, #tpu.memory_space<hbm>> -> memref<16x128xi32, #tpu.memory_space<hbm>>
    tpu.wait_dma2 semaphore(%arg13 : memref<!tpu.dma_semaphore, #tpu.memory_space<semaphore_mem>>) src(%dma_wait3A_1705 : memref<16x128xi32, #tpu.memory_space<hbm>>) dst(%dma_wait3A_1701 : memref<16x128xi32, #tpu.memory_space<vmem>>)
    %dma_wait3A_1706 = arith.constant 1 : i32
    %dma_wait3A_1707 = arith.constant 1 : i32
    %dma_wait3A_1708 = arith.constant 0 : i32
    %dma_wait3A_1709 = arith.constant 0 : i32
    %dma_wait3A_1710 = tpu.memref_slice %arg8[%dma_wait3A_1707, %dma_wait3A_1708, %dma_wait3A_1709] : memref<2x16x128xi32, #tpu.memory_space<vmem>> -> memref<1x16x128xi32, #tpu.memory_space<vmem>>
    %dma_wait3A_1711 = tpu.memref_squeeze %dma_wait3A_1710 : memref<1x16x128xi32, #tpu.memory_space<vmem>> -> memref<16x128xi32, #tpu.memory_space<vmem>>
    %dma_wait3A_1712 = arith.constant 48 : i32
    %dma_wait3A_1713 = arith.constant 0 : i32
    %dma_wait3A_1714 = tpu.memref_slice %arg3[%dma_wait3A_1706, %add3A, %dma_wait3A_1712, %dma_wait3A_1713] : memref<2x32x80x128xi32, #tpu.memory_space<hbm>> -> memref<1x1x16x128xi32, #tpu.memory_space<hbm>>
    %dma_wait3A_1715 = tpu.memref_squeeze %dma_wait3A_1714 : memref<1x1x16x128xi32, #tpu.memory_space<hbm>> -> memref<16x128xi32, #tpu.memory_space<hbm>>
    %dma_wait3A_1716 = arith.constant 0 : i32
    %dma_wait3A_1717 = arith.constant 0 : i32
    %dma_wait3A_1718 = tpu.memref_slice %arg8[%dma_wait3A_1707, %dma_wait3A_1716, %dma_wait3A_1717] : memref<2x16x128xi32, #tpu.memory_space<vmem>> -> memref<1x16x128xi32, #tpu.memory_space<vmem>>
    %dma_wait3A_1719 = tpu.memref_squeeze %dma_wait3A_1718 : memref<1x16x128xi32, #tpu.memory_space<vmem>> -> memref<16x128xi32, #tpu.memory_space<vmem>>
    %dma_wait3A_1720 = arith.constant 48 : i32
    %dma_wait3A_1721 = arith.constant 0 : i32
    %dma_wait3A_1722 = tpu.memref_slice %arg3[%dma_wait3A_1706, %add3A, %dma_wait3A_1720, %dma_wait3A_1721] : memref<2x32x80x128xi32, #tpu.memory_space<hbm>> -> memref<1x1x16x128xi32, #tpu.memory_space<hbm>>
    %dma_wait3A_1723 = tpu.memref_squeeze %dma_wait3A_1722 : memref<1x1x16x128xi32, #tpu.memory_space<hbm>> -> memref<16x128xi32, #tpu.memory_space<hbm>>
    tpu.wait_dma2 semaphore(%arg14 : memref<!tpu.dma_semaphore, #tpu.memory_space<semaphore_mem>>) src(%dma_wait3A_1723 : memref<16x128xi32, #tpu.memory_space<hbm>>) dst(%dma_wait3A_1719 : memref<16x128xi32, #tpu.memory_space<vmem>>)
    %dma_start3A_1724 = arith.constant 1 : i32
    %dma_start3A_1725 = arith.constant 0 : i32
    %dma_start3A_1726 = arith.constant 0 : i32
    %dma_start3A_1727 = arith.constant 0 : i32
    %dma_start3A_1728 = arith.constant 0 : i32
    %dma_start3A_1729 = tpu.memref_slice %arg6[%dma_start3A_1726, %dma_start3A_1727, %dma_start3A_1728] : memref<2x128x128xf32, #tpu.memory_space<vmem>> -> memref<1x128x128xf32, #tpu.memory_space<vmem>>
    %dma_start3A_1730 = tpu.memref_squeeze %dma_start3A_1729 : memref<1x128x128xf32, #tpu.memory_space<vmem>> -> memref<128x128xf32, #tpu.memory_space<vmem>>
    %dma_start3A_1731 = arith.constant 0 : i32
    %dma_start3A_1732 = tpu.memref_slice %arg7[%dma_start3A_1724, %dma_start3A_1725, %dma_start3A_1731] : memref<2x16x128xi32, #tpu.memory_space<vmem>> -> memref<1x1x128xi32, #tpu.memory_space<vmem>>
    %dma_start3A_1733 = tpu.memref_squeeze %dma_start3A_1732 : memref<1x1x128xi32, #tpu.memory_space<vmem>> -> memref<128xi32, #tpu.memory_space<vmem>>
    %dma_start3A_1734 = arith.constant 0 : i32
    %dma_start3A_1735 = arith.constant 0 : i32
    %dma_start3A_1736 = tpu.memref_slice %arg2[%dma_start3A_1734, %dma_start3A_1735] : memref<10000x128xf32, #tpu.memory_space<hbm>> -> memref<10000x128xf32, #tpu.memory_space<hbm>>
    tpu.enqueue_indirect_dma source(%dma_start3A_1736 : memref<10000x128xf32, #tpu.memory_space<hbm>>) target(%dma_start3A_1730 : memref<128x128xf32, #tpu.memory_space<vmem>>) offsets(%dma_start3A_1733 : memref<128xi32, #tpu.memory_space<vmem>>) semaphore(%arg10 : memref<!tpu.dma_semaphore, #tpu.memory_space<semaphore_mem>>)
    %dma_wait3A_1737 = arith.constant 0 : i32
    %dma_wait3A_1738 = arith.constant 15 : i32
    %dma_wait3A_1739 = arith.constant 1 : i32
    %dma_wait3A_1740 = arith.constant 0 : i32
    %dma_wait3A_1741 = arith.constant 0 : i32
    %dma_wait3A_1742 = tpu.memref_slice %arg6[%dma_wait3A_1739, %dma_wait3A_1740, %dma_wait3A_1741] : memref<2x128x128xf32, #tpu.memory_space<vmem>> -> memref<1x128x128xf32, #tpu.memory_space<vmem>>
    %dma_wait3A_1743 = tpu.memref_squeeze %dma_wait3A_1742 : memref<1x128x128xf32, #tpu.memory_space<vmem>> -> memref<128x128xf32, #tpu.memory_space<vmem>>
    %dma_wait3A_1744 = arith.constant 0 : i32
    %dma_wait3A_1745 = tpu.memref_slice %arg7[%dma_wait3A_1737, %dma_wait3A_1738, %dma_wait3A_1744] : memref<2x16x128xi32, #tpu.memory_space<vmem>> -> memref<1x1x128xi32, #tpu.memory_space<vmem>>
    %dma_wait3A_1746 = tpu.memref_squeeze %dma_wait3A_1745 : memref<1x1x128xi32, #tpu.memory_space<vmem>> -> memref<128xi32, #tpu.memory_space<vmem>>
    %dma_wait3A_1747 = arith.constant 0 : i32
    %dma_wait3A_1748 = arith.constant 0 : i32
    %dma_wait3A_1749 = tpu.memref_slice %arg2[%dma_wait3A_1747, %dma_wait3A_1748] : memref<10000x128xf32, #tpu.memory_space<hbm>> -> memref<10000x128xf32, #tpu.memory_space<hbm>>
    tpu.wait_indirect_dma semaphore(%arg11 : memref<!tpu.dma_semaphore, #tpu.memory_space<semaphore_mem>>) src(%dma_wait3A_1749 : memref<10000x128xf32, #tpu.memory_space<hbm>>) dst(%dma_wait3A_1743 : memref<128x128xf32, #tpu.memory_space<vmem>>)
    %run_scoped3A_1750 = arith.constant 1 : i32
    %run_scoped3A_1751 = arith.constant 0 : i32
    %run_scoped3A_1752 = arith.constant 15 : i32
    "tpu.region"() ({
      %run_scoped3A_1947 = tpu.sem_alloc : memref<!tpu.dma_semaphore, #tpu.memory_space<semaphore_mem>>
      %dma_start3A_1948 = arith.constant 0 : i32
      %dma_start3A_1949 = arith.constant 0 : i32
      %dma_start3A_1950 = tpu.memref_slice %arg6[%run_scoped3A_1750, %dma_start3A_1948, %dma_start3A_1949] : memref<2x128x128xf32, #tpu.memory_space<vmem>> -> memref<1x128x128xf32, #tpu.memory_space<vmem>>
      %dma_start3A_1951 = tpu.memref_squeeze %dma_start3A_1950 : memref<1x128x128xf32, #tpu.memory_space<vmem>> -> memref<128x128xf32, #tpu.memory_space<vmem>>
      %dma_start3A_1952 = arith.constant 0 : i32
      %dma_start3A_1953 = tpu.memref_slice %arg8[%run_scoped3A_1751, %run_scoped3A_1752, %dma_start3A_1952] : memref<2x16x128xi32, #tpu.memory_space<vmem>> -> memref<1x1x128xi32, #tpu.memory_space<vmem>>
      %dma_start3A_1954 = tpu.memref_squeeze %dma_start3A_1953 : memref<1x1x128xi32, #tpu.memory_space<vmem>> -> memref<128xi32, #tpu.memory_space<vmem>>
      %dma_start3A_1955 = arith.constant 0 : i32
      %dma_start3A_1956 = arith.constant 0 : i32
      %dma_start3A_1957 = tpu.memref_slice %arg5[%dma_start3A_1955, %dma_start3A_1956] : memref<10240x128xf32, #tpu.memory_space<vmem_shared>> -> memref<10240x128xf32, #tpu.memory_space<vmem_shared>>
      tpu.enqueue_indirect_dma source(%dma_start3A_1951 : memref<128x128xf32, #tpu.memory_space<vmem>>) target(%dma_start3A_1957 : memref<10240x128xf32, #tpu.memory_space<vmem_shared>>) offsets(%dma_start3A_1954 : memref<128xi32, #tpu.memory_space<vmem>>) semaphore(%run_scoped3A_1947 : memref<!tpu.dma_semaphore, #tpu.memory_space<semaphore_mem>>) {add = true}
      %dma_wait3A_1958 = arith.constant 0 : i32
      %dma_wait3A_1959 = arith.constant 0 : i32
      %dma_wait3A_1960 = tpu.memref_slice %arg6[%run_scoped3A_1750, %dma_wait3A_1958, %dma_wait3A_1959] : memref<2x128x128xf32, #tpu.memory_space<vmem>> -> memref<1x128x128xf32, #tpu.memory_space<vmem>>
      %dma_wait3A_1961 = tpu.memref_squeeze %dma_wait3A_1960 : memref<1x128x128xf32, #tpu.memory_space<vmem>> -> memref<128x128xf32, #tpu.memory_space<vmem>>
      %dma_wait3A_1962 = arith.constant 0 : i32
      %dma_wait3A_1963 = tpu.memref_slice %arg8[%run_scoped3A_1751, %run_scoped3A_1752, %dma_wait3A_1962] : memref<2x16x128xi32, #tpu.memory_space<vmem>> -> memref<1x1x128xi32, #tpu.memory_space<vmem>>
      %dma_wait3A_1964 = tpu.memref_squeeze %dma_wait3A_1963 : memref<1x1x128xi32, #tpu.memory_space<vmem>> -> memref<128xi32, #tpu.memory_space<vmem>>
      %dma_wait3A_1965 = arith.constant 0 : i32
      %dma_wait3A_1966 = arith.constant 0 : i32
      %dma_wait3A_1967 = tpu.memref_slice %arg5[%dma_wait3A_1965, %dma_wait3A_1966] : memref<10240x128xf32, #tpu.memory_space<vmem_shared>> -> memref<10240x128xf32, #tpu.memory_space<vmem_shared>>
      tpu.wait_indirect_dma semaphore(%run_scoped3A_1947 : memref<!tpu.dma_semaphore, #tpu.memory_space<semaphore_mem>>) src(%dma_wait3A_1961 : memref<128x128xf32, #tpu.memory_space<vmem>>) dst(%dma_wait3A_1967 : memref<10240x128xf32, #tpu.memory_space<vmem_shared>>)
      tpu.yield
    }) : () -> ()
    %dma_start3A_1753 = arith.constant 0 : i32
    %dma_start3A_1754 = arith.constant 0 : i32
    %dma_start3A_1755 = arith.constant 0 : i32
    %dma_start3A_1756 = arith.constant 0 : i32
    %dma_start3A_1757 = tpu.memref_slice %arg7[%dma_start3A_1754, %dma_start3A_1755, %dma_start3A_1756] : memref<2x16x128xi32, #tpu.memory_space<vmem>> -> memref<1x16x128xi32, #tpu.memory_space<vmem>>
    %dma_start3A_1758 = tpu.memref_squeeze %dma_start3A_1757 : memref<1x16x128xi32, #tpu.memory_space<vmem>> -> memref<16x128xi32, #tpu.memory_space<vmem>>
    %dma_start3A_1759 = arith.constant 64 : i32
    %dma_start3A_1760 = arith.constant 0 : i32
    %dma_start3A_1761 = tpu.memref_slice %arg3[%dma_start3A_1753, %add3A, %dma_start3A_1759, %dma_start3A_1760] : memref<2x32x80x128xi32, #tpu.memory_space<hbm>> -> memref<1x1x16x128xi32, #tpu.memory_space<hbm>>
    %dma_start3A_1762 = tpu.memref_squeeze %dma_start3A_1761 : memref<1x1x16x128xi32, #tpu.memory_space<hbm>> -> memref<16x128xi32, #tpu.memory_space<hbm>>
    %dma_start3A_1763 = arith.constant 0 : i32
    %dma_start3A_1764 = arith.constant 0 : i32
    %dma_start3A_1765 = tpu.memref_slice %arg7[%dma_start3A_1754, %dma_start3A_1763, %dma_start3A_1764] : memref<2x16x128xi32, #tpu.memory_space<vmem>> -> memref<1x16x128xi32, #tpu.memory_space<vmem>>
    %dma_start3A_1766 = tpu.memref_squeeze %dma_start3A_1765 : memref<1x16x128xi32, #tpu.memory_space<vmem>> -> memref<16x128xi32, #tpu.memory_space<vmem>>
    %dma_start3A_1767 = arith.constant 64 : i32
    %dma_start3A_1768 = arith.constant 0 : i32
    %dma_start3A_1769 = tpu.memref_slice %arg3[%dma_start3A_1753, %add3A, %dma_start3A_1767, %dma_start3A_1768] : memref<2x32x80x128xi32, #tpu.memory_space<hbm>> -> memref<1x1x16x128xi32, #tpu.memory_space<hbm>>
    %dma_start3A_1770 = tpu.memref_squeeze %dma_start3A_1769 : memref<1x1x16x128xi32, #tpu.memory_space<hbm>> -> memref<16x128xi32, #tpu.memory_space<hbm>>
    tpu.enqueue_dma source(%dma_start3A_1770 : memref<16x128xi32, #tpu.memory_space<hbm>>) target(%dma_start3A_1766 : memref<16x128xi32, #tpu.memory_space<vmem>>) target_semaphore(%arg13 : memref<!tpu.dma_semaphore, #tpu.memory_space<semaphore_mem>>)
    %dma_start3A_1771 = arith.constant 1 : i32
    %dma_start3A_1772 = arith.constant 0 : i32
    %dma_start3A_1773 = arith.constant 0 : i32
    %dma_start3A_1774 = arith.constant 0 : i32
    %dma_start3A_1775 = tpu.memref_slice %arg8[%dma_start3A_1772, %dma_start3A_1773, %dma_start3A_1774] : memref<2x16x128xi32, #tpu.memory_space<vmem>> -> memref<1x16x128xi32, #tpu.memory_space<vmem>>
    %dma_start3A_1776 = tpu.memref_squeeze %dma_start3A_1775 : memref<1x16x128xi32, #tpu.memory_space<vmem>> -> memref<16x128xi32, #tpu.memory_space<vmem>>
    %dma_start3A_1777 = arith.constant 64 : i32
    %dma_start3A_1778 = arith.constant 0 : i32
    %dma_start3A_1779 = tpu.memref_slice %arg3[%dma_start3A_1771, %add3A, %dma_start3A_1777, %dma_start3A_1778] : memref<2x32x80x128xi32, #tpu.memory_space<hbm>> -> memref<1x1x16x128xi32, #tpu.memory_space<hbm>>
    %dma_start3A_1780 = tpu.memref_squeeze %dma_start3A_1779 : memref<1x1x16x128xi32, #tpu.memory_space<hbm>> -> memref<16x128xi32, #tpu.memory_space<hbm>>
    %dma_start3A_1781 = arith.constant 0 : i32
    %dma_start3A_1782 = arith.constant 0 : i32
    %dma_start3A_1783 = tpu.memref_slice %arg8[%dma_start3A_1772, %dma_start3A_1781, %dma_start3A_1782] : memref<2x16x128xi32, #tpu.memory_space<vmem>> -> memref<1x16x128xi32, #tpu.memory_space<vmem>>
    %dma_start3A_1784 = tpu.memref_squeeze %dma_start3A_1783 : memref<1x16x128xi32, #tpu.memory_space<vmem>> -> memref<16x128xi32, #tpu.memory_space<vmem>>
    %dma_start3A_1785 = arith.constant 64 : i32
    %dma_start3A_1786 = arith.constant 0 : i32
    %dma_start3A_1787 = tpu.memref_slice %arg3[%dma_start3A_1771, %add3A, %dma_start3A_1785, %dma_start3A_1786] : memref<2x32x80x128xi32, #tpu.memory_space<hbm>> -> memref<1x1x16x128xi32, #tpu.memory_space<hbm>>
    %dma_start3A_1788 = tpu.memref_squeeze %dma_start3A_1787 : memref<1x1x16x128xi32, #tpu.memory_space<hbm>> -> memref<16x128xi32, #tpu.memory_space<hbm>>
    tpu.enqueue_dma source(%dma_start3A_1788 : memref<16x128xi32, #tpu.memory_space<hbm>>) target(%dma_start3A_1784 : memref<16x128xi32, #tpu.memory_space<vmem>>) target_semaphore(%arg14 : memref<!tpu.dma_semaphore, #tpu.memory_space<semaphore_mem>>)
    %scan3A_1789 = arith.constant 0 : i32
    %scan3A_1790 = arith.constant 0 : i32
    %scan3A_1791 = arith.constant 7 : i32
    %scan3A_1792 = arith.addi %scan3A_1790, %scan3A_1791 : i32
    %scan3A_1793 = arith.constant 1 : i32
    %scan3A_1794 = scf.for %scan3A_1947 = %scan3A_1790 to %scan3A_1792 step %scan3A_1793 iter_args(%scan3A_1948 = %scan3A_1789) -> (i32)  : i32 {
      %mul3A_1949 = arith.constant 2 : i32
      %mul3A_1950 = arith.muli %mul3A_1949, %scan3A_1947 : i32
      %add3A_1951 = arith.constant 0 : i32
      %add3A_1952 = arith.addi %mul3A_1950, %add3A_1951 : i32
      %add3A_1953 = arith.constant 1 : i32
      %add3A_1954 = arith.addi %add3A_1952, %add3A_1953 : i32
      %dma_start3A_1955 = arith.constant 1 : i32
      %dma_start3A_1956 = arith.constant 1 : i32
      %dma_start3A_1957 = arith.constant 0 : i32
      %dma_start3A_1958 = arith.constant 0 : i32
      %dma_start3A_1959 = tpu.memref_slice %arg6[%dma_start3A_1956, %dma_start3A_1957, %dma_start3A_1958] : memref<2x128x128xf32, #tpu.memory_space<vmem>> -> memref<1x128x128xf32, #tpu.memory_space<vmem>>
      %dma_start3A_1960 = tpu.memref_squeeze %dma_start3A_1959 : memref<1x128x128xf32, #tpu.memory_space<vmem>> -> memref<128x128xf32, #tpu.memory_space<vmem>>
      %dma_start3A_1961 = arith.constant 0 : i32
      %dma_start3A_1962 = tpu.memref_slice %arg7[%dma_start3A_1955, %add3A_1954, %dma_start3A_1961] : memref<2x16x128xi32, #tpu.memory_space<vmem>> -> memref<1x1x128xi32, #tpu.memory_space<vmem>>
      %dma_start3A_1963 = tpu.memref_squeeze %dma_start3A_1962 : memref<1x1x128xi32, #tpu.memory_space<vmem>> -> memref<128xi32, #tpu.memory_space<vmem>>
      %dma_start3A_1964 = arith.constant 0 : i32
      %dma_start3A_1965 = arith.constant 0 : i32
      %dma_start3A_1966 = tpu.memref_slice %arg2[%dma_start3A_1964, %dma_start3A_1965] : memref<10000x128xf32, #tpu.memory_space<hbm>> -> memref<10000x128xf32, #tpu.memory_space<hbm>>
      tpu.enqueue_indirect_dma source(%dma_start3A_1966 : memref<10000x128xf32, #tpu.memory_space<hbm>>) target(%dma_start3A_1960 : memref<128x128xf32, #tpu.memory_space<vmem>>) offsets(%dma_start3A_1963 : memref<128xi32, #tpu.memory_space<vmem>>) semaphore(%arg11 : memref<!tpu.dma_semaphore, #tpu.memory_space<semaphore_mem>>)
      %dma_wait3A_1967 = arith.constant 1 : i32
      %dma_wait3A_1968 = arith.constant 0 : i32
      %dma_wait3A_1969 = arith.constant 0 : i32
      %dma_wait3A_1970 = arith.constant 0 : i32
      %dma_wait3A_1971 = tpu.memref_slice %arg6[%dma_wait3A_1968, %dma_wait3A_1969, %dma_wait3A_1970] : memref<2x128x128xf32, #tpu.memory_space<vmem>> -> memref<1x128x128xf32, #tpu.memory_space<vmem>>
      %dma_wait3A_1972 = tpu.memref_squeeze %dma_wait3A_1971 : memref<1x128x128xf32, #tpu.memory_space<vmem>> -> memref<128x128xf32, #tpu.memory_space<vmem>>
      %dma_wait3A_1973 = arith.constant 0 : i32
      %dma_wait3A_1974 = tpu.memref_slice %arg7[%dma_wait3A_1967, %add3A_1952, %dma_wait3A_1973] : memref<2x16x128xi32, #tpu.memory_space<vmem>> -> memref<1x1x128xi32, #tpu.memory_space<vmem>>
      %dma_wait3A_1975 = tpu.memref_squeeze %dma_wait3A_1974 : memref<1x1x128xi32, #tpu.memory_space<vmem>> -> memref<128xi32, #tpu.memory_space<vmem>>
      %dma_wait3A_1976 = arith.constant 0 : i32
      %dma_wait3A_1977 = arith.constant 0 : i32
      %dma_wait3A_1978 = tpu.memref_slice %arg2[%dma_wait3A_1976, %dma_wait3A_1977] : memref<10000x128xf32, #tpu.memory_space<hbm>> -> memref<10000x128xf32, #tpu.memory_space<hbm>>
      tpu.wait_indirect_dma semaphore(%arg10 : memref<!tpu.dma_semaphore, #tpu.memory_space<semaphore_mem>>) src(%dma_wait3A_1978 : memref<10000x128xf32, #tpu.memory_space<hbm>>) dst(%dma_wait3A_1972 : memref<128x128xf32, #tpu.memory_space<vmem>>)
      %run_scoped3A_1979 = arith.constant 0 : i32
      %run_scoped3A_1980 = arith.constant 1 : i32
      "tpu.region"() ({
        %run_scoped3A_2014 = tpu.sem_alloc : memref<!tpu.dma_semaphore, #tpu.memory_space<semaphore_mem>>
        %dma_start3A_2015 = arith.constant 0 : i32
        %dma_start3A_2016 = arith.constant 0 : i32
        %dma_start3A_2017 = tpu.memref_slice %arg6[%run_scoped3A_1979, %dma_start3A_2015, %dma_start3A_2016] : memref<2x128x128xf32, #tpu.memory_space<vmem>> -> memref<1x128x128xf32, #tpu.memory_space<vmem>>
        %dma_start3A_2018 = tpu.memref_squeeze %dma_start3A_2017 : memref<1x128x128xf32, #tpu.memory_space<vmem>> -> memref<128x128xf32, #tpu.memory_space<vmem>>
        %dma_start3A_2019 = arith.constant 0 : i32
        %dma_start3A_2020 = tpu.memref_slice %arg8[%run_scoped3A_1980, %add3A_1952, %dma_start3A_2019] : memref<2x16x128xi32, #tpu.memory_space<vmem>> -> memref<1x1x128xi32, #tpu.memory_space<vmem>>
        %dma_start3A_2021 = tpu.memref_squeeze %dma_start3A_2020 : memref<1x1x128xi32, #tpu.memory_space<vmem>> -> memref<128xi32, #tpu.memory_space<vmem>>
        %dma_start3A_2022 = arith.constant 0 : i32
        %dma_start3A_2023 = arith.constant 0 : i32
        %dma_start3A_2024 = tpu.memref_slice %arg5[%dma_start3A_2022, %dma_start3A_2023] : memref<10240x128xf32, #tpu.memory_space<vmem_shared>> -> memref<10240x128xf32, #tpu.memory_space<vmem_shared>>
        tpu.enqueue_indirect_dma source(%dma_start3A_2018 : memref<128x128xf32, #tpu.memory_space<vmem>>) target(%dma_start3A_2024 : memref<10240x128xf32, #tpu.memory_space<vmem_shared>>) offsets(%dma_start3A_2021 : memref<128xi32, #tpu.memory_space<vmem>>) semaphore(%run_scoped3A_2014 : memref<!tpu.dma_semaphore, #tpu.memory_space<semaphore_mem>>) {add = true}
        %dma_wait3A_2025 = arith.constant 0 : i32
        %dma_wait3A_2026 = arith.constant 0 : i32
        %dma_wait3A_2027 = tpu.memref_slice %arg6[%run_scoped3A_1979, %dma_wait3A_2025, %dma_wait3A_2026] : memref<2x128x128xf32, #tpu.memory_space<vmem>> -> memref<1x128x128xf32, #tpu.memory_space<vmem>>
        %dma_wait3A_2028 = tpu.memref_squeeze %dma_wait3A_2027 : memref<1x128x128xf32, #tpu.memory_space<vmem>> -> memref<128x128xf32, #tpu.memory_space<vmem>>
        %dma_wait3A_2029 = arith.constant 0 : i32
        %dma_wait3A_2030 = tpu.memref_slice %arg8[%run_scoped3A_1980, %add3A_1952, %dma_wait3A_2029] : memref<2x16x128xi32, #tpu.memory_space<vmem>> -> memref<1x1x128xi32, #tpu.memory_space<vmem>>
        %dma_wait3A_2031 = tpu.memref_squeeze %dma_wait3A_2030 : memref<1x1x128xi32, #tpu.memory_space<vmem>> -> memref<128xi32, #tpu.memory_space<vmem>>
        %dma_wait3A_2032 = arith.constant 0 : i32
        %dma_wait3A_2033 = arith.constant 0 : i32
        %dma_wait3A_2034 = tpu.memref_slice %arg5[%dma_wait3A_2032, %dma_wait3A_2033] : memref<10240x128xf32, #tpu.memory_space<vmem_shared>> -> memref<10240x128xf32, #tpu.memory_space<vmem_shared>>
        tpu.wait_indirect_dma semaphore(%run_scoped3A_2014 : memref<!tpu.dma_semaphore, #tpu.memory_space<semaphore_mem>>) src(%dma_wait3A_2028 : memref<128x128xf32, #tpu.memory_space<vmem>>) dst(%dma_wait3A_2034 : memref<10240x128xf32, #tpu.memory_space<vmem_shared>>)
        tpu.yield
      }) : () -> ()
      %mul3A_1981 = arith.constant 2 : i32
      %mul3A_1982 = arith.muli %mul3A_1981, %scan3A_1947 : i32
      %add3A_1983 = arith.constant 1 : i32
      %add3A_1984 = arith.addi %mul3A_1982, %add3A_1983 : i32
      %add3A_1985 = arith.constant 1 : i32
      %add3A_1986 = arith.addi %add3A_1984, %add3A_1985 : i32
      %dma_start3A_1987 = arith.constant 1 : i32
      %dma_start3A_1988 = arith.constant 0 : i32
      %dma_start3A_1989 = arith.constant 0 : i32
      %dma_start3A_1990 = arith.constant 0 : i32
      %dma_start3A_1991 = tpu.memref_slice %arg6[%dma_start3A_1988, %dma_start3A_1989, %dma_start3A_1990] : memref<2x128x128xf32, #tpu.memory_space<vmem>> -> memref<1x128x128xf32, #tpu.memory_space<vmem>>
      %dma_start3A_1992 = tpu.memref_squeeze %dma_start3A_1991 : memref<1x128x128xf32, #tpu.memory_space<vmem>> -> memref<128x128xf32, #tpu.memory_space<vmem>>
      %dma_start3A_1993 = arith.constant 0 : i32
      %dma_start3A_1994 = tpu.memref_slice %arg7[%dma_start3A_1987, %add3A_1986, %dma_start3A_1993] : memref<2x16x128xi32, #tpu.memory_space<vmem>> -> memref<1x1x128xi32, #tpu.memory_space<vmem>>
      %dma_start3A_1995 = tpu.memref_squeeze %dma_start3A_1994 : memref<1x1x128xi32, #tpu.memory_space<vmem>> -> memref<128xi32, #tpu.memory_space<vmem>>
      %dma_start3A_1996 = arith.constant 0 : i32
      %dma_start3A_1997 = arith.constant 0 : i32
      %dma_start3A_1998 = tpu.memref_slice %arg2[%dma_start3A_1996, %dma_start3A_1997] : memref<10000x128xf32, #tpu.memory_space<hbm>> -> memref<10000x128xf32, #tpu.memory_space<hbm>>
      tpu.enqueue_indirect_dma source(%dma_start3A_1998 : memref<10000x128xf32, #tpu.memory_space<hbm>>) target(%dma_start3A_1992 : memref<128x128xf32, #tpu.memory_space<vmem>>) offsets(%dma_start3A_1995 : memref<128xi32, #tpu.memory_space<vmem>>) semaphore(%arg10 : memref<!tpu.dma_semaphore, #tpu.memory_space<semaphore_mem>>)
      %dma_wait3A_1999 = arith.constant 1 : i32
      %dma_wait3A_2000 = arith.constant 1 : i32
      %dma_wait3A_2001 = arith.constant 0 : i32
      %dma_wait3A_2002 = arith.constant 0 : i32
      %dma_wait3A_2003 = tpu.memref_slice %arg6[%dma_wait3A_2000, %dma_wait3A_2001, %dma_wait3A_2002] : memref<2x128x128xf32, #tpu.memory_space<vmem>> -> memref<1x128x128xf32, #tpu.memory_space<vmem>>
      %dma_wait3A_2004 = tpu.memref_squeeze %dma_wait3A_2003 : memref<1x128x128xf32, #tpu.memory_space<vmem>> -> memref<128x128xf32, #tpu.memory_space<vmem>>
      %dma_wait3A_2005 = arith.constant 0 : i32
      %dma_wait3A_2006 = tpu.memref_slice %arg7[%dma_wait3A_1999, %add3A_1984, %dma_wait3A_2005] : memref<2x16x128xi32, #tpu.memory_space<vmem>> -> memref<1x1x128xi32, #tpu.memory_space<vmem>>
      %dma_wait3A_2007 = tpu.memref_squeeze %dma_wait3A_2006 : memref<1x1x128xi32, #tpu.memory_space<vmem>> -> memref<128xi32, #tpu.memory_space<vmem>>
      %dma_wait3A_2008 = arith.constant 0 : i32
      %dma_wait3A_2009 = arith.constant 0 : i32
      %dma_wait3A_2010 = tpu.memref_slice %arg2[%dma_wait3A_2008, %dma_wait3A_2009] : memref<10000x128xf32, #tpu.memory_space<hbm>> -> memref<10000x128xf32, #tpu.memory_space<hbm>>
      tpu.wait_indirect_dma semaphore(%arg11 : memref<!tpu.dma_semaphore, #tpu.memory_space<semaphore_mem>>) src(%dma_wait3A_2010 : memref<10000x128xf32, #tpu.memory_space<hbm>>) dst(%dma_wait3A_2004 : memref<128x128xf32, #tpu.memory_space<vmem>>)
      %run_scoped3A_2011 = arith.constant 1 : i32
      %run_scoped3A_2012 = arith.constant 1 : i32
      "tpu.region"() ({
        %run_scoped3A_2014 = tpu.sem_alloc : memref<!tpu.dma_semaphore, #tpu.memory_space<semaphore_mem>>
        %dma_start3A_2015 = arith.constant 0 : i32
        %dma_start3A_2016 = arith.constant 0 : i32
        %dma_start3A_2017 = tpu.memref_slice %arg6[%run_scoped3A_2011, %dma_start3A_2015, %dma_start3A_2016] : memref<2x128x128xf32, #tpu.memory_space<vmem>> -> memref<1x128x128xf32, #tpu.memory_space<vmem>>
        %dma_start3A_2018 = tpu.memref_squeeze %dma_start3A_2017 : memref<1x128x128xf32, #tpu.memory_space<vmem>> -> memref<128x128xf32, #tpu.memory_space<vmem>>
        %dma_start3A_2019 = arith.constant 0 : i32
        %dma_start3A_2020 = tpu.memref_slice %arg8[%run_scoped3A_2012, %add3A_1984, %dma_start3A_2019] : memref<2x16x128xi32, #tpu.memory_space<vmem>> -> memref<1x1x128xi32, #tpu.memory_space<vmem>>
        %dma_start3A_2021 = tpu.memref_squeeze %dma_start3A_2020 : memref<1x1x128xi32, #tpu.memory_space<vmem>> -> memref<128xi32, #tpu.memory_space<vmem>>
        %dma_start3A_2022 = arith.constant 0 : i32
        %dma_start3A_2023 = arith.constant 0 : i32
        %dma_start3A_2024 = tpu.memref_slice %arg5[%dma_start3A_2022, %dma_start3A_2023] : memref<10240x128xf32, #tpu.memory_space<vmem_shared>> -> memref<10240x128xf32, #tpu.memory_space<vmem_shared>>
        tpu.enqueue_indirect_dma source(%dma_start3A_2018 : memref<128x128xf32, #tpu.memory_space<vmem>>) target(%dma_start3A_2024 : memref<10240x128xf32, #tpu.memory_space<vmem_shared>>) offsets(%dma_start3A_2021 : memref<128xi32, #tpu.memory_space<vmem>>) semaphore(%run_scoped3A_2014 : memref<!tpu.dma_semaphore, #tpu.memory_space<semaphore_mem>>) {add = true}
        %dma_wait3A_2025 = arith.constant 0 : i32
        %dma_wait3A_2026 = arith.constant 0 : i32
        %dma_wait3A_2027 = tpu.memref_slice %arg6[%run_scoped3A_2011, %dma_wait3A_2025, %dma_wait3A_2026] : memref<2x128x128xf32, #tpu.memory_space<vmem>> -> memref<1x128x128xf32, #tpu.memory_space<vmem>>
        %dma_wait3A_2028 = tpu.memref_squeeze %dma_wait3A_2027 : memref<1x128x128xf32, #tpu.memory_space<vmem>> -> memref<128x128xf32, #tpu.memory_space<vmem>>
        %dma_wait3A_2029 = arith.constant 0 : i32
        %dma_wait3A_2030 = tpu.memref_slice %arg8[%run_scoped3A_2012, %add3A_1984, %dma_wait3A_2029] : memref<2x16x128xi32, #tpu.memory_space<vmem>> -> memref<1x1x128xi32, #tpu.memory_space<vmem>>
        %dma_wait3A_2031 = tpu.memref_squeeze %dma_wait3A_2030 : memref<1x1x128xi32, #tpu.memory_space<vmem>> -> memref<128xi32, #tpu.memory_space<vmem>>
        %dma_wait3A_2032 = arith.constant 0 : i32
        %dma_wait3A_2033 = arith.constant 0 : i32
        %dma_wait3A_2034 = tpu.memref_slice %arg5[%dma_wait3A_2032, %dma_wait3A_2033] : memref<10240x128xf32, #tpu.memory_space<vmem_shared>> -> memref<10240x128xf32, #tpu.memory_space<vmem_shared>>
        tpu.wait_indirect_dma semaphore(%run_scoped3A_2014 : memref<!tpu.dma_semaphore, #tpu.memory_space<semaphore_mem>>) src(%dma_wait3A_2028 : memref<128x128xf32, #tpu.memory_space<vmem>>) dst(%dma_wait3A_2034 : memref<10240x128xf32, #tpu.memory_space<vmem_shared>>)
        tpu.yield
      }) : () -> ()
      %scan3A_2013 = arith.constant 0 : i32
      scf.yield %scan3A_2013 : i32
    }
    %scan3A_1795 = arith.constant 7 : i32
    %dma_start3A_1796 = arith.constant 1 : i32
    %dma_start3A_1797 = arith.constant 15 : i32
    %dma_start3A_1798 = arith.constant 1 : i32
    %dma_start3A_1799 = arith.constant 0 : i32
    %dma_start3A_1800 = arith.constant 0 : i32
    %dma_start3A_1801 = tpu.memref_slice %arg6[%dma_start3A_1798, %dma_start3A_1799, %dma_start3A_1800] : memref<2x128x128xf32, #tpu.memory_space<vmem>> -> memref<1x128x128xf32, #tpu.memory_space<vmem>>
    %dma_start3A_1802 = tpu.memref_squeeze %dma_start3A_1801 : memref<1x128x128xf32, #tpu.memory_space<vmem>> -> memref<128x128xf32, #tpu.memory_space<vmem>>
    %dma_start3A_1803 = arith.constant 0 : i32
    %dma_start3A_1804 = tpu.memref_slice %arg7[%dma_start3A_1796, %dma_start3A_1797, %dma_start3A_1803] : memref<2x16x128xi32, #tpu.memory_space<vmem>> -> memref<1x1x128xi32, #tpu.memory_space<vmem>>
    %dma_start3A_1805 = tpu.memref_squeeze %dma_start3A_1804 : memref<1x1x128xi32, #tpu.memory_space<vmem>> -> memref<128xi32, #tpu.memory_space<vmem>>
    %dma_start3A_1806 = arith.constant 0 : i32
    %dma_start3A_1807 = arith.constant 0 : i32
    %dma_start3A_1808 = tpu.memref_slice %arg2[%dma_start3A_1806, %dma_start3A_1807] : memref<10000x128xf32, #tpu.memory_space<hbm>> -> memref<10000x128xf32, #tpu.memory_space<hbm>>
    tpu.enqueue_indirect_dma source(%dma_start3A_1808 : memref<10000x128xf32, #tpu.memory_space<hbm>>) target(%dma_start3A_1802 : memref<128x128xf32, #tpu.memory_space<vmem>>) offsets(%dma_start3A_1805 : memref<128xi32, #tpu.memory_space<vmem>>) semaphore(%arg11 : memref<!tpu.dma_semaphore, #tpu.memory_space<semaphore_mem>>)
    %dma_wait3A_1809 = arith.constant 1 : i32
    %dma_wait3A_1810 = arith.constant 14 : i32
    %dma_wait3A_1811 = arith.constant 0 : i32
    %dma_wait3A_1812 = arith.constant 0 : i32
    %dma_wait3A_1813 = arith.constant 0 : i32
    %dma_wait3A_1814 = tpu.memref_slice %arg6[%dma_wait3A_1811, %dma_wait3A_1812, %dma_wait3A_1813] : memref<2x128x128xf32, #tpu.memory_space<vmem>> -> memref<1x128x128xf32, #tpu.memory_space<vmem>>
    %dma_wait3A_1815 = tpu.memref_squeeze %dma_wait3A_1814 : memref<1x128x128xf32, #tpu.memory_space<vmem>> -> memref<128x128xf32, #tpu.memory_space<vmem>>
    %dma_wait3A_1816 = arith.constant 0 : i32
    %dma_wait3A_1817 = tpu.memref_slice %arg7[%dma_wait3A_1809, %dma_wait3A_1810, %dma_wait3A_1816] : memref<2x16x128xi32, #tpu.memory_space<vmem>> -> memref<1x1x128xi32, #tpu.memory_space<vmem>>
    %dma_wait3A_1818 = tpu.memref_squeeze %dma_wait3A_1817 : memref<1x1x128xi32, #tpu.memory_space<vmem>> -> memref<128xi32, #tpu.memory_space<vmem>>
    %dma_wait3A_1819 = arith.constant 0 : i32
    %dma_wait3A_1820 = arith.constant 0 : i32
    %dma_wait3A_1821 = tpu.memref_slice %arg2[%dma_wait3A_1819, %dma_wait3A_1820] : memref<10000x128xf32, #tpu.memory_space<hbm>> -> memref<10000x128xf32, #tpu.memory_space<hbm>>
    tpu.wait_indirect_dma semaphore(%arg10 : memref<!tpu.dma_semaphore, #tpu.memory_space<semaphore_mem>>) src(%dma_wait3A_1821 : memref<10000x128xf32, #tpu.memory_space<hbm>>) dst(%dma_wait3A_1815 : memref<128x128xf32, #tpu.memory_space<vmem>>)
    %run_scoped3A_1822 = arith.constant 0 : i32
    %run_scoped3A_1823 = arith.constant 1 : i32
    %run_scoped3A_1824 = arith.constant 14 : i32
    "tpu.region"() ({
      %run_scoped3A_1947 = tpu.sem_alloc : memref<!tpu.dma_semaphore, #tpu.memory_space<semaphore_mem>>
      %dma_start3A_1948 = arith.constant 0 : i32
      %dma_start3A_1949 = arith.constant 0 : i32
      %dma_start3A_1950 = tpu.memref_slice %arg6[%run_scoped3A_1822, %dma_start3A_1948, %dma_start3A_1949] : memref<2x128x128xf32, #tpu.memory_space<vmem>> -> memref<1x128x128xf32, #tpu.memory_space<vmem>>
      %dma_start3A_1951 = tpu.memref_squeeze %dma_start3A_1950 : memref<1x128x128xf32, #tpu.memory_space<vmem>> -> memref<128x128xf32, #tpu.memory_space<vmem>>
      %dma_start3A_1952 = arith.constant 0 : i32
      %dma_start3A_1953 = tpu.memref_slice %arg8[%run_scoped3A_1823, %run_scoped3A_1824, %dma_start3A_1952] : memref<2x16x128xi32, #tpu.memory_space<vmem>> -> memref<1x1x128xi32, #tpu.memory_space<vmem>>
      %dma_start3A_1954 = tpu.memref_squeeze %dma_start3A_1953 : memref<1x1x128xi32, #tpu.memory_space<vmem>> -> memref<128xi32, #tpu.memory_space<vmem>>
      %dma_start3A_1955 = arith.constant 0 : i32
      %dma_start3A_1956 = arith.constant 0 : i32
      %dma_start3A_1957 = tpu.memref_slice %arg5[%dma_start3A_1955, %dma_start3A_1956] : memref<10240x128xf32, #tpu.memory_space<vmem_shared>> -> memref<10240x128xf32, #tpu.memory_space<vmem_shared>>
      tpu.enqueue_indirect_dma source(%dma_start3A_1951 : memref<128x128xf32, #tpu.memory_space<vmem>>) target(%dma_start3A_1957 : memref<10240x128xf32, #tpu.memory_space<vmem_shared>>) offsets(%dma_start3A_1954 : memref<128xi32, #tpu.memory_space<vmem>>) semaphore(%run_scoped3A_1947 : memref<!tpu.dma_semaphore, #tpu.memory_space<semaphore_mem>>) {add = true}
      %dma_wait3A_1958 = arith.constant 0 : i32
      %dma_wait3A_1959 = arith.constant 0 : i32
      %dma_wait3A_1960 = tpu.memref_slice %arg6[%run_scoped3A_1822, %dma_wait3A_1958, %dma_wait3A_1959] : memref<2x128x128xf32, #tpu.memory_space<vmem>> -> memref<1x128x128xf32, #tpu.memory_space<vmem>>
      %dma_wait3A_1961 = tpu.memref_squeeze %dma_wait3A_1960 : memref<1x128x128xf32, #tpu.memory_space<vmem>> -> memref<128x128xf32, #tpu.memory_space<vmem>>
      %dma_wait3A_1962 = arith.constant 0 : i32
      %dma_wait3A_1963 = tpu.memref_slice %arg8[%run_scoped3A_1823, %run_scoped3A_1824, %dma_wait3A_1962] : memref<2x16x128xi32, #tpu.memory_space<vmem>> -> memref<1x1x128xi32, #tpu.memory_space<vmem>>
      %dma_wait3A_1964 = tpu.memref_squeeze %dma_wait3A_1963 : memref<1x1x128xi32, #tpu.memory_space<vmem>> -> memref<128xi32, #tpu.memory_space<vmem>>
      %dma_wait3A_1965 = arith.constant 0 : i32
      %dma_wait3A_1966 = arith.constant 0 : i32
      %dma_wait3A_1967 = tpu.memref_slice %arg5[%dma_wait3A_1965, %dma_wait3A_1966] : memref<10240x128xf32, #tpu.memory_space<vmem_shared>> -> memref<10240x128xf32, #tpu.memory_space<vmem_shared>>
      tpu.wait_indirect_dma semaphore(%run_scoped3A_1947 : memref<!tpu.dma_semaphore, #tpu.memory_space<semaphore_mem>>) src(%dma_wait3A_1961 : memref<128x128xf32, #tpu.memory_space<vmem>>) dst(%dma_wait3A_1967 : memref<10240x128xf32, #tpu.memory_space<vmem_shared>>)
      tpu.yield
    }) : () -> ()
    %dma_wait3A_1825 = arith.constant 0 : i32
    %dma_wait3A_1826 = arith.constant 0 : i32
    %dma_wait3A_1827 = arith.constant 0 : i32
    %dma_wait3A_1828 = arith.constant 0 : i32
    %dma_wait3A_1829 = tpu.memref_slice %arg7[%dma_wait3A_1826, %dma_wait3A_1827, %dma_wait3A_1828] : memref<2x16x128xi32, #tpu.memory_space<vmem>> -> memref<1x16x128xi32, #tpu.memory_space<vmem>>
    %dma_wait3A_1830 = tpu.memref_squeeze %dma_wait3A_1829 : memref<1x16x128xi32, #tpu.memory_space<vmem>> -> memref<16x128xi32, #tpu.memory_space<vmem>>
    %dma_wait3A_1831 = arith.constant 64 : i32
    %dma_wait3A_1832 = arith.constant 0 : i32
    %dma_wait3A_1833 = tpu.memref_slice %arg3[%dma_wait3A_1825, %add3A, %dma_wait3A_1831, %dma_wait3A_1832] : memref<2x32x80x128xi32, #tpu.memory_space<hbm>> -> memref<1x1x16x128xi32, #tpu.memory_space<hbm>>
    %dma_wait3A_1834 = tpu.memref_squeeze %dma_wait3A_1833 : memref<1x1x16x128xi32, #tpu.memory_space<hbm>> -> memref<16x128xi32, #tpu.memory_space<hbm>>
    %dma_wait3A_1835 = arith.constant 0 : i32
    %dma_wait3A_1836 = arith.constant 0 : i32
    %dma_wait3A_1837 = tpu.memref_slice %arg7[%dma_wait3A_1826, %dma_wait3A_1835, %dma_wait3A_1836] : memref<2x16x128xi32, #tpu.memory_space<vmem>> -> memref<1x16x128xi32, #tpu.memory_space<vmem>>
    %dma_wait3A_1838 = tpu.memref_squeeze %dma_wait3A_1837 : memref<1x16x128xi32, #tpu.memory_space<vmem>> -> memref<16x128xi32, #tpu.memory_space<vmem>>
    %dma_wait3A_1839 = arith.constant 64 : i32
    %dma_wait3A_1840 = arith.constant 0 : i32
    %dma_wait3A_1841 = tpu.memref_slice %arg3[%dma_wait3A_1825, %add3A, %dma_wait3A_1839, %dma_wait3A_1840] : memref<2x32x80x128xi32, #tpu.memory_space<hbm>> -> memref<1x1x16x128xi32, #tpu.memory_space<hbm>>
    %dma_wait3A_1842 = tpu.memref_squeeze %dma_wait3A_1841 : memref<1x1x16x128xi32, #tpu.memory_space<hbm>> -> memref<16x128xi32, #tpu.memory_space<hbm>>
    tpu.wait_dma2 semaphore(%arg13 : memref<!tpu.dma_semaphore, #tpu.memory_space<semaphore_mem>>) src(%dma_wait3A_1842 : memref<16x128xi32, #tpu.memory_space<hbm>>) dst(%dma_wait3A_1838 : memref<16x128xi32, #tpu.memory_space<vmem>>)
    %dma_wait3A_1843 = arith.constant 1 : i32
    %dma_wait3A_1844 = arith.constant 0 : i32
    %dma_wait3A_1845 = arith.constant 0 : i32
    %dma_wait3A_1846 = arith.constant 0 : i32
    %dma_wait3A_1847 = tpu.memref_slice %arg8[%dma_wait3A_1844, %dma_wait3A_1845, %dma_wait3A_1846] : memref<2x16x128xi32, #tpu.memory_space<vmem>> -> memref<1x16x128xi32, #tpu.memory_space<vmem>>
    %dma_wait3A_1848 = tpu.memref_squeeze %dma_wait3A_1847 : memref<1x16x128xi32, #tpu.memory_space<vmem>> -> memref<16x128xi32, #tpu.memory_space<vmem>>
    %dma_wait3A_1849 = arith.constant 64 : i32
    %dma_wait3A_1850 = arith.constant 0 : i32
    %dma_wait3A_1851 = tpu.memref_slice %arg3[%dma_wait3A_1843, %add3A, %dma_wait3A_1849, %dma_wait3A_1850] : memref<2x32x80x128xi32, #tpu.memory_space<hbm>> -> memref<1x1x16x128xi32, #tpu.memory_space<hbm>>
    %dma_wait3A_1852 = tpu.memref_squeeze %dma_wait3A_1851 : memref<1x1x16x128xi32, #tpu.memory_space<hbm>> -> memref<16x128xi32, #tpu.memory_space<hbm>>
    %dma_wait3A_1853 = arith.constant 0 : i32
    %dma_wait3A_1854 = arith.constant 0 : i32
    %dma_wait3A_1855 = tpu.memref_slice %arg8[%dma_wait3A_1844, %dma_wait3A_1853, %dma_wait3A_1854] : memref<2x16x128xi32, #tpu.memory_space<vmem>> -> memref<1x16x128xi32, #tpu.memory_space<vmem>>
    %dma_wait3A_1856 = tpu.memref_squeeze %dma_wait3A_1855 : memref<1x16x128xi32, #tpu.memory_space<vmem>> -> memref<16x128xi32, #tpu.memory_space<vmem>>
    %dma_wait3A_1857 = arith.constant 64 : i32
    %dma_wait3A_1858 = arith.constant 0 : i32
    %dma_wait3A_1859 = tpu.memref_slice %arg3[%dma_wait3A_1843, %add3A, %dma_wait3A_1857, %dma_wait3A_1858] : memref<2x32x80x128xi32, #tpu.memory_space<hbm>> -> memref<1x1x16x128xi32, #tpu.memory_space<hbm>>
    %dma_wait3A_1860 = tpu.memref_squeeze %dma_wait3A_1859 : memref<1x1x16x128xi32, #tpu.memory_space<hbm>> -> memref<16x128xi32, #tpu.memory_space<hbm>>
    tpu.wait_dma2 semaphore(%arg14 : memref<!tpu.dma_semaphore, #tpu.memory_space<semaphore_mem>>) src(%dma_wait3A_1860 : memref<16x128xi32, #tpu.memory_space<hbm>>) dst(%dma_wait3A_1856 : memref<16x128xi32, #tpu.memory_space<vmem>>)
    %dma_start3A_1861 = arith.constant 0 : i32
    %dma_start3A_1862 = arith.constant 0 : i32
    %dma_start3A_1863 = arith.constant 0 : i32
    %dma_start3A_1864 = arith.constant 0 : i32
    %dma_start3A_1865 = arith.constant 0 : i32
    %dma_start3A_1866 = tpu.memref_slice %arg6[%dma_start3A_1863, %dma_start3A_1864, %dma_start3A_1865] : memref<2x128x128xf32, #tpu.memory_space<vmem>> -> memref<1x128x128xf32, #tpu.memory_space<vmem>>
    %dma_start3A_1867 = tpu.memref_squeeze %dma_start3A_1866 : memref<1x128x128xf32, #tpu.memory_space<vmem>> -> memref<128x128xf32, #tpu.memory_space<vmem>>
    %dma_start3A_1868 = arith.constant 0 : i32
    %dma_start3A_1869 = tpu.memref_slice %arg7[%dma_start3A_1861, %dma_start3A_1862, %dma_start3A_1868] : memref<2x16x128xi32, #tpu.memory_space<vmem>> -> memref<1x1x128xi32, #tpu.memory_space<vmem>>
    %dma_start3A_1870 = tpu.memref_squeeze %dma_start3A_1869 : memref<1x1x128xi32, #tpu.memory_space<vmem>> -> memref<128xi32, #tpu.memory_space<vmem>>
    %dma_start3A_1871 = arith.constant 0 : i32
    %dma_start3A_1872 = arith.constant 0 : i32
    %dma_start3A_1873 = tpu.memref_slice %arg2[%dma_start3A_1871, %dma_start3A_1872] : memref<10000x128xf32, #tpu.memory_space<hbm>> -> memref<10000x128xf32, #tpu.memory_space<hbm>>
    tpu.enqueue_indirect_dma source(%dma_start3A_1873 : memref<10000x128xf32, #tpu.memory_space<hbm>>) target(%dma_start3A_1867 : memref<128x128xf32, #tpu.memory_space<vmem>>) offsets(%dma_start3A_1870 : memref<128xi32, #tpu.memory_space<vmem>>) semaphore(%arg10 : memref<!tpu.dma_semaphore, #tpu.memory_space<semaphore_mem>>)
    %dma_wait3A_1874 = arith.constant 1 : i32
    %dma_wait3A_1875 = arith.constant 15 : i32
    %dma_wait3A_1876 = arith.constant 1 : i32
    %dma_wait3A_1877 = arith.constant 0 : i32
    %dma_wait3A_1878 = arith.constant 0 : i32
    %dma_wait3A_1879 = tpu.memref_slice %arg6[%dma_wait3A_1876, %dma_wait3A_1877, %dma_wait3A_1878] : memref<2x128x128xf32, #tpu.memory_space<vmem>> -> memref<1x128x128xf32, #tpu.memory_space<vmem>>
    %dma_wait3A_1880 = tpu.memref_squeeze %dma_wait3A_1879 : memref<1x128x128xf32, #tpu.memory_space<vmem>> -> memref<128x128xf32, #tpu.memory_space<vmem>>
    %dma_wait3A_1881 = arith.constant 0 : i32
    %dma_wait3A_1882 = tpu.memref_slice %arg7[%dma_wait3A_1874, %dma_wait3A_1875, %dma_wait3A_1881] : memref<2x16x128xi32, #tpu.memory_space<vmem>> -> memref<1x1x128xi32, #tpu.memory_space<vmem>>
    %dma_wait3A_1883 = tpu.memref_squeeze %dma_wait3A_1882 : memref<1x1x128xi32, #tpu.memory_space<vmem>> -> memref<128xi32, #tpu.memory_space<vmem>>
    %dma_wait3A_1884 = arith.constant 0 : i32
    %dma_wait3A_1885 = arith.constant 0 : i32
    %dma_wait3A_1886 = tpu.memref_slice %arg2[%dma_wait3A_1884, %dma_wait3A_1885] : memref<10000x128xf32, #tpu.memory_space<hbm>> -> memref<10000x128xf32, #tpu.memory_space<hbm>>
    tpu.wait_indirect_dma semaphore(%arg11 : memref<!tpu.dma_semaphore, #tpu.memory_space<semaphore_mem>>) src(%dma_wait3A_1886 : memref<10000x128xf32, #tpu.memory_space<hbm>>) dst(%dma_wait3A_1880 : memref<128x128xf32, #tpu.memory_space<vmem>>)
    %run_scoped3A_1887 = arith.constant 1 : i32
    %run_scoped3A_1888 = arith.constant 1 : i32
    %run_scoped3A_1889 = arith.constant 15 : i32
    "tpu.region"() ({
      %run_scoped3A_1947 = tpu.sem_alloc : memref<!tpu.dma_semaphore, #tpu.memory_space<semaphore_mem>>
      %dma_start3A_1948 = arith.constant 0 : i32
      %dma_start3A_1949 = arith.constant 0 : i32
      %dma_start3A_1950 = tpu.memref_slice %arg6[%run_scoped3A_1887, %dma_start3A_1948, %dma_start3A_1949] : memref<2x128x128xf32, #tpu.memory_space<vmem>> -> memref<1x128x128xf32, #tpu.memory_space<vmem>>
      %dma_start3A_1951 = tpu.memref_squeeze %dma_start3A_1950 : memref<1x128x128xf32, #tpu.memory_space<vmem>> -> memref<128x128xf32, #tpu.memory_space<vmem>>
      %dma_start3A_1952 = arith.constant 0 : i32
      %dma_start3A_1953 = tpu.memref_slice %arg8[%run_scoped3A_1888, %run_scoped3A_1889, %dma_start3A_1952] : memref<2x16x128xi32, #tpu.memory_space<vmem>> -> memref<1x1x128xi32, #tpu.memory_space<vmem>>
      %dma_start3A_1954 = tpu.memref_squeeze %dma_start3A_1953 : memref<1x1x128xi32, #tpu.memory_space<vmem>> -> memref<128xi32, #tpu.memory_space<vmem>>
      %dma_start3A_1955 = arith.constant 0 : i32
      %dma_start3A_1956 = arith.constant 0 : i32
      %dma_start3A_1957 = tpu.memref_slice %arg5[%dma_start3A_1955, %dma_start3A_1956] : memref<10240x128xf32, #tpu.memory_space<vmem_shared>> -> memref<10240x128xf32, #tpu.memory_space<vmem_shared>>
      tpu.enqueue_indirect_dma source(%dma_start3A_1951 : memref<128x128xf32, #tpu.memory_space<vmem>>) target(%dma_start3A_1957 : memref<10240x128xf32, #tpu.memory_space<vmem_shared>>) offsets(%dma_start3A_1954 : memref<128xi32, #tpu.memory_space<vmem>>) semaphore(%run_scoped3A_1947 : memref<!tpu.dma_semaphore, #tpu.memory_space<semaphore_mem>>) {add = true}
      %dma_wait3A_1958 = arith.constant 0 : i32
      %dma_wait3A_1959 = arith.constant 0 : i32
      %dma_wait3A_1960 = tpu.memref_slice %arg6[%run_scoped3A_1887, %dma_wait3A_1958, %dma_wait3A_1959] : memref<2x128x128xf32, #tpu.memory_space<vmem>> -> memref<1x128x128xf32, #tpu.memory_space<vmem>>
      %dma_wait3A_1961 = tpu.memref_squeeze %dma_wait3A_1960 : memref<1x128x128xf32, #tpu.memory_space<vmem>> -> memref<128x128xf32, #tpu.memory_space<vmem>>
      %dma_wait3A_1962 = arith.constant 0 : i32
      %dma_wait3A_1963 = tpu.memref_slice %arg8[%run_scoped3A_1888, %run_scoped3A_1889, %dma_wait3A_1962] : memref<2x16x128xi32, #tpu.memory_space<vmem>> -> memref<1x1x128xi32, #tpu.memory_space<vmem>>
      %dma_wait3A_1964 = tpu.memref_squeeze %dma_wait3A_1963 : memref<1x1x128xi32, #tpu.memory_space<vmem>> -> memref<128xi32, #tpu.memory_space<vmem>>
      %dma_wait3A_1965 = arith.constant 0 : i32
      %dma_wait3A_1966 = arith.constant 0 : i32
      %dma_wait3A_1967 = tpu.memref_slice %arg5[%dma_wait3A_1965, %dma_wait3A_1966] : memref<10240x128xf32, #tpu.memory_space<vmem_shared>> -> memref<10240x128xf32, #tpu.memory_space<vmem_shared>>
      tpu.wait_indirect_dma semaphore(%run_scoped3A_1947 : memref<!tpu.dma_semaphore, #tpu.memory_space<semaphore_mem>>) src(%dma_wait3A_1961 : memref<128x128xf32, #tpu.memory_space<vmem>>) dst(%dma_wait3A_1967 : memref<10240x128xf32, #tpu.memory_space<vmem_shared>>)
      tpu.yield
    }) : () -> ()
    %scan3A_1890 = arith.constant 0 : i32
    %scan3A_1891 = arith.constant 0 : i32
    %scan3A_1892 = arith.constant 7 : i32
    %scan3A_1893 = arith.addi %scan3A_1891, %scan3A_1892 : i32
    %scan3A_1894 = arith.constant 1 : i32
    %scan3A_1895 = scf.for %scan3A_1947 = %scan3A_1891 to %scan3A_1893 step %scan3A_1894 iter_args(%scan3A_1948 = %scan3A_1890) -> (i32)  : i32 {
      %mul3A_1949 = arith.constant 2 : i32
      %mul3A_1950 = arith.muli %mul3A_1949, %scan3A_1947 : i32
      %add3A_1951 = arith.constant 0 : i32
      %add3A_1952 = arith.addi %mul3A_1950, %add3A_1951 : i32
      %add3A_1953 = arith.constant 1 : i32
      %add3A_1954 = arith.addi %add3A_1952, %add3A_1953 : i32
      %dma_start3A_1955 = arith.constant 0 : i32
      %dma_start3A_1956 = arith.constant 1 : i32
      %dma_start3A_1957 = arith.constant 0 : i32
      %dma_start3A_1958 = arith.constant 0 : i32
      %dma_start3A_1959 = tpu.memref_slice %arg6[%dma_start3A_1956, %dma_start3A_1957, %dma_start3A_1958] : memref<2x128x128xf32, #tpu.memory_space<vmem>> -> memref<1x128x128xf32, #tpu.memory_space<vmem>>
      %dma_start3A_1960 = tpu.memref_squeeze %dma_start3A_1959 : memref<1x128x128xf32, #tpu.memory_space<vmem>> -> memref<128x128xf32, #tpu.memory_space<vmem>>
      %dma_start3A_1961 = arith.constant 0 : i32
      %dma_start3A_1962 = tpu.memref_slice %arg7[%dma_start3A_1955, %add3A_1954, %dma_start3A_1961] : memref<2x16x128xi32, #tpu.memory_space<vmem>> -> memref<1x1x128xi32, #tpu.memory_space<vmem>>
      %dma_start3A_1963 = tpu.memref_squeeze %dma_start3A_1962 : memref<1x1x128xi32, #tpu.memory_space<vmem>> -> memref<128xi32, #tpu.memory_space<vmem>>
      %dma_start3A_1964 = arith.constant 0 : i32
      %dma_start3A_1965 = arith.constant 0 : i32
      %dma_start3A_1966 = tpu.memref_slice %arg2[%dma_start3A_1964, %dma_start3A_1965] : memref<10000x128xf32, #tpu.memory_space<hbm>> -> memref<10000x128xf32, #tpu.memory_space<hbm>>
      tpu.enqueue_indirect_dma source(%dma_start3A_1966 : memref<10000x128xf32, #tpu.memory_space<hbm>>) target(%dma_start3A_1960 : memref<128x128xf32, #tpu.memory_space<vmem>>) offsets(%dma_start3A_1963 : memref<128xi32, #tpu.memory_space<vmem>>) semaphore(%arg11 : memref<!tpu.dma_semaphore, #tpu.memory_space<semaphore_mem>>)
      %dma_wait3A_1967 = arith.constant 0 : i32
      %dma_wait3A_1968 = arith.constant 0 : i32
      %dma_wait3A_1969 = arith.constant 0 : i32
      %dma_wait3A_1970 = arith.constant 0 : i32
      %dma_wait3A_1971 = tpu.memref_slice %arg6[%dma_wait3A_1968, %dma_wait3A_1969, %dma_wait3A_1970] : memref<2x128x128xf32, #tpu.memory_space<vmem>> -> memref<1x128x128xf32, #tpu.memory_space<vmem>>
      %dma_wait3A_1972 = tpu.memref_squeeze %dma_wait3A_1971 : memref<1x128x128xf32, #tpu.memory_space<vmem>> -> memref<128x128xf32, #tpu.memory_space<vmem>>
      %dma_wait3A_1973 = arith.constant 0 : i32
      %dma_wait3A_1974 = tpu.memref_slice %arg7[%dma_wait3A_1967, %add3A_1952, %dma_wait3A_1973] : memref<2x16x128xi32, #tpu.memory_space<vmem>> -> memref<1x1x128xi32, #tpu.memory_space<vmem>>
      %dma_wait3A_1975 = tpu.memref_squeeze %dma_wait3A_1974 : memref<1x1x128xi32, #tpu.memory_space<vmem>> -> memref<128xi32, #tpu.memory_space<vmem>>
      %dma_wait3A_1976 = arith.constant 0 : i32
      %dma_wait3A_1977 = arith.constant 0 : i32
      %dma_wait3A_1978 = tpu.memref_slice %arg2[%dma_wait3A_1976, %dma_wait3A_1977] : memref<10000x128xf32, #tpu.memory_space<hbm>> -> memref<10000x128xf32, #tpu.memory_space<hbm>>
      tpu.wait_indirect_dma semaphore(%arg10 : memref<!tpu.dma_semaphore, #tpu.memory_space<semaphore_mem>>) src(%dma_wait3A_1978 : memref<10000x128xf32, #tpu.memory_space<hbm>>) dst(%dma_wait3A_1972 : memref<128x128xf32, #tpu.memory_space<vmem>>)
      %run_scoped3A_1979 = arith.constant 0 : i32
      %run_scoped3A_1980 = arith.constant 0 : i32
      "tpu.region"() ({
        %run_scoped3A_2014 = tpu.sem_alloc : memref<!tpu.dma_semaphore, #tpu.memory_space<semaphore_mem>>
        %dma_start3A_2015 = arith.constant 0 : i32
        %dma_start3A_2016 = arith.constant 0 : i32
        %dma_start3A_2017 = tpu.memref_slice %arg6[%run_scoped3A_1979, %dma_start3A_2015, %dma_start3A_2016] : memref<2x128x128xf32, #tpu.memory_space<vmem>> -> memref<1x128x128xf32, #tpu.memory_space<vmem>>
        %dma_start3A_2018 = tpu.memref_squeeze %dma_start3A_2017 : memref<1x128x128xf32, #tpu.memory_space<vmem>> -> memref<128x128xf32, #tpu.memory_space<vmem>>
        %dma_start3A_2019 = arith.constant 0 : i32
        %dma_start3A_2020 = tpu.memref_slice %arg8[%run_scoped3A_1980, %add3A_1952, %dma_start3A_2019] : memref<2x16x128xi32, #tpu.memory_space<vmem>> -> memref<1x1x128xi32, #tpu.memory_space<vmem>>
        %dma_start3A_2021 = tpu.memref_squeeze %dma_start3A_2020 : memref<1x1x128xi32, #tpu.memory_space<vmem>> -> memref<128xi32, #tpu.memory_space<vmem>>
        %dma_start3A_2022 = arith.constant 0 : i32
        %dma_start3A_2023 = arith.constant 0 : i32
        %dma_start3A_2024 = tpu.memref_slice %arg5[%dma_start3A_2022, %dma_start3A_2023] : memref<10240x128xf32, #tpu.memory_space<vmem_shared>> -> memref<10240x128xf32, #tpu.memory_space<vmem_shared>>
        tpu.enqueue_indirect_dma source(%dma_start3A_2018 : memref<128x128xf32, #tpu.memory_space<vmem>>) target(%dma_start3A_2024 : memref<10240x128xf32, #tpu.memory_space<vmem_shared>>) offsets(%dma_start3A_2021 : memref<128xi32, #tpu.memory_space<vmem>>) semaphore(%run_scoped3A_2014 : memref<!tpu.dma_semaphore, #tpu.memory_space<semaphore_mem>>) {add = true}
        %dma_wait3A_2025 = arith.constant 0 : i32
        %dma_wait3A_2026 = arith.constant 0 : i32
        %dma_wait3A_2027 = tpu.memref_slice %arg6[%run_scoped3A_1979, %dma_wait3A_2025, %dma_wait3A_2026] : memref<2x128x128xf32, #tpu.memory_space<vmem>> -> memref<1x128x128xf32, #tpu.memory_space<vmem>>
        %dma_wait3A_2028 = tpu.memref_squeeze %dma_wait3A_2027 : memref<1x128x128xf32, #tpu.memory_space<vmem>> -> memref<128x128xf32, #tpu.memory_space<vmem>>
        %dma_wait3A_2029 = arith.constant 0 : i32
        %dma_wait3A_2030 = tpu.memref_slice %arg8[%run_scoped3A_1980, %add3A_1952, %dma_wait3A_2029] : memref<2x16x128xi32, #tpu.memory_space<vmem>> -> memref<1x1x128xi32, #tpu.memory_space<vmem>>
        %dma_wait3A_2031 = tpu.memref_squeeze %dma_wait3A_2030 : memref<1x1x128xi32, #tpu.memory_space<vmem>> -> memref<128xi32, #tpu.memory_space<vmem>>
        %dma_wait3A_2032 = arith.constant 0 : i32
        %dma_wait3A_2033 = arith.constant 0 : i32
        %dma_wait3A_2034 = tpu.memref_slice %arg5[%dma_wait3A_2032, %dma_wait3A_2033] : memref<10240x128xf32, #tpu.memory_space<vmem_shared>> -> memref<10240x128xf32, #tpu.memory_space<vmem_shared>>
        tpu.wait_indirect_dma semaphore(%run_scoped3A_2014 : memref<!tpu.dma_semaphore, #tpu.memory_space<semaphore_mem>>) src(%dma_wait3A_2028 : memref<128x128xf32, #tpu.memory_space<vmem>>) dst(%dma_wait3A_2034 : memref<10240x128xf32, #tpu.memory_space<vmem_shared>>)
        tpu.yield
      }) : () -> ()
      %mul3A_1981 = arith.constant 2 : i32
      %mul3A_1982 = arith.muli %mul3A_1981, %scan3A_1947 : i32
      %add3A_1983 = arith.constant 1 : i32
      %add3A_1984 = arith.addi %mul3A_1982, %add3A_1983 : i32
      %add3A_1985 = arith.constant 1 : i32
      %add3A_1986 = arith.addi %add3A_1984, %add3A_1985 : i32
      %dma_start3A_1987 = arith.constant 0 : i32
      %dma_start3A_1988 = arith.constant 0 : i32
      %dma_start3A_1989 = arith.constant 0 : i32
      %dma_start3A_1990 = arith.constant 0 : i32
      %dma_start3A_1991 = tpu.memref_slice %arg6[%dma_start3A_1988, %dma_start3A_1989, %dma_start3A_1990] : memref<2x128x128xf32, #tpu.memory_space<vmem>> -> memref<1x128x128xf32, #tpu.memory_space<vmem>>
      %dma_start3A_1992 = tpu.memref_squeeze %dma_start3A_1991 : memref<1x128x128xf32, #tpu.memory_space<vmem>> -> memref<128x128xf32, #tpu.memory_space<vmem>>
      %dma_start3A_1993 = arith.constant 0 : i32
      %dma_start3A_1994 = tpu.memref_slice %arg7[%dma_start3A_1987, %add3A_1986, %dma_start3A_1993] : memref<2x16x128xi32, #tpu.memory_space<vmem>> -> memref<1x1x128xi32, #tpu.memory_space<vmem>>
      %dma_start3A_1995 = tpu.memref_squeeze %dma_start3A_1994 : memref<1x1x128xi32, #tpu.memory_space<vmem>> -> memref<128xi32, #tpu.memory_space<vmem>>
      %dma_start3A_1996 = arith.constant 0 : i32
      %dma_start3A_1997 = arith.constant 0 : i32
      %dma_start3A_1998 = tpu.memref_slice %arg2[%dma_start3A_1996, %dma_start3A_1997] : memref<10000x128xf32, #tpu.memory_space<hbm>> -> memref<10000x128xf32, #tpu.memory_space<hbm>>
      tpu.enqueue_indirect_dma source(%dma_start3A_1998 : memref<10000x128xf32, #tpu.memory_space<hbm>>) target(%dma_start3A_1992 : memref<128x128xf32, #tpu.memory_space<vmem>>) offsets(%dma_start3A_1995 : memref<128xi32, #tpu.memory_space<vmem>>) semaphore(%arg10 : memref<!tpu.dma_semaphore, #tpu.memory_space<semaphore_mem>>)
      %dma_wait3A_1999 = arith.constant 0 : i32
      %dma_wait3A_2000 = arith.constant 1 : i32
      %dma_wait3A_2001 = arith.constant 0 : i32
      %dma_wait3A_2002 = arith.constant 0 : i32
      %dma_wait3A_2003 = tpu.memref_slice %arg6[%dma_wait3A_2000, %dma_wait3A_2001, %dma_wait3A_2002] : memref<2x128x128xf32, #tpu.memory_space<vmem>> -> memref<1x128x128xf32, #tpu.memory_space<vmem>>
      %dma_wait3A_2004 = tpu.memref_squeeze %dma_wait3A_2003 : memref<1x128x128xf32, #tpu.memory_space<vmem>> -> memref<128x128xf32, #tpu.memory_space<vmem>>
      %dma_wait3A_2005 = arith.constant 0 : i32
      %dma_wait3A_2006 = tpu.memref_slice %arg7[%dma_wait3A_1999, %add3A_1984, %dma_wait3A_2005] : memref<2x16x128xi32, #tpu.memory_space<vmem>> -> memref<1x1x128xi32, #tpu.memory_space<vmem>>
      %dma_wait3A_2007 = tpu.memref_squeeze %dma_wait3A_2006 : memref<1x1x128xi32, #tpu.memory_space<vmem>> -> memref<128xi32, #tpu.memory_space<vmem>>
      %dma_wait3A_2008 = arith.constant 0 : i32
      %dma_wait3A_2009 = arith.constant 0 : i32
      %dma_wait3A_2010 = tpu.memref_slice %arg2[%dma_wait3A_2008, %dma_wait3A_2009] : memref<10000x128xf32, #tpu.memory_space<hbm>> -> memref<10000x128xf32, #tpu.memory_space<hbm>>
      tpu.wait_indirect_dma semaphore(%arg11 : memref<!tpu.dma_semaphore, #tpu.memory_space<semaphore_mem>>) src(%dma_wait3A_2010 : memref<10000x128xf32, #tpu.memory_space<hbm>>) dst(%dma_wait3A_2004 : memref<128x128xf32, #tpu.memory_space<vmem>>)
      %run_scoped3A_2011 = arith.constant 1 : i32
      %run_scoped3A_2012 = arith.constant 0 : i32
      "tpu.region"() ({
        %run_scoped3A_2014 = tpu.sem_alloc : memref<!tpu.dma_semaphore, #tpu.memory_space<semaphore_mem>>
        %dma_start3A_2015 = arith.constant 0 : i32
        %dma_start3A_2016 = arith.constant 0 : i32
        %dma_start3A_2017 = tpu.memref_slice %arg6[%run_scoped3A_2011, %dma_start3A_2015, %dma_start3A_2016] : memref<2x128x128xf32, #tpu.memory_space<vmem>> -> memref<1x128x128xf32, #tpu.memory_space<vmem>>
        %dma_start3A_2018 = tpu.memref_squeeze %dma_start3A_2017 : memref<1x128x128xf32, #tpu.memory_space<vmem>> -> memref<128x128xf32, #tpu.memory_space<vmem>>
        %dma_start3A_2019 = arith.constant 0 : i32
        %dma_start3A_2020 = tpu.memref_slice %arg8[%run_scoped3A_2012, %add3A_1984, %dma_start3A_2019] : memref<2x16x128xi32, #tpu.memory_space<vmem>> -> memref<1x1x128xi32, #tpu.memory_space<vmem>>
        %dma_start3A_2021 = tpu.memref_squeeze %dma_start3A_2020 : memref<1x1x128xi32, #tpu.memory_space<vmem>> -> memref<128xi32, #tpu.memory_space<vmem>>
        %dma_start3A_2022 = arith.constant 0 : i32
        %dma_start3A_2023 = arith.constant 0 : i32
        %dma_start3A_2024 = tpu.memref_slice %arg5[%dma_start3A_2022, %dma_start3A_2023] : memref<10240x128xf32, #tpu.memory_space<vmem_shared>> -> memref<10240x128xf32, #tpu.memory_space<vmem_shared>>
        tpu.enqueue_indirect_dma source(%dma_start3A_2018 : memref<128x128xf32, #tpu.memory_space<vmem>>) target(%dma_start3A_2024 : memref<10240x128xf32, #tpu.memory_space<vmem_shared>>) offsets(%dma_start3A_2021 : memref<128xi32, #tpu.memory_space<vmem>>) semaphore(%run_scoped3A_2014 : memref<!tpu.dma_semaphore, #tpu.memory_space<semaphore_mem>>) {add = true}
        %dma_wait3A_2025 = arith.constant 0 : i32
        %dma_wait3A_2026 = arith.constant 0 : i32
        %dma_wait3A_2027 = tpu.memref_slice %arg6[%run_scoped3A_2011, %dma_wait3A_2025, %dma_wait3A_2026] : memref<2x128x128xf32, #tpu.memory_space<vmem>> -> memref<1x128x128xf32, #tpu.memory_space<vmem>>
        %dma_wait3A_2028 = tpu.memref_squeeze %dma_wait3A_2027 : memref<1x128x128xf32, #tpu.memory_space<vmem>> -> memref<128x128xf32, #tpu.memory_space<vmem>>
        %dma_wait3A_2029 = arith.constant 0 : i32
        %dma_wait3A_2030 = tpu.memref_slice %arg8[%run_scoped3A_2012, %add3A_1984, %dma_wait3A_2029] : memref<2x16x128xi32, #tpu.memory_space<vmem>> -> memref<1x1x128xi32, #tpu.memory_space<vmem>>
        %dma_wait3A_2031 = tpu.memref_squeeze %dma_wait3A_2030 : memref<1x1x128xi32, #tpu.memory_space<vmem>> -> memref<128xi32, #tpu.memory_space<vmem>>
        %dma_wait3A_2032 = arith.constant 0 : i32
        %dma_wait3A_2033 = arith.constant 0 : i32
        %dma_wait3A_2034 = tpu.memref_slice %arg5[%dma_wait3A_2032, %dma_wait3A_2033] : memref<10240x128xf32, #tpu.memory_space<vmem_shared>> -> memref<10240x128xf32, #tpu.memory_space<vmem_shared>>
        tpu.wait_indirect_dma semaphore(%run_scoped3A_2014 : memref<!tpu.dma_semaphore, #tpu.memory_space<semaphore_mem>>) src(%dma_wait3A_2028 : memref<128x128xf32, #tpu.memory_space<vmem>>) dst(%dma_wait3A_2034 : memref<10240x128xf32, #tpu.memory_space<vmem_shared>>)
        tpu.yield
      }) : () -> ()
      %scan3A_2013 = arith.constant 0 : i32
      scf.yield %scan3A_2013 : i32
    }
    %scan3A_1896 = arith.constant 7 : i32
    %dma_start3A_1897 = arith.constant 0 : i32
    %dma_start3A_1898 = arith.constant 15 : i32
    %dma_start3A_1899 = arith.constant 1 : i32
    %dma_start3A_1900 = arith.constant 0 : i32
    %dma_start3A_1901 = arith.constant 0 : i32
    %dma_start3A_1902 = tpu.memref_slice %arg6[%dma_start3A_1899, %dma_start3A_1900, %dma_start3A_1901] : memref<2x128x128xf32, #tpu.memory_space<vmem>> -> memref<1x128x128xf32, #tpu.memory_space<vmem>>
    %dma_start3A_1903 = tpu.memref_squeeze %dma_start3A_1902 : memref<1x128x128xf32, #tpu.memory_space<vmem>> -> memref<128x128xf32, #tpu.memory_space<vmem>>
    %dma_start3A_1904 = arith.constant 0 : i32
    %dma_start3A_1905 = tpu.memref_slice %arg7[%dma_start3A_1897, %dma_start3A_1898, %dma_start3A_1904] : memref<2x16x128xi32, #tpu.memory_space<vmem>> -> memref<1x1x128xi32, #tpu.memory_space<vmem>>
    %dma_start3A_1906 = tpu.memref_squeeze %dma_start3A_1905 : memref<1x1x128xi32, #tpu.memory_space<vmem>> -> memref<128xi32, #tpu.memory_space<vmem>>
    %dma_start3A_1907 = arith.constant 0 : i32
    %dma_start3A_1908 = arith.constant 0 : i32
    %dma_start3A_1909 = tpu.memref_slice %arg2[%dma_start3A_1907, %dma_start3A_1908] : memref<10000x128xf32, #tpu.memory_space<hbm>> -> memref<10000x128xf32, #tpu.memory_space<hbm>>
    tpu.enqueue_indirect_dma source(%dma_start3A_1909 : memref<10000x128xf32, #tpu.memory_space<hbm>>) target(%dma_start3A_1903 : memref<128x128xf32, #tpu.memory_space<vmem>>) offsets(%dma_start3A_1906 : memref<128xi32, #tpu.memory_space<vmem>>) semaphore(%arg11 : memref<!tpu.dma_semaphore, #tpu.memory_space<semaphore_mem>>)
    %dma_wait3A_1910 = arith.constant 0 : i32
    %dma_wait3A_1911 = arith.constant 14 : i32
    %dma_wait3A_1912 = arith.constant 0 : i32
    %dma_wait3A_1913 = arith.constant 0 : i32
    %dma_wait3A_1914 = arith.constant 0 : i32
    %dma_wait3A_1915 = tpu.memref_slice %arg6[%dma_wait3A_1912, %dma_wait3A_1913, %dma_wait3A_1914] : memref<2x128x128xf32, #tpu.memory_space<vmem>> -> memref<1x128x128xf32, #tpu.memory_space<vmem>>
    %dma_wait3A_1916 = tpu.memref_squeeze %dma_wait3A_1915 : memref<1x128x128xf32, #tpu.memory_space<vmem>> -> memref<128x128xf32, #tpu.memory_space<vmem>>
    %dma_wait3A_1917 = arith.constant 0 : i32
    %dma_wait3A_1918 = tpu.memref_slice %arg7[%dma_wait3A_1910, %dma_wait3A_1911, %dma_wait3A_1917] : memref<2x16x128xi32, #tpu.memory_space<vmem>> -> memref<1x1x128xi32, #tpu.memory_space<vmem>>
    %dma_wait3A_1919 = tpu.memref_squeeze %dma_wait3A_1918 : memref<1x1x128xi32, #tpu.memory_space<vmem>> -> memref<128xi32, #tpu.memory_space<vmem>>
    %dma_wait3A_1920 = arith.constant 0 : i32
    %dma_wait3A_1921 = arith.constant 0 : i32
    %dma_wait3A_1922 = tpu.memref_slice %arg2[%dma_wait3A_1920, %dma_wait3A_1921] : memref<10000x128xf32, #tpu.memory_space<hbm>> -> memref<10000x128xf32, #tpu.memory_space<hbm>>
    tpu.wait_indirect_dma semaphore(%arg10 : memref<!tpu.dma_semaphore, #tpu.memory_space<semaphore_mem>>) src(%dma_wait3A_1922 : memref<10000x128xf32, #tpu.memory_space<hbm>>) dst(%dma_wait3A_1916 : memref<128x128xf32, #tpu.memory_space<vmem>>)
    %run_scoped3A_1923 = arith.constant 0 : i32
    %run_scoped3A_1924 = arith.constant 0 : i32
    %run_scoped3A_1925 = arith.constant 14 : i32
    "tpu.region"() ({
      %run_scoped3A_1947 = tpu.sem_alloc : memref<!tpu.dma_semaphore, #tpu.memory_space<semaphore_mem>>
      %dma_start3A_1948 = arith.constant 0 : i32
      %dma_start3A_1949 = arith.constant 0 : i32
      %dma_start3A_1950 = tpu.memref_slice %arg6[%run_scoped3A_1923, %dma_start3A_1948, %dma_start3A_1949] : memref<2x128x128xf32, #tpu.memory_space<vmem>> -> memref<1x128x128xf32, #tpu.memory_space<vmem>>
      %dma_start3A_1951 = tpu.memref_squeeze %dma_start3A_1950 : memref<1x128x128xf32, #tpu.memory_space<vmem>> -> memref<128x128xf32, #tpu.memory_space<vmem>>
      %dma_start3A_1952 = arith.constant 0 : i32
      %dma_start3A_1953 = tpu.memref_slice %arg8[%run_scoped3A_1924, %run_scoped3A_1925, %dma_start3A_1952] : memref<2x16x128xi32, #tpu.memory_space<vmem>> -> memref<1x1x128xi32, #tpu.memory_space<vmem>>
      %dma_start3A_1954 = tpu.memref_squeeze %dma_start3A_1953 : memref<1x1x128xi32, #tpu.memory_space<vmem>> -> memref<128xi32, #tpu.memory_space<vmem>>
      %dma_start3A_1955 = arith.constant 0 : i32
      %dma_start3A_1956 = arith.constant 0 : i32
      %dma_start3A_1957 = tpu.memref_slice %arg5[%dma_start3A_1955, %dma_start3A_1956] : memref<10240x128xf32, #tpu.memory_space<vmem_shared>> -> memref<10240x128xf32, #tpu.memory_space<vmem_shared>>
      tpu.enqueue_indirect_dma source(%dma_start3A_1951 : memref<128x128xf32, #tpu.memory_space<vmem>>) target(%dma_start3A_1957 : memref<10240x128xf32, #tpu.memory_space<vmem_shared>>) offsets(%dma_start3A_1954 : memref<128xi32, #tpu.memory_space<vmem>>) semaphore(%run_scoped3A_1947 : memref<!tpu.dma_semaphore, #tpu.memory_space<semaphore_mem>>) {add = true}
      %dma_wait3A_1958 = arith.constant 0 : i32
      %dma_wait3A_1959 = arith.constant 0 : i32
      %dma_wait3A_1960 = tpu.memref_slice %arg6[%run_scoped3A_1923, %dma_wait3A_1958, %dma_wait3A_1959] : memref<2x128x128xf32, #tpu.memory_space<vmem>> -> memref<1x128x128xf32, #tpu.memory_space<vmem>>
      %dma_wait3A_1961 = tpu.memref_squeeze %dma_wait3A_1960 : memref<1x128x128xf32, #tpu.memory_space<vmem>> -> memref<128x128xf32, #tpu.memory_space<vmem>>
      %dma_wait3A_1962 = arith.constant 0 : i32
      %dma_wait3A_1963 = tpu.memref_slice %arg8[%run_scoped3A_1924, %run_scoped3A_1925, %dma_wait3A_1962] : memref<2x16x128xi32, #tpu.memory_space<vmem>> -> memref<1x1x128xi32, #tpu.memory_space<vmem>>
      %dma_wait3A_1964 = tpu.memref_squeeze %dma_wait3A_1963 : memref<1x1x128xi32, #tpu.memory_space<vmem>> -> memref<128xi32, #tpu.memory_space<vmem>>
      %dma_wait3A_1965 = arith.constant 0 : i32
      %dma_wait3A_1966 = arith.constant 0 : i32
      %dma_wait3A_1967 = tpu.memref_slice %arg5[%dma_wait3A_1965, %dma_wait3A_1966] : memref<10240x128xf32, #tpu.memory_space<vmem_shared>> -> memref<10240x128xf32, #tpu.memory_space<vmem_shared>>
      tpu.wait_indirect_dma semaphore(%run_scoped3A_1947 : memref<!tpu.dma_semaphore, #tpu.memory_space<semaphore_mem>>) src(%dma_wait3A_1961 : memref<128x128xf32, #tpu.memory_space<vmem>>) dst(%dma_wait3A_1967 : memref<10240x128xf32, #tpu.memory_space<vmem_shared>>)
      tpu.yield
    }) : () -> ()
    %dma_wait3A_1926 = arith.constant 0 : i32
    %dma_wait3A_1927 = arith.constant 15 : i32
    %dma_wait3A_1928 = arith.constant 1 : i32
    %dma_wait3A_1929 = arith.constant 0 : i32
    %dma_wait3A_1930 = arith.constant 0 : i32
    %dma_wait3A_1931 = tpu.memref_slice %arg6[%dma_wait3A_1928, %dma_wait3A_1929, %dma_wait3A_1930] : memref<2x128x128xf32, #tpu.memory_space<vmem>> -> memref<1x128x128xf32, #tpu.memory_space<vmem>>
    %dma_wait3A_1932 = tpu.memref_squeeze %dma_wait3A_1931 : memref<1x128x128xf32, #tpu.memory_space<vmem>> -> memref<128x128xf32, #tpu.memory_space<vmem>>
    %dma_wait3A_1933 = arith.constant 0 : i32
    %dma_wait3A_1934 = tpu.memref_slice %arg7[%dma_wait3A_1926, %dma_wait3A_1927, %dma_wait3A_1933] : memref<2x16x128xi32, #tpu.memory_space<vmem>> -> memref<1x1x128xi32, #tpu.memory_space<vmem>>
    %dma_wait3A_1935 = tpu.memref_squeeze %dma_wait3A_1934 : memref<1x1x128xi32, #tpu.memory_space<vmem>> -> memref<128xi32, #tpu.memory_space<vmem>>
    %dma_wait3A_1936 = arith.constant 0 : i32
    %dma_wait3A_1937 = arith.constant 0 : i32
    %dma_wait3A_1938 = tpu.memref_slice %arg2[%dma_wait3A_1936, %dma_wait3A_1937] : memref<10000x128xf32, #tpu.memory_space<hbm>> -> memref<10000x128xf32, #tpu.memory_space<hbm>>
    tpu.wait_indirect_dma semaphore(%arg11 : memref<!tpu.dma_semaphore, #tpu.memory_space<semaphore_mem>>) src(%dma_wait3A_1938 : memref<10000x128xf32, #tpu.memory_space<hbm>>) dst(%dma_wait3A_1932 : memref<128x128xf32, #tpu.memory_space<vmem>>)
    %run_scoped3A_1939 = arith.constant 1 : i32
    %run_scoped3A_1940 = arith.constant 0 : i32
    %run_scoped3A_1941 = arith.constant 15 : i32
    "tpu.region"() ({
      %run_scoped3A_1947 = tpu.sem_alloc : memref<!tpu.dma_semaphore, #tpu.memory_space<semaphore_mem>>
      %dma_start3A_1948 = arith.constant 0 : i32
      %dma_start3A_1949 = arith.constant 0 : i32
      %dma_start3A_1950 = tpu.memref_slice %arg6[%run_scoped3A_1939, %dma_start3A_1948, %dma_start3A_1949] : memref<2x128x128xf32, #tpu.memory_space<vmem>> -> memref<1x128x128xf32, #tpu.memory_space<vmem>>
      %dma_start3A_1951 = tpu.memref_squeeze %dma_start3A_1950 : memref<1x128x128xf32, #tpu.memory_space<vmem>> -> memref<128x128xf32, #tpu.memory_space<vmem>>
      %dma_start3A_1952 = arith.constant 0 : i32
      %dma_start3A_1953 = tpu.memref_slice %arg8[%run_scoped3A_1940, %run_scoped3A_1941, %dma_start3A_1952] : memref<2x16x128xi32, #tpu.memory_space<vmem>> -> memref<1x1x128xi32, #tpu.memory_space<vmem>>
      %dma_start3A_1954 = tpu.memref_squeeze %dma_start3A_1953 : memref<1x1x128xi32, #tpu.memory_space<vmem>> -> memref<128xi32, #tpu.memory_space<vmem>>
      %dma_start3A_1955 = arith.constant 0 : i32
      %dma_start3A_1956 = arith.constant 0 : i32
      %dma_start3A_1957 = tpu.memref_slice %arg5[%dma_start3A_1955, %dma_start3A_1956] : memref<10240x128xf32, #tpu.memory_space<vmem_shared>> -> memref<10240x128xf32, #tpu.memory_space<vmem_shared>>
      tpu.enqueue_indirect_dma source(%dma_start3A_1951 : memref<128x128xf32, #tpu.memory_space<vmem>>) target(%dma_start3A_1957 : memref<10240x128xf32, #tpu.memory_space<vmem_shared>>) offsets(%dma_start3A_1954 : memref<128xi32, #tpu.memory_space<vmem>>) semaphore(%run_scoped3A_1947 : memref<!tpu.dma_semaphore, #tpu.memory_space<semaphore_mem>>) {add = true}
      %dma_wait3A_1958 = arith.constant 0 : i32
      %dma_wait3A_1959 = arith.constant 0 : i32
      %dma_wait3A_1960 = tpu.memref_slice %arg6[%run_scoped3A_1939, %dma_wait3A_1958, %dma_wait3A_1959] : memref<2x128x128xf32, #tpu.memory_space<vmem>> -> memref<1x128x128xf32, #tpu.memory_space<vmem>>
      %dma_wait3A_1961 = tpu.memref_squeeze %dma_wait3A_1960 : memref<1x128x128xf32, #tpu.memory_space<vmem>> -> memref<128x128xf32, #tpu.memory_space<vmem>>
      %dma_wait3A_1962 = arith.constant 0 : i32
      %dma_wait3A_1963 = tpu.memref_slice %arg8[%run_scoped3A_1940, %run_scoped3A_1941, %dma_wait3A_1962] : memref<2x16x128xi32, #tpu.memory_space<vmem>> -> memref<1x1x128xi32, #tpu.memory_space<vmem>>
      %dma_wait3A_1964 = tpu.memref_squeeze %dma_wait3A_1963 : memref<1x1x128xi32, #tpu.memory_space<vmem>> -> memref<128xi32, #tpu.memory_space<vmem>>
      %dma_wait3A_1965 = arith.constant 0 : i32
      %dma_wait3A_1966 = arith.constant 0 : i32
      %dma_wait3A_1967 = tpu.memref_slice %arg5[%dma_wait3A_1965, %dma_wait3A_1966] : memref<10240x128xf32, #tpu.memory_space<vmem_shared>> -> memref<10240x128xf32, #tpu.memory_space<vmem_shared>>
      tpu.wait_indirect_dma semaphore(%run_scoped3A_1947 : memref<!tpu.dma_semaphore, #tpu.memory_space<semaphore_mem>>) src(%dma_wait3A_1961 : memref<128x128xf32, #tpu.memory_space<vmem>>) dst(%dma_wait3A_1967 : memref<10240x128xf32, #tpu.memory_space<vmem_shared>>)
      tpu.yield
    }) : () -> ()
    %barrier3A_1942 = arith.constant 0 : index
    tpu.barrier barrier_id(%barrier3A_1942)
    %mul3A_1943 = arith.constant 640 : i32
    %mul3A_1944 = arith.muli %arg1, %mul3A_1943 : i32
    %mul3A_1945 = arith.constant 640 : i32
    %mul3A_1946 = arith.muli %arg1, %mul3A_1945 : i32
    "tpu.region"() ({
      %run_scoped3A_1947 = tpu.sem_alloc : memref<!tpu.dma_semaphore, #tpu.memory_space<semaphore_mem>>
      %dma_start3A_1948 = arith.constant 0 : i32
      %dma_start3A_1949 = tpu.memref_slice %arg4[%arg0, %mul3A_1946, %dma_start3A_1948] : memref<2x10240x128xf32, #tpu.memory_space<hbm>> -> memref<1x640x128xf32, #tpu.memory_space<hbm>>
      %dma_start3A_1950 = tpu.memref_squeeze %dma_start3A_1949 : memref<1x640x128xf32, #tpu.memory_space<hbm>> -> memref<640x128xf32, #tpu.memory_space<hbm>>
      %dma_start3A_1951 = arith.constant 0 : i32
      %dma_start3A_1952 = tpu.memref_slice %arg5[%mul3A_1944, %dma_start3A_1951] : memref<10240x128xf32, #tpu.memory_space<vmem_shared>> -> memref<640x128xf32, #tpu.memory_space<vmem_shared>>
      tpu.enqueue_dma source(%dma_start3A_1952 : memref<640x128xf32, #tpu.memory_space<vmem_shared>>) target(%dma_start3A_1950 : memref<640x128xf32, #tpu.memory_space<hbm>>) target_semaphore(%run_scoped3A_1947 : memref<!tpu.dma_semaphore, #tpu.memory_space<semaphore_mem>>)
      %dma_wait3A_1953 = arith.constant 0 : i32
      %dma_wait3A_1954 = tpu.memref_slice %arg4[%arg0, %mul3A_1946, %dma_wait3A_1953] : memref<2x10240x128xf32, #tpu.memory_space<hbm>> -> memref<1x640x128xf32, #tpu.memory_space<hbm>>
      %dma_wait3A_1955 = tpu.memref_squeeze %dma_wait3A_1954 : memref<1x640x128xf32, #tpu.memory_space<hbm>> -> memref<640x128xf32, #tpu.memory_space<hbm>>
      %dma_wait3A_1956 = arith.constant 0 : i32
      %dma_wait3A_1957 = tpu.memref_slice %arg5[%mul3A_1944, %dma_wait3A_1956] : memref<10240x128xf32, #tpu.memory_space<vmem_shared>> -> memref<640x128xf32, #tpu.memory_space<vmem_shared>>
      tpu.wait_dma2 semaphore(%run_scoped3A_1947 : memref<!tpu.dma_semaphore, #tpu.memory_space<semaphore_mem>>) src(%dma_wait3A_1957 : memref<640x128xf32, #tpu.memory_space<vmem_shared>>) dst(%dma_wait3A_1955 : memref<640x128xf32, #tpu.memory_space<hbm>>)
      tpu.yield
    }) : () -> ()
    return
  }
}

module attributes {stable_mosaic.version = 14 : i64} {
  func.func @gcn_scale_tc(%arg0: i32, %arg1: memref<2048x128xf32, #tpu.memory_space<vmem>>, %arg2: memref<128x128xf32, #tpu.memory_space<vmem>>, %arg3: memref<2x10240xf32, #tpu.memory_space<vmem>>, %arg4: memref<2048x128xf32, #tpu.memory_space<vmem>>) attributes {dimension_semantics = [#tpu.dimension_semantics<arbitrary>], iteration_bounds = array<i64: 5>, scalar_prefetch = 0 : i64, scratch_operands = 0 : i64, tpu.core_type = #tpu.core_type<tc>, window_params = [{transform_indices = @transform_0, window_bounds = array<i64: 2048, 128>}, {pipeline_mode = #tpu.pipeline_mode<synchronous>, transform_indices = @transform_1, window_bounds = array<i64: 128, 128>}, {pipeline_mode = #tpu.pipeline_mode<synchronous>, transform_indices = @transform_2, window_bounds = array<i64: 2, 10240>}, {transform_indices = @transform_3, window_bounds = array<i64: 2048, 128>}]} {
    %mul3A = arith.constant 2048 : i32
    %mul3A_0 = arith.muli %arg0, %mul3A : i32
    %get3A = arith.constant 0 : index
    %get3A_1 = arith.index_cast %mul3A_0 : i32 to index
    %get3A_2 = vector.load %arg3[%get3A, %get3A_1] : memref<2x10240xf32, #tpu.memory_space<vmem>>, vector<1x2048xf32>
    %get3A_3 = vector.shape_cast %get3A_2 : vector<1x2048xf32> to vector<2048xf32>
    %mul3A_4 = arith.constant 2048 : i32
    %mul3A_5 = arith.muli %arg0, %mul3A_4 : i32
    %get3A_6 = arith.constant 1 : index
    %get3A_7 = arith.index_cast %mul3A_5 : i32 to index
    %get3A_8 = vector.load %arg3[%get3A_6, %get3A_7] : memref<2x10240xf32, #tpu.memory_space<vmem>>, vector<1x2048xf32>
    %get3A_9 = vector.shape_cast %get3A_8 : vector<1x2048xf32> to vector<2048xf32>
    %add3A = arith.addf %get3A_3, %get3A_9 : vector<2048xf32>
    %add3A_10 = arith.constant 1.000000e+00 : f32
    %add3A_11 = vector.broadcast %add3A_10 : f32 to vector<2048xf32>
    %add3A_12 = arith.addf %add3A, %add3A_11 : vector<2048xf32>
    %sqrt3A = math.sqrt %add3A_12 : vector<2048xf32>
    %div3A = arith.constant 1.000000e+00 : f32
    %div3A_13 = vector.broadcast %div3A : f32 to vector<2048xf32>
    %div3A_14 = arith.divf %div3A_13, %sqrt3A : vector<2048xf32>
    %get3A_15 = arith.constant 0 : index
    %get3A_16 = arith.constant 0 : index
    %get3A_17 = vector.load %arg1[%get3A_15, %get3A_16] : memref<2048x128xf32, #tpu.memory_space<vmem>>, vector<2048x128xf32>
    %get3A_18 = arith.constant 0 : index
    %get3A_19 = arith.constant 0 : index
    %get3A_20 = vector.load %arg2[%get3A_18, %get3A_19] : memref<128x128xf32, #tpu.memory_space<vmem>>, vector<128x128xf32>
    %dot_general3A = arith.constant dense<0.000000e+00> : vector<2048x128xf32>
    %dot_general3A_21 = tpu.matmul %get3A_17, %get3A_20, %dot_general3A {dimension_numbers = #tpu.dot_dimension_numbers<[1], [1], [0], [0], [0, 0, 1, 0], [], []>, transpose_lhs_hint = false} : vector<2048x128xf32>, vector<128x128xf32>, vector<2048x128xf32> -> vector<2048x128xf32>
    %broadcast_in_dim3A = vector.shape_cast %div3A_14 : vector<2048xf32> to vector<2048x1xf32>
    %mul3A_22 = vector.broadcast %broadcast_in_dim3A : vector<2048x1xf32> to vector<2048x128xf32>
    %mul3A_23 = arith.mulf %dot_general3A_21, %mul3A_22 : vector<2048x128xf32>
    %swap3A = arith.constant 0 : index
    %swap3A_24 = arith.constant 0 : index
    %swap3A_25 = vector.load %arg4[%swap3A, %swap3A_24] : memref<2048x128xf32, #tpu.memory_space<vmem>>, vector<2048x128xf32>
    tpu.vector_store %arg4[%swap3A, %swap3A_24], %mul3A_23 {strides = array<i32>} : memref<2048x128xf32, #tpu.memory_space<vmem>>, vector<2048x128xf32>,
    return
  }
  func.func @transform_0(%arg0: i32) -> (i32, i32) {
    %c0_i32 = arith.constant 0 : i32
    %c0_i32_0 = arith.constant 0 : i32
    return %arg0, %c0_i32 : i32, i32
  }
  func.func @transform_1(%arg0: i32) -> (i32, i32) {
    %c0_i32 = arith.constant 0 : i32
    %c0_i32_0 = arith.constant 0 : i32
    %c0_i32_1 = arith.constant 0 : i32
    return %c0_i32, %c0_i32_0 : i32, i32
  }
  func.func @transform_2(%arg0: i32) -> (i32, i32) {
    %c0_i32 = arith.constant 0 : i32
    %c0_i32_0 = arith.constant 0 : i32
    %c0_i32_1 = arith.constant 0 : i32
    return %c0_i32, %c0_i32_0 : i32, i32
  }
  func.func @transform_3(%arg0: i32) -> (i32, i32) {
    %c0_i32 = arith.constant 0 : i32
    %c0_i32_0 = arith.constant 0 : i32
    return %arg0, %c0_i32 : i32, i32
  }
}

module attributes {stable_mosaic.version = 14 : i64} {
  func.func @gcn_head_tc(%arg0: i32, %arg1: memref<2x2048x128xf32, #tpu.memory_space<vmem>>, %arg2: memref<2048x128xf32, #tpu.memory_space<vmem>>, %arg3: memref<2x10240xf32, #tpu.memory_space<vmem>>, %arg4: memref<1x128xf32, #tpu.memory_space<vmem>>, %arg5: memref<1x128xf32, #tpu.memory_space<vmem>>, %arg6: memref<1x1xf32, #tpu.memory_space<vmem>>, %arg7: memref<1x2048xf32, #tpu.memory_space<vmem>>) attributes {dimension_semantics = [#tpu.dimension_semantics<arbitrary>], iteration_bounds = array<i64: 5>, scalar_prefetch = 0 : i64, scratch_operands = 0 : i64, tpu.core_type = #tpu.core_type<tc>, window_params = [{transform_indices = @transform_0, window_bounds = array<i64: 2, 2048, 128>}, {transform_indices = @transform_1, window_bounds = array<i64: 2048, 128>}, {pipeline_mode = #tpu.pipeline_mode<synchronous>, transform_indices = @transform_2, window_bounds = array<i64: 2, 10240>}, {pipeline_mode = #tpu.pipeline_mode<synchronous>, transform_indices = @transform_3, window_bounds = array<i64: 1, 128>}, {pipeline_mode = #tpu.pipeline_mode<synchronous>, transform_indices = @transform_4, window_bounds = array<i64: 1, 128>}, {pipeline_mode = #tpu.pipeline_mode<synchronous>, transform_indices = @transform_5, window_bounds = array<i64: 1, 1>}, {transform_indices = @transform_6, window_bounds = array<i64: 1, 2048>}]} {
    %mul3A = arith.constant 2048 : i32
    %mul3A_0 = arith.muli %arg0, %mul3A : i32
    %get3A = arith.constant 0 : index
    %get3A_1 = arith.index_cast %mul3A_0 : i32 to index
    %get3A_2 = vector.load %arg3[%get3A, %get3A_1] : memref<2x10240xf32, #tpu.memory_space<vmem>>, vector<1x2048xf32>
    %get3A_3 = vector.shape_cast %get3A_2 : vector<1x2048xf32> to vector<2048xf32>
    %mul3A_4 = arith.constant 2048 : i32
    %mul3A_5 = arith.muli %arg0, %mul3A_4 : i32
    %get3A_6 = arith.constant 1 : index
    %get3A_7 = arith.index_cast %mul3A_5 : i32 to index
    %get3A_8 = vector.load %arg3[%get3A_6, %get3A_7] : memref<2x10240xf32, #tpu.memory_space<vmem>>, vector<1x2048xf32>
    %get3A_9 = vector.shape_cast %get3A_8 : vector<1x2048xf32> to vector<2048xf32>
    %add3A = arith.addf %get3A_3, %get3A_9 : vector<2048xf32>
    %add3A_10 = arith.constant 1.000000e+00 : f32
    %add3A_11 = vector.broadcast %add3A_10 : f32 to vector<2048xf32>
    %add3A_12 = arith.addf %add3A, %add3A_11 : vector<2048xf32>
    %sqrt3A = math.sqrt %add3A_12 : vector<2048xf32>
    %div3A = arith.constant 1.000000e+00 : f32
    %div3A_13 = vector.broadcast %div3A : f32 to vector<2048xf32>
    %div3A_14 = arith.divf %div3A_13, %sqrt3A : vector<2048xf32>
    %get3A_15 = arith.constant 0 : index
    %get3A_16 = arith.constant 0 : index
    %get3A_17 = arith.constant 0 : index
    %get3A_18 = vector.load %arg1[%get3A_15, %get3A_16, %get3A_17] : memref<2x2048x128xf32, #tpu.memory_space<vmem>>, vector<1x2048x128xf32>
    %get3A_19 = vector.shape_cast %get3A_18 : vector<1x2048x128xf32> to vector<2048x128xf32>
    %get3A_20 = arith.constant 1 : index
    %get3A_21 = arith.constant 0 : index
    %get3A_22 = arith.constant 0 : index
    %get3A_23 = vector.load %arg1[%get3A_20, %get3A_21, %get3A_22] : memref<2x2048x128xf32, #tpu.memory_space<vmem>>, vector<1x2048x128xf32>
    %get3A_24 = vector.shape_cast %get3A_23 : vector<1x2048x128xf32> to vector<2048x128xf32>
    %add3A_25 = arith.addf %get3A_19, %get3A_24 : vector<2048x128xf32>
    %get3A_26 = arith.constant 0 : index
    %get3A_27 = arith.constant 0 : index
    %get3A_28 = vector.load %arg2[%get3A_26, %get3A_27] : memref<2048x128xf32, #tpu.memory_space<vmem>>, vector<2048x128xf32>
    %add3A_29 = arith.addf %add3A_25, %get3A_28 : vector<2048x128xf32>
    %broadcast_in_dim3A = vector.shape_cast %div3A_14 : vector<2048xf32> to vector<2048x1xf32>
    %mul3A_30 = vector.broadcast %broadcast_in_dim3A : vector<2048x1xf32> to vector<2048x128xf32>
    %mul3A_31 = arith.mulf %add3A_29, %mul3A_30 : vector<2048x128xf32>
    %get3A_32 = arith.constant 0 : index
    %get3A_33 = arith.constant 0 : index
    %get3A_34 = vector.load %arg4[%get3A_32, %get3A_33] : memref<1x128xf32, #tpu.memory_space<vmem>>, vector<1x128xf32>
    %get3A_35 = vector.shape_cast %get3A_34 : vector<1x128xf32> to vector<128xf32>
    %broadcast_in_dim3A_36 = vector.shape_cast %get3A_35 : vector<128xf32> to vector<1x128xf32>
    %add3A_37 = vector.broadcast %broadcast_in_dim3A_36 : vector<1x128xf32> to vector<2048x128xf32>
    %add3A_38 = arith.addf %mul3A_31, %add3A_37 : vector<2048x128xf32>
    %max3A = arith.constant 0.000000e+00 : f32
    %max3A_39 = vector.broadcast %max3A : f32 to vector<2048x128xf32>
    %max3A_40 = arith.maximumf %add3A_38, %max3A_39 : vector<2048x128xf32>
    %get3A_41 = arith.constant 0 : index
    %get3A_42 = arith.constant 0 : index
    %get3A_43 = vector.load %arg5[%get3A_41, %get3A_42] : memref<1x128xf32, #tpu.memory_space<vmem>>, vector<1x128xf32>
    %dot_general3A = arith.constant dense<0.000000e+00> : vector<1x2048xf32>
    %dot_general3A_44 = tpu.matmul %get3A_43, %max3A_40, %dot_general3A {dimension_numbers = #tpu.dot_dimension_numbers<[1], [1], [0], [0], [0, 0, 1, 0], [], []>, transpose_lhs_hint = false} : vector<1x128xf32>, vector<2048x128xf32>, vector<1x2048xf32> -> vector<1x2048xf32>
    %get3A_45 = arith.constant 0 : index
    %get3A_46 = arith.constant 0 : index
    %get3A_47 = vector.load %arg6[%get3A_45, %get3A_46] : memref<1x1xf32, #tpu.memory_space<vmem>>, vector<1x1xf32>
    %get3A_48 = vector.extract %get3A_47[0, 0] : f32 from vector<1x1xf32>
    %add3A_49 = vector.broadcast %get3A_48 : f32 to vector<1x2048xf32>
    %add3A_50 = arith.addf %dot_general3A_44, %add3A_49 : vector<1x2048xf32>
    %swap3A = arith.constant 0 : index
    %swap3A_51 = arith.constant 0 : index
    %swap3A_52 = vector.load %arg7[%swap3A, %swap3A_51] : memref<1x2048xf32, #tpu.memory_space<vmem>>, vector<1x2048xf32>
    tpu.vector_store %arg7[%swap3A, %swap3A_51], %add3A_50 {strides = array<i32>} : memref<1x2048xf32, #tpu.memory_space<vmem>>, vector<1x2048xf32>,
    return
  }
  func.func @transform_0(%arg0: i32) -> (i32, i32, i32) {
    %c0_i32 = arith.constant 0 : i32
    %c0_i32_0 = arith.constant 0 : i32
    %c0_i32_1 = arith.constant 0 : i32
    return %c0_i32, %arg0, %c0_i32_0 : i32, i32, i32
  }
  func.func @transform_1(%arg0: i32) -> (i32, i32) {
    %c0_i32 = arith.constant 0 : i32
    %c0_i32_0 = arith.constant 0 : i32
    return %arg0, %c0_i32 : i32, i32
  }
  func.func @transform_2(%arg0: i32) -> (i32, i32) {
    %c0_i32 = arith.constant 0 : i32
    %c0_i32_0 = arith.constant 0 : i32
    %c0_i32_1 = arith.constant 0 : i32
    return %c0_i32, %c0_i32_0 : i32, i32
  }
  func.func @transform_3(%arg0: i32) -> (i32, i32) {
    %c0_i32 = arith.constant 0 : i32
    %c0_i32_0 = arith.constant 0 : i32
    %c0_i32_1 = arith.constant 0 : i32
    return %c0_i32, %c0_i32_0 : i32, i32
  }
  func.func @transform_4(%arg0: i32) -> (i32, i32) {
    %c0_i32 = arith.constant 0 : i32
    %c0_i32_0 = arith.constant 0 : i32
    %c0_i32_1 = arith.constant 0 : i32
    return %c0_i32, %c0_i32_0 : i32, i32
  }
  func.func @transform_5(%arg0: i32) -> (i32, i32) {
    %c0_i32 = arith.constant 0 : i32
    %c0_i32_0 = arith.constant 0 : i32
    %c0_i32_1 = arith.constant 0 : i32
    return %c0_i32, %c0_i32_0 : i32, i32
  }
  func.func @transform_6(%arg0: i32) -> (i32, i32) {
    %c0_i32 = arith.constant 0 : i32
    %c0_i32_0 = arith.constant 0 : i32
    return %c0_i32, %arg0 : i32, i32
  }
}

</mosaic_0001>

<sc_bundles>
// kernel: gcn_agg_sc.3.cloned.1.call-start
scs
__scs_entry_jumppad:
0x0: {  	(pc) =	sbr.rel $0x88, $3  }
0x1: {  	(tag) =	ssettag $0x0;
	lr =	simm.s32 $0x1  }
0x2: {  	[smem:$0x3F9B] =	sst lr;
	_ =	strace $0xD0000000  }
0x3: {  	_ = 	snop  }
0x4: {  	_ = 	snop  }
0x5: {  	_ = 	snop  }
0x6: {  	_ = 	snop  }
0x7: {  	_ = 	snop  }
__scs_overlays_trampoline_lowered:
0x8: {  	[smem:$0x3FAA] =	sst s0  }
0x9: {  	[smem:$0x3FAB] =	sst s1  }
0xa: {  	[smem:$0x3FAC] =	sst s2  }
0xb: {  	[smem:$0x3FAD] =	sst s3  }
0xc: {  	[smem:$0x3FAE] =	sst s4  }
0xd: {  	[smem:$0x3FAF] =	sst s5  }
0xe: {  	[smem:$0x3FB0] =	sst s6  }
0xf: {  	[smem:$0x3FB1] =	sst s7  }
0x10: {  	[smem:$0x3FB2] =	sst s8  }
0x11: {  	[smem:$0x3FB3] =	sst s9;
	s0 =	simm.s32 @!p0 $0x0  }
0x12: {  	s1 =	sld [smem:$0x3F99];
	s0 =	simm.s32 @p0 $0x1  }
0x13: {  	[smem:$0x3FB4] =	sst s0;
	s0 =	simm.s32 @!p1 $0x0  }
0x14: {  	s2 =	sld [smem:$0x3F98];
	s0 =	simm.s32 @p1 $0x1  }
0x15: {  	[smem:$0x3FB5] =	sst s0;
	s0 =	simm.s32 @!p2 $0x0  }
0x16: {  	s3 =	sld [smem:$0x3FDB];
	s0 =	simm.s32 @p2 $0x1  }
0x17: {  	s4 =	simm.s32 $0x1BF5;
	[smem:$0x3FB7] =	sst s0  }
0x18: {  	s0 =	sld [smem:$0x3F9A];
	_ =	swait.ge [sflag:s4], $0x0  }
0x19: {  	s7 =	sld [smem:$0x3F9B]  }
0x1a: {  	s8 =	sadd.s32 $0xFFFFE003, lr  }
0x1b: {  	s9 =	sadd.s32 $0xFFFFFEF7, lr;
	s5 =	simm.s32 $0xFFFFFFFF;
	p2 =	slt.u32 s8, $0xFFFFF086  }
0x1c: {  	p1 =	slt.u32 s9, $0xF7A;
	s5 =	simm.s32 @!p2 $0x0  }
0x1d: {  	s5 =	simm.s32 @p1 $0x1;
	p0 =	seq.s32 s7, s2  }
0x1e: {  	s7 =	smul.u32 @!p0 $0xF7A, s2;
	p2 =	seq.s32 @!p0 s5, $0x0  }
0x1f: {  	s9 =	smul.u32 $0xF7A, s1;
	s8 =	simm.s32 @!p0 $0x1BF5;
	p2 =	por !p2, p0  }
0x20: {  	[sflag:s8] =	ssyncset.s32 @!p0 $0xFFFFF086;
	s6 =	sadd.s32 @!p0 s3, s7;
	s7 =	simm.s32 @!p0 $0x108  }
0x21: {  	s3 =	sadd.s32 s3, s9;
	s6 =	sadd.s32 @!p0 $0x88, s6;
	s7 =	simm.s32 @p2 $0x1082  }
0x22: {  	[simem:s7], [sflag:s8] =	dma.local @!p0 [hbm:s6], $0xF7A  }
0x23: {  	s9 =	sor.u32 $0xD0000000, s2;
	s6 =	simm.s32 $0x108;
	_ =	swait.ge @!p0 [sflag:s8], $0x0  }
0x24: {  	s3 =	sadd.s32 $0x88, s3;
	s6 =	simm.s32 @!p1 $0x1082;
	[sflag:s4] =	ssyncset.s32 $0xFFFFF086  }
0x25: {  	[simem:s6], [sflag:s4] =	dma.local [hbm:s3], $0xF7A  }
0x26: {  	[smem:$0x3F9B] =	sst s1;
	(tag) =	ssettag s2;
	_ =	strace s9  }
0x27: {  	s1 =	sld [smem:$0x3FAB]  }
0x28: {  	s2 =	sld [smem:$0x3FAC]  }
0x29: {  	s4 =	sld [smem:$0x3FAE]  }
0x2a: {  	p0 =	seq.s32 s5, $0x0;
	s5 =	sld [smem:$0x3FAF]  }
0x2b: {  	s6 =	sld [smem:$0x3FB0]  }
0x2c: {  	s7 =	sld [smem:$0x3FB1]  }
0x2d: {  	s3 =	simm.s32 $0x108;
	s8 =	sld [smem:$0x3FB2]  }
0x2e: {  	s3 =	simm.s32 @!p0 $0x1082;
	s9 =	sld [smem:$0x3FB3]  }
0x2f: {  	lr =	sadd.s32 s0, s3;
	s0 =	sld [smem:$0x3FAA]  }
0x30: {  	s3 =	sld [smem:$0x3FAD]  }
0x31: {  	[smem:$0x3FB6] =	sst s10  }
0x32: {  	s10 =	sld [smem:$0x3FB4];
	_ =	sdelay $0x3  }
0x33: {  	p0 =	seq.s32 s10, $0x1;
	s10 =	sld [smem:$0x3FB6];
	_ =	sdelay $0x3  }
0x34: {  	[smem:$0x3FB6] =	sst s10  }
0x35: {  	s10 =	sld [smem:$0x3FB5];
	_ =	sdelay $0x3  }
0x36: {  	p1 =	seq.s32 s10, $0x1;
	s10 =	sld [smem:$0x3FB6];
	_ =	sdelay $0x3  }
0x37: {  	[smem:$0x3FB6] =	sst s10  }
0x38: {  	s10 =	sld [smem:$0x3FB7]  }
0x39: {  	_ = 	snop;
	(pc) =	sbr.ind lr, $3  }
0x3a: {  	_ = 	snop  }
0x3b: {  	_ = 	snop  }
0x3c: {  	p2 =	seq.s32 s10, $0x1;
	s10 =	sld [smem:$0x3FB6]  }
0x3d: {  	_ =	shalt  }
0x3e: {  	_ =	shalt  }
0x3f: {  	_ =	shalt  }
0x40: {  	_ =	shalt  }
0x41: {  	_ =	shalt  }
0x42: {  	_ =	shalt  }
0x43: {  	_ =	shalt  }
0x44: {  	_ =	shalt  }
0x45: {  	_ =	shalt  }
0x46: {  	_ =	shalt  }
0x47: {  	_ =	shalt  }
0x48: {  	_ =	shalt  }
0x49: {  	_ =	shalt  }
0x4a: {  	_ =	shalt  }
0x4b: {  	_ =	shalt  }
0x4c: {  	_ =	shalt  }
0x4d: {  	_ =	shalt  }
0x4e: {  	_ =	shalt  }
0x4f: {  	_ =	shalt  }
0x50: {  	_ =	shalt  }
0x51: {  	_ =	shalt  }
0x52: {  	_ =	shalt  }
0x53: {  	_ =	shalt  }
0x54: {  	_ =	shalt  }
0x55: {  	_ =	shalt  }
0x56: {  	_ =	shalt  }
0x57: {  	_ =	shalt  }
0x58: {  	_ =	shalt  }
0x59: {  	_ =	shalt  }
0x5a: {  	_ =	shalt  }
0x5b: {  	_ =	shalt  }
0x5c: {  	_ =	shalt  }
0x5d: {  	_ =	shalt  }
0x5e: {  	_ =	shalt  }
0x5f: {  	_ =	shalt  }
0x60: {  	_ =	shalt  }
0x61: {  	_ =	shalt  }
0x62: {  	_ =	shalt  }
0x63: {  	_ =	shalt  }
0x64: {  	_ =	shalt  }
0x65: {  	_ =	shalt  }
0x66: {  	_ =	shalt  }
0x67: {  	_ =	shalt  }
0x68: {  	_ =	shalt  }
0x69: {  	_ =	shalt  }
0x6a: {  	_ =	shalt  }
0x6b: {  	_ =	shalt  }
0x6c: {  	_ =	shalt  }
0x6d: {  	_ =	shalt  }
0x6e: {  	_ =	shalt  }
0x6f: {  	_ =	shalt  }
0x70: {  	_ =	shalt  }
0x71: {  	_ =	shalt  }
0x72: {  	_ =	shalt  }
0x73: {  	_ =	shalt  }
0x74: {  	_ =	shalt  }
0x75: {  	_ =	shalt  }
0x76: {  	_ =	shalt  }
0x77: {  	_ =	shalt  }
0x78: {  	_ =	shalt  }
0x79: {  	_ =	shalt  }
0x7a: {  	_ =	shalt  }
0x7b: {  	_ =	shalt  }
0x7c: {  	_ =	shalt  }
0x7d: {  	_ =	shalt  }
0x7e: {  	_ =	shalt  }
0x7f: {  	_ =	shalt  }
0x80: {  	_ =	shalt  }
0x81: {  	_ =	shalt  }
0x82: {  	_ =	shalt  }
0x83: {  	_ =	shalt  }
0x84: {  	_ =	shalt  }
0x85: {  	_ =	shalt  }
0x86: {  	_ =	shalt  }
0x87: {  	_ =	shalt  }
.Lfunc_end0:
.L_simem_size_0:
called_computation.1_lowered:
.L_overlay_start_0:
0x88: {  	s2 =	sld [smem:$0x3FD9]  }
0x89: {  	s3 =	sld [smem:$0x3FFE];
	_ =	sdelay $0x1  }
0x8a: {  	s1 =	srdreg.scid  }
0x8b: {  	s0 =	sand.u32 $0x1, s1  }
0x8c: {  	s16 =	sshll.u32 s0, $0xA;
	s2 =	sadd.s32 s3, s2  }
0x8d: {  	s2 =	sadd.s32 s2, s16  }
0x8e: {  	[smem:$0x3FC2] =	sst s2  }
0x8f: {  	_ = 	snop  }
0x90: {  	(tm) =	ssettm $0x1  }
0x91: {  	s17 =	sld [smem:$0x3FFB];
	_ =	sdelay $0x3  }
0x92: {  	_ =	strace s17  }
0x93: {  	s2 =	sld [smem:$0x3FFC];
	_ =	sdelay $0x3  }
0x94: {  	_ =	strace s2  }
0x95: {  	s2 =	sld [smem:$0x3FFD];
	_ =	sdelay $0x3  }
0x96: {  	_ =	strace s2  }
0x97: {  	_ =	strace $0x8FFFFFFF  }
0x98: {  	s18 =	sld [smem:$0x3FDB];
	_ =	sdelay $0x1  }
0x99: {  	s19 =	simm.s32 $_scs_section_size  }
0x9a: {  	s4 =	simm.s32 $_size__tile_overlayer_lowered;
	s5 =	simm.s32 $_tile_overlayer_lowered  }
0x9b: {  	s22 =	simm.s32 $0x1BFF;
	s21 =	sshll.u32 s5, $0x1;
	s2 =	sadd.s32 s19, s18  }
0x9c: {  	s6 =	simm.s32 $0x0;
	s20 =	sshll.u32 s4, $0x1;
	s4 =	sadd.s32 s21, s2  }
0x9d: {  	[timem:s6], [sflag:s22] =	dma.local [hbm:s4], s20  }
0x9e: {  	_ =	swait.ge [sflag:s22], s20  }
0x9f: {  	s3 =	ssub.s32 $0x0, s20;
	[sflag:s22] =	ssyncset.done $0x0  }
0xa0: {  	[sflag:s22] =	ssyncadd.s32 s3;
	_ =	sdelay $0x1  }
0xa1: {  	s23 =	simm.s32 $0x1B8B  }
0xa2: {  	_ =	swait.ge [sflag:s23], $0x1  }
0xa3: {  	[sflag:s23] =	ssyncset.done $0x0  }
0xa4: {  	s25 =	simm.s32 $0x1B8E;
	s24 =	sld [smem:$0x3FFE];
	[sflag:s23] =	ssyncadd.s32 $0xFFFFFFFF  }
0xa5: {  	s26 =	simm.s32 $execute0_lowered;
	[smem:$0x3FD2] =	sst s25  }
0xa6: {  	s4 =	sshll.u32 s26, $0x1;
	_ =	strace $0x80000049;
	[dreg:$0x1] =	wrdreg $0xFFFFFFFF  }
0xa7: {  	s28 =	simm.s32 $_size_execute0_lowered;
	s2 =	sadd.s32 s2, s4;
	[dreg:$0x0] =	wrdreg $0x0  }
0xa8: {  	s4 =	sshll.u32 s28, $0x1;
	[dreg:$0x2] =	wrdreg s2  }
0xa9: {  	[dreg:$0x3] =	wrdreg s4  }
0xaa: {  	[dreg:$0x4] =	wrdreg $0xC0  }
0xab: {  	_ =	task [dreg:s6], $0x5FFFF  }
0xac: {  	[dreg:$0x1] =	wrdreg $0xFFFFFFFF  }
0xad: {  	[dreg:$0x0] =	wrdreg $0x60  }
0xae: {  	[dreg:$0x2] =	wrdreg s24  }
0xaf: {  	[dreg:$0x3] =	wrdreg $0x0  }
0xb0: {  	[dreg:$0x4] =	wrdreg $0x9  }
0xb1: {  	_ =	task.clear_ibuf [dreg:s6], $0x5FFFF;
	_ =	strace $0x90000049  }
0xb2: {  	s29 =	simm.s32 $0x9;
	_ =	strace $0x8000004B  }
0xb3: {  	_ =	swait.ge [sflag:s29], $0x1  }
0xb4: {  	[sflag:s29] =	ssyncadd.s32 $0xFFFFFFFF  }
0xb5: {  	_ =	strace $0x9000004B  }
0xb6: {  	_ =	sfence  }
0xb7: {  	s30 =	sld [smem:$0x0];
	_ =	sdelay $0x2  }
0xb8: {  	s31 =	sshll.u32 s1, $0xD;
	s1 =	sshrl.u32 s1, $0x2  }
0xb9: {  	s3 =	sand.u32 $0x4000, s31;
	s1 =	sadd.s32 s1, s30  }
0xba: {  	s0 =	sor.u32 s3, s0;
	s1 =	sshll.u32 s1, $0x11  }
0xbb: {  	s0 =	sor.u32 s1, s0  }
0xbc: {  	s0 =	sadd.s32 $0x8F2B, s0  }
0xbd: {  	[sflag:s0] =	ssyncadd.remote.s32 $0x1  }
0xbe: {  	_ =	sfence.sel $0xFFFF  }
0xbf: {  	[dreg:$0x0] =	wrdreg $0xFFFFFFFF;
	(pc) =	sbr.abs _section_cstart, $3  }
0xc0: {  	[dreg:$0x1] =	wrdreg $0xFFFFFFFF  }
0xc1: {  	_ =	task.clear_ibuf [dreg:s6], $0x2FFFF;
	_ =	strace $0x9FFFFFFF  }
0xc2: {  	(tm) =	ssettm $0x7FFFFFFF  }
0xc3: {  	_ =	shalt  }
tec
execute0_lowered:
.L_overlay_start_1:
0x0: {  	(tag) =	ssettag $0x1  }
0x1: {  	s3 =	stileid.u32  }
0x2: {  	s1 =	smul.u32 $0x50000, s3  }
0x3: {  	s0 =	rddreg [dreg:$0x0]  }
0x4: {  	s2 =	rddreg [dreg:$0x1];
	s4 =	simm.s32 $0x0;
	s1 =	sshrl.u32 s1, $0x2  }
0x5: {  	[smem:$0x7FF] =	sst s4;
	s4 =	sadd.s32 s1, s2  }
0x6: {  	_ =	strace $0x8000004A;
	s1 =	sadd.s32 $0x800, s4;
	[smem:$0x7F1] =	sst s4  }
0x7: {  	s17 =	sadd.s32 $0x1000, s4;
	[dreg:$0x3] =	wrdreg s1  }
0x8: {  	s18 =	sadd.s32 $0x1800, s4;
	[dreg:$0x4] =	wrdreg s17  }
0x9: {  	s19 =	sadd.s32 $0x2000, s4;
	[dreg:$0x5] =	wrdreg s18  }
0xa: {  	s20 =	sadd.s32 $0x2800, s4;
	[dreg:$0x6] =	wrdreg s19  }
0xb: {  	s21 =	sadd.s32 $0x3000, s4;
	[dreg:$0x7] =	wrdreg s20  }
0xc: {  	s22 =	sadd.s32 $0x3800, s4;
	[dreg:$0x8] =	wrdreg s21  }
0xd: {  	s23 =	sadd.s32 $0x4000, s4;
	[dreg:$0x9] =	wrdreg s22  }
0xe: {  	s24 =	sadd.s32 $0x4800, s4;
	[dreg:$0xa] =	wrdreg s23  }
0xf: {  	s25 =	sadd.s32 $0x5000, s4;
	[dreg:$0xb] =	wrdreg s24  }
0x10: {  	s26 =	sadd.s32 $0x5800, s4;
	[dreg:$0xc] =	wrdreg s25  }
0x11: {  	s5 =	sadd.s32 $0x6000, s4;
	[dreg:$0xd] =	wrdreg s26  }
0x12: {  	s6 =	sadd.s32 $0x6800, s4;
	[dreg:$0xe] =	wrdreg s5  }
0x13: {  	s7 =	sadd.s32 $0x7000, s4;
	[dreg:$0xf] =	wrdreg s6  }
0x14: {  	s8 =	sadd.s32 $0x7800, s4;
	[dreg:$0x10] =	wrdreg s7  }
0x15: {  	s9 =	sadd.s32 $0x8000, s4;
	[dreg:$0x11] =	wrdreg s8  }
0x16: {  	s10 =	sadd.s32 $0x8800, s4;
	[dreg:$0x12] =	wrdreg s9  }
0x17: {  	s11 =	sadd.s32 $0x9000, s4;
	[dreg:$0x13] =	wrdreg s10  }
0x18: {  	s12 =	sadd.s32 $0x9800, s4;
	[dreg:$0x14] =	wrdreg s11  }
0x19: {  	s13 =	sadd.s32 $0xA000, s4;
	[dreg:$0x15] =	wrdreg s12  }
0x1a: {  	s14 =	sadd.s32 $0xA800, s4;
	[dreg:$0x16] =	wrdreg s13  }
0x1b: {  	s15 =	sadd.s32 $0xB000, s4;
	[dreg:$0x17] =	wrdreg s14  }
0x1c: {  	s16 =	sadd.s32 $0xB800, s4;
	[dreg:$0x18] =	wrdreg s15  }
0x1d: {  	[dreg:$0x19] =	wrdreg s16;
	s17 =	sadd.s32 $0xC000, s4  }
0x1e: {  	s18 =	sadd.s32 $0xC800, s4;
	[dreg:$0x1a] =	wrdreg s17  }
0x1f: {  	s19 =	sadd.s32 $0xD000, s4;
	[dreg:$0x1b] =	wrdreg s18  }
0x20: {  	s20 =	sadd.s32 $0xD800, s4;
	[dreg:$0x1c] =	wrdreg s19  }
0x21: {  	s21 =	sadd.s32 $0xE000, s4;
	[dreg:$0x1d] =	wrdreg s20  }
0x22: {  	s22 =	sadd.s32 $0xE800, s4;
	[dreg:$0x1e] =	wrdreg s21  }
0x23: {  	s28 =	simm.s32 $0x1D980;
	s23 =	sadd.s32 $0xF000, s4;
	[dreg:$0x1f] =	wrdreg s22  }
0x24: {  	s29 =	simm.s32 $0x1CA80;
	s24 =	sadd.s32 $0xF800, s4;
	[smem:$0x7E8] =	sst s23  }
0x25: {  	s30 =	simm.s32 $0x1DA00;
	s25 =	sadd.s32 $0x10000, s4;
	[smem:$0x7E9] =	sst s24  }
0x26: {  	s31 =	simm.s32 $0x1CB00;
	s26 =	sadd.s32 $0x10800, s4;
	[smem:$0x7EA] =	sst s25  }
0x27: {  	s5 =	srdreg.scid;
	s7 =	sadd.s32 $0x11000, s4;
	[smem:$0x7EB] =	sst s26  }
0x28: {  	s8 =	sadd.s32 $0x11800, s4;
	s9 =	sadd.s32 $0x12000, s4;
	[smem:$0x7EC] =	sst s7  }
0x29: {  	s10 =	sadd.s32 $0x12800, s4;
	s5 =	sand.u32 $0x1, s5;
	[smem:$0x7ED] =	sst s8  }
0x2a: {  	s11 =	sadd.s32 $0x13000, s4;
	[smem:$0x7EE] =	sst s9;
	s6 =	sshll.u32 s5, $0x4  }
0x2b: {  	s12 =	sadd.s32 $0x13800, s4;
	[smem:$0x7EF] =	sst s10;
	s6 =	sor.u32 s3, s6  }
0x2c: {  	s4 =	simm.s32 $0x1D800;
	[smem:$0x7F0] =	sst s11;
	s6 =	smul.u32 $0x2800, s6  }
0x2d: {  	[smem:$0x7F2] =	sst s12;
	s9 =	simm.s32 $0x6;
	s11 =	simm.s32 $0x3  }
0x2e: {  	s12 =	simm.s32 $0x80;
	s10 =	simm.s32 $0x1C000;
	s6 =	sshrl.u32 s6, $0x3  }
0x2f: {  	s8 =	simm.s32 $0x1C900;
	s7 =	smul.u32 $0x140000, s5;
	s6 =	sadd.s32 s6, s0  }
0x30: {  	s22 =	ssub.s32 $0x2, s5;
	s5 =	sadd.s32 $0x15A00, s0;
	s13 =	sadd.s32 $0x1A00, s6  }
0x31: {  	s3 =	smul.u32 $0x14000, s3;
	s14 =	sadd.s32 $0xBA00, s6;
	[smem:$0x7F3] =	sst s13  }
0x32: {  	s24 =	sshrl.u32 s22, $0x1;
	s15 =	sadd.s32 $0x1B00, s6;
	[smem:$0x7F4] =	sst s14  }
0x33: {  	s26 =	ssub.s32 s22, s24;
	s16 =	sadd.s32 $0xBB00, s6;
	[smem:$0x7F5] =	sst s15  }
0x34: {  	s22 =	simm.s32 $0x1D900;
	s17 =	sadd.s32 $0x1C00, s6;
	[smem:$0x7F6] =	sst s16  }
0x35: {  	s7 =	sadd.s32 s3, s7;
	s18 =	sadd.s32 $0xBC00, s6;
	[smem:$0x7F7] =	sst s17  }
0x36: {  	s7 =	sshrl.u32 s7, $0x3;
	s19 =	sadd.s32 $0x1D00, s6;
	[smem:$0x7F8] =	sst s18  }
0x37: {  	s7 =	sadd.s32 s7, s0;
	s20 =	sadd.s32 $0xBD00, s6;
	[smem:$0x7F9] =	sst s19  }
0x38: {  	s21 =	sadd.s32 $0x1E00, s6;
	s23 =	sadd.s32 $0xBE00, s6;
	[smem:$0x7FA] =	sst s20  }
0x39: {  	s25 =	sadd.s32 $0x3CC00, s7;
	s6 =	smax.u32 s26, $0x1;
	[smem:$0x7FB] =	sst s21  }
0x3a: {  	s7 =	simm.s32 $0x1E000;
	s26 =	simm.s32 $0x1CA00;
	[smem:$0x7FC] =	sst s23  }
0x3b: {  	[smem:$0x7FD] =	sst s25;
	s13 =	simm.s32 $0x14000;
	s17 =	simm.s32 $0x18000  }
0x3c: {  	s18 =	simm.s32 $0x1;
	s20 =	simm.s32 $0x2;
	s19 =	simm.s32 $0x4  }
0x3d: {  	v0 =	vimm.f32 $0.0e+00;
	s21 =	simm.s32 $0x5;
	s14 =	simm.s32 $0x1D880;
	s16 =	simm.s32 $0x1C980  }
.LBB2_1:
0x3e: {  	[tilespmem:$0x1E000] =	vst v0  }
0x3f: {  	[tilespmem:$0x1E010] =	vst v0  }
0x40: {  	[tilespmem:$0x1E020] =	vst v0  }
0x41: {  	[tilespmem:$0x1E030] =	vst v0  }
0x42: {  	[tilespmem:$0x1E040] =	vst v0  }
0x43: {  	[tilespmem:$0x1E050] =	vst v0  }
0x44: {  	[tilespmem:$0x1E060] =	vst v0  }
0x45: {  	[tilespmem:$0x1E070] =	vst v0  }
0x46: {  	[tilespmem:$0x1E080] =	vst v0  }
0x47: {  	[tilespmem:$0x1E090] =	vst v0  }
0x48: {  	[tilespmem:$0x1E0A0] =	vst v0  }
0x49: {  	[tilespmem:$0x1E0B0] =	vst v0  }
0x4a: {  	[tilespmem:$0x1E0C0] =	vst v0  }
0x4b: {  	[tilespmem:$0x1E0D0] =	vst v0  }
0x4c: {  	[tilespmem:$0x1E0E0] =	vst v0  }
0x4d: {  	[tilespmem:$0x1E0F0] =	vst v0  }
0x4e: {  	[tilespmem:$0x1E100] =	vst v0  }
0x4f: {  	[tilespmem:$0x1E110] =	vst v0  }
0x50: {  	[tilespmem:$0x1E120] =	vst v0  }
0x51: {  	[tilespmem:$0x1E130] =	vst v0  }
0x52: {  	[tilespmem:$0x1E140] =	vst v0  }
0x53: {  	[tilespmem:$0x1E150] =	vst v0  }
0x54: {  	[tilespmem:$0x1E160] =	vst v0  }
0x55: {  	[tilespmem:$0x1E170] =	vst v0  }
0x56: {  	[tilespmem:$0x1E180] =	vst v0  }
0x57: {  	[tilespmem:$0x1E190] =	vst v0  }
0x58: {  	[tilespmem:$0x1E1A0] =	vst v0  }
0x59: {  	[tilespmem:$0x1E1B0] =	vst v0  }
0x5a: {  	[tilespmem:$0x1E1C0] =	vst v0  }
0x5b: {  	[tilespmem:$0x1E1D0] =	vst v0  }
0x5c: {  	[tilespmem:$0x1E1E0] =	vst v0  }
0x5d: {  	[tilespmem:$0x1E1F0] =	vst v0  }
0x5e: {  	[tilespmem:$0x1E200] =	vst v0  }
0x5f: {  	[tilespmem:$0x1E210] =	vst v0  }
0x60: {  	[tilespmem:$0x1E220] =	vst v0  }
0x61: {  	[tilespmem:$0x1E230] =	vst v0  }
0x62: {  	[tilespmem:$0x1E240] =	vst v0  }
0x63: {  	[tilespmem:$0x1E250] =	vst v0  }
0x64: {  	[tilespmem:$0x1E260] =	vst v0  }
0x65: {  	[tilespmem:$0x1E270] =	vst v0  }
0x66: {  	[tilespmem:$0x1E280] =	vst v0  }
0x67: {  	[tilespmem:$0x1E290] =	vst v0  }
0x68: {  	[tilespmem:$0x1E2A0] =	vst v0  }
0x69: {  	[tilespmem:$0x1E2B0] =	vst v0  }
0x6a: {  	[tilespmem:$0x1E2C0] =	vst v0  }
0x6b: {  	[tilespmem:$0x1E2D0] =	vst v0  }
0x6c: {  	[tilespmem:$0x1E2E0] =	vst v0  }
0x6d: {  	[tilespmem:$0x1E2F0] =	vst v0  }
0x6e: {  	[tilespmem:$0x1E300] =	vst v0  }
0x6f: {  	[tilespmem:$0x1E310] =	vst v0  }
0x70: {  	[tilespmem:$0x1E320] =	vst v0  }
0x71: {  	[tilespmem:$0x1E330] =	vst v0  }
0x72: {  	[tilespmem:$0x1E340] =	vst v0  }
0x73: {  	[tilespmem:$0x1E350] =	vst v0  }
0x74: {  	[tilespmem:$0x1E360] =	vst v0  }
0x75: {  	[tilespmem:$0x1E370] =	vst v0  }
0x76: {  	[tilespmem:$0x1E380] =	vst v0  }
0x77: {  	[tilespmem:$0x1E390] =	vst v0  }
0x78: {  	[tilespmem:$0x1E3A0] =	vst v0  }
0x79: {  	[tilespmem:$0x1E3B0] =	vst v0  }
0x7a: {  	[tilespmem:$0x1E3C0] =	vst v0  }
0x7b: {  	[tilespmem:$0x1E3D0] =	vst v0  }
0x7c: {  	[tilespmem:$0x1E3E0] =	vst v0  }
0x7d: {  	[tilespmem:$0x1E3F0] =	vst v0  }
0x7e: {  	[tilespmem:$0x1E400] =	vst v0  }
0x7f: {  	[tilespmem:$0x1E410] =	vst v0  }
0x80: {  	[tilespmem:$0x1E420] =	vst v0  }
0x81: {  	[tilespmem:$0x1E430] =	vst v0  }
0x82: {  	[tilespmem:$0x1E440] =	vst v0  }
0x83: {  	[tilespmem:$0x1E450] =	vst v0  }
0x84: {  	[tilespmem:$0x1E460] =	vst v0  }
0x85: {  	[tilespmem:$0x1E470] =	vst v0  }
0x86: {  	[tilespmem:$0x1E480] =	vst v0  }
0x87: {  	[tilespmem:$0x1E490] =	vst v0  }
0x88: {  	[tilespmem:$0x1E4A0] =	vst v0  }
0x89: {  	[tilespmem:$0x1E4B0] =	vst v0  }
0x8a: {  	[tilespmem:$0x1E4C0] =	vst v0  }
0x8b: {  	[tilespmem:$0x1E4D0] =	vst v0  }
0x8c: {  	[tilespmem:$0x1E4E0] =	vst v0  }
0x8d: {  	[tilespmem:$0x1E4F0] =	vst v0  }
0x8e: {  	[tilespmem:$0x1E500] =	vst v0  }
0x8f: {  	[tilespmem:$0x1E510] =	vst v0  }
0x90: {  	[tilespmem:$0x1E520] =	vst v0  }
0x91: {  	[tilespmem:$0x1E530] =	vst v0  }
0x92: {  	[tilespmem:$0x1E540] =	vst v0  }
0x93: {  	[tilespmem:$0x1E550] =	vst v0  }
0x94: {  	[tilespmem:$0x1E560] =	vst v0  }
0x95: {  	[tilespmem:$0x1E570] =	vst v0  }
0x96: {  	[tilespmem:$0x1E580] =	vst v0  }
0x97: {  	[tilespmem:$0x1E590] =	vst v0  }
0x98: {  	[tilespmem:$0x1E5A0] =	vst v0  }
0x99: {  	[tilespmem:$0x1E5B0] =	vst v0  }
0x9a: {  	[tilespmem:$0x1E5C0] =	vst v0  }
0x9b: {  	[tilespmem:$0x1E5D0] =	vst v0  }
0x9c: {  	[tilespmem:$0x1E5E0] =	vst v0  }
0x9d: {  	[tilespmem:$0x1E5F0] =	vst v0  }
0x9e: {  	[tilespmem:$0x1E600] =	vst v0  }
0x9f: {  	[tilespmem:$0x1E610] =	vst v0  }
0xa0: {  	[tilespmem:$0x1E620] =	vst v0  }
0xa1: {  	[tilespmem:$0x1E630] =	vst v0  }
0xa2: {  	[tilespmem:$0x1E640] =	vst v0  }
0xa3: {  	[tilespmem:$0x1E650] =	vst v0  }
0xa4: {  	[tilespmem:$0x1E660] =	vst v0  }
0xa5: {  	[tilespmem:$0x1E670] =	vst v0  }
0xa6: {  	[tilespmem:$0x1E680] =	vst v0  }
0xa7: {  	[tilespmem:$0x1E690] =	vst v0  }
0xa8: {  	[tilespmem:$0x1E6A0] =	vst v0  }
0xa9: {  	[tilespmem:$0x1E6B0] =	vst v0  }
0xaa: {  	[tilespmem:$0x1E6C0] =	vst v0  }
0xab: {  	[tilespmem:$0x1E6D0] =	vst v0  }
0xac: {  	[tilespmem:$0x1E6E0] =	vst v0  }
0xad: {  	[tilespmem:$0x1E6F0] =	vst v0  }
0xae: {  	[tilespmem:$0x1E700] =	vst v0  }
0xaf: {  	[tilespmem:$0x1E710] =	vst v0  }
0xb0: {  	[tilespmem:$0x1E720] =	vst v0  }
0xb1: {  	[tilespmem:$0x1E730] =	vst v0  }
0xb2: {  	[tilespmem:$0x1E740] =	vst v0  }
0xb3: {  	[tilespmem:$0x1E750] =	vst v0  }
0xb4: {  	[tilespmem:$0x1E760] =	vst v0  }
0xb5: {  	[tilespmem:$0x1E770] =	vst v0  }
0xb6: {  	[tilespmem:$0x1E780] =	vst v0  }
0xb7: {  	[tilespmem:$0x1E790] =	vst v0  }
0xb8: {  	[tilespmem:$0x1E7A0] =	vst v0  }
0xb9: {  	[tilespmem:$0x1E7B0] =	vst v0  }
0xba: {  	[tilespmem:$0x1E7C0] =	vst v0  }
0xbb: {  	[tilespmem:$0x1E7D0] =	vst v0;
	s0 =	sld [smem:$0x7F1]  }
0xbc: {  	[tilespmem:$0x1E7E0] =	vst v0  }
0xbd: {  	[tilespmem:$0x1E7F0] =	vst v0;
	s23 =	rddreg [dreg:$0x3]  }
0xbe: {  	[spmem:s0] =	stream.linear.scatter [tilespmem:s7], [sflag:$0x3], $0x800, $0x38;
	[tilespmem:$0x1E800] =	vst v63  }
0xbf: {  	s24 =	rddreg [dreg:$0x4]  }
0xc0: {  	[spmem:s23] =	stream.linear.scatter [tilespmem:s7], [sflag:$0x3], $0x800, $0x38;
	[tilespmem:$0x1E800] =	vst v63  }
0xc1: {  	s1 =	rddreg [dreg:$0x5]  }
0xc2: {  	[spmem:s24] =	stream.linear.scatter [tilespmem:s7], [sflag:$0x3], $0x800, $0x38;
	[tilespmem:$0x1E800] =	vst v63  }
0xc3: {  	s3 =	rddreg [dreg:$0x6]  }
0xc4: {  	[spmem:s1] =	stream.linear.scatter [tilespmem:s7], [sflag:$0x3], $0x800, $0x38;
	[tilespmem:$0x1E800] =	vst v63  }
0xc5: {  	s15 =	rddreg [dreg:$0x7]  }
0xc6: {  	[spmem:s3] =	stream.linear.scatter [tilespmem:s7], [sflag:$0x3], $0x800, $0x38;
	[tilespmem:$0x1E800] =	vst v63  }
0xc7: {  	s25 =	rddreg [dreg:$0x8]  }
0xc8: {  	[spmem:s15] =	stream.linear.scatter [tilespmem:s7], [sflag:$0x3], $0x800, $0x38;
	[tilespmem:$0x1E800] =	vst v63  }
0xc9: {  	s0 =	rddreg [dreg:$0x9]  }
0xca: {  	[spmem:s25] =	stream.linear.scatter [tilespmem:s7], [sflag:$0x3], $0x800, $0x38;
	[tilespmem:$0x1E800] =	vst v63  }
0xcb: {  	s1 =	rddreg [dreg:$0xa]  }
0xcc: {  	[spmem:s0] =	stream.linear.scatter [tilespmem:s7], [sflag:$0x3], $0x800, $0x38;
	[tilespmem:$0x1E800] =	vst v63  }
0xcd: {  	s3 =	rddreg [dreg:$0xb]  }
0xce: {  	[spmem:s1] =	stream.linear.scatter [tilespmem:s7], [sflag:$0x3], $0x800, $0x38;
	[tilespmem:$0x1E800] =	vst v63  }
0xcf: {  	s15 =	rddreg [dreg:$0xc]  }
0xd0: {  	[spmem:s3] =	stream.linear.scatter [tilespmem:s7], [sflag:$0x3], $0x800, $0x38;
	[tilespmem:$0x1E800] =	vst v63  }
0xd1: {  	s25 =	rddreg [dreg:$0xd]  }
0xd2: {  	[spmem:s15] =	stream.linear.scatter [tilespmem:s7], [sflag:$0x3], $0x800, $0x38;
	[tilespmem:$0x1E800] =	vst v63  }
0xd3: {  	s0 =	rddreg [dreg:$0xe]  }
0xd4: {  	[spmem:s25] =	stream.linear.scatter [tilespmem:s7], [sflag:$0x3], $0x800, $0x38;
	[tilespmem:$0x1E800] =	vst v63  }
0xd5: {  	s1 =	rddreg [dreg:$0xf]  }
0xd6: {  	[spmem:s0] =	stream.linear.scatter [tilespmem:s7], [sflag:$0x3], $0x800, $0x38;
	[tilespmem:$0x1E800] =	vst v63  }
0xd7: {  	s3 =	rddreg [dreg:$0x10]  }
0xd8: {  	[spmem:s1] =	stream.linear.scatter [tilespmem:s7], [sflag:$0x3], $0x800, $0x38;
	[tilespmem:$0x1E800] =	vst v63  }
0xd9: {  	s15 =	rddreg [dreg:$0x11]  }
0xda: {  	[spmem:s3] =	stream.linear.scatter [tilespmem:s7], [sflag:$0x3], $0x800, $0x38;
	[tilespmem:$0x1E800] =	vst v63  }
0xdb: {  	s25 =	rddreg [dreg:$0x12]  }
0xdc: {  	[spmem:s15] =	stream.linear.scatter [tilespmem:s7], [sflag:$0x3], $0x800, $0x38;
	[tilespmem:$0x1E800] =	vst v63  }
0xdd: {  	s0 =	rddreg [dreg:$0x13]  }
0xde: {  	[spmem:s25] =	stream.linear.scatter [tilespmem:s7], [sflag:$0x3], $0x800, $0x38;
	[tilespmem:$0x1E800] =	vst v63  }
0xdf: {  	s1 =	rddreg [dreg:$0x14]  }
0xe0: {  	[spmem:s0] =	stream.linear.scatter [tilespmem:s7], [sflag:$0x3], $0x800, $0x38;
	[tilespmem:$0x1E800] =	vst v63  }
0xe1: {  	s3 =	rddreg [dreg:$0x15]  }
0xe2: {  	[spmem:s1] =	stream.linear.scatter [tilespmem:s7], [sflag:$0x3], $0x800, $0x38;
	[tilespmem:$0x1E800] =	vst v63  }
0xe3: {  	s15 =	rddreg [dreg:$0x16]  }
0xe4: {  	[spmem:s3] =	stream.linear.scatter [tilespmem:s7], [sflag:$0x3], $0x800, $0x38;
	[tilespmem:$0x1E800] =	vst v63  }
0xe5: {  	s25 =	rddreg [dreg:$0x17]  }
0xe6: {  	[spmem:s15] =	stream.linear.scatter [tilespmem:s7], [sflag:$0x3], $0x800, $0x38;
	[tilespmem:$0x1E800] =	vst v63  }
0xe7: {  	s0 =	rddreg [dreg:$0x18]  }
0xe8: {  	[spmem:s25] =	stream.linear.scatter [tilespmem:s7], [sflag:$0x3], $0x800, $0x38;
	[tilespmem:$0x1E800] =	vst v63  }
0xe9: {  	s1 =	rddreg [dreg:$0x19]  }
0xea: {  	[spmem:s0] =	stream.linear.scatter [tilespmem:s7], [sflag:$0x3], $0x800, $0x38;
	[tilespmem:$0x1E800] =	vst v63  }
0xeb: {  	s3 =	rddreg [dreg:$0x1a]  }
0xec: {  	[spmem:s1] =	stream.linear.scatter [tilespmem:s7], [sflag:$0x3], $0x800, $0x38;
	[tilespmem:$0x1E800] =	vst v63  }
0xed: {  	s15 =	rddreg [dreg:$0x1b]  }
0xee: {  	[spmem:s3] =	stream.linear.scatter [tilespmem:s7], [sflag:$0x3], $0x800, $0x38;
	[tilespmem:$0x1E800] =	vst v63  }
0xef: {  	s25 =	rddreg [dreg:$0x1c]  }
0xf0: {  	[spmem:s15] =	stream.linear.scatter [tilespmem:s7], [sflag:$0x3], $0x800, $0x38;
	[tilespmem:$0x1E800] =	vst v63  }
0xf1: {  	s0 =	rddreg [dreg:$0x1d]  }
0xf2: {  	[spmem:s25] =	stream.linear.scatter [tilespmem:s7], [sflag:$0x3], $0x800, $0x38;
	[tilespmem:$0x1E800] =	vst v63  }
0xf3: {  	s1 =	rddreg [dreg:$0x1e]  }
0xf4: {  	[spmem:s0] =	stream.linear.scatter [tilespmem:s7], [sflag:$0x3], $0x800, $0x38;
	[tilespmem:$0x1E800] =	vst v63  }
0xf5: {  	s3 =	rddreg [dreg:$0x1f]  }
0xf6: {  	[spmem:s1] =	stream.linear.scatter [tilespmem:s7], [sflag:$0x3], $0x800, $0x38;
	[tilespmem:$0x1E800] =	vst v63  }
0xf7: {  	s15 =	sld [smem:$0x7E8]  }
0xf8: {  	[spmem:s3] =	stream.linear.scatter [tilespmem:s7], [sflag:$0x3], $0x800, $0x38;
	[tilespmem:$0x1E800] =	vst v63  }
0xf9: {  	s25 =	sld [smem:$0x7E9]  }
0xfa: {  	[spmem:s15] =	stream.linear.scatter [tilespmem:s7], [sflag:$0x3], $0x800, $0x38;
	[tilespmem:$0x1E800] =	vst v63  }
0xfb: {  	s0 =	sld [smem:$0x7EA]  }
0xfc: {  	[spmem:s25] =	stream.linear.scatter [tilespmem:s7], [sflag:$0x3], $0x800, $0x38;
	[tilespmem:$0x1E800] =	vst v63  }
0xfd: {  	s1 =	sld [smem:$0x7EB]  }
0xfe: {  	[spmem:s0] =	stream.linear.scatter [tilespmem:s7], [sflag:$0x3], $0x800, $0x38;
	[tilespmem:$0x1E800] =	vst v63  }
0xff: {  	s3 =	sld [smem:$0x7EC]  }
0x100: {  	[spmem:s1] =	stream.linear.scatter [tilespmem:s7], [sflag:$0x3], $0x800, $0x38;
	[tilespmem:$0x1E800] =	vst v63  }
0x101: {  	s15 =	sld [smem:$0x7ED]  }
0x102: {  	[spmem:s3] =	stream.linear.scatter [tilespmem:s7], [sflag:$0x3], $0x800, $0x38;
	[tilespmem:$0x1E800] =	vst v63  }
0x103: {  	s25 =	sld [smem:$0x7EE]  }
0x104: {  	[spmem:s15] =	stream.linear.scatter [tilespmem:s7], [sflag:$0x3], $0x800, $0x38;
	[tilespmem:$0x1E800] =	vst v63  }
0x105: {  	s0 =	sld [smem:$0x7EF]  }
0x106: {  	[spmem:s25] =	stream.linear.scatter [tilespmem:s7], [sflag:$0x3], $0x800, $0x38;
	[tilespmem:$0x1E800] =	vst v63  }
0x107: {  	s1 =	sld [smem:$0x7F0]  }
0x108: {  	[spmem:s0] =	stream.linear.scatter [tilespmem:s7], [sflag:$0x3], $0x800, $0x38;
	[tilespmem:$0x1E800] =	vst v63  }
0x109: {  	s3 =	sld [smem:$0x7F2]  }
0x10a: {  	[spmem:s1] =	stream.linear.scatter [tilespmem:s7], [sflag:$0x3], $0x800, $0x38;
	[tilespmem:$0x1E800] =	vst v63  }
0x10b: {  	s15 =	sld [smem:$0x7F3]  }
0x10c: {  	[spmem:s3] =	stream.linear.scatter [tilespmem:s7], [sflag:$0x3], $0x800, $0x38;
	[tilespmem:$0x1E800] =	vst v63  }
0x10d: {  	s0 =	simm.s32 $0x0  }
0x10e: {  	[tilespmem:s10], [sflag:$0x6] =	stream.linear.gather [hbm4b:s15+s0], $0x800, $0x38;
	[tilespmem:$0x1E800] =	vst v63  }
0x10f: {  	_ =	swait.ge [sflag:s9], $0x800  }
0x110: {  	s24 =	sld [smem:$0x7F4]  }
0x111: {  	[sflag:s9] =	ssyncset.done $0x0  }
0x112: {  	s1 =	simm.s32 $0x1D000;
	[sflag:s9] =	ssyncadd.s32 $0xFFFFF800  }
0x113: {  	[tilespmem:s1], [sflag:$0x6] =	stream.linear.gather [hbm4b:s24+s0], $0x800, $0x38;
	[tilespmem:$0x1E800] =	vst v63  }
0x114: {  	_ =	swait.ge [sflag:s9], $0x800  }
0x115: {  	[sflag:s9] =	ssyncset.done $0x0  }
0x116: {  	[sflag:s9] =	ssyncadd.s32 $0xFFFFF800  }
0x117: {  	_ =	swait.ge [sflag:s11], $0x800  }
0x118: {  	[sflag:s11] =	ssyncset.done $0x0  }
0x119: {  	[sflag:s11] =	ssyncadd.s32 $0xFFFFF800  }
0x11a: {  	_ =	swait.ge [sflag:s11], $0x800  }
0x11b: {  	[sflag:s11] =	ssyncset.done $0x0  }
0x11c: {  	[sflag:s11] =	ssyncadd.s32 $0xFFFFF800  }
0x11d: {  	_ =	swait.ge [sflag:s11], $0x800  }
0x11e: {  	[sflag:s11] =	ssyncset.done $0x0  }
0x11f: {  	[sflag:s11] =	ssyncadd.s32 $0xFFFFF800  }
0x120: {  	_ =	swait.ge [sflag:s11], $0x800  }
0x121: {  	[sflag:s11] =	ssyncset.done $0x0  }
0x122: {  	[sflag:s11] =	ssyncadd.s32 $0xFFFFF800  }
0x123: {  	_ =	swait.ge [sflag:s11], $0x800  }
0x124: {  	[sflag:s11] =	ssyncset.done $0x0  }
0x125: {  	[sflag:s11] =	ssyncadd.s32 $0xFFFFF800  }
0x126: {  	_ =	swait.ge [sflag:s11], $0x800  }
0x127: {  	[sflag:s11] =	ssyncset.done $0x0  }
0x128: {  	[sflag:s11] =	ssyncadd.s32 $0xFFFFF800  }
0x129: {  	_ =	swait.ge [sflag:s11], $0x800  }
0x12a: {  	[sflag:s11] =	ssyncset.done $0x0  }
0x12b: {  	[sflag:s11] =	ssyncadd.s32 $0xFFFFF800  }
0x12c: {  	_ =	swait.ge [sflag:s11], $0x800  }
0x12d: {  	[sflag:s11] =	ssyncset.done $0x0  }
0x12e: {  	[sflag:s11] =	ssyncadd.s32 $0xFFFFF800  }
0x12f: {  	_ =	swait.ge [sflag:s11], $0x800  }
0x130: {  	[sflag:s11] =	ssyncset.done $0x0  }
0x131: {  	[sflag:s11] =	ssyncadd.s32 $0xFFFFF800  }
0x132: {  	_ =	swait.ge [sflag:s11], $0x800  }
0x133: {  	[sflag:s11] =	ssyncset.done $0x0  }
0x134: {  	[sflag:s11] =	ssyncadd.s32 $0xFFFFF800  }
0x135: {  	_ =	swait.ge [sflag:s11], $0x800  }
0x136: {  	[sflag:s11] =	ssyncset.done $0x0  }
0x137: {  	[sflag:s11] =	ssyncadd.s32 $0xFFFFF800  }
0x138: {  	_ =	swait.ge [sflag:s11], $0x800  }
0x139: {  	[sflag:s11] =	ssyncset.done $0x0  }
0x13a: {  	[sflag:s11] =	ssyncadd.s32 $0xFFFFF800  }
0x13b: {  	_ =	swait.ge [sflag:s11], $0x800  }
0x13c: {  	[sflag:s11] =	ssyncset.done $0x0  }
0x13d: {  	[sflag:s11] =	ssyncadd.s32 $0xFFFFF800  }
0x13e: {  	_ =	swait.ge [sflag:s11], $0x800  }
0x13f: {  	[sflag:s11] =	ssyncset.done $0x0  }
0x140: {  	[sflag:s11] =	ssyncadd.s32 $0xFFFFF800  }
0x141: {  	_ =	swait.ge [sflag:s11], $0x800  }
0x142: {  	[sflag:s11] =	ssyncset.done $0x0  }
0x143: {  	[sflag:s11] =	ssyncadd.s32 $0xFFFFF800  }
0x144: {  	_ =	swait.ge [sflag:s11], $0x800  }
0x145: {  	[sflag:s11] =	ssyncset.done $0x0  }
0x146: {  	[sflag:s11] =	ssyncadd.s32 $0xFFFFF800  }
0x147: {  	_ =	swait.ge [sflag:s11], $0x800  }
0x148: {  	[sflag:s11] =	ssyncset.done $0x0  }
0x149: {  	[sflag:s11] =	ssyncadd.s32 $0xFFFFF800  }
0x14a: {  	_ =	swait.ge [sflag:s11], $0x800  }
0x14b: {  	[sflag:s11] =	ssyncset.done $0x0  }
0x14c: {  	[sflag:s11] =	ssyncadd.s32 $0xFFFFF800  }
0x14d: {  	_ =	swait.ge [sflag:s11], $0x800  }
0x14e: {  	[sflag:s11] =	ssyncset.done $0x0  }
0x14f: {  	[sflag:s11] =	ssyncadd.s32 $0xFFFFF800  }
0x150: {  	_ =	swait.ge [sflag:s11], $0x800  }
0x151: {  	[sflag:s11] =	ssyncset.done $0x0  }
0x152: {  	[sflag:s11] =	ssyncadd.s32 $0xFFFFF800  }
0x153: {  	_ =	swait.ge [sflag:s11], $0x800  }
0x154: {  	[sflag:s11] =	ssyncset.done $0x0  }
0x155: {  	[sflag:s11] =	ssyncadd.s32 $0xFFFFF800  }
0x156: {  	_ =	swait.ge [sflag:s11], $0x800  }
0x157: {  	[sflag:s11] =	ssyncset.done $0x0  }
0x158: {  	[sflag:s11] =	ssyncadd.s32 $0xFFFFF800  }
0x159: {  	_ =	swait.ge [sflag:s11], $0x800  }
0x15a: {  	[sflag:s11] =	ssyncset.done $0x0  }
0x15b: {  	[sflag:s11] =	ssyncadd.s32 $0xFFFFF800  }
0x15c: {  	_ =	swait.ge [sflag:s11], $0x800  }
0x15d: {  	[sflag:s11] =	ssyncset.done $0x0  }
0x15e: {  	[sflag:s11] =	ssyncadd.s32 $0xFFFFF800  }
0x15f: {  	_ =	swait.ge [sflag:s11], $0x800  }
0x160: {  	[sflag:s11] =	ssyncset.done $0x0  }
0x161: {  	[sflag:s11] =	ssyncadd.s32 $0xFFFFF800  }
0x162: {  	_ =	swait.ge [sflag:s11], $0x800  }
0x163: {  	[sflag:s11] =	ssyncset.done $0x0  }
0x164: {  	[sflag:s11] =	ssyncadd.s32 $0xFFFFF800  }
0x165: {  	_ =	swait.ge [sflag:s11], $0x800  }
0x166: {  	[sflag:s11] =	ssyncset.done $0x0  }
0x167: {  	[sflag:s11] =	ssyncadd.s32 $0xFFFFF800  }
0x168: {  	_ =	swait.ge [sflag:s11], $0x800  }
0x169: {  	[sflag:s11] =	ssyncset.done $0x0  }
0x16a: {  	[sflag:s11] =	ssyncadd.s32 $0xFFFFF800  }
0x16b: {  	_ =	swait.ge [sflag:s11], $0x800  }
0x16c: {  	[sflag:s11] =	ssyncset.done $0x0  }
0x16d: {  	[sflag:s11] =	ssyncadd.s32 $0xFFFFF800  }
0x16e: {  	_ =	swait.ge [sflag:s11], $0x800  }
0x16f: {  	[sflag:s11] =	ssyncset.done $0x0  }
0x170: {  	[sflag:s11] =	ssyncadd.s32 $0xFFFFF800  }
0x171: {  	_ =	swait.ge [sflag:s11], $0x800  }
0x172: {  	[sflag:s11] =	ssyncset.done $0x0  }
0x173: {  	[sflag:s11] =	ssyncadd.s32 $0xFFFFF800  }
0x174: {  	_ =	swait.ge [sflag:s11], $0x800  }
0x175: {  	[sflag:s11] =	ssyncset.done $0x0  }
0x176: {  	[sflag:s11] =	ssyncadd.s32 $0xFFFFF800  }
0x177: {  	_ =	swait.ge [sflag:s11], $0x800  }
0x178: {  	[sflag:s11] =	ssyncset.done $0x0  }
0x179: {  	[sflag:s11] =	ssyncadd.s32 $0xFFFFF800  }
0x17a: {  	_ =	swait.ge [sflag:s11], $0x800  }
0x17b: {  	[sflag:s11] =	ssyncset.done $0x0  }
0x17c: {  	[sflag:s11] =	ssyncadd.s32 $0xFFFFF800  }
0x17d: {  	_ =	swait.ge [sflag:s11], $0x800  }
0x17e: {  	[sflag:s11] =	ssyncset.done $0x0  }
0x17f: {  	[sflag:s11] =	ssyncadd.s32 $0xFFFFF800  }
0x180: {  	_ =	swait.ge [sflag:s11], $0x800  }
0x181: {  	[sflag:s11] =	ssyncset.done $0x0  }
0x182: {  	[sflag:s11] =	ssyncadd.s32 $0xFFFFF800  }
0x183: {  	_ =	swait.ge [sflag:s11], $0x800  }
0x184: {  	[sflag:s11] =	ssyncset.done $0x0  }
0x185: {  	[sflag:s11] =	ssyncadd.s32 $0xFFFFF800  }
0x186: {  	_ =	swait.ge [sflag:s11], $0x800  }
0x187: {  	[sflag:s11] =	ssyncset.done $0x0  }
0x188: {  	[sflag:s11] =	ssyncadd.s32 $0xFFFFF800  }
0x189: {  	_ =	swait.ge [sflag:s11], $0x800  }
0x18a: {  	[sflag:s11] =	ssyncset.done $0x0  }
0x18b: {  	[sflag:s11] =	ssyncadd.s32 $0xFFFFF800  }
0x18c: {  	_ =	swait.ge [sflag:s11], $0x800  }
0x18d: {  	[sflag:s11] =	ssyncset.done $0x0  }
0x18e: {  	[sflag:s11] =	ssyncadd.s32 $0xFFFFF800  }
0x18f: {  	[bflag:$0x0] =	sbarrier.arrive $0xFFFF  }
0x190: {  	s25 =	sld [smem:$0x7F5]  }
0x191: {  	[tilespmem:s13], [sflag:$0x1] =	stream.indirect.gather [hbm4b:s5+s12], $0x80, s10, s12, $0xb8;
	[tilespmem:$0x1E800] =	vst v63  }
0x192: {  	s15 =	simm.s32 $0x1C800;
	s3 =	sld [smem:$0x7F6]  }
0x193: {  	[tilespmem:s15], [sflag:$0x4] =	stream.linear.gather [hbm4b:s25+s0], $0x800, $0x38;
	[tilespmem:$0x1E800] =	vst v63  }
0x194: {  	_ = 	snop  }
0x195: {  	[tilespmem:s4], [sflag:$0x5] =	stream.linear.gather [hbm4b:s3+s0], $0x800, $0x38;
	[tilespmem:$0x1E800] =	vst v63  }
0x196: {  	s3 =	simm.s32 $0x1C080  }
0x197: {  	[tilespmem:s17], [sflag:$0x2] =	stream.indirect.gather [hbm4b:s5+s12], $0x80, s3, s12, $0xb8;
	[tilespmem:$0x1E800] =	vst v63  }
0x198: {  	_ =	swait.ge [sflag:s18], $0x4000  }
0x199: {  	[sflag:s18] =	ssyncset.done $0x0  }
0x19a: {  	s1 =	simm.s32 $0x1D000;
	[sflag:s18] =	ssyncadd.s32 $0xFFFFC000  }
0x19b: {  	[spmem:s2] =	stream.indirect.scatter.add.f32 [tilespmem:s13], [sflag:$0x6], $0x80, s1, s12, $0xb8;
	[tilespmem:$0x1E800] =	vst v63  }
0x19c: {  	_ =	swait.ge [sflag:s9], $0x4000  }
0x19d: {  	[sflag:s9] =	ssyncset.done $0x0  }
0x19e: {  	s23 =	simm.s32 $0x1C100;
	[sflag:s9] =	ssyncadd.s32 $0xFFFFC000  }
0x19f: {  	[tilespmem:s13], [sflag:$0x1] =	stream.indirect.gather [hbm4b:s5+s12], $0x80, s23, s12, $0xb8;
	[tilespmem:$0x1E800] =	vst v63  }
0x1a0: {  	_ =	swait.ge [sflag:s20], $0x4000  }
0x1a1: {  	[sflag:s20] =	ssyncset.done $0x0  }
0x1a2: {  	s24 =	simm.s32 $0x1D080;
	[sflag:s20] =	ssyncadd.s32 $0xFFFFC000  }
0x1a3: {  	[spmem:s2] =	stream.indirect.scatter.add.f32 [tilespmem:s17], [sflag:$0x6], $0x80, s24, s12, $0xb8;
	[tilespmem:$0x1E800] =	vst v63  }
0x1a4: {  	_ =	swait.ge [sflag:s9], $0x4000  }
0x1a5: {  	[sflag:s9] =	ssyncset.done $0x0  }
0x1a6: {  	s25 =	simm.s32 $0x1C180;
	[sflag:s9] =	ssyncadd.s32 $0xFFFFC000  }
0x1a7: {  	[tilespmem:s17], [sflag:$0x2] =	stream.indirect.gather [hbm4b:s5+s12], $0x80, s25, s12, $0xb8;
	[tilespmem:$0x1E800] =	vst v63  }
0x1a8: {  	_ =	swait.ge [sflag:s18], $0x4000  }
0x1a9: {  	[sflag:s18] =	ssyncset.done $0x0  }
0x1aa: {  	s23 =	simm.s32 $0x1D100;
	[sflag:s18] =	ssyncadd.s32 $0xFFFFC000  }
0x1ab: {  	[spmem:s2] =	stream.indirect.scatter.add.f32 [tilespmem:s13], [sflag:$0x6], $0x80, s23, s12, $0xb8;
	[tilespmem:$0x1E800] =	vst v63  }
0x1ac: {  	_ =	swait.ge [sflag:s9], $0x4000  }
0x1ad: {  	[sflag:s9] =	ssyncset.done $0x0  }
0x1ae: {  	s24 =	simm.s32 $0x1C200;
	[sflag:s9] =	ssyncadd.s32 $0xFFFFC000  }
0x1af: {  	[tilespmem:s13], [sflag:$0x1] =	stream.indirect.gather [hbm4b:s5+s12], $0x80, s24, s12, $0xb8;
	[tilespmem:$0x1E800] =	vst v63  }
0x1b0: {  	_ =	swait.ge [sflag:s20], $0x4000  }
0x1b1: {  	[sflag:s20] =	ssyncset.done $0x0  }
0x1b2: {  	s25 =	simm.s32 $0x1D180;
	[sflag:s20] =	ssyncadd.s32 $0xFFFFC000  }
0x1b3: {  	[spmem:s2] =	stream.indirect.scatter.add.f32 [tilespmem:s17], [sflag:$0x6], $0x80, s25, s12, $0xb8;
	[tilespmem:$0x1E800] =	vst v63  }
0x1b4: {  	_ =	swait.ge [sflag:s9], $0x4000  }
0x1b5: {  	[sflag:s9] =	ssyncset.done $0x0  }
0x1b6: {  	s23 =	simm.s32 $0x1C280;
	[sflag:s9] =	ssyncadd.s32 $0xFFFFC000  }
0x1b7: {  	[tilespmem:s17], [sflag:$0x2] =	stream.indirect.gather [hbm4b:s5+s12], $0x80, s23, s12, $0xb8;
	[tilespmem:$0x1E800] =	vst v63  }
0x1b8: {  	_ =	swait.ge [sflag:s18], $0x4000  }
0x1b9: {  	[sflag:s18] =	ssyncset.done $0x0  }
0x1ba: {  	s24 =	simm.s32 $0x1D200;
	[sflag:s18] =	ssyncadd.s32 $0xFFFFC000  }
0x1bb: {  	[spmem:s2] =	stream.indirect.scatter.add.f32 [tilespmem:s13], [sflag:$0x6], $0x80, s24, s12, $0xb8;
	[tilespmem:$0x1E800] =	vst v63  }
0x1bc: {  	_ =	swait.ge [sflag:s9], $0x4000  }
0x1bd: {  	[sflag:s9] =	ssyncset.done $0x0  }
0x1be: {  	s25 =	simm.s32 $0x1C300;
	[sflag:s9] =	ssyncadd.s32 $0xFFFFC000  }
0x1bf: {  	[tilespmem:s13], [sflag:$0x1] =	stream.indirect.gather [hbm4b:s5+s12], $0x80, s25, s12, $0xb8;
	[tilespmem:$0x1E800] =	vst v63  }
0x1c0: {  	_ =	swait.ge [sflag:s20], $0x4000  }
0x1c1: {  	[sflag:s20] =	ssyncset.done $0x0  }
0x1c2: {  	s23 =	simm.s32 $0x1D280;
	[sflag:s20] =	ssyncadd.s32 $0xFFFFC000  }
0x1c3: {  	[spmem:s2] =	stream.indirect.scatter.add.f32 [tilespmem:s17], [sflag:$0x6], $0x80, s23, s12, $0xb8;
	[tilespmem:$0x1E800] =	vst v63  }
0x1c4: {  	_ =	swait.ge [sflag:s9], $0x4000  }
0x1c5: {  	[sflag:s9] =	ssyncset.done $0x0  }
0x1c6: {  	s24 =	simm.s32 $0x1C380;
	[sflag:s9] =	ssyncadd.s32 $0xFFFFC000  }
0x1c7: {  	[tilespmem:s17], [sflag:$0x2] =	stream.indirect.gather [hbm4b:s5+s12], $0x80, s24, s12, $0xb8;
	[tilespmem:$0x1E800] =	vst v63  }
0x1c8: {  	_ =	swait.ge [sflag:s18], $0x4000  }
0x1c9: {  	[sflag:s18] =	ssyncset.done $0x0  }
0x1ca: {  	s25 =	simm.s32 $0x1D300;
	[sflag:s18] =	ssyncadd.s32 $0xFFFFC000  }
0x1cb: {  	[spmem:s2] =	stream.indirect.scatter.add.f32 [tilespmem:s13], [sflag:$0x6], $0x80, s25, s12, $0xb8;
	[tilespmem:$0x1E800] =	vst v63  }
0x1cc: {  	_ =	swait.ge [sflag:s9], $0x4000  }
0x1cd: {  	[sflag:s9] =	ssyncset.done $0x0  }
0x1ce: {  	s23 =	simm.s32 $0x1C400;
	[sflag:s9] =	ssyncadd.s32 $0xFFFFC000  }
0x1cf: {  	[tilespmem:s13], [sflag:$0x1] =	stream.indirect.gather [hbm4b:s5+s12], $0x80, s23, s12, $0xb8;
	[tilespmem:$0x1E800] =	vst v63  }
0x1d0: {  	_ =	swait.ge [sflag:s20], $0x4000  }
0x1d1: {  	[sflag:s20] =	ssyncset.done $0x0  }
0x1d2: {  	s24 =	simm.s32 $0x1D380;
	[sflag:s20] =	ssyncadd.s32 $0xFFFFC000  }
0x1d3: {  	[spmem:s2] =	stream.indirect.scatter.add.f32 [tilespmem:s17], [sflag:$0x6], $0x80, s24, s12, $0xb8;
	[tilespmem:$0x1E800] =	vst v63  }
0x1d4: {  	_ =	swait.ge [sflag:s9], $0x4000  }
0x1d5: {  	[sflag:s9] =	ssyncset.done $0x0  }
0x1d6: {  	s25 =	simm.s32 $0x1C480;
	[sflag:s9] =	ssyncadd.s32 $0xFFFFC000  }
0x1d7: {  	[tilespmem:s17], [sflag:$0x2] =	stream.indirect.gather [hbm4b:s5+s12], $0x80, s25, s12, $0xb8;
	[tilespmem:$0x1E800] =	vst v63  }
0x1d8: {  	_ =	swait.ge [sflag:s18], $0x4000  }
0x1d9: {  	[sflag:s18] =	ssyncset.done $0x0  }
0x1da: {  	s23 =	simm.s32 $0x1D400;
	[sflag:s18] =	ssyncadd.s32 $0xFFFFC000  }
0x1db: {  	[spmem:s2] =	stream.indirect.scatter.add.f32 [tilespmem:s13], [sflag:$0x6], $0x80, s23, s12, $0xb8;
	[tilespmem:$0x1E800] =	vst v63  }
0x1dc: {  	_ =	swait.ge [sflag:s9], $0x4000  }
0x1dd: {  	[sflag:s9] =	ssyncset.done $0x0  }
0x1de: {  	s24 =	simm.s32 $0x1C500;
	[sflag:s9] =	ssyncadd.s32 $0xFFFFC000  }
0x1df: {  	[tilespmem:s13], [sflag:$0x1] =	stream.indirect.gather [hbm4b:s5+s12], $0x80, s24, s12, $0xb8;
	[tilespmem:$0x1E800] =	vst v63  }
0x1e0: {  	_ =	swait.ge [sflag:s20], $0x4000  }
0x1e1: {  	[sflag:s20] =	ssyncset.done $0x0  }
0x1e2: {  	s25 =	simm.s32 $0x1D480;
	[sflag:s20] =	ssyncadd.s32 $0xFFFFC000  }
0x1e3: {  	[spmem:s2] =	stream.indirect.scatter.add.f32 [tilespmem:s17], [sflag:$0x6], $0x80, s25, s12, $0xb8;
	[tilespmem:$0x1E800] =	vst v63  }
0x1e4: {  	_ =	swait.ge [sflag:s9], $0x4000  }
0x1e5: {  	[sflag:s9] =	ssyncset.done $0x0  }
0x1e6: {  	s23 =	simm.s32 $0x1C580;
	[sflag:s9] =	ssyncadd.s32 $0xFFFFC000  }
0x1e7: {  	[tilespmem:s17], [sflag:$0x2] =	stream.indirect.gather [hbm4b:s5+s12], $0x80, s23, s12, $0xb8;
	[tilespmem:$0x1E800] =	vst v63  }
0x1e8: {  	_ =	swait.ge [sflag:s18], $0x4000  }
0x1e9: {  	[sflag:s18] =	ssyncset.done $0x0  }
0x1ea: {  	s24 =	simm.s32 $0x1D500;
	[sflag:s18] =	ssyncadd.s32 $0xFFFFC000  }
0x1eb: {  	[spmem:s2] =	stream.indirect.scatter.add.f32 [tilespmem:s13], [sflag:$0x6], $0x80, s24, s12, $0xb8;
	[tilespmem:$0x1E800] =	vst v63  }
0x1ec: {  	_ =	swait.ge [sflag:s9], $0x4000  }
0x1ed: {  	[sflag:s9] =	ssyncset.done $0x0  }
0x1ee: {  	s25 =	simm.s32 $0x1C600;
	[sflag:s9] =	ssyncadd.s32 $0xFFFFC000  }
0x1ef: {  	[tilespmem:s13], [sflag:$0x1] =	stream.indirect.gather [hbm4b:s5+s12], $0x80, s25, s12, $0xb8;
	[tilespmem:$0x1E800] =	vst v63  }
0x1f0: {  	_ =	swait.ge [sflag:s20], $0x4000  }
0x1f1: {  	[sflag:s20] =	ssyncset.done $0x0  }
0x1f2: {  	s23 =	simm.s32 $0x1D580;
	[sflag:s20] =	ssyncadd.s32 $0xFFFFC000  }
0x1f3: {  	[spmem:s2] =	stream.indirect.scatter.add.f32 [tilespmem:s17], [sflag:$0x6], $0x80, s23, s12, $0xb8;
	[tilespmem:$0x1E800] =	vst v63  }
0x1f4: {  	_ =	swait.ge [sflag:s9], $0x4000  }
0x1f5: {  	[sflag:s9] =	ssyncset.done $0x0  }
0x1f6: {  	s24 =	simm.s32 $0x1C680;
	[sflag:s9] =	ssyncadd.s32 $0xFFFFC000  }
0x1f7: {  	[tilespmem:s17], [sflag:$0x2] =	stream.indirect.gather [hbm4b:s5+s12], $0x80, s24, s12, $0xb8;
	[tilespmem:$0x1E800] =	vst v63  }
0x1f8: {  	_ =	swait.ge [sflag:s18], $0x4000  }
0x1f9: {  	[sflag:s18] =	ssyncset.done $0x0  }
0x1fa: {  	s25 =	simm.s32 $0x1D600;
	[sflag:s18] =	ssyncadd.s32 $0xFFFFC000  }
0x1fb: {  	[spmem:s2] =	stream.indirect.scatter.add.f32 [tilespmem:s13], [sflag:$0x6], $0x80, s25, s12, $0xb8;
	[tilespmem:$0x1E800] =	vst v63  }
0x1fc: {  	_ =	swait.ge [sflag:s9], $0x4000  }
0x1fd: {  	[sflag:s9] =	ssyncset.done $0x0  }
0x1fe: {  	s23 =	simm.s32 $0x1C700;
	[sflag:s9] =	ssyncadd.s32 $0xFFFFC000  }
0x1ff: {  	[tilespmem:s13], [sflag:$0x1] =	stream.indirect.gather [hbm4b:s5+s12], $0x80, s23, s12, $0xb8;
	[tilespmem:$0x1E800] =	vst v63  }
0x200: {  	_ =	swait.ge [sflag:s20], $0x4000  }
0x201: {  	[sflag:s20] =	ssyncset.done $0x0  }
0x202: {  	s24 =	simm.s32 $0x1D680;
	[sflag:s20] =	ssyncadd.s32 $0xFFFFC000  }
0x203: {  	[spmem:s2] =	stream.indirect.scatter.add.f32 [tilespmem:s17], [sflag:$0x6], $0x80, s24, s12, $0xb8;
	[tilespmem:$0x1E800] =	vst v63  }
0x204: {  	_ =	swait.ge [sflag:s9], $0x4000  }
0x205: {  	[sflag:s9] =	ssyncset.done $0x0  }
0x206: {  	s25 =	simm.s32 $0x1C780;
	[sflag:s9] =	ssyncadd.s32 $0xFFFFC000  }
0x207: {  	[tilespmem:s17], [sflag:$0x2] =	stream.indirect.gather [hbm4b:s5+s12], $0x80, s25, s12, $0xb8;
	[tilespmem:$0x1E800] =	vst v63  }
0x208: {  	_ =	swait.ge [sflag:s18], $0x4000  }
0x209: {  	[sflag:s18] =	ssyncset.done $0x0  }
0x20a: {  	s23 =	simm.s32 $0x1D700;
	[sflag:s18] =	ssyncadd.s32 $0xFFFFC000  }
0x20b: {  	[spmem:s2] =	stream.indirect.scatter.add.f32 [tilespmem:s13], [sflag:$0x6], $0x80, s23, s12, $0xb8;
	[tilespmem:$0x1E800] =	vst v63  }
0x20c: {  	_ =	swait.ge [sflag:s9], $0x4000  }
0x20d: {  	[sflag:s9] =	ssyncset.done $0x0  }
0x20e: {  	[sflag:s9] =	ssyncadd.s32 $0xFFFFC000  }
0x20f: {  	_ =	swait.ge [sflag:s19], $0x800  }
0x210: {  	[sflag:s19] =	ssyncset.done $0x0  }
0x211: {  	[sflag:s19] =	ssyncadd.s32 $0xFFFFF800  }
0x212: {  	_ =	swait.ge [sflag:s21], $0x800  }
0x213: {  	[sflag:s21] =	ssyncset.done $0x0  }
0x214: {  	[sflag:s21] =	ssyncadd.s32 $0xFFFFF800  }
0x215: {  	[tilespmem:s13], [sflag:$0x1] =	stream.indirect.gather [hbm4b:s5+s12], $0x80, s15, s12, $0xb8;
	[tilespmem:$0x1E800] =	vst v63  }
0x216: {  	_ =	swait.ge [sflag:s20], $0x4000  }
0x217: {  	[sflag:s20] =	ssyncset.done $0x0  }
0x218: {  	s24 =	simm.s32 $0x1D780;
	[sflag:s20] =	ssyncadd.s32 $0xFFFFC000  }
0x219: {  	[spmem:s2] =	stream.indirect.scatter.add.f32 [tilespmem:s17], [sflag:$0x6], $0x80, s24, s12, $0xb8;
	[tilespmem:$0x1E800] =	vst v63  }
0x21a: {  	_ =	swait.ge [sflag:s9], $0x4000  }
0x21b: {  	s25 =	sld [smem:$0x7F7]  }
0x21c: {  	[sflag:s9] =	ssyncset.done $0x0  }
0x21d: {  	s1 =	sld [smem:$0x7F8];
	[sflag:s9] =	ssyncadd.s32 $0xFFFFC000  }
0x21e: {  	[tilespmem:s10], [sflag:$0x4] =	stream.linear.gather [hbm4b:s25+s0], $0x800, $0x38;
	[tilespmem:$0x1E800] =	vst v63  }
0x21f: {  	s3 =	simm.s32 $0x1D000  }
0x220: {  	[tilespmem:s3], [sflag:$0x5] =	stream.linear.gather [hbm4b:s1+s0], $0x800, $0x38;
	[tilespmem:$0x1E800] =	vst v63  }
0x221: {  	s25 =	simm.s32 $0x1C880  }
0x222: {  	[tilespmem:s17], [sflag:$0x2] =	stream.indirect.gather [hbm4b:s5+s12], $0x80, s25, s12, $0xb8;
	[tilespmem:$0x1E800] =	vst v63  }
0x223: {  	_ =	swait.ge [sflag:s18], $0x4000  }
0x224: {  	[sflag:s18] =	ssyncset.done $0x0  }
0x225: {  	[sflag:s18] =	ssyncadd.s32 $0xFFFFC000  }
0x226: {  	[spmem:s2] =	stream.indirect.scatter.add.f32 [tilespmem:s13], [sflag:$0x6], $0x80, s4, s12, $0xb8;
	[tilespmem:$0x1E800] =	vst v63  }
0x227: {  	_ =	swait.ge [sflag:s9], $0x4000  }
0x228: {  	[sflag:s9] =	ssyncset.done $0x0  }
0x229: {  	[sflag:s9] =	ssyncadd.s32 $0xFFFFC000  }
0x22a: {  	[tilespmem:s13], [sflag:$0x1] =	stream.indirect.gather [hbm4b:s5+s12], $0x80, s8, s12, $0xb8;
	[tilespmem:$0x1E800] =	vst v63  }
0x22b: {  	_ =	swait.ge [sflag:s20], $0x4000  }
0x22c: {  	[sflag:s20] =	ssyncset.done $0x0  }
0x22d: {  	[sflag:s20] =	ssyncadd.s32 $0xFFFFC000  }
0x22e: {  	[spmem:s2] =	stream.indirect.scatter.add.f32 [tilespmem:s17], [sflag:$0x6], $0x80, s14, s12, $0xb8;
	[tilespmem:$0x1E800] =	vst v63  }
0x22f: {  	_ =	swait.ge [sflag:s9], $0x4000  }
0x230: {  	[sflag:s9] =	ssyncset.done $0x0  }
0x231: {  	[sflag:s9] =	ssyncadd.s32 $0xFFFFC000  }
0x232: {  	[tilespmem:s17], [sflag:$0x2] =	stream.indirect.gather [hbm4b:s5+s12], $0x80, s16, s12, $0xb8;
	[tilespmem:$0x1E800] =	vst v63  }
0x233: {  	_ =	swait.ge [sflag:s18], $0x4000  }
0x234: {  	[sflag:s18] =	ssyncset.done $0x0  }
0x235: {  	[sflag:s18] =	ssyncadd.s32 $0xFFFFC000  }
0x236: {  	[spmem:s2] =	stream.indirect.scatter.add.f32 [tilespmem:s13], [sflag:$0x6], $0x80, s22, s12, $0xb8;
	[tilespmem:$0x1E800] =	vst v63  }
0x237: {  	_ =	swait.ge [sflag:s9], $0x4000  }
0x238: {  	[sflag:s9] =	ssyncset.done $0x0  }
0x239: {  	[sflag:s9] =	ssyncadd.s32 $0xFFFFC000  }
0x23a: {  	[tilespmem:s13], [sflag:$0x1] =	stream.indirect.gather [hbm4b:s5+s12], $0x80, s26, s12, $0xb8;
	[tilespmem:$0x1E800] =	vst v63  }
0x23b: {  	_ =	swait.ge [sflag:s20], $0x4000  }
0x23c: {  	[sflag:s20] =	ssyncset.done $0x0  }
0x23d: {  	[sflag:s20] =	ssyncadd.s32 $0xFFFFC000  }
0x23e: {  	[spmem:s2] =	stream.indirect.scatter.add.f32 [tilespmem:s17], [sflag:$0x6], $0x80, s28, s12, $0xb8;
	[tilespmem:$0x1E800] =	vst v63  }
0x23f: {  	_ =	swait.ge [sflag:s9], $0x4000  }
0x240: {  	[sflag:s9] =	ssyncset.done $0x0  }
0x241: {  	[sflag:s9] =	ssyncadd.s32 $0xFFFFC000  }
0x242: {  	[tilespmem:s17], [sflag:$0x2] =	stream.indirect.gather [hbm4b:s5+s12], $0x80, s29, s12, $0xb8;
	[tilespmem:$0x1E800] =	vst v63  }
0x243: {  	_ =	swait.ge [sflag:s18], $0x4000  }
0x244: {  	[sflag:s18] =	ssyncset.done $0x0  }
0x245: {  	[sflag:s18] =	ssyncadd.s32 $0xFFFFC000  }
0x246: {  	[spmem:s2] =	stream.indirect.scatter.add.f32 [tilespmem:s13], [sflag:$0x6], $0x80, s30, s12, $0xb8;
	[tilespmem:$0x1E800] =	vst v63  }
0x247: {  	_ =	swait.ge [sflag:s9], $0x4000  }
0x248: {  	[sflag:s9] =	ssyncset.done $0x0  }
0x249: {  	[sflag:s9] =	ssyncadd.s32 $0xFFFFC000  }
0x24a: {  	[tilespmem:s13], [sflag:$0x1] =	stream.indirect.gather [hbm4b:s5+s12], $0x80, s31, s12, $0xb8;
	[tilespmem:$0x1E800] =	vst v63  }
0x24b: {  	_ =	swait.ge [sflag:s20], $0x4000  }
0x24c: {  	[sflag:s20] =	ssyncset.done $0x0  }
0x24d: {  	s23 =	simm.s32 $0x1DA80;
	[sflag:s20] =	ssyncadd.s32 $0xFFFFC000  }
0x24e: {  	[spmem:s2] =	stream.indirect.scatter.add.f32 [tilespmem:s17], [sflag:$0x6], $0x80, s23, s12, $0xb8;
	[tilespmem:$0x1E800] =	vst v63  }
0x24f: {  	_ =	swait.ge [sflag:s9], $0x4000  }
0x250: {  	[sflag:s9] =	ssyncset.done $0x0  }
0x251: {  	s25 =	simm.s32 $0x1CB80;
	[sflag:s9] =	ssyncadd.s32 $0xFFFFC000  }
0x252: {  	[tilespmem:s17], [sflag:$0x2] =	stream.indirect.gather [hbm4b:s5+s12], $0x80, s25, s12, $0xb8;
	[tilespmem:$0x1E800] =	vst v63  }
0x253: {  	_ =	swait.ge [sflag:s18], $0x4000  }
0x254: {  	[sflag:s18] =	ssyncset.done $0x0  }
0x255: {  	s24 =	simm.s32 $0x1DB00;
	[sflag:s18] =	ssyncadd.s32 $0xFFFFC000  }
0x256: {  	[spmem:s2] =	stream.indirect.scatter.add.f32 [tilespmem:s13], [sflag:$0x6], $0x80, s24, s12, $0xb8;
	[tilespmem:$0x1E800] =	vst v63  }
0x257: {  	_ =	swait.ge [sflag:s9], $0x4000  }
0x258: {  	[sflag:s9] =	ssyncset.done $0x0  }
0x259: {  	s23 =	simm.s32 $0x1CC00;
	[sflag:s9] =	ssyncadd.s32 $0xFFFFC000  }
0x25a: {  	[tilespmem:s13], [sflag:$0x1] =	stream.indirect.gather [hbm4b:s5+s12], $0x80, s23, s12, $0xb8;
	[tilespmem:$0x1E800] =	vst v63  }
0x25b: {  	_ =	swait.ge [sflag:s20], $0x4000  }
0x25c: {  	[sflag:s20] =	ssyncset.done $0x0  }
0x25d: {  	s24 =	simm.s32 $0x1DB80;
	[sflag:s20] =	ssyncadd.s32 $0xFFFFC000  }
0x25e: {  	[spmem:s2] =	stream.indirect.scatter.add.f32 [tilespmem:s17], [sflag:$0x6], $0x80, s24, s12, $0xb8;
	[tilespmem:$0x1E800] =	vst v63  }
0x25f: {  	_ =	swait.ge [sflag:s9], $0x4000  }
0x260: {  	[sflag:s9] =	ssyncset.done $0x0  }
0x261: {  	s23 =	simm.s32 $0x1CC80;
	[sflag:s9] =	ssyncadd.s32 $0xFFFFC000  }
0x262: {  	[tilespmem:s17], [sflag:$0x2] =	stream.indirect.gather [hbm4b:s5+s12], $0x80, s23, s12, $0xb8;
	[tilespmem:$0x1E800] =	vst v63  }
0x263: {  	_ =	swait.ge [sflag:s18], $0x4000  }
0x264: {  	[sflag:s18] =	ssyncset.done $0x0  }
0x265: {  	s24 =	simm.s32 $0x1DC00;
	[sflag:s18] =	ssyncadd.s32 $0xFFFFC000  }
0x266: {  	[spmem:s2] =	stream.indirect.scatter.add.f32 [tilespmem:s13], [sflag:$0x6], $0x80, s24, s12, $0xb8;
	[tilespmem:$0x1E800] =	vst v63  }
0x267: {  	_ =	swait.ge [sflag:s9], $0x4000  }
0x268: {  	[sflag:s9] =	ssyncset.done $0x0  }
0x269: {  	s23 =	simm.s32 $0x1CD00;
	[sflag:s9] =	ssyncadd.s32 $0xFFFFC000  }
0x26a: {  	[tilespmem:s13], [sflag:$0x1] =	stream.indirect.gather [hbm4b:s5+s12], $0x80, s23, s12, $0xb8;
	[tilespmem:$0x1E800] =	vst v63  }
0x26b: {  	_ =	swait.ge [sflag:s20], $0x4000  }
0x26c: {  	[sflag:s20] =	ssyncset.done $0x0  }
0x26d: {  	s24 =	simm.s32 $0x1DC80;
	[sflag:s20] =	ssyncadd.s32 $0xFFFFC000  }
0x26e: {  	[spmem:s2] =	stream.indirect.scatter.add.f32 [tilespmem:s17], [sflag:$0x6], $0x80, s24, s12, $0xb8;
	[tilespmem:$0x1E800] =	vst v63  }
0x26f: {  	_ =	swait.ge [sflag:s9], $0x4000  }
0x270: {  	[sflag:s9] =	ssyncset.done $0x0  }
0x271: {  	s23 =	simm.s32 $0x1CD80;
	[sflag:s9] =	ssyncadd.s32 $0xFFFFC000  }
0x272: {  	[tilespmem:s17], [sflag:$0x2] =	stream.indirect.gather [hbm4b:s5+s12], $0x80, s23, s12, $0xb8;
	[tilespmem:$0x1E800] =	vst v63  }
0x273: {  	_ =	swait.ge [sflag:s18], $0x4000  }
0x274: {  	[sflag:s18] =	ssyncset.done $0x0  }
0x275: {  	s24 =	simm.s32 $0x1DD00;
	[sflag:s18] =	ssyncadd.s32 $0xFFFFC000  }
0x276: {  	[spmem:s2] =	stream.indirect.scatter.add.f32 [tilespmem:s13], [sflag:$0x6], $0x80, s24, s12, $0xb8;
	[tilespmem:$0x1E800] =	vst v63  }
0x277: {  	_ =	swait.ge [sflag:s9], $0x4000  }
0x278: {  	[sflag:s9] =	ssyncset.done $0x0  }
0x279: {  	s23 =	simm.s32 $0x1CE00;
	[sflag:s9] =	ssyncadd.s32 $0xFFFFC000  }
0x27a: {  	[tilespmem:s13], [sflag:$0x1] =	stream.indirect.gather [hbm4b:s5+s12], $0x80, s23, s12, $0xb8;
	[tilespmem:$0x1E800] =	vst v63  }
0x27b: {  	_ =	swait.ge [sflag:s20], $0x4000  }
0x27c: {  	[sflag:s20] =	ssyncset.done $0x0  }
0x27d: {  	s24 =	simm.s32 $0x1DD80;
	[sflag:s20] =	ssyncadd.s32 $0xFFFFC000  }
0x27e: {  	[spmem:s2] =	stream.indirect.scatter.add.f32 [tilespmem:s17], [sflag:$0x6], $0x80, s24, s12, $0xb8;
	[tilespmem:$0x1E800] =	vst v63  }
0x27f: {  	_ =	swait.ge [sflag:s9], $0x4000  }
0x280: {  	[sflag:s9] =	ssyncset.done $0x0  }
0x281: {  	s23 =	simm.s32 $0x1CE80;
	[sflag:s9] =	ssyncadd.s32 $0xFFFFC000  }
0x282: {  	[tilespmem:s17], [sflag:$0x2] =	stream.indirect.gather [hbm4b:s5+s12], $0x80, s23, s12, $0xb8;
	[tilespmem:$0x1E800] =	vst v63  }
0x283: {  	_ =	swait.ge [sflag:s18], $0x4000  }
0x284: {  	[sflag:s18] =	ssyncset.done $0x0  }
0x285: {  	s24 =	simm.s32 $0x1DE00;
	[sflag:s18] =	ssyncadd.s32 $0xFFFFC000  }
0x286: {  	[spmem:s2] =	stream.indirect.scatter.add.f32 [tilespmem:s13], [sflag:$0x6], $0x80, s24, s12, $0xb8;
	[tilespmem:$0x1E800] =	vst v63  }
0x287: {  	_ =	swait.ge [sflag:s9], $0x4000  }
0x288: {  	[sflag:s9] =	ssyncset.done $0x0  }
0x289: {  	s23 =	simm.s32 $0x1CF00;
	[sflag:s9] =	ssyncadd.s32 $0xFFFFC000  }
0x28a: {  	[tilespmem:s13], [sflag:$0x1] =	stream.indirect.gather [hbm4b:s5+s12], $0x80, s23, s12, $0xb8;
	[tilespmem:$0x1E800] =	vst v63  }
0x28b: {  	_ =	swait.ge [sflag:s20], $0x4000  }
0x28c: {  	[sflag:s20] =	ssyncset.done $0x0  }
0x28d: {  	s24 =	simm.s32 $0x1DE80;
	[sflag:s20] =	ssyncadd.s32 $0xFFFFC000  }
0x28e: {  	[spmem:s2] =	stream.indirect.scatter.add.f32 [tilespmem:s17], [sflag:$0x6], $0x80, s24, s12, $0xb8;
	[tilespmem:$0x1E800] =	vst v63  }
0x28f: {  	_ =	swait.ge [sflag:s9], $0x4000  }
0x290: {  	[sflag:s9] =	ssyncset.done $0x0  }
0x291: {  	s23 =	simm.s32 $0x1CF80;
	[sflag:s9] =	ssyncadd.s32 $0xFFFFC000  }
0x292: {  	[tilespmem:s17], [sflag:$0x2] =	stream.indirect.gather [hbm4b:s5+s12], $0x80, s23, s12, $0xb8;
	[tilespmem:$0x1E800] =	vst v63  }
0x293: {  	_ =	swait.ge [sflag:s18], $0x4000  }
0x294: {  	[sflag:s18] =	ssyncset.done $0x0  }
0x295: {  	s24 =	simm.s32 $0x1DF00;
	[sflag:s18] =	ssyncadd.s32 $0xFFFFC000  }
0x296: {  	[spmem:s2] =	stream.indirect.scatter.add.f32 [tilespmem:s13], [sflag:$0x6], $0x80, s24, s12, $0xb8;
	[tilespmem:$0x1E800] =	vst v63  }
0x297: {  	_ =	swait.ge [sflag:s9], $0x4000  }
0x298: {  	[sflag:s9] =	ssyncset.done $0x0  }
0x299: {  	[sflag:s9] =	ssyncadd.s32 $0xFFFFC000  }
0x29a: {  	_ =	swait.ge [sflag:s19], $0x800  }
0x29b: {  	[sflag:s19] =	ssyncset.done $0x0  }
0x29c: {  	[sflag:s19] =	ssyncadd.s32 $0xFFFFF800  }
0x29d: {  	_ =	swait.ge [sflag:s21], $0x800  }
0x29e: {  	[sflag:s21] =	ssyncset.done $0x0  }
0x29f: {  	[sflag:s21] =	ssyncadd.s32 $0xFFFFF800  }
0x2a0: {  	[tilespmem:s13], [sflag:$0x1] =	stream.indirect.gather [hbm4b:s5+s12], $0x80, s10, s12, $0xb8;
	[tilespmem:$0x1E800] =	vst v63  }
0x2a1: {  	_ =	swait.ge [sflag:s20], $0x4000  }
0x2a2: {  	[sflag:s20] =	ssyncset.done $0x0  }
0x2a3: {  	s23 =	simm.s32 $0x1DF80;
	[sflag:s20] =	ssyncadd.s32 $0xFFFFC000  }
0x2a4: {  	[spmem:s2] =	stream.indirect.scatter.add.f32 [tilespmem:s17], [sflag:$0x6], $0x80, s23, s12, $0xb8;
	[tilespmem:$0x1E800] =	vst v63  }
0x2a5: {  	_ =	swait.ge [sflag:s9], $0x4000  }
0x2a6: {  	s24 =	sld [smem:$0x7F9]  }
0x2a7: {  	[sflag:s9] =	ssyncset.done $0x0  }
0x2a8: {  	s3 =	sld [smem:$0x7FA];
	[sflag:s9] =	ssyncadd.s32 $0xFFFFC000  }
0x2a9: {  	[tilespmem:s15], [sflag:$0x4] =	stream.linear.gather [hbm4b:s24+s0], $0x800, $0x38;
	[tilespmem:$0x1E800] =	vst v63  }
0x2aa: {  	_ = 	snop  }
0x2ab: {  	[tilespmem:s4], [sflag:$0x5] =	stream.linear.gather [hbm4b:s3+s0], $0x800, $0x38;
	[tilespmem:$0x1E800] =	vst v63  }
0x2ac: {  	s3 =	simm.s32 $0x1C080  }
0x2ad: {  	[tilespmem:s17], [sflag:$0x2] =	stream.indirect.gather [hbm4b:s5+s12], $0x80, s3, s12, $0xb8;
	[tilespmem:$0x1E800] =	vst v63  }
0x2ae: {  	_ =	swait.ge [sflag:s18], $0x4000  }
0x2af: {  	[sflag:s18] =	ssyncset.done $0x0  }
0x2b0: {  	s1 =	simm.s32 $0x1D000;
	[sflag:s18] =	ssyncadd.s32 $0xFFFFC000  }
0x2b1: {  	[spmem:s2] =	stream.indirect.scatter.add.f32 [tilespmem:s13], [sflag:$0x6], $0x80, s1, s12, $0xb8;
	[tilespmem:$0x1E800] =	vst v63  }
0x2b2: {  	_ =	swait.ge [sflag:s9], $0x4000  }
0x2b3: {  	[sflag:s9] =	ssyncset.done $0x0  }
0x2b4: {  	s24 =	simm.s32 $0x1C100;
	[sflag:s9] =	ssyncadd.s32 $0xFFFFC000  }
0x2b5: {  	[tilespmem:s13], [sflag:$0x1] =	stream.indirect.gather [hbm4b:s5+s12], $0x80, s24, s12, $0xb8;
	[tilespmem:$0x1E800] =	vst v63  }
0x2b6: {  	_ =	swait.ge [sflag:s20], $0x4000  }
0x2b7: {  	[sflag:s20] =	ssyncset.done $0x0  }
0x2b8: {  	s1 =	simm.s32 $0x1D080;
	[sflag:s20] =	ssyncadd.s32 $0xFFFFC000  }
0x2b9: {  	[spmem:s2] =	stream.indirect.scatter.add.f32 [tilespmem:s17], [sflag:$0x6], $0x80, s1, s12, $0xb8;
	[tilespmem:$0x1E800] =	vst v63  }
0x2ba: {  	_ =	swait.ge [sflag:s9], $0x4000  }
0x2bb: {  	[sflag:s9] =	ssyncset.done $0x0  }
0x2bc: {  	s24 =	simm.s32 $0x1C180;
	[sflag:s9] =	ssyncadd.s32 $0xFFFFC000  }
0x2bd: {  	[tilespmem:s17], [sflag:$0x2] =	stream.indirect.gather [hbm4b:s5+s12], $0x80, s24, s12, $0xb8;
	[tilespmem:$0x1E800] =	vst v63  }
0x2be: {  	_ =	swait.ge [sflag:s18], $0x4000  }
0x2bf: {  	[sflag:s18] =	ssyncset.done $0x0  }
0x2c0: {  	s1 =	simm.s32 $0x1D100;
	[sflag:s18] =	ssyncadd.s32 $0xFFFFC000  }
0x2c1: {  	[spmem:s2] =	stream.indirect.scatter.add.f32 [tilespmem:s13], [sflag:$0x6], $0x80, s1, s12, $0xb8;
	[tilespmem:$0x1E800] =	vst v63  }
0x2c2: {  	_ =	swait.ge [sflag:s9], $0x4000  }
0x2c3: {  	[sflag:s9] =	ssyncset.done $0x0  }
0x2c4: {  	s24 =	simm.s32 $0x1C200;
	[sflag:s9] =	ssyncadd.s32 $0xFFFFC000  }
0x2c5: {  	[tilespmem:s13], [sflag:$0x1] =	stream.indirect.gather [hbm4b:s5+s12], $0x80, s24, s12, $0xb8;
	[tilespmem:$0x1E800] =	vst v63  }
0x2c6: {  	_ =	swait.ge [sflag:s20], $0x4000  }
0x2c7: {  	[sflag:s20] =	ssyncset.done $0x0  }
0x2c8: {  	s1 =	simm.s32 $0x1D180;
	[sflag:s20] =	ssyncadd.s32 $0xFFFFC000  }
0x2c9: {  	[spmem:s2] =	stream.indirect.scatter.add.f32 [tilespmem:s17], [sflag:$0x6], $0x80, s1, s12, $0xb8;
	[tilespmem:$0x1E800] =	vst v63  }
0x2ca: {  	_ =	swait.ge [sflag:s9], $0x4000  }
0x2cb: {  	[sflag:s9] =	ssyncset.done $0x0  }
0x2cc: {  	s24 =	simm.s32 $0x1C280;
	[sflag:s9] =	ssyncadd.s32 $0xFFFFC000  }
0x2cd: {  	[tilespmem:s17], [sflag:$0x2] =	stream.indirect.gather [hbm4b:s5+s12], $0x80, s24, s12, $0xb8;
	[tilespmem:$0x1E800] =	vst v63  }
0x2ce: {  	_ =	swait.ge [sflag:s18], $0x4000  }
0x2cf: {  	[sflag:s18] =	ssyncset.done $0x0  }
0x2d0: {  	s1 =	simm.s32 $0x1D200;
	[sflag:s18] =	ssyncadd.s32 $0xFFFFC000  }
0x2d1: {  	[spmem:s2] =	stream.indirect.scatter.add.f32 [tilespmem:s13], [sflag:$0x6], $0x80, s1, s12, $0xb8;
	[tilespmem:$0x1E800] =	vst v63  }
0x2d2: {  	_ =	swait.ge [sflag:s9], $0x4000  }
0x2d3: {  	[sflag:s9] =	ssyncset.done $0x0  }
0x2d4: {  	s24 =	simm.s32 $0x1C300;
	[sflag:s9] =	ssyncadd.s32 $0xFFFFC000  }
0x2d5: {  	[tilespmem:s13], [sflag:$0x1] =	stream.indirect.gather [hbm4b:s5+s12], $0x80, s24, s12, $0xb8;
	[tilespmem:$0x1E800] =	vst v63  }
0x2d6: {  	_ =	swait.ge [sflag:s20], $0x4000  }
0x2d7: {  	[sflag:s20] =	ssyncset.done $0x0  }
0x2d8: {  	s1 =	simm.s32 $0x1D280;
	[sflag:s20] =	ssyncadd.s32 $0xFFFFC000  }
0x2d9: {  	[spmem:s2] =	stream.indirect.scatter.add.f32 [tilespmem:s17], [sflag:$0x6], $0x80, s1, s12, $0xb8;
	[tilespmem:$0x1E800] =	vst v63  }
0x2da: {  	_ =	swait.ge [sflag:s9], $0x4000  }
0x2db: {  	[sflag:s9] =	ssyncset.done $0x0  }
0x2dc: {  	s24 =	simm.s32 $0x1C380;
	[sflag:s9] =	ssyncadd.s32 $0xFFFFC000  }
0x2dd: {  	[tilespmem:s17], [sflag:$0x2] =	stream.indirect.gather [hbm4b:s5+s12], $0x80, s24, s12, $0xb8;
	[tilespmem:$0x1E800] =	vst v63  }
0x2de: {  	_ =	swait.ge [sflag:s18], $0x4000  }
0x2df: {  	[sflag:s18] =	ssyncset.done $0x0  }
0x2e0: {  	s1 =	simm.s32 $0x1D300;
	[sflag:s18] =	ssyncadd.s32 $0xFFFFC000  }
0x2e1: {  	[spmem:s2] =	stream.indirect.scatter.add.f32 [tilespmem:s13], [sflag:$0x6], $0x80, s1, s12, $0xb8;
	[tilespmem:$0x1E800] =	vst v63  }
0x2e2: {  	_ =	swait.ge [sflag:s9], $0x4000  }
0x2e3: {  	[sflag:s9] =	ssyncset.done $0x0  }
0x2e4: {  	s24 =	simm.s32 $0x1C400;
	[sflag:s9] =	ssyncadd.s32 $0xFFFFC000  }
0x2e5: {  	[tilespmem:s13], [sflag:$0x1] =	stream.indirect.gather [hbm4b:s5+s12], $0x80, s24, s12, $0xb8;
	[tilespmem:$0x1E800] =	vst v63  }
0x2e6: {  	_ =	swait.ge [sflag:s20], $0x4000  }
0x2e7: {  	[sflag:s20] =	ssyncset.done $0x0  }
0x2e8: {  	s1 =	simm.s32 $0x1D380;
	[sflag:s20] =	ssyncadd.s32 $0xFFFFC000  }
0x2e9: {  	[spmem:s2] =	stream.indirect.scatter.add.f32 [tilespmem:s17], [sflag:$0x6], $0x80, s1, s12, $0xb8;
	[tilespmem:$0x1E800] =	vst v63  }
0x2ea: {  	_ =	swait.ge [sflag:s9], $0x4000  }
0x2eb: {  	[sflag:s9] =	ssyncset.done $0x0  }
0x2ec: {  	s24 =	simm.s32 $0x1C480;
	[sflag:s9] =	ssyncadd.s32 $0xFFFFC000  }
0x2ed: {  	[tilespmem:s17], [sflag:$0x2] =	stream.indirect.gather [hbm4b:s5+s12], $0x80, s24, s12, $0xb8;
	[tilespmem:$0x1E800] =	vst v63  }
0x2ee: {  	_ =	swait.ge [sflag:s18], $0x4000  }
0x2ef: {  	[sflag:s18] =	ssyncset.done $0x0  }
0x2f0: {  	s1 =	simm.s32 $0x1D400;
	[sflag:s18] =	ssyncadd.s32 $0xFFFFC000  }
0x2f1: {  	[spmem:s2] =	stream.indirect.scatter.add.f32 [tilespmem:s13], [sflag:$0x6], $0x80, s1, s12, $0xb8;
	[tilespmem:$0x1E800] =	vst v63  }
0x2f2: {  	_ =	swait.ge [sflag:s9], $0x4000  }
0x2f3: {  	[sflag:s9] =	ssyncset.done $0x0  }
0x2f4: {  	s24 =	simm.s32 $0x1C500;
	[sflag:s9] =	ssyncadd.s32 $0xFFFFC000  }
0x2f5: {  	[tilespmem:s13], [sflag:$0x1] =	stream.indirect.gather [hbm4b:s5+s12], $0x80, s24, s12, $0xb8;
	[tilespmem:$0x1E800] =	vst v63  }
0x2f6: {  	_ =	swait.ge [sflag:s20], $0x4000  }
0x2f7: {  	[sflag:s20] =	ssyncset.done $0x0  }
0x2f8: {  	s1 =	simm.s32 $0x1D480;
	[sflag:s20] =	ssyncadd.s32 $0xFFFFC000  }
0x2f9: {  	[spmem:s2] =	stream.indirect.scatter.add.f32 [tilespmem:s17], [sflag:$0x6], $0x80, s1, s12, $0xb8;
	[tilespmem:$0x1E800] =	vst v63  }
0x2fa: {  	_ =	swait.ge [sflag:s9], $0x4000  }
0x2fb: {  	[sflag:s9] =	ssyncset.done $0x0  }
0x2fc: {  	s24 =	simm.s32 $0x1C580;
	[sflag:s9] =	ssyncadd.s32 $0xFFFFC000  }
0x2fd: {  	[tilespmem:s17], [sflag:$0x2] =	stream.indirect.gather [hbm4b:s5+s12], $0x80, s24, s12, $0xb8;
	[tilespmem:$0x1E800] =	vst v63  }
0x2fe: {  	_ =	swait.ge [sflag:s18], $0x4000  }
0x2ff: {  	[sflag:s18] =	ssyncset.done $0x0  }
0x300: {  	s1 =	simm.s32 $0x1D500;
	[sflag:s18] =	ssyncadd.s32 $0xFFFFC000  }
0x301: {  	[spmem:s2] =	stream.indirect.scatter.add.f32 [tilespmem:s13], [sflag:$0x6], $0x80, s1, s12, $0xb8;
	[tilespmem:$0x1E800] =	vst v63  }
0x302: {  	_ =	swait.ge [sflag:s9], $0x4000  }
0x303: {  	[sflag:s9] =	ssyncset.done $0x0  }
0x304: {  	s24 =	simm.s32 $0x1C600;
	[sflag:s9] =	ssyncadd.s32 $0xFFFFC000  }
0x305: {  	[tilespmem:s13], [sflag:$0x1] =	stream.indirect.gather [hbm4b:s5+s12], $0x80, s24, s12, $0xb8;
	[tilespmem:$0x1E800] =	vst v63  }
0x306: {  	_ =	swait.ge [sflag:s20], $0x4000  }
0x307: {  	[sflag:s20] =	ssyncset.done $0x0  }
0x308: {  	s1 =	simm.s32 $0x1D580;
	[sflag:s20] =	ssyncadd.s32 $0xFFFFC000  }
0x309: {  	[spmem:s2] =	stream.indirect.scatter.add.f32 [tilespmem:s17], [sflag:$0x6], $0x80, s1, s12, $0xb8;
	[tilespmem:$0x1E800] =	vst v63  }
0x30a: {  	_ =	swait.ge [sflag:s9], $0x4000  }
0x30b: {  	[sflag:s9] =	ssyncset.done $0x0  }
0x30c: {  	s24 =	simm.s32 $0x1C680;
	[sflag:s9] =	ssyncadd.s32 $0xFFFFC000  }
0x30d: {  	[tilespmem:s17], [sflag:$0x2] =	stream.indirect.gather [hbm4b:s5+s12], $0x80, s24, s12, $0xb8;
	[tilespmem:$0x1E800] =	vst v63  }
0x30e: {  	_ =	swait.ge [sflag:s18], $0x4000  }
0x30f: {  	[sflag:s18] =	ssyncset.done $0x0  }
0x310: {  	s1 =	simm.s32 $0x1D600;
	[sflag:s18] =	ssyncadd.s32 $0xFFFFC000  }
0x311: {  	[spmem:s2] =	stream.indirect.scatter.add.f32 [tilespmem:s13], [sflag:$0x6], $0x80, s1, s12, $0xb8;
	[tilespmem:$0x1E800] =	vst v63  }
0x312: {  	_ =	swait.ge [sflag:s9], $0x4000  }
0x313: {  	[sflag:s9] =	ssyncset.done $0x0  }
0x314: {  	s24 =	simm.s32 $0x1C700;
	[sflag:s9] =	ssyncadd.s32 $0xFFFFC000  }
0x315: {  	[tilespmem:s13], [sflag:$0x1] =	stream.indirect.gather [hbm4b:s5+s12], $0x80, s24, s12, $0xb8;
	[tilespmem:$0x1E800] =	vst v63  }
0x316: {  	_ =	swait.ge [sflag:s20], $0x4000  }
0x317: {  	[sflag:s20] =	ssyncset.done $0x0  }
0x318: {  	s1 =	simm.s32 $0x1D680;
	[sflag:s20] =	ssyncadd.s32 $0xFFFFC000  }
0x319: {  	[spmem:s2] =	stream.indirect.scatter.add.f32 [tilespmem:s17], [sflag:$0x6], $0x80, s1, s12, $0xb8;
	[tilespmem:$0x1E800] =	vst v63  }
0x31a: {  	_ =	swait.ge [sflag:s9], $0x4000  }
0x31b: {  	[sflag:s9] =	ssyncset.done $0x0  }
0x31c: {  	s24 =	simm.s32 $0x1C780;
	[sflag:s9] =	ssyncadd.s32 $0xFFFFC000  }
0x31d: {  	[tilespmem:s17], [sflag:$0x2] =	stream.indirect.gather [hbm4b:s5+s12], $0x80, s24, s12, $0xb8;
	[tilespmem:$0x1E800] =	vst v63  }
0x31e: {  	_ =	swait.ge [sflag:s18], $0x4000  }
0x31f: {  	[sflag:s18] =	ssyncset.done $0x0  }
0x320: {  	s1 =	simm.s32 $0x1D700;
	[sflag:s18] =	ssyncadd.s32 $0xFFFFC000  }
0x321: {  	[spmem:s2] =	stream.indirect.scatter.add.f32 [tilespmem:s13], [sflag:$0x6], $0x80, s1, s12, $0xb8;
	[tilespmem:$0x1E800] =	vst v63  }
0x322: {  	_ =	swait.ge [sflag:s9], $0x4000  }
0x323: {  	[sflag:s9] =	ssyncset.done $0x0  }
0x324: {  	[sflag:s9] =	ssyncadd.s32 $0xFFFFC000  }
0x325: {  	_ =	swait.ge [sflag:s19], $0x800  }
0x326: {  	[sflag:s19] =	ssyncset.done $0x0  }
0x327: {  	[sflag:s19] =	ssyncadd.s32 $0xFFFFF800  }
0x328: {  	_ =	swait.ge [sflag:s21], $0x800  }
0x329: {  	[sflag:s21] =	ssyncset.done $0x0  }
0x32a: {  	[sflag:s21] =	ssyncadd.s32 $0xFFFFF800  }
0x32b: {  	[tilespmem:s13], [sflag:$0x1] =	stream.indirect.gather [hbm4b:s5+s12], $0x80, s15, s12, $0xb8;
	[tilespmem:$0x1E800] =	vst v63  }
0x32c: {  	_ =	swait.ge [sflag:s20], $0x4000  }
0x32d: {  	[sflag:s20] =	ssyncset.done $0x0  }
0x32e: {  	s24 =	simm.s32 $0x1D780;
	[sflag:s20] =	ssyncadd.s32 $0xFFFFC000  }
0x32f: {  	[spmem:s2] =	stream.indirect.scatter.add.f32 [tilespmem:s17], [sflag:$0x6], $0x80, s24, s12, $0xb8;
	[tilespmem:$0x1E800] =	vst v63  }
0x330: {  	_ =	swait.ge [sflag:s9], $0x4000  }
0x331: {  	s1 =	sld [smem:$0x7FB]  }
0x332: {  	[sflag:s9] =	ssyncset.done $0x0  }
0x333: {  	s24 =	sld [smem:$0x7FC];
	[sflag:s9] =	ssyncadd.s32 $0xFFFFC000  }
0x334: {  	[tilespmem:s10], [sflag:$0x4] =	stream.linear.gather [hbm4b:s1+s0], $0x800, $0x38;
	[tilespmem:$0x1E800] =	vst v63  }
0x335: {  	s1 =	simm.s32 $0x1D000  }
0x336: {  	[tilespmem:s1], [sflag:$0x5] =	stream.linear.gather [hbm4b:s24+s0], $0x800, $0x38;
	[tilespmem:$0x1E800] =	vst v63  }
0x337: {  	s23 =	simm.s32 $0x1C880  }
0x338: {  	[tilespmem:s17], [sflag:$0x2] =	stream.indirect.gather [hbm4b:s5+s12], $0x80, s23, s12, $0xb8;
	[tilespmem:$0x1E800] =	vst v63  }
0x339: {  	_ =	swait.ge [sflag:s18], $0x4000  }
0x33a: {  	[sflag:s18] =	ssyncset.done $0x0  }
0x33b: {  	[sflag:s18] =	ssyncadd.s32 $0xFFFFC000  }
0x33c: {  	[spmem:s2] =	stream.indirect.scatter.add.f32 [tilespmem:s13], [sflag:$0x6], $0x80, s4, s12, $0xb8;
	[tilespmem:$0x1E800] =	vst v63  }
0x33d: {  	_ =	swait.ge [sflag:s9], $0x4000  }
0x33e: {  	[sflag:s9] =	ssyncset.done $0x0  }
0x33f: {  	[sflag:s9] =	ssyncadd.s32 $0xFFFFC000  }
0x340: {  	[tilespmem:s13], [sflag:$0x1] =	stream.indirect.gather [hbm4b:s5+s12], $0x80, s8, s12, $0xb8;
	[tilespmem:$0x1E800] =	vst v63  }
0x341: {  	_ =	swait.ge [sflag:s20], $0x4000  }
0x342: {  	[sflag:s20] =	ssyncset.done $0x0  }
0x343: {  	[sflag:s20] =	ssyncadd.s32 $0xFFFFC000  }
0x344: {  	[spmem:s2] =	stream.indirect.scatter.add.f32 [tilespmem:s17], [sflag:$0x6], $0x80, s14, s12, $0xb8;
	[tilespmem:$0x1E800] =	vst v63  }
0x345: {  	_ =	swait.ge [sflag:s9], $0x4000  }
0x346: {  	[sflag:s9] =	ssyncset.done $0x0  }
0x347: {  	[sflag:s9] =	ssyncadd.s32 $0xFFFFC000  }
0x348: {  	[tilespmem:s17], [sflag:$0x2] =	stream.indirect.gather [hbm4b:s5+s12], $0x80, s16, s12, $0xb8;
	[tilespmem:$0x1E800] =	vst v63  }
0x349: {  	_ =	swait.ge [sflag:s18], $0x4000  }
0x34a: {  	[sflag:s18] =	ssyncset.done $0x0  }
0x34b: {  	[sflag:s18] =	ssyncadd.s32 $0xFFFFC000  }
0x34c: {  	[spmem:s2] =	stream.indirect.scatter.add.f32 [tilespmem:s13], [sflag:$0x6], $0x80, s22, s12, $0xb8;
	[tilespmem:$0x1E800] =	vst v63  }
0x34d: {  	_ =	swait.ge [sflag:s9], $0x4000  }
0x34e: {  	[sflag:s9] =	ssyncset.done $0x0  }
0x34f: {  	[sflag:s9] =	ssyncadd.s32 $0xFFFFC000  }
0x350: {  	[tilespmem:s13], [sflag:$0x1] =	stream.indirect.gather [hbm4b:s5+s12], $0x80, s26, s12, $0xb8;
	[tilespmem:$0x1E800] =	vst v63  }
0x351: {  	_ =	swait.ge [sflag:s20], $0x4000  }
0x352: {  	[sflag:s20] =	ssyncset.done $0x0  }
0x353: {  	[sflag:s20] =	ssyncadd.s32 $0xFFFFC000  }
0x354: {  	[spmem:s2] =	stream.indirect.scatter.add.f32 [tilespmem:s17], [sflag:$0x6], $0x80, s28, s12, $0xb8;
	[tilespmem:$0x1E800] =	vst v63  }
0x355: {  	_ =	swait.ge [sflag:s9], $0x4000  }
0x356: {  	[sflag:s9] =	ssyncset.done $0x0  }
0x357: {  	[sflag:s9] =	ssyncadd.s32 $0xFFFFC000  }
0x358: {  	[tilespmem:s17], [sflag:$0x2] =	stream.indirect.gather [hbm4b:s5+s12], $0x80, s29, s12, $0xb8;
	[tilespmem:$0x1E800] =	vst v63  }
0x359: {  	_ =	swait.ge [sflag:s18], $0x4000  }
0x35a: {  	[sflag:s18] =	ssyncset.done $0x0  }
0x35b: {  	[sflag:s18] =	ssyncadd.s32 $0xFFFFC000  }
0x35c: {  	[spmem:s2] =	stream.indirect.scatter.add.f32 [tilespmem:s13], [sflag:$0x6], $0x80, s30, s12, $0xb8;
	[tilespmem:$0x1E800] =	vst v63  }
0x35d: {  	_ =	swait.ge [sflag:s9], $0x4000  }
0x35e: {  	[sflag:s9] =	ssyncset.done $0x0  }
0x35f: {  	[sflag:s9] =	ssyncadd.s32 $0xFFFFC000  }
0x360: {  	[tilespmem:s13], [sflag:$0x1] =	stream.indirect.gather [hbm4b:s5+s12], $0x80, s31, s12, $0xb8;
	[tilespmem:$0x1E800] =	vst v63  }
0x361: {  	_ =	swait.ge [sflag:s20], $0x4000  }
0x362: {  	[sflag:s20] =	ssyncset.done $0x0  }
0x363: {  	s24 =	simm.s32 $0x1DA80;
	[sflag:s20] =	ssyncadd.s32 $0xFFFFC000  }
0x364: {  	[spmem:s2] =	stream.indirect.scatter.add.f32 [tilespmem:s17], [sflag:$0x6], $0x80, s24, s12, $0xb8;
	[tilespmem:$0x1E800] =	vst v63  }
0x365: {  	_ =	swait.ge [sflag:s9], $0x4000  }
0x366: {  	[sflag:s9] =	ssyncset.done $0x0  }
0x367: {  	[sflag:s9] =	ssyncadd.s32 $0xFFFFC000  }
0x368: {  	[tilespmem:s17], [sflag:$0x2] =	stream.indirect.gather [hbm4b:s5+s12], $0x80, s25, s12, $0xb8;
	[tilespmem:$0x1E800] =	vst v63  }
0x369: {  	_ =	swait.ge [sflag:s18], $0x4000  }
0x36a: {  	[sflag:s18] =	ssyncset.done $0x0  }
0x36b: {  	s23 =	simm.s32 $0x1DB00;
	[sflag:s18] =	ssyncadd.s32 $0xFFFFC000  }
0x36c: {  	[spmem:s2] =	stream.indirect.scatter.add.f32 [tilespmem:s13], [sflag:$0x6], $0x80, s23, s12, $0xb8;
	[tilespmem:$0x1E800] =	vst v63  }
0x36d: {  	_ =	swait.ge [sflag:s9], $0x4000  }
0x36e: {  	[sflag:s9] =	ssyncset.done $0x0  }
0x36f: {  	s24 =	simm.s32 $0x1CC00;
	[sflag:s9] =	ssyncadd.s32 $0xFFFFC000  }
0x370: {  	[tilespmem:s13], [sflag:$0x1] =	stream.indirect.gather [hbm4b:s5+s12], $0x80, s24, s12, $0xb8;
	[tilespmem:$0x1E800] =	vst v63  }
0x371: {  	_ =	swait.ge [sflag:s20], $0x4000  }
0x372: {  	[sflag:s20] =	ssyncset.done $0x0  }
0x373: {  	s25 =	simm.s32 $0x1DB80;
	[sflag:s20] =	ssyncadd.s32 $0xFFFFC000  }
0x374: {  	[spmem:s2] =	stream.indirect.scatter.add.f32 [tilespmem:s17], [sflag:$0x6], $0x80, s25, s12, $0xb8;
	[tilespmem:$0x1E800] =	vst v63  }
0x375: {  	_ =	swait.ge [sflag:s9], $0x4000  }
0x376: {  	[sflag:s9] =	ssyncset.done $0x0  }
0x377: {  	s23 =	simm.s32 $0x1CC80;
	[sflag:s9] =	ssyncadd.s32 $0xFFFFC000  }
0x378: {  	[tilespmem:s17], [sflag:$0x2] =	stream.indirect.gather [hbm4b:s5+s12], $0x80, s23, s12, $0xb8;
	[tilespmem:$0x1E800] =	vst v63  }
0x379: {  	_ =	swait.ge [sflag:s18], $0x4000  }
0x37a: {  	[sflag:s18] =	ssyncset.done $0x0  }
0x37b: {  	s24 =	simm.s32 $0x1DC00;
	[sflag:s18] =	ssyncadd.s32 $0xFFFFC000  }
0x37c: {  	[spmem:s2] =	stream.indirect.scatter.add.f32 [tilespmem:s13], [sflag:$0x6], $0x80, s24, s12, $0xb8;
	[tilespmem:$0x1E800] =	vst v63  }
0x37d: {  	_ =	swait.ge [sflag:s9], $0x4000  }
0x37e: {  	[sflag:s9] =	ssyncset.done $0x0  }
0x37f: {  	s25 =	simm.s32 $0x1CD00;
	[sflag:s9] =	ssyncadd.s32 $0xFFFFC000  }
0x380: {  	[tilespmem:s13], [sflag:$0x1] =	stream.indirect.gather [hbm4b:s5+s12], $0x80, s25, s12, $0xb8;
	[tilespmem:$0x1E800] =	vst v63  }
0x381: {  	_ =	swait.ge [sflag:s20], $0x4000  }
0x382: {  	[sflag:s20] =	ssyncset.done $0x0  }
0x383: {  	s23 =	simm.s32 $0x1DC80;
	[sflag:s20] =	ssyncadd.s32 $0xFFFFC000  }
0x384: {  	[spmem:s2] =	stream.indirect.scatter.add.f32 [tilespmem:s17], [sflag:$0x6], $0x80, s23, s12, $0xb8;
	[tilespmem:$0x1E800] =	vst v63  }
0x385: {  	_ =	swait.ge [sflag:s9], $0x4000  }
0x386: {  	[sflag:s9] =	ssyncset.done $0x0  }
0x387: {  	s24 =	simm.s32 $0x1CD80;
	[sflag:s9] =	ssyncadd.s32 $0xFFFFC000  }
0x388: {  	[tilespmem:s17], [sflag:$0x2] =	stream.indirect.gather [hbm4b:s5+s12], $0x80, s24, s12, $0xb8;
	[tilespmem:$0x1E800] =	vst v63  }
0x389: {  	_ =	swait.ge [sflag:s18], $0x4000  }
0x38a: {  	[sflag:s18] =	ssyncset.done $0x0  }
0x38b: {  	s25 =	simm.s32 $0x1DD00;
	[sflag:s18] =	ssyncadd.s32 $0xFFFFC000  }
0x38c: {  	[spmem:s2] =	stream.indirect.scatter.add.f32 [tilespmem:s13], [sflag:$0x6], $0x80, s25, s12, $0xb8;
	[tilespmem:$0x1E800] =	vst v63  }
0x38d: {  	_ =	swait.ge [sflag:s9], $0x4000  }
0x38e: {  	[sflag:s9] =	ssyncset.done $0x0  }
0x38f: {  	s23 =	simm.s32 $0x1CE00;
	[sflag:s9] =	ssyncadd.s32 $0xFFFFC000  }
0x390: {  	[tilespmem:s13], [sflag:$0x1] =	stream.indirect.gather [hbm4b:s5+s12], $0x80, s23, s12, $0xb8;
	[tilespmem:$0x1E800] =	vst v63  }
0x391: {  	_ =	swait.ge [sflag:s20], $0x4000  }
0x392: {  	[sflag:s20] =	ssyncset.done $0x0  }
0x393: {  	s24 =	simm.s32 $0x1DD80;
	[sflag:s20] =	ssyncadd.s32 $0xFFFFC000  }
0x394: {  	[spmem:s2] =	stream.indirect.scatter.add.f32 [tilespmem:s17], [sflag:$0x6], $0x80, s24, s12, $0xb8;
	[tilespmem:$0x1E800] =	vst v63  }
0x395: {  	_ =	swait.ge [sflag:s9], $0x4000  }
0x396: {  	[sflag:s9] =	ssyncset.done $0x0  }
0x397: {  	s25 =	simm.s32 $0x1CE80;
	[sflag:s9] =	ssyncadd.s32 $0xFFFFC000  }
0x398: {  	[tilespmem:s17], [sflag:$0x2] =	stream.indirect.gather [hbm4b:s5+s12], $0x80, s25, s12, $0xb8;
	[tilespmem:$0x1E800] =	vst v63  }
0x399: {  	_ =	swait.ge [sflag:s18], $0x4000  }
0x39a: {  	[sflag:s18] =	ssyncset.done $0x0  }
0x39b: {  	s23 =	simm.s32 $0x1DE00;
	[sflag:s18] =	ssyncadd.s32 $0xFFFFC000  }
0x39c: {  	[spmem:s2] =	stream.indirect.scatter.add.f32 [tilespmem:s13], [sflag:$0x6], $0x80, s23, s12, $0xb8;
	[tilespmem:$0x1E800] =	vst v63  }
0x39d: {  	_ =	swait.ge [sflag:s9], $0x4000  }
0x39e: {  	[sflag:s9] =	ssyncset.done $0x0  }
0x39f: {  	s24 =	simm.s32 $0x1CF00;
	[sflag:s9] =	ssyncadd.s32 $0xFFFFC000  }
0x3a0: {  	[tilespmem:s13], [sflag:$0x1] =	stream.indirect.gather [hbm4b:s5+s12], $0x80, s24, s12, $0xb8;
	[tilespmem:$0x1E800] =	vst v63  }
0x3a1: {  	_ =	swait.ge [sflag:s20], $0x4000  }
0x3a2: {  	[sflag:s20] =	ssyncset.done $0x0  }
0x3a3: {  	s25 =	simm.s32 $0x1DE80;
	[sflag:s20] =	ssyncadd.s32 $0xFFFFC000  }
0x3a4: {  	[spmem:s2] =	stream.indirect.scatter.add.f32 [tilespmem:s17], [sflag:$0x6], $0x80, s25, s12, $0xb8;
	[tilespmem:$0x1E800] =	vst v63  }
0x3a5: {  	_ =	swait.ge [sflag:s9], $0x4000  }
0x3a6: {  	[sflag:s9] =	ssyncset.done $0x0  }
0x3a7: {  	s23 =	simm.s32 $0x1CF80;
	[sflag:s9] =	ssyncadd.s32 $0xFFFFC000  }
0x3a8: {  	[tilespmem:s17], [sflag:$0x2] =	stream.indirect.gather [hbm4b:s5+s12], $0x80, s23, s12, $0xb8;
	[tilespmem:$0x1E800] =	vst v63  }
0x3a9: {  	_ =	swait.ge [sflag:s18], $0x4000  }
0x3aa: {  	[sflag:s18] =	ssyncset.done $0x0  }
0x3ab: {  	s24 =	simm.s32 $0x1DF00;
	[sflag:s18] =	ssyncadd.s32 $0xFFFFC000  }
0x3ac: {  	[spmem:s2] =	stream.indirect.scatter.add.f32 [tilespmem:s13], [sflag:$0x6], $0x80, s24, s12, $0xb8;
	[tilespmem:$0x1E800] =	vst v63  }
0x3ad: {  	_ =	swait.ge [sflag:s9], $0x4000  }
0x3ae: {  	[sflag:s9] =	ssyncset.done $0x0  }
0x3af: {  	[sflag:s9] =	ssyncadd.s32 $0xFFFFC000  }
0x3b0: {  	_ =	swait.ge [sflag:s19], $0x800  }
0x3b1: {  	[sflag:s19] =	ssyncset.done $0x0  }
0x3b2: {  	[sflag:s19] =	ssyncadd.s32 $0xFFFFF800  }
0x3b3: {  	_ =	swait.ge [sflag:s21], $0x800  }
0x3b4: {  	[sflag:s21] =	ssyncset.done $0x0  }
0x3b5: {  	[sflag:s21] =	ssyncadd.s32 $0xFFFFF800  }
0x3b6: {  	[tilespmem:s13], [sflag:$0x1] =	stream.indirect.gather [hbm4b:s5+s12], $0x80, s10, s12, $0xb8;
	[tilespmem:$0x1E800] =	vst v63  }
0x3b7: {  	_ =	swait.ge [sflag:s20], $0x4000  }
0x3b8: {  	[sflag:s20] =	ssyncset.done $0x0  }
0x3b9: {  	s25 =	simm.s32 $0x1DF80;
	[sflag:s20] =	ssyncadd.s32 $0xFFFFC000  }
0x3ba: {  	[spmem:s2] =	stream.indirect.scatter.add.f32 [tilespmem:s17], [sflag:$0x6], $0x80, s25, s12, $0xb8;
	[tilespmem:$0x1E800] =	vst v63  }
0x3bb: {  	_ =	swait.ge [sflag:s9], $0x4000  }
0x3bc: {  	[sflag:s9] =	ssyncset.done $0x0  }
0x3bd: {  	[sflag:s9] =	ssyncadd.s32 $0xFFFFC000  }
0x3be: {  	[tilespmem:s17], [sflag:$0x2] =	stream.indirect.gather [hbm4b:s5+s12], $0x80, s3, s12, $0xb8;
	[tilespmem:$0x1E800] =	vst v63  }
0x3bf: {  	_ =	swait.ge [sflag:s18], $0x4000  }
0x3c0: {  	[sflag:s18] =	ssyncset.done $0x0  }
0x3c1: {  	[sflag:s18] =	ssyncadd.s32 $0xFFFFC000  }
0x3c2: {  	[spmem:s2] =	stream.indirect.scatter.add.f32 [tilespmem:s13], [sflag:$0x6], $0x80, s1, s12, $0xb8;
	[tilespmem:$0x1E800] =	vst v63  }
0x3c3: {  	_ =	swait.ge [sflag:s9], $0x4000  }
0x3c4: {  	[sflag:s9] =	ssyncset.done $0x0  }
0x3c5: {  	s3 =	simm.s32 $0x1C100;
	[sflag:s9] =	ssyncadd.s32 $0xFFFFC000  }
0x3c6: {  	[tilespmem:s13], [sflag:$0x1] =	stream.indirect.gather [hbm4b:s5+s12], $0x80, s3, s12, $0xb8;
	[tilespmem:$0x1E800] =	vst v63  }
0x3c7: {  	_ =	swait.ge [sflag:s20], $0x4000  }
0x3c8: {  	[sflag:s20] =	ssyncset.done $0x0  }
0x3c9: {  	s23 =	simm.s32 $0x1D080;
	[sflag:s20] =	ssyncadd.s32 $0xFFFFC000  }
0x3ca: {  	[spmem:s2] =	stream.indirect.scatter.add.f32 [tilespmem:s17], [sflag:$0x6], $0x80, s23, s12, $0xb8;
	[tilespmem:$0x1E800] =	vst v63  }
0x3cb: {  	_ =	swait.ge [sflag:s9], $0x4000  }
0x3cc: {  	[sflag:s9] =	ssyncset.done $0x0  }
0x3cd: {  	s24 =	simm.s32 $0x1C180;
	[sflag:s9] =	ssyncadd.s32 $0xFFFFC000  }
0x3ce: {  	[tilespmem:s17], [sflag:$0x2] =	stream.indirect.gather [hbm4b:s5+s12], $0x80, s24, s12, $0xb8;
	[tilespmem:$0x1E800] =	vst v63  }
0x3cf: {  	_ =	swait.ge [sflag:s18], $0x4000  }
0x3d0: {  	[sflag:s18] =	ssyncset.done $0x0  }
0x3d1: {  	s25 =	simm.s32 $0x1D100;
	[sflag:s18] =	ssyncadd.s32 $0xFFFFC000  }
0x3d2: {  	[spmem:s2] =	stream.indirect.scatter.add.f32 [tilespmem:s13], [sflag:$0x6], $0x80, s25, s12, $0xb8;
	[tilespmem:$0x1E800] =	vst v63  }
0x3d3: {  	_ =	swait.ge [sflag:s9], $0x4000  }
0x3d4: {  	[sflag:s9] =	ssyncset.done $0x0  }
0x3d5: {  	s1 =	simm.s32 $0x1C200;
	[sflag:s9] =	ssyncadd.s32 $0xFFFFC000  }
0x3d6: {  	[tilespmem:s13], [sflag:$0x1] =	stream.indirect.gather [hbm4b:s5+s12], $0x80, s1, s12, $0xb8;
	[tilespmem:$0x1E800] =	vst v63  }
0x3d7: {  	_ =	swait.ge [sflag:s20], $0x4000  }
0x3d8: {  	[sflag:s20] =	ssyncset.done $0x0  }
0x3d9: {  	s3 =	simm.s32 $0x1D180;
	[sflag:s20] =	ssyncadd.s32 $0xFFFFC000  }
0x3da: {  	[spmem:s2] =	stream.indirect.scatter.add.f32 [tilespmem:s17], [sflag:$0x6], $0x80, s3, s12, $0xb8;
	[tilespmem:$0x1E800] =	vst v63  }
0x3db: {  	_ =	swait.ge [sflag:s9], $0x4000  }
0x3dc: {  	[sflag:s9] =	ssyncset.done $0x0  }
0x3dd: {  	s23 =	simm.s32 $0x1C280;
	[sflag:s9] =	ssyncadd.s32 $0xFFFFC000  }
0x3de: {  	[tilespmem:s17], [sflag:$0x2] =	stream.indirect.gather [hbm4b:s5+s12], $0x80, s23, s12, $0xb8;
	[tilespmem:$0x1E800] =	vst v63  }
0x3df: {  	_ =	swait.ge [sflag:s18], $0x4000  }
0x3e0: {  	[sflag:s18] =	ssyncset.done $0x0  }
0x3e1: {  	s24 =	simm.s32 $0x1D200;
	[sflag:s18] =	ssyncadd.s32 $0xFFFFC000  }
0x3e2: {  	[spmem:s2] =	stream.indirect.scatter.add.f32 [tilespmem:s13], [sflag:$0x6], $0x80, s24, s12, $0xb8;
	[tilespmem:$0x1E800] =	vst v63  }
0x3e3: {  	_ =	swait.ge [sflag:s9], $0x4000  }
0x3e4: {  	[sflag:s9] =	ssyncset.done $0x0  }
0x3e5: {  	s25 =	simm.s32 $0x1C300;
	[sflag:s9] =	ssyncadd.s32 $0xFFFFC000  }
0x3e6: {  	[tilespmem:s13], [sflag:$0x1] =	stream.indirect.gather [hbm4b:s5+s12], $0x80, s25, s12, $0xb8;
	[tilespmem:$0x1E800] =	vst v63  }
0x3e7: {  	_ =	swait.ge [sflag:s20], $0x4000  }
0x3e8: {  	[sflag:s20] =	ssyncset.done $0x0  }
0x3e9: {  	s1 =	simm.s32 $0x1D280;
	[sflag:s20] =	ssyncadd.s32 $0xFFFFC000  }
0x3ea: {  	[spmem:s2] =	stream.indirect.scatter.add.f32 [tilespmem:s17], [sflag:$0x6], $0x80, s1, s12, $0xb8;
	[tilespmem:$0x1E800] =	vst v63  }
0x3eb: {  	_ =	swait.ge [sflag:s9], $0x4000  }
0x3ec: {  	[sflag:s9] =	ssyncset.done $0x0  }
0x3ed: {  	s3 =	simm.s32 $0x1C380;
	[sflag:s9] =	ssyncadd.s32 $0xFFFFC000  }
0x3ee: {  	[tilespmem:s17], [sflag:$0x2] =	stream.indirect.gather [hbm4b:s5+s12], $0x80, s3, s12, $0xb8;
	[tilespmem:$0x1E800] =	vst v63  }
0x3ef: {  	_ =	swait.ge [sflag:s18], $0x4000  }
0x3f0: {  	[sflag:s18] =	ssyncset.done $0x0  }
0x3f1: {  	s23 =	simm.s32 $0x1D300;
	[sflag:s18] =	ssyncadd.s32 $0xFFFFC000  }
0x3f2: {  	[spmem:s2] =	stream.indirect.scatter.add.f32 [tilespmem:s13], [sflag:$0x6], $0x80, s23, s12, $0xb8;
	[tilespmem:$0x1E800] =	vst v63  }
0x3f3: {  	_ =	swait.ge [sflag:s9], $0x4000  }
0x3f4: {  	[sflag:s9] =	ssyncset.done $0x0  }
0x3f5: {  	s24 =	simm.s32 $0x1C400;
	[sflag:s9] =	ssyncadd.s32 $0xFFFFC000  }
0x3f6: {  	[tilespmem:s13], [sflag:$0x1] =	stream.indirect.gather [hbm4b:s5+s12], $0x80, s24, s12, $0xb8;
	[tilespmem:$0x1E800] =	vst v63  }
0x3f7: {  	_ =	swait.ge [sflag:s20], $0x4000  }
0x3f8: {  	[sflag:s20] =	ssyncset.done $0x0  }
0x3f9: {  	s25 =	simm.s32 $0x1D380;
	[sflag:s20] =	ssyncadd.s32 $0xFFFFC000  }
0x3fa: {  	[spmem:s2] =	stream.indirect.scatter.add.f32 [tilespmem:s17], [sflag:$0x6], $0x80, s25, s12, $0xb8;
	[tilespmem:$0x1E800] =	vst v63  }
0x3fb: {  	_ =	swait.ge [sflag:s9], $0x4000  }
0x3fc: {  	[sflag:s9] =	ssyncset.done $0x0  }
0x3fd: {  	s1 =	simm.s32 $0x1C480;
	[sflag:s9] =	ssyncadd.s32 $0xFFFFC000  }
0x3fe: {  	[tilespmem:s17], [sflag:$0x2] =	stream.indirect.gather [hbm4b:s5+s12], $0x80, s1, s12, $0xb8;
	[tilespmem:$0x1E800] =	vst v63  }
0x3ff: {  	_ =	swait.ge [sflag:s18], $0x4000  }
0x400: {  	[sflag:s18] =	ssyncset.done $0x0  }
0x401: {  	s3 =	simm.s32 $0x1D400;
	[sflag:s18] =	ssyncadd.s32 $0xFFFFC000  }
0x402: {  	[spmem:s2] =	stream.indirect.scatter.add.f32 [tilespmem:s13], [sflag:$0x6], $0x80, s3, s12, $0xb8;
	[tilespmem:$0x1E800] =	vst v63  }
0x403: {  	_ =	swait.ge [sflag:s9], $0x4000  }
0x404: {  	[sflag:s9] =	ssyncset.done $0x0  }
0x405: {  	s23 =	simm.s32 $0x1C500;
	[sflag:s9] =	ssyncadd.s32 $0xFFFFC000  }
0x406: {  	[tilespmem:s13], [sflag:$0x1] =	stream.indirect.gather [hbm4b:s5+s12], $0x80, s23, s12, $0xb8;
	[tilespmem:$0x1E800] =	vst v63  }
0x407: {  	_ =	swait.ge [sflag:s20], $0x4000  }
0x408: {  	[sflag:s20] =	ssyncset.done $0x0  }
0x409: {  	s24 =	simm.s32 $0x1D480;
	[sflag:s20] =	ssyncadd.s32 $0xFFFFC000  }
0x40a: {  	[spmem:s2] =	stream.indirect.scatter.add.f32 [tilespmem:s17], [sflag:$0x6], $0x80, s24, s12, $0xb8;
	[tilespmem:$0x1E800] =	vst v63  }
0x40b: {  	_ =	swait.ge [sflag:s9], $0x4000  }
0x40c: {  	[sflag:s9] =	ssyncset.done $0x0  }
0x40d: {  	s25 =	simm.s32 $0x1C580;
	[sflag:s9] =	ssyncadd.s32 $0xFFFFC000  }
0x40e: {  	[tilespmem:s17], [sflag:$0x2] =	stream.indirect.gather [hbm4b:s5+s12], $0x80, s25, s12, $0xb8;
	[tilespmem:$0x1E800] =	vst v63  }
0x40f: {  	_ =	swait.ge [sflag:s18], $0x4000  }
0x410: {  	[sflag:s18] =	ssyncset.done $0x0  }
0x411: {  	s1 =	simm.s32 $0x1D500;
	[sflag:s18] =	ssyncadd.s32 $0xFFFFC000  }
0x412: {  	[spmem:s2] =	stream.indirect.scatter.add.f32 [tilespmem:s13], [sflag:$0x6], $0x80, s1, s12, $0xb8;
	[tilespmem:$0x1E800] =	vst v63  }
0x413: {  	_ =	swait.ge [sflag:s9], $0x4000  }
0x414: {  	[sflag:s9] =	ssyncset.done $0x0  }
0x415: {  	s3 =	simm.s32 $0x1C600;
	[sflag:s9] =	ssyncadd.s32 $0xFFFFC000  }
0x416: {  	[tilespmem:s13], [sflag:$0x1] =	stream.indirect.gather [hbm4b:s5+s12], $0x80, s3, s12, $0xb8;
	[tilespmem:$0x1E800] =	vst v63  }
0x417: {  	_ =	swait.ge [sflag:s20], $0x4000  }
0x418: {  	[sflag:s20] =	ssyncset.done $0x0  }
0x419: {  	s23 =	simm.s32 $0x1D580;
	[sflag:s20] =	ssyncadd.s32 $0xFFFFC000  }
0x41a: {  	[spmem:s2] =	stream.indirect.scatter.add.f32 [tilespmem:s17], [sflag:$0x6], $0x80, s23, s12, $0xb8;
	[tilespmem:$0x1E800] =	vst v63  }
0x41b: {  	_ =	swait.ge [sflag:s9], $0x4000  }
0x41c: {  	[sflag:s9] =	ssyncset.done $0x0  }
0x41d: {  	s24 =	simm.s32 $0x1C680;
	[sflag:s9] =	ssyncadd.s32 $0xFFFFC000  }
0x41e: {  	[tilespmem:s17], [sflag:$0x2] =	stream.indirect.gather [hbm4b:s5+s12], $0x80, s24, s12, $0xb8;
	[tilespmem:$0x1E800] =	vst v63  }
0x41f: {  	_ =	swait.ge [sflag:s18], $0x4000  }
0x420: {  	[sflag:s18] =	ssyncset.done $0x0  }
0x421: {  	s25 =	simm.s32 $0x1D600;
	[sflag:s18] =	ssyncadd.s32 $0xFFFFC000  }
0x422: {  	[spmem:s2] =	stream.indirect.scatter.add.f32 [tilespmem:s13], [sflag:$0x6], $0x80, s25, s12, $0xb8;
	[tilespmem:$0x1E800] =	vst v63  }
0x423: {  	_ =	swait.ge [sflag:s9], $0x4000  }
0x424: {  	[sflag:s9] =	ssyncset.done $0x0  }
0x425: {  	s1 =	simm.s32 $0x1C700;
	[sflag:s9] =	ssyncadd.s32 $0xFFFFC000  }
0x426: {  	[tilespmem:s13], [sflag:$0x1] =	stream.indirect.gather [hbm4b:s5+s12], $0x80, s1, s12, $0xb8;
	[tilespmem:$0x1E800] =	vst v63  }
0x427: {  	_ =	swait.ge [sflag:s20], $0x4000  }
0x428: {  	[sflag:s20] =	ssyncset.done $0x0  }
0x429: {  	s3 =	simm.s32 $0x1D680;
	[sflag:s20] =	ssyncadd.s32 $0xFFFFC000  }
0x42a: {  	[spmem:s2] =	stream.indirect.scatter.add.f32 [tilespmem:s17], [sflag:$0x6], $0x80, s3, s12, $0xb8;
	[tilespmem:$0x1E800] =	vst v63  }
0x42b: {  	_ =	swait.ge [sflag:s9], $0x4000  }
0x42c: {  	[sflag:s9] =	ssyncset.done $0x0  }
0x42d: {  	s23 =	simm.s32 $0x1C780;
	[sflag:s9] =	ssyncadd.s32 $0xFFFFC000  }
0x42e: {  	[tilespmem:s17], [sflag:$0x2] =	stream.indirect.gather [hbm4b:s5+s12], $0x80, s23, s12, $0xb8;
	[tilespmem:$0x1E800] =	vst v63  }
0x42f: {  	_ =	swait.ge [sflag:s18], $0x4000  }
0x430: {  	[sflag:s18] =	ssyncset.done $0x0  }
0x431: {  	s24 =	simm.s32 $0x1D700;
	[sflag:s18] =	ssyncadd.s32 $0xFFFFC000  }
0x432: {  	[spmem:s2] =	stream.indirect.scatter.add.f32 [tilespmem:s13], [sflag:$0x6], $0x80, s24, s12, $0xb8;
	[tilespmem:$0x1E800] =	vst v63  }
0x433: {  	_ =	swait.ge [sflag:s9], $0x4000  }
0x434: {  	[sflag:s9] =	ssyncset.done $0x0  }
0x435: {  	[sflag:s9] =	ssyncadd.s32 $0xFFFFC000  }
0x436: {  	_ =	swait.ge [sflag:s20], $0x4000  }
0x437: {  	[sflag:s20] =	ssyncset.done $0x0  }
0x438: {  	s15 =	simm.s32 $0x1D780;
	[sflag:s20] =	ssyncadd.s32 $0xFFFFC000  }
0x439: {  	[spmem:s2] =	stream.indirect.scatter.add.f32 [tilespmem:s17], [sflag:$0x6], $0x80, s15, s12, $0xb8;
	[tilespmem:$0x1E800] =	vst v63  }
0x43a: {  	_ =	swait.ge [sflag:s9], $0x4000  }
0x43b: {  	[sflag:s9] =	ssyncset.done $0x0  }
0x43c: {  	[sflag:s9] =	ssyncadd.s32 $0xFFFFC000  }
0x43d: {  	[bflag:$0x0] =	sbarrier.arrive $0xFFFF  }
0x43e: {  	s3 =	sld [smem:$0x7F1]  }
0x43f: {  	s1 =	stileid.u32;
	s25 =	sld [smem:$0x7FD]  }
0x440: {  	p0 =	sne.s32 s6, $0x1;
	s24 =	sshll.u32 s1, $0x6  }
.Ltmp0:
0x441: {  	s24 =	sor.u32 $0x1C06, s24;
	s15 =	sshrl.u32 s3, $0x3;
	(pc) =	sbr.rel @p0 .LBB2_1-.Ltmp0, $4  }
0x442: {  	[hbm:s25], [sflag:s24] =	dma.local [spmem:s15], $0x2800  }
0x443: {  	_ =	swait.ge [sflag:s9], $0x2800  }
0x444: {  	[sflag:s9] =	ssyncset.done $0x0  }
0x445: {  	s6 =	sadd.s32 $0xFFFFFFFF, s6;
	[sflag:s9] =	ssyncadd.s32 $0xFFFFD800  }
0x446: {  	_ =	sfence.sel $0x180000  }
0x447: {  	[bflag:$0x0] =	sbarrier.arrive $0xFFFF  }
0x448: {  	_ =	strace $0x9000004A  }
0x449: {  	s0 =	stileid.u32;
	[bflag:$0x2] =	sbarrier.arrive $0xFFFF  }
0x44a: {  	p0 =	sne.s32 s0, $0x0;
	s0 =	rddreg [dreg:$0x2]  }
0x44b: {  	s0 =	sadd.s32 @!p0 $0x100000, s0  }
0x44c: {  	[sflag:s0] =	ssyncadd.tile.s32 @!p0 $0x1;
	_ =	shalt  }
.Lfunc_end2:
_tile_overlayer_lowered:
.L_overlay_start_2:
0x44d: {  	(tag) =	ssettag $0x2  }
0x44e: {  	s0 =	rddreg [dreg:$0x0];
	s2 =	stileid.u32  }
0x44f: {  	s1 =	rddreg [dreg:$0x1];
	p0 =	sne.s32 s2, $0x0  }
0x450: {  	s3 =	rddreg [dreg:$0x2];
	[bflag:$0x3] =	sbarrier.arrive $0xFFFF;
	s2 =	simm.s32 @!p0 $0x1C06  }
0x451: {  	[timem:s3], [sflag:s2] =	dma.local @!p0 [hbm:s0], s1  }
0x452: {  	s0 =	simm.s32 @!p0 $0x6  }
0x453: {  	_ =	swait.ge @!p0 [sflag:s0], s1  }
0x454: {  	s1 =	ssub.s32 @!p0 $0x0, s1;
	[sflag:s0] =	ssyncset.done @!p0 $0x0  }
0x455: {  	[sflag:s0] =	ssyncadd.s32 @!p0 s1  }
0x456: {  	[bflag:$0x3] =	sbarrier.arrive $0xFFFF  }
0x457: {  	_ =	shalt  }

// kernel: gcn_deg_sc.3.cloned.1.call-start
scs
__scs_entry_jumppad:
0x0: {  	(pc) =	sbr.rel $0x88, $3  }
0x1: {  	(tag) =	ssettag $0x0;
	lr =	simm.s32 $0x1  }
0x2: {  	[smem:$0x3F9B] =	sst lr;
	_ =	strace $0xD0000000  }
0x3: {  	_ = 	snop  }
0x4: {  	_ = 	snop  }
0x5: {  	_ = 	snop  }
0x6: {  	_ = 	snop  }
0x7: {  	_ = 	snop  }
__scs_overlays_trampoline_lowered:
0x8: {  	[smem:$0x3FAA] =	sst s0  }
0x9: {  	[smem:$0x3FAB] =	sst s1  }
0xa: {  	[smem:$0x3FAC] =	sst s2  }
0xb: {  	[smem:$0x3FAD] =	sst s3  }
0xc: {  	[smem:$0x3FAE] =	sst s4  }
0xd: {  	[smem:$0x3FAF] =	sst s5  }
0xe: {  	[smem:$0x3FB0] =	sst s6  }
0xf: {  	[smem:$0x3FB1] =	sst s7  }
0x10: {  	[smem:$0x3FB2] =	sst s8  }
0x11: {  	[smem:$0x3FB3] =	sst s9;
	s0 =	simm.s32 @!p0 $0x0  }
0x12: {  	s1 =	sld [smem:$0x3F99];
	s0 =	simm.s32 @p0 $0x1  }
0x13: {  	[smem:$0x3FB4] =	sst s0;
	s0 =	simm.s32 @!p1 $0x0  }
0x14: {  	s2 =	sld [smem:$0x3F98];
	s0 =	simm.s32 @p1 $0x1  }
0x15: {  	[smem:$0x3FB5] =	sst s0;
	s0 =	simm.s32 @!p2 $0x0  }
0x16: {  	s3 =	sld [smem:$0x3FDB];
	s0 =	simm.s32 @p2 $0x1  }
0x17: {  	s4 =	simm.s32 $0x1BF5;
	[smem:$0x3FB7] =	sst s0  }
0x18: {  	s0 =	sld [smem:$0x3F9A];
	_ =	swait.ge [sflag:s4], $0x0  }
0x19: {  	s7 =	sld [smem:$0x3F9B]  }
0x1a: {  	s8 =	sadd.s32 $0xFFFFE003, lr  }
0x1b: {  	s9 =	sadd.s32 $0xFFFFFEF7, lr;
	s5 =	simm.s32 $0xFFFFFFFF;
	p2 =	slt.u32 s8, $0xFFFFF086  }
0x1c: {  	p1 =	slt.u32 s9, $0xF7A;
	s5 =	simm.s32 @!p2 $0x0  }
0x1d: {  	s5 =	simm.s32 @p1 $0x1;
	p0 =	seq.s32 s7, s2  }
0x1e: {  	s7 =	smul.u32 @!p0 $0xF7A, s2;
	p2 =	seq.s32 @!p0 s5, $0x0  }
0x1f: {  	s9 =	smul.u32 $0xF7A, s1;
	s8 =	simm.s32 @!p0 $0x1BF5;
	p2 =	por !p2, p0  }
0x20: {  	[sflag:s8] =	ssyncset.s32 @!p0 $0xFFFFF086;
	s6 =	sadd.s32 @!p0 s3, s7;
	s7 =	simm.s32 @!p0 $0x108  }
0x21: {  	s3 =	sadd.s32 s3, s9;
	s6 =	sadd.s32 @!p0 $0x88, s6;
	s7 =	simm.s32 @p2 $0x1082  }
0x22: {  	[simem:s7], [sflag:s8] =	dma.local @!p0 [hbm:s6], $0xF7A  }
0x23: {  	s9 =	sor.u32 $0xD0000000, s2;
	s6 =	simm.s32 $0x108;
	_ =	swait.ge @!p0 [sflag:s8], $0x0  }
0x24: {  	s3 =	sadd.s32 $0x88, s3;
	s6 =	simm.s32 @!p1 $0x1082;
	[sflag:s4] =	ssyncset.s32 $0xFFFFF086  }
0x25: {  	[simem:s6], [sflag:s4] =	dma.local [hbm:s3], $0xF7A  }
0x26: {  	[smem:$0x3F9B] =	sst s1;
	(tag) =	ssettag s2;
	_ =	strace s9  }
0x27: {  	s1 =	sld [smem:$0x3FAB]  }
0x28: {  	s2 =	sld [smem:$0x3FAC]  }
0x29: {  	s4 =	sld [smem:$0x3FAE]  }
0x2a: {  	p0 =	seq.s32 s5, $0x0;
	s5 =	sld [smem:$0x3FAF]  }
0x2b: {  	s6 =	sld [smem:$0x3FB0]  }
0x2c: {  	s7 =	sld [smem:$0x3FB1]  }
0x2d: {  	s3 =	simm.s32 $0x108;
	s8 =	sld [smem:$0x3FB2]  }
0x2e: {  	s3 =	simm.s32 @!p0 $0x1082;
	s9 =	sld [smem:$0x3FB3]  }
0x2f: {  	lr =	sadd.s32 s0, s3;
	s0 =	sld [smem:$0x3FAA]  }
0x30: {  	s3 =	sld [smem:$0x3FAD]  }
0x31: {  	[smem:$0x3FB6] =	sst s10  }
0x32: {  	s10 =	sld [smem:$0x3FB4];
	_ =	sdelay $0x3  }
0x33: {  	p0 =	seq.s32 s10, $0x1;
	s10 =	sld [smem:$0x3FB6];
	_ =	sdelay $0x3  }
0x34: {  	[smem:$0x3FB6] =	sst s10  }
0x35: {  	s10 =	sld [smem:$0x3FB5];
	_ =	sdelay $0x3  }
0x36: {  	p1 =	seq.s32 s10, $0x1;
	s10 =	sld [smem:$0x3FB6];
	_ =	sdelay $0x3  }
0x37: {  	[smem:$0x3FB6] =	sst s10  }
0x38: {  	s10 =	sld [smem:$0x3FB7]  }
0x39: {  	_ = 	snop;
	(pc) =	sbr.ind lr, $3  }
0x3a: {  	_ = 	snop  }
0x3b: {  	_ = 	snop  }
0x3c: {  	p2 =	seq.s32 s10, $0x1;
	s10 =	sld [smem:$0x3FB6]  }
0x3d: {  	_ =	shalt  }
0x3e: {  	_ =	shalt  }
0x3f: {  	_ =	shalt  }
0x40: {  	_ =	shalt  }
0x41: {  	_ =	shalt  }
0x42: {  	_ =	shalt  }
0x43: {  	_ =	shalt  }
0x44: {  	_ =	shalt  }
0x45: {  	_ =	shalt  }
0x46: {  	_ =	shalt  }
0x47: {  	_ =	shalt  }
0x48: {  	_ =	shalt  }
0x49: {  	_ =	shalt  }
0x4a: {  	_ =	shalt  }
0x4b: {  	_ =	shalt  }
0x4c: {  	_ =	shalt  }
0x4d: {  	_ =	shalt  }
0x4e: {  	_ =	shalt  }
0x4f: {  	_ =	shalt  }
0x50: {  	_ =	shalt  }
0x51: {  	_ =	shalt  }
0x52: {  	_ =	shalt  }
0x53: {  	_ =	shalt  }
0x54: {  	_ =	shalt  }
0x55: {  	_ =	shalt  }
0x56: {  	_ =	shalt  }
0x57: {  	_ =	shalt  }
0x58: {  	_ =	shalt  }
0x59: {  	_ =	shalt  }
0x5a: {  	_ =	shalt  }
0x5b: {  	_ =	shalt  }
0x5c: {  	_ =	shalt  }
0x5d: {  	_ =	shalt  }
0x5e: {  	_ =	shalt  }
0x5f: {  	_ =	shalt  }
0x60: {  	_ =	shalt  }
0x61: {  	_ =	shalt  }
0x62: {  	_ =	shalt  }
0x63: {  	_ =	shalt  }
0x64: {  	_ =	shalt  }
0x65: {  	_ =	shalt  }
0x66: {  	_ =	shalt  }
0x67: {  	_ =	shalt  }
0x68: {  	_ =	shalt  }
0x69: {  	_ =	shalt  }
0x6a: {  	_ =	shalt  }
0x6b: {  	_ =	shalt  }
0x6c: {  	_ =	shalt  }
0x6d: {  	_ =	shalt  }
0x6e: {  	_ =	shalt  }
0x6f: {  	_ =	shalt  }
0x70: {  	_ =	shalt  }
0x71: {  	_ =	shalt  }
0x72: {  	_ =	shalt  }
0x73: {  	_ =	shalt  }
0x74: {  	_ =	shalt  }
0x75: {  	_ =	shalt  }
0x76: {  	_ =	shalt  }
0x77: {  	_ =	shalt  }
0x78: {  	_ =	shalt  }
0x79: {  	_ =	shalt  }
0x7a: {  	_ =	shalt  }
0x7b: {  	_ =	shalt  }
0x7c: {  	_ =	shalt  }
0x7d: {  	_ =	shalt  }
0x7e: {  	_ =	shalt  }
0x7f: {  	_ =	shalt  }
0x80: {  	_ =	shalt  }
0x81: {  	_ =	shalt  }
0x82: {  	_ =	shalt  }
0x83: {  	_ =	shalt  }
0x84: {  	_ =	shalt  }
0x85: {  	_ =	shalt  }
0x86: {  	_ =	shalt  }
0x87: {  	_ =	shalt  }
.Lfunc_end0:
.L_simem_size_0:
called_computation_lowered:
.L_overlay_start_0:
0x88: {  	s2 =	sld [smem:$0x3FD9]  }
0x89: {  	s3 =	sld [smem:$0x3FFE];
	_ =	sdelay $0x1  }
0x8a: {  	s1 =	srdreg.scid  }
0x8b: {  	s0 =	sand.u32 $0x1, s1  }
0x8c: {  	s16 =	sshll.u32 s0, $0xA;
	s2 =	sadd.s32 s3, s2  }
0x8d: {  	s2 =	sadd.s32 s2, s16  }
0x8e: {  	[smem:$0x3FC2] =	sst s2  }
0x8f: {  	_ = 	snop  }
0x90: {  	(tm) =	ssettm $0x1  }
0x91: {  	s17 =	sld [smem:$0x3FFB];
	_ =	sdelay $0x3  }
0x92: {  	_ =	strace s17  }
0x93: {  	s2 =	sld [smem:$0x3FFC];
	_ =	sdelay $0x3  }
0x94: {  	_ =	strace s2  }
0x95: {  	s2 =	sld [smem:$0x3FFD];
	_ =	sdelay $0x3  }
0x96: {  	_ =	strace s2  }
0x97: {  	_ =	strace $0x8FFFFFFF  }
0x98: {  	s18 =	sld [smem:$0x3FDB];
	_ =	sdelay $0x1  }
0x99: {  	s19 =	simm.s32 $_scs_section_size  }
0x9a: {  	s4 =	simm.s32 $_size__tile_overlayer_lowered;
	s5 =	simm.s32 $_tile_overlayer_lowered  }
0x9b: {  	s22 =	simm.s32 $0x1BFF;
	s21 =	sshll.u32 s5, $0x1;
	s2 =	sadd.s32 s19, s18  }
0x9c: {  	s6 =	simm.s32 $0x0;
	s20 =	sshll.u32 s4, $0x1;
	s4 =	sadd.s32 s21, s2  }
0x9d: {  	[timem:s6], [sflag:s22] =	dma.local [hbm:s4], s20  }
0x9e: {  	_ =	swait.ge [sflag:s22], s20  }
0x9f: {  	s3 =	ssub.s32 $0x0, s20;
	[sflag:s22] =	ssyncset.done $0x0  }
0xa0: {  	[sflag:s22] =	ssyncadd.s32 s3;
	_ =	sdelay $0x1  }
0xa1: {  	s23 =	simm.s32 $0x1B8B  }
0xa2: {  	_ =	swait.ge [sflag:s23], $0x1  }
0xa3: {  	[sflag:s23] =	ssyncset.done $0x0  }
0xa4: {  	s25 =	simm.s32 $0x1B8E;
	s24 =	sld [smem:$0x3FFE];
	[sflag:s23] =	ssyncadd.s32 $0xFFFFFFFF  }
0xa5: {  	s26 =	simm.s32 $execute0_lowered;
	[smem:$0x3FD2] =	sst s25  }
0xa6: {  	s4 =	sshll.u32 s26, $0x1;
	_ =	strace $0x80000046;
	[dreg:$0x1] =	wrdreg $0xFFFFFFFF  }
0xa7: {  	s28 =	simm.s32 $_size_execute0_lowered;
	s2 =	sadd.s32 s2, s4;
	[dreg:$0x0] =	wrdreg $0x0  }
0xa8: {  	s4 =	sshll.u32 s28, $0x1;
	[dreg:$0x2] =	wrdreg s2  }
0xa9: {  	[dreg:$0x3] =	wrdreg s4  }
0xaa: {  	[dreg:$0x4] =	wrdreg $0xC0  }
0xab: {  	_ =	task [dreg:s6], $0x5FFFF  }
0xac: {  	[dreg:$0x1] =	wrdreg $0xFFFFFFFF  }
0xad: {  	[dreg:$0x0] =	wrdreg $0x60  }
0xae: {  	[dreg:$0x2] =	wrdreg s24  }
0xaf: {  	[dreg:$0x3] =	wrdreg $0x0  }
0xb0: {  	[dreg:$0x4] =	wrdreg $0x9  }
0xb1: {  	_ =	task.clear_ibuf [dreg:s6], $0x5FFFF;
	_ =	strace $0x90000046  }
0xb2: {  	s29 =	simm.s32 $0x9;
	_ =	strace $0x80000048  }
0xb3: {  	_ =	swait.ge [sflag:s29], $0x1  }
0xb4: {  	[sflag:s29] =	ssyncadd.s32 $0xFFFFFFFF  }
0xb5: {  	_ =	strace $0x90000048  }
0xb6: {  	_ =	sfence  }
0xb7: {  	s30 =	sld [smem:$0x0];
	_ =	sdelay $0x2  }
0xb8: {  	s31 =	sshll.u32 s1, $0xD;
	s1 =	sshrl.u32 s1, $0x2  }
0xb9: {  	s3 =	sand.u32 $0x4000, s31;
	s1 =	sadd.s32 s1, s30  }
0xba: {  	s0 =	sor.u32 s3, s0;
	s1 =	sshll.u32 s1, $0x11  }
0xbb: {  	s0 =	sor.u32 s1, s0  }
0xbc: {  	s0 =	sadd.s32 $0x8F2B, s0  }
0xbd: {  	[sflag:s0] =	ssyncadd.remote.s32 $0x1  }
0xbe: {  	_ =	sfence.sel $0xFFFF  }
0xbf: {  	[dreg:$0x0] =	wrdreg $0xFFFFFFFF;
	(pc) =	sbr.abs _section_cstart, $3  }
0xc0: {  	[dreg:$0x1] =	wrdreg $0xFFFFFFFF  }
0xc1: {  	_ =	task.clear_ibuf [dreg:s6], $0x2FFFF;
	_ =	strace $0x9FFFFFFF  }
0xc2: {  	(tm) =	ssettm $0x7FFFFFFF  }
0xc3: {  	_ =	shalt  }
tec
execute0_lowered:
.L_overlay_start_1:
0x0: {  	(tag) =	ssettag $0x1  }
0x1: {  	s5 =	rddreg [dreg:$0x0]  }
0x2: {  	s2 =	rddreg [dreg:$0x1]  }
0x3: {  	s3 =	srdreg.scid;
	s1 =	stileid.u32  }
0x4: {  	s0 =	rddreg [dreg:$0x2];
	s10 =	simm.s32 $0x300;
	s11 =	simm.s32 $0x80  }
0x5: {  	s12 =	simm.s32 $0x280;
	s13 =	simm.s32 $0x1;
	s16 =	simm.s32 $0x20  }
0x6: {  	s17 =	simm.s32 $0x10;
	s18 =	simm.s32 $0x0;
	s6 =	smul.u32 $0x500, s1  }
0x7: {  	s4 =	sand.u32 $0x1, s3;
	s3 =	simm.s32 $0x0;
	s31 =	smul.u32 $0xA00, s1  }
0x8: {  	s14 =	sshll.u32 s1, $0x6;
	s7 =	sshll.u32 s4, $0x7;
	s8 =	sshll.u32 s4, $0x4  }
0x9: {  	[smem:$0x7FF] =	sst s3;
	s4 =	ssub.s32 $0x2, s4;
	s14 =	sor.u32 $0x1C02, s14  }
0xa: {  	s6 =	sor.u32 s7, s6;
	s30 =	sor.u32 s1, s8;
	_ =	strace $0x80000047  }
0xb: {  	s9 =	sshrl.u32 s4, $0x1;
	s8 =	sshrl.u32 s31, $0x2;
	s7 =	smul.u32 $0x2800, s30  }
0xc: {  	s6 =	sshrl.u32 s6, $0x3;
	s9 =	ssub.s32 s4, s9;
	s4 =	sadd.s32 s8, s2  }
0xd: {  	s8 =	simm.s32 $0x2B00;
	s6 =	sadd.s32 s6, s5;
	s7 =	sshrl.u32 s7, $0x3  }
0xe: {  	s15 =	sshrl.u32 s4, $0x3;
	s6 =	sadd.s32 $0x15A00, s6;
	s5 =	sadd.s32 s5, s7  }
0xf: {  	v0 =	vimm.f32 $0.0e+00;
	v1 =	vimm.f32 $1.000000000e+00;
	s7 =	smax.u32 s9, $0x1;
	s9 =	simm.s32 $0x2;
	s5 =	sadd.s32 $0xBA00, s5  }
.LBB2_1:
0x10: {  	[tilespmem:$0x2B00] =	vst v0  }
0x11: {  	[tilespmem:$0x2B10] =	vst v0  }
0x12: {  	[tilespmem:$0x2B20] =	vst v0  }
0x13: {  	[tilespmem:$0x2B30] =	vst v0  }
0x14: {  	[tilespmem:$0x2B40] =	vst v0  }
0x15: {  	[tilespmem:$0x2B50] =	vst v0  }
0x16: {  	[tilespmem:$0x2B60] =	vst v0  }
0x17: {  	[tilespmem:$0x2B70] =	vst v0  }
0x18: {  	[tilespmem:$0x2B80] =	vst v0  }
0x19: {  	[tilespmem:$0x2B90] =	vst v0  }
0x1a: {  	[tilespmem:$0x2BA0] =	vst v0  }
0x1b: {  	[tilespmem:$0x2BB0] =	vst v0  }
0x1c: {  	[tilespmem:$0x2BC0] =	vst v0  }
0x1d: {  	[tilespmem:$0x2BD0] =	vst v0  }
0x1e: {  	[tilespmem:$0x2BE0] =	vst v0  }
0x1f: {  	[tilespmem:$0x2BF0] =	vst v0  }
0x20: {  	[tilespmem:$0x2C00] =	vst v0  }
0x21: {  	[tilespmem:$0x2C10] =	vst v0  }
0x22: {  	[tilespmem:$0x2C20] =	vst v0  }
0x23: {  	[tilespmem:$0x2C30] =	vst v0  }
0x24: {  	[tilespmem:$0x2C40] =	vst v0  }
0x25: {  	[tilespmem:$0x2C50] =	vst v0  }
0x26: {  	[tilespmem:$0x2C60] =	vst v0  }
0x27: {  	[tilespmem:$0x2C70] =	vst v0  }
0x28: {  	[tilespmem:$0x2C80] =	vst v0  }
0x29: {  	[tilespmem:$0x2C90] =	vst v0  }
0x2a: {  	[tilespmem:$0x2CA0] =	vst v0  }
0x2b: {  	[tilespmem:$0x2CB0] =	vst v0  }
0x2c: {  	[tilespmem:$0x2CC0] =	vst v0  }
0x2d: {  	[tilespmem:$0x2CD0] =	vst v0  }
0x2e: {  	[tilespmem:$0x2CE0] =	vst v0  }
0x2f: {  	[tilespmem:$0x2CF0] =	vst v0  }
0x30: {  	[tilespmem:$0x2D00] =	vst v0  }
0x31: {  	[tilespmem:$0x2D10] =	vst v0  }
0x32: {  	[tilespmem:$0x2D20] =	vst v0  }
0x33: {  	[tilespmem:$0x2D30] =	vst v0  }
0x34: {  	[tilespmem:$0x2D40] =	vst v0  }
0x35: {  	[tilespmem:$0x2D50] =	vst v0  }
0x36: {  	[tilespmem:$0x2D60] =	vst v0  }
0x37: {  	[tilespmem:$0x2D70] =	vst v0  }
0x38: {  	[spmem:s4] =	stream.linear.scatter [tilespmem:s8], [sflag:$0x2], $0x280, $0x38;
	[tilespmem:$0x2D80] =	vst v63  }
0x39: {  	_ =	swait.ge [sflag:s9], $0x280  }
0x3a: {  	[sflag:s9] =	ssyncset.done $0x0  }
0x3b: {  	[sflag:s9] =	ssyncadd.s32 $0xFFFFFD80  }
0x3c: {  	[tilespmem:$0x280] =	vst v1  }
0x3d: {  	[tilespmem:$0x290] =	vst v1  }
0x3e: {  	[tilespmem:$0x2A0] =	vst v1  }
0x3f: {  	[tilespmem:$0x2B0] =	vst v1  }
0x40: {  	[tilespmem:$0x2C0] =	vst v1  }
0x41: {  	[tilespmem:$0x2D0] =	vst v1  }
0x42: {  	[tilespmem:$0x2E0] =	vst v1  }
0x43: {  	[tilespmem:$0x2F0] =	vst v1  }
0x44: {  	[tilespmem:s10], [sflag:$0x2] =	stream.linear.gather [hbm4b:s5+s3], $0x2800, $0x38;
	[tilespmem:$0x2D80] =	vst v63  }
0x45: {  	_ =	swait.ge [sflag:s9], $0x2800  }
0x46: {  	[sflag:s9] =	ssyncset.done $0x0  }
0x47: {  	[sflag:s9] =	ssyncadd.s32 $0xFFFFD800  }
0x48: {  	s19 =	simm.s32 $0x0;
	[bflag:$0x0] =	sbarrier.arrive $0xFFFF  }
.LBB2_2:
0x49: {  	p0 =	sne.s32 s19, $0x9E00  }
.Ltmp0:
0x4a: {  	_ = 	snop;
	(pc) =	sbr.rel @p0 .LBB2_2-.Ltmp0, $4  }
0x4b: {  	_ = 	snop  }
0x4c: {  	s20 =	sshra.s32 s19, $0x2  }
0x4d: {  	s19 =	sadd.s32 $0x200, s19;
	s20 =	sadd.s32 $0x300, s20  }
0x4e: {  	[spmem:s2] =	stream.indirect.scatter.add.f32 [tilespmem:s12], [sflag:$0x1], $0x1, s20, s11, $0xb8;
	[tilespmem:$0x2D80] =	vst v63  }
0x4f: {  	_ =	swait.ge [sflag:s13], $0x80  }
0x50: {  	s19 =	simm.s32 $0x4F;
	[sflag:s13] =	ssyncset.done $0x0  }
.LBB2_4:
0x51: {  	p0 =	sne.s32 s19, $0x1;
	s19 =	sadd.s32 $0xFFFFFFFF, s19;
	[sflag:s13] =	ssyncadd.s32 $0xFFFFFF80  }
.Ltmp1:
0x52: {  	(pc) =	sbr.rel @p0 .LBB2_4-.Ltmp1, $3  }
0x53: {  	_ =	sdelay $0x1  }
0x54: {  	_ =	swait.ge [sflag:s13], $0x80  }
0x55: {  	[sflag:s13] =	ssyncset.done $0x0  }
0x56: {  	s18 =	sadd.s32 $0x1, s18  }
0x57: {  	[sflag:s13] =	ssyncadd.s32 $0xFFFFFF80;
	p0 =	sne.s32 s18, s7  }
.Ltmp2:
0x58: {  	[bflag:$0x0] =	sbarrier.arrive $0xFFFF;
	(pc) =	sbr.rel @p0 .LBB2_1-.Ltmp2, $4  }
0x59: {  	[hbm:s6@s16], [sflag:s14] =	dma.strided [spmem:s15@s17], $0x50, s13, $0x10   }
0x5a: {  	_ =	swait.ge [sflag:s9], $0x50  }
0x5b: {  	[sflag:s9] =	ssyncset.done $0x0  }
0x5c: {  	[sflag:s9] =	ssyncadd.s32 $0xFFFFFFB0  }
0x5d: {  	_ =	sfence.sel $0x180000  }
0x5e: {  	[bflag:$0x0] =	sbarrier.arrive $0xFFFF  }
0x5f: {  	p0 =	sne.s32 s1, $0x0;
	_ =	strace $0x90000047  }
0x60: {  	s0 =	sadd.s32 @!p0 $0x100000, s0;
	[bflag:$0x2] =	sbarrier.arrive $0xFFFF  }
0x61: {  	[sflag:s0] =	ssyncadd.tile.s32 @!p0 $0x1;
	_ =	shalt  }
.Lfunc_end2:
_tile_overlayer_lowered:
.L_overlay_start_2:
0x62: {  	(tag) =	ssettag $0x2  }
0x63: {  	s0 =	rddreg [dreg:$0x0];
	s2 =	stileid.u32  }
0x64: {  	s1 =	rddreg [dreg:$0x1];
	p0 =	sne.s32 s2, $0x0  }
0x65: {  	s3 =	rddreg [dreg:$0x2];
	[bflag:$0x3] =	sbarrier.arrive $0xFFFF;
	s2 =	simm.s32 @!p0 $0x1C02  }
0x66: {  	[timem:s3], [sflag:s2] =	dma.local @!p0 [hbm:s0], s1  }
0x67: {  	s0 =	simm.s32 @!p0 $0x2  }
0x68: {  	_ =	swait.ge @!p0 [sflag:s0], s1  }
0x69: {  	s1 =	ssub.s32 @!p0 $0x0, s1;
	[sflag:s0] =	ssyncset.done @!p0 $0x0  }
0x6a: {  	[sflag:s0] =	ssyncadd.s32 @!p0 s1  }
0x6b: {  	[bflag:$0x3] =	sbarrier.arrive $0xFFFF  }
0x6c: {  	_ =	shalt  }

</sc_bundles>
